<compile_context>
chip_gen: v7x
topology: tpu7x:2x2x1
jax: 0.10.2.dev20260603
libtpu: 0.0.44.dev20260713+nightly
codegen_flags: <defaults>
</compile_context>

<pallas_src>
import functools

import jax
import jax.numpy as jnp
from jax import lax
from jax.experimental import pallas as pl
from jax.experimental.pallas import tpu as pltpu
from jax.experimental.pallas import tpu_sc as plsc

N = 10000
E = 160000
H = 256
R = 8
HH = H // 2

NC = 2
NT = 16
CH = 128
SUB = 32
SPC = CH // SUB
NBUF = 7
NCHK_ALL = E // CH
BASE_CHK = NCHK_ALL // NT
EXTRA = NCHK_ALL - NT * BASE_CHK
NCHUNK = BASE_CHK + 1
EPT = NCHUNK * CH
RPT = 640
RPT_LAST = N - (NT - 1) * RPT
ACC_ROWS = N

BN = 1000



def _tc_body(x_ref, w_ref, lw_ref, b_ref, *refs, first_layer):
    i = pl.program_id(0)
    if first_layer:
        src_ref, typ_ref, hall_ref, self_ref, gidx_ref = refs
        @pl.when(i == 0)
        def _():
            base = typ_ref[...] * N + src_ref[...]
            gidx_ref[0] = base
            gidx_ref[1] = base + R * N
        xb = x_ref[...]
        gr = lax.broadcasted_iota(jnp.int32, (BN, H), 0) + i * BN
        xb = jnp.where(gr == 0, 0.0, xb)
    else:
        hall_ref, self_ref = refs
        xb = jnp.maximum(x_ref[...], 0.0)
    for r in range(R):
        h = jnp.dot(xb, w_ref[r], preferred_element_type=jnp.float32)
        hall_ref[0, r] = h[:, :HH]
        hall_ref[1, r] = h[:, HH:]
    self_ref[...] = (jnp.dot(xb, lw_ref[...], preferred_element_type=jnp.float32)
                     + b_ref[...])


def _tc_layer(x, w, lw, b, *, first_layer, src3=None, typ3=None):
    body = functools.partial(_tc_body, first_layer=first_layer)
    in_specs = [
        pl.BlockSpec((BN, H), lambda i: (i, 0)),
        pl.BlockSpec((R, H, H), lambda i: (0, 0, 0)),
        pl.BlockSpec((H, H), lambda i: (0, 0)),
        pl.BlockSpec((1, H), lambda i: (0, 0)),
    ]
    out_specs = [
        pl.BlockSpec((NC, R, BN, HH), lambda i: (0, 0, i, 0)),
        pl.BlockSpec((BN, H), lambda i: (i, 0)),
    ]
    out_shape = [
        jax.ShapeDtypeStruct((NC, R, N, HH), jnp.float32),
        jax.ShapeDtypeStruct((N, H), jnp.float32),
    ]
    args = [x, w, lw, b.reshape(1, H)]
    if first_layer:
        in_specs += [
            pl.BlockSpec((NCHK_ALL, CH), lambda i: (0, 0)),
            pl.BlockSpec((NCHK_ALL, CH), lambda i: (0, 0)),
        ]
        out_specs.append(
            pl.BlockSpec((NC, NCHK_ALL, CH), lambda i: (0, 0, 0)))
        out_shape.append(
            jax.ShapeDtypeStruct((NC, NCHK_ALL, CH), jnp.int32))
        args += [src3, typ3]
    return pl.pallas_call(
        body,
        grid=(N // BN,),
        in_specs=in_specs,
        out_specs=out_specs,
        out_shape=out_shape,
    )(*args)



def _sc_body(gidx_h, dst_h, hall_h, base_h, out_h,
             gidxv, dstidx, *scratch):
    rows_bufs = scratch[:NBUF]
    accum = scratch[NBUF]
    sems = scratch[NBUF + 1:2 * NBUF + 1]
    ssem = scratch[2 * NBUF + 1]
    c = lax.axis_index("c")
    s = lax.axis_index("s")

    nchk = jnp.where(s < EXTRA, NCHUNK, BASE_CHK)
    off = s * (BASE_CHK * CH) + jnp.minimum(s, EXTRA) * CH

    @pl.when(s < EXTRA)
    def _():
        pltpu.sync_copy(gidx_h.at[c, 0, pl.ds(off, NCHUNK * CH)], gidxv)
        pltpu.sync_copy(dst_h.at[0, pl.ds(off, NCHUNK * CH)], dstidx)

    @pl.when(s >= EXTRA)
    def _():
        pltpu.sync_copy(gidx_h.at[c, 0, pl.ds(off, BASE_CHK * CH)],
                        gidxv.at[pl.ds(0, BASE_CHK * CH)])
        pltpu.sync_copy(dst_h.at[0, pl.ds(off, BASE_CHK * CH)],
                        dstidx.at[pl.ds(0, BASE_CHK * CH)])

    @pl.when(s < NT - 1)
    def _():
        pltpu.sync_copy(base_h.at[pl.ds(s * RPT, RPT), pl.ds(c * HH, HH)],
                        accum.at[pl.ds(s * RPT, RPT)])

    @pl.when(s == NT - 1)
    def _():
        pltpu.sync_copy(
            base_h.at[pl.ds((NT - 1) * RPT, RPT_LAST), pl.ds(c * HH, HH)],
            accum.at[pl.ds((NT - 1) * RPT, RPT_LAST)])

    plsc.subcore_barrier()

    nsub = nchk * SPC
    bufs = tuple(zip(rows_bufs, sems))

    def gather(t, rows, sem):
        return pltpu.async_copy(
            hall_h.at[gidxv.at[pl.ds(t * SUB, SUB)]], rows, sem)

    def wait(rows, sem):
        pltpu.make_async_copy(hall_h.at[gidxv.at[pl.ds(0, SUB)]],
                              rows, sem).wait()

    def scatter(t, rows, ssem):
        cps = []
        for q in range(SUB // 16):
            idxv = dstidx[pl.ds(t * SUB + q * 16, 16)]
            cps.append(pltpu.async_copy(rows.at[pl.ds(q * 16, 16)],
                                        accum.at[idxv], ssem, add=True))
        for cp in cps:
            cp.wait()

    for k in range(NBUF):
        gather(k, *bufs[k])

    def rot_step(i, carry):
        for k in range(NBUF):
            t = NBUF * i + k
            rows, sem = bufs[k]

            @pl.when(t < nsub)
            def _():
                wait(rows, sem)
                scatter(t, rows, ssem)

            @pl.when(t + NBUF < nsub)
            def _():
                gather(t + NBUF, rows, sem)
        return carry

    lax.fori_loop(0, (nsub + NBUF - 1) // NBUF, rot_step, 0)

    plsc.subcore_barrier()

    @pl.when(s < NT - 1)
    def _():
        pltpu.sync_copy(accum.at[pl.ds(s * RPT, RPT)],
                        out_h.at[pl.ds(s * RPT, RPT), pl.ds(c * HH, HH)])

    @pl.when(s == NT - 1)
    def _():
        pltpu.sync_copy(
            accum.at[pl.ds((NT - 1) * RPT, RPT_LAST)],
            out_h.at[pl.ds((NT - 1) * RPT, RPT_LAST), pl.ds(c * HH, HH)])


def _sc_aggregate(gidx4, dst3, hall, base):
    mesh = plsc.VectorSubcoreMesh(core_axis_name="c", subcore_axis_name="s")
    return pl.kernel(
        _sc_body,
        out_type=jax.ShapeDtypeStruct((N, H), jnp.float32),
        mesh=mesh,
        scratch_types=[
            pltpu.VMEM((EPT,), jnp.int32),
            pltpu.VMEM((EPT,), jnp.int32),
            *[pltpu.VMEM((SUB, HH), jnp.float32) for _ in range(NBUF)],
            pltpu.VMEM_SHARED((ACC_ROWS, HH), jnp.float32),
            *[pltpu.SemaphoreType.DMA for _ in range(NBUF + 1)],
        ],
    )(gidx4, dst3, hall.reshape(NC * R * N, HH), base)



def kernel(nids, edge_index, edge_type, emb, W1, loop_w1, b1, W2, loop_w2, b2):
    src3 = edge_index[0].reshape(NCHK_ALL, CH)
    typ3 = edge_type.reshape(NCHK_ALL, CH)
    dst3 = edge_index[1].reshape(1, E)

    hall1, self1, gidx4 = _tc_layer(emb, W1, loop_w1, b1, first_layer=True,
                                    src3=src3, typ3=typ3)
    gidx4 = gidx4.reshape(NC, 1, E)
    z1 = _sc_aggregate(gidx4, dst3, hall1, self1)
    hall2, self2 = _tc_layer(z1, W2, loop_w2, b2, first_layer=False)
    return _sc_aggregate(gidx4, dst3, hall2, self2)

# --- scband reference (transcript-rebuilt; emitter-appended) ---
"""Pipeline reference for scband-rgcn-10462540333455 (READ-ONLY COPY).

The authoritative reference and input builder live on the scoring server;
editing this copy changes nothing except your own understanding.
"""

import jax, jax.numpy as jnp
import numpy as np

N = 10000
E = 160000
H = 256
OUT = 256
R = 8


def setup_inputs(seed: int = 0) -> dict:
    key = jax.random.key(seed)
    ks = jax.random.split(key, 10)
    nids = jnp.arange(N, dtype=jnp.int32)
    edge_index = jax.random.randint(ks[0], (2, E), 0, N, dtype=jnp.int32)
    edge_type = jax.random.randint(ks[1], (E,), 0, R, dtype=jnp.int32)
    # learned parameters
    emb = jax.random.normal(ks[2], (N, H), dtype=jnp.float32) * 0.02
    W1 = jax.random.normal(ks[3], (R, H, H), dtype=jnp.float32) * (1.0 / np.sqrt(H))
    loop_w1 = jax.random.normal(ks[4], (H, H), dtype=jnp.float32) * (1.0 / np.sqrt(H))
    b1 = jnp.zeros((H,), dtype=jnp.float32)
    W2 = jax.random.normal(ks[5], (R, H, OUT), dtype=jnp.float32) * (1.0 / np.sqrt(H))
    loop_w2 = jax.random.normal(ks[6], (H, OUT), dtype=jnp.float32) * (1.0 / np.sqrt(H))
    b2 = jnp.zeros((OUT,), dtype=jnp.float32)
    return {
        "nids": nids,
        "edge_index": edge_index,
        "edge_type": edge_type,
        "emb": emb,
        "W1": W1,
        "loop_w1": loop_w1,
        "b1": b1,
        "W2": W2,
        "loop_w2": loop_w2,
        "b2": b2,
    }


def _relgraphconv(x, src, dst, etype, W, loop_w, b):
    # per-relation linear transform of all node features: [R, N, out]
    h_all = jnp.einsum("nd,rdo->rno", x, W)
    # gather per-edge message m_e = W_{rel(e)} x_{src(e)}
    msgs = h_all[etype, src]
    # sum aggregation over destination nodes
    agg = jax.ops.segment_sum(msgs, dst, num_segments=N)
    # self-loop + bias (DGL RelGraphConv defaults: self_loop=True here, bias=True)
    return agg + x @ loop_w + b


def reference(nids, edge_index, edge_type, emb, W1, loop_w1, b1, W2, loop_w2, b2):
    # nn.Embedding with padding_idx=0 -> row 0 is forced to zero
    emb_eff = emb.at[0].set(0.0)
    x = jnp.take(emb_eff, nids, axis=0)
    src = edge_index[0]
    dst = edge_index[1]
    h = _relgraphconv(x, src, dst, edge_type, W1, loop_w1, b1)
    h = jax.nn.relu(h)  # dropout p=0.0 is identity
    h = _relgraphconv(h, src, dst, edge_type, W2, loop_w2, b2)
    return h

if __name__ == "__main__":
    import jax
    _d = setup_inputs()
    print(jax.jit(kernel)(*tuple(_d.values())))

</pallas_src>

<mosaic_0001>
#map = affine_map<(d0, d1) -> (0, 0, 0)>
#map1 = affine_map<(d0, d1) -> (0, 0)>
module attributes {stable_mosaic.version = 14 : i64} {
  func.func @_sc_body(%arg0: i32, %arg1: i32, %arg2: memref<2x1x160000xi32, #tpu.memory_space<hbm>>, %arg3: memref<1x160000xi32, #tpu.memory_space<hbm>>, %arg4: memref<160000x128xf32, #tpu.memory_space<hbm>>, %arg5: memref<10000x256xf32, #tpu.memory_space<hbm>>, %arg6: memref<10000x256xf32, #tpu.memory_space<hbm>>, %arg7: memref<10112xi32, #tpu.memory_space<vmem>>, %arg8: memref<10112xi32, #tpu.memory_space<vmem>>, %arg9: memref<32x128xf32, #tpu.memory_space<vmem>>, %arg10: memref<32x128xf32, #tpu.memory_space<vmem>>, %arg11: memref<32x128xf32, #tpu.memory_space<vmem>>, %arg12: memref<32x128xf32, #tpu.memory_space<vmem>>, %arg13: memref<32x128xf32, #tpu.memory_space<vmem>>, %arg14: memref<32x128xf32, #tpu.memory_space<vmem>>, %arg15: memref<32x128xf32, #tpu.memory_space<vmem>>, %arg16: memref<10000x128xf32, #tpu.memory_space<vmem_shared>>, %arg17: memref<!tpu.dma_semaphore, #tpu.memory_space<semaphore_mem>>, %arg18: memref<!tpu.dma_semaphore, #tpu.memory_space<semaphore_mem>>, %arg19: memref<!tpu.dma_semaphore, #tpu.memory_space<semaphore_mem>>, %arg20: memref<!tpu.dma_semaphore, #tpu.memory_space<semaphore_mem>>, %arg21: memref<!tpu.dma_semaphore, #tpu.memory_space<semaphore_mem>>, %arg22: memref<!tpu.dma_semaphore, #tpu.memory_space<semaphore_mem>>, %arg23: memref<!tpu.dma_semaphore, #tpu.memory_space<semaphore_mem>>, %arg24: memref<!tpu.dma_semaphore, #tpu.memory_space<semaphore_mem>>) attributes {dimension_semantics = [#tpu.dimension_semantics<core_parallel>, #tpu.dimension_semantics<subcore_parallel>], iteration_bounds = array<i64: 2, 16>, scalar_prefetch = 0 : i64, scratch_operands = 18 : i64, tpu.core_type = #tpu.core_type<sc_vector_subcore>, window_params = [{transform_indices = #map}, {transform_indices = #map1}, {transform_indices = #map1}, {transform_indices = #map1}, {transform_indices = #map1}]} {
    %lt3A = arith.constant 2 : i32
    %lt3A_0 = arith.cmpi slt, %arg1, %lt3A : i32
    %jit3A = arith.constant 79 : i32
    %jit3A_1 = arith.constant 78 : i32
    %select_n3A = arith.select %lt3A_0, %jit3A, %jit3A_1 : i32
    %mul3A = arith.constant 9984 : i32
    %mul3A_2 = arith.muli %arg1, %mul3A : i32
    %min3A = arith.constant 2 : i32
    %min3A_3 = arith.minsi %arg1, %min3A : i32
    %mul3A_4 = arith.constant 128 : i32
    %mul3A_5 = arith.muli %min3A_3, %mul3A_4 : i32
    %add3A = arith.addi %mul3A_2, %mul3A_5 : i32
    %lt3A_6 = arith.constant 2 : i32
    %lt3A_7 = arith.cmpi slt, %arg1, %lt3A_6 : i32
    %convert_element_type3A = arith.extui %lt3A_7 : i1 to i32
    %cond3A = arith.constant 0 : i32
    %cond3A_8 = arith.cmpi ne, %convert_element_type3A, %cond3A : i32
    scf.if %cond3A_8 {
      %run_scoped3A = arith.constant 0 : i32
      "tpu.region"() ({
        %run_scoped3A_101 = tpu.sem_alloc : memref<!tpu.dma_semaphore, #tpu.memory_space<semaphore_mem>>
        %dma_start3A_102 = tpu.memref_slice %arg2[%arg0, %run_scoped3A, %add3A] : memref<2x1x160000xi32, #tpu.memory_space<hbm>> -> memref<1x1x10112xi32, #tpu.memory_space<hbm>>
        %dma_start3A_103 = tpu.memref_squeeze %dma_start3A_102 : memref<1x1x10112xi32, #tpu.memory_space<hbm>> -> memref<10112xi32, #tpu.memory_space<hbm>>
        %dma_start3A_104 = tpu.memref_slice %arg2[%arg0, %run_scoped3A, %add3A] : memref<2x1x160000xi32, #tpu.memory_space<hbm>> -> memref<1x1x10112xi32, #tpu.memory_space<hbm>>
        %dma_start3A_105 = tpu.memref_squeeze %dma_start3A_104 : memref<1x1x10112xi32, #tpu.memory_space<hbm>> -> memref<10112xi32, #tpu.memory_space<hbm>>
        tpu.enqueue_dma source(%dma_start3A_105 : memref<10112xi32, #tpu.memory_space<hbm>>) target(%arg7 : memref<10112xi32, #tpu.memory_space<vmem>>) target_semaphore(%run_scoped3A_101 : memref<!tpu.dma_semaphore, #tpu.memory_space<semaphore_mem>>)
        %dma_wait3A = tpu.memref_slice %arg2[%arg0, %run_scoped3A, %add3A] : memref<2x1x160000xi32, #tpu.memory_space<hbm>> -> memref<1x1x10112xi32, #tpu.memory_space<hbm>>
        %dma_wait3A_106 = tpu.memref_squeeze %dma_wait3A : memref<1x1x10112xi32, #tpu.memory_space<hbm>> -> memref<10112xi32, #tpu.memory_space<hbm>>
        %dma_wait3A_107 = tpu.memref_slice %arg2[%arg0, %run_scoped3A, %add3A] : memref<2x1x160000xi32, #tpu.memory_space<hbm>> -> memref<1x1x10112xi32, #tpu.memory_space<hbm>>
        %dma_wait3A_108 = tpu.memref_squeeze %dma_wait3A_107 : memref<1x1x10112xi32, #tpu.memory_space<hbm>> -> memref<10112xi32, #tpu.memory_space<hbm>>
        tpu.wait_dma2 semaphore(%run_scoped3A_101 : memref<!tpu.dma_semaphore, #tpu.memory_space<semaphore_mem>>) src(%dma_wait3A_108 : memref<10112xi32, #tpu.memory_space<hbm>>) dst(%arg7 : memref<10112xi32, #tpu.memory_space<vmem>>)
        tpu.yield
      }) : () -> ()
      %run_scoped3A_100 = arith.constant 0 : i32
      "tpu.region"() ({
        %run_scoped3A_101 = tpu.sem_alloc : memref<!tpu.dma_semaphore, #tpu.memory_space<semaphore_mem>>
        %dma_start3A_102 = tpu.memref_slice %arg3[%run_scoped3A_100, %add3A] : memref<1x160000xi32, #tpu.memory_space<hbm>> -> memref<1x10112xi32, #tpu.memory_space<hbm>>
        %dma_start3A_103 = tpu.memref_squeeze %dma_start3A_102 : memref<1x10112xi32, #tpu.memory_space<hbm>> -> memref<10112xi32, #tpu.memory_space<hbm>>
        %dma_start3A_104 = tpu.memref_slice %arg3[%run_scoped3A_100, %add3A] : memref<1x160000xi32, #tpu.memory_space<hbm>> -> memref<1x10112xi32, #tpu.memory_space<hbm>>
        %dma_start3A_105 = tpu.memref_squeeze %dma_start3A_104 : memref<1x10112xi32, #tpu.memory_space<hbm>> -> memref<10112xi32, #tpu.memory_space<hbm>>
        tpu.enqueue_dma source(%dma_start3A_105 : memref<10112xi32, #tpu.memory_space<hbm>>) target(%arg8 : memref<10112xi32, #tpu.memory_space<vmem>>) target_semaphore(%run_scoped3A_101 : memref<!tpu.dma_semaphore, #tpu.memory_space<semaphore_mem>>)
        %dma_wait3A = tpu.memref_slice %arg3[%run_scoped3A_100, %add3A] : memref<1x160000xi32, #tpu.memory_space<hbm>> -> memref<1x10112xi32, #tpu.memory_space<hbm>>
        %dma_wait3A_106 = tpu.memref_squeeze %dma_wait3A : memref<1x10112xi32, #tpu.memory_space<hbm>> -> memref<10112xi32, #tpu.memory_space<hbm>>
        %dma_wait3A_107 = tpu.memref_slice %arg3[%run_scoped3A_100, %add3A] : memref<1x160000xi32, #tpu.memory_space<hbm>> -> memref<1x10112xi32, #tpu.memory_space<hbm>>
        %dma_wait3A_108 = tpu.memref_squeeze %dma_wait3A_107 : memref<1x10112xi32, #tpu.memory_space<hbm>> -> memref<10112xi32, #tpu.memory_space<hbm>>
        tpu.wait_dma2 semaphore(%run_scoped3A_101 : memref<!tpu.dma_semaphore, #tpu.memory_space<semaphore_mem>>) src(%dma_wait3A_108 : memref<10112xi32, #tpu.memory_space<hbm>>) dst(%arg8 : memref<10112xi32, #tpu.memory_space<vmem>>)
        tpu.yield
      }) : () -> ()
    } else {
    }
    %ge3A = arith.constant 2 : i32
    %ge3A_9 = arith.cmpi sge, %arg1, %ge3A : i32
    %convert_element_type3A_10 = arith.extui %ge3A_9 : i1 to i32
    %cond3A_11 = arith.constant 0 : i32
    %cond3A_12 = arith.cmpi ne, %convert_element_type3A_10, %cond3A_11 : i32
    scf.if %cond3A_12 {
      %run_scoped3A = arith.constant 0 : i32
      "tpu.region"() ({
        %run_scoped3A_101 = tpu.sem_alloc : memref<!tpu.dma_semaphore, #tpu.memory_space<semaphore_mem>>
        %dma_start3A_102 = arith.constant 0 : i32
        %dma_start3A_103 = tpu.memref_slice %arg7[%dma_start3A_102] : memref<10112xi32, #tpu.memory_space<vmem>> -> memref<9984xi32, #tpu.memory_space<vmem>>
        %dma_start3A_104 = tpu.memref_slice %arg2[%arg0, %run_scoped3A, %add3A] : memref<2x1x160000xi32, #tpu.memory_space<hbm>> -> memref<1x1x9984xi32, #tpu.memory_space<hbm>>
        %dma_start3A_105 = tpu.memref_squeeze %dma_start3A_104 : memref<1x1x9984xi32, #tpu.memory_space<hbm>> -> memref<9984xi32, #tpu.memory_space<hbm>>
        %dma_start3A_106 = arith.constant 0 : i32
        %dma_start3A_107 = tpu.memref_slice %arg7[%dma_start3A_106] : memref<10112xi32, #tpu.memory_space<vmem>> -> memref<9984xi32, #tpu.memory_space<vmem>>
        %dma_start3A_108 = tpu.memref_slice %arg2[%arg0, %run_scoped3A, %add3A] : memref<2x1x160000xi32, #tpu.memory_space<hbm>> -> memref<1x1x9984xi32, #tpu.memory_space<hbm>>
        %dma_start3A_109 = tpu.memref_squeeze %dma_start3A_108 : memref<1x1x9984xi32, #tpu.memory_space<hbm>> -> memref<9984xi32, #tpu.memory_space<hbm>>
        tpu.enqueue_dma source(%dma_start3A_109 : memref<9984xi32, #tpu.memory_space<hbm>>) target(%dma_start3A_107 : memref<9984xi32, #tpu.memory_space<vmem>>) target_semaphore(%run_scoped3A_101 : memref<!tpu.dma_semaphore, #tpu.memory_space<semaphore_mem>>)
        %dma_wait3A = arith.constant 0 : i32
        %dma_wait3A_110 = tpu.memref_slice %arg7[%dma_wait3A] : memref<10112xi32, #tpu.memory_space<vmem>> -> memref<9984xi32, #tpu.memory_space<vmem>>
        %dma_wait3A_111 = tpu.memref_slice %arg2[%arg0, %run_scoped3A, %add3A] : memref<2x1x160000xi32, #tpu.memory_space<hbm>> -> memref<1x1x9984xi32, #tpu.memory_space<hbm>>
        %dma_wait3A_112 = tpu.memref_squeeze %dma_wait3A_111 : memref<1x1x9984xi32, #tpu.memory_space<hbm>> -> memref<9984xi32, #tpu.memory_space<hbm>>
        %dma_wait3A_113 = arith.constant 0 : i32
        %dma_wait3A_114 = tpu.memref_slice %arg7[%dma_wait3A_113] : memref<10112xi32, #tpu.memory_space<vmem>> -> memref<9984xi32, #tpu.memory_space<vmem>>
        %dma_wait3A_115 = tpu.memref_slice %arg2[%arg0, %run_scoped3A, %add3A] : memref<2x1x160000xi32, #tpu.memory_space<hbm>> -> memref<1x1x9984xi32, #tpu.memory_space<hbm>>
        %dma_wait3A_116 = tpu.memref_squeeze %dma_wait3A_115 : memref<1x1x9984xi32, #tpu.memory_space<hbm>> -> memref<9984xi32, #tpu.memory_space<hbm>>
        tpu.wait_dma2 semaphore(%run_scoped3A_101 : memref<!tpu.dma_semaphore, #tpu.memory_space<semaphore_mem>>) src(%dma_wait3A_116 : memref<9984xi32, #tpu.memory_space<hbm>>) dst(%dma_wait3A_114 : memref<9984xi32, #tpu.memory_space<vmem>>)
        tpu.yield
      }) : () -> ()
      %run_scoped3A_100 = arith.constant 0 : i32
      "tpu.region"() ({
        %run_scoped3A_101 = tpu.sem_alloc : memref<!tpu.dma_semaphore, #tpu.memory_space<semaphore_mem>>
        %dma_start3A_102 = arith.constant 0 : i32
        %dma_start3A_103 = tpu.memref_slice %arg8[%dma_start3A_102] : memref<10112xi32, #tpu.memory_space<vmem>> -> memref<9984xi32, #tpu.memory_space<vmem>>
        %dma_start3A_104 = tpu.memref_slice %arg3[%run_scoped3A_100, %add3A] : memref<1x160000xi32, #tpu.memory_space<hbm>> -> memref<1x9984xi32, #tpu.memory_space<hbm>>
        %dma_start3A_105 = tpu.memref_squeeze %dma_start3A_104 : memref<1x9984xi32, #tpu.memory_space<hbm>> -> memref<9984xi32, #tpu.memory_space<hbm>>
        %dma_start3A_106 = arith.constant 0 : i32
        %dma_start3A_107 = tpu.memref_slice %arg8[%dma_start3A_106] : memref<10112xi32, #tpu.memory_space<vmem>> -> memref<9984xi32, #tpu.memory_space<vmem>>
        %dma_start3A_108 = tpu.memref_slice %arg3[%run_scoped3A_100, %add3A] : memref<1x160000xi32, #tpu.memory_space<hbm>> -> memref<1x9984xi32, #tpu.memory_space<hbm>>
        %dma_start3A_109 = tpu.memref_squeeze %dma_start3A_108 : memref<1x9984xi32, #tpu.memory_space<hbm>> -> memref<9984xi32, #tpu.memory_space<hbm>>
        tpu.enqueue_dma source(%dma_start3A_109 : memref<9984xi32, #tpu.memory_space<hbm>>) target(%dma_start3A_107 : memref<9984xi32, #tpu.memory_space<vmem>>) target_semaphore(%run_scoped3A_101 : memref<!tpu.dma_semaphore, #tpu.memory_space<semaphore_mem>>)
        %dma_wait3A = arith.constant 0 : i32
        %dma_wait3A_110 = tpu.memref_slice %arg8[%dma_wait3A] : memref<10112xi32, #tpu.memory_space<vmem>> -> memref<9984xi32, #tpu.memory_space<vmem>>
        %dma_wait3A_111 = tpu.memref_slice %arg3[%run_scoped3A_100, %add3A] : memref<1x160000xi32, #tpu.memory_space<hbm>> -> memref<1x9984xi32, #tpu.memory_space<hbm>>
        %dma_wait3A_112 = tpu.memref_squeeze %dma_wait3A_111 : memref<1x9984xi32, #tpu.memory_space<hbm>> -> memref<9984xi32, #tpu.memory_space<hbm>>
        %dma_wait3A_113 = arith.constant 0 : i32
        %dma_wait3A_114 = tpu.memref_slice %arg8[%dma_wait3A_113] : memref<10112xi32, #tpu.memory_space<vmem>> -> memref<9984xi32, #tpu.memory_space<vmem>>
        %dma_wait3A_115 = tpu.memref_slice %arg3[%run_scoped3A_100, %add3A] : memref<1x160000xi32, #tpu.memory_space<hbm>> -> memref<1x9984xi32, #tpu.memory_space<hbm>>
        %dma_wait3A_116 = tpu.memref_squeeze %dma_wait3A_115 : memref<1x9984xi32, #tpu.memory_space<hbm>> -> memref<9984xi32, #tpu.memory_space<hbm>>
        tpu.wait_dma2 semaphore(%run_scoped3A_101 : memref<!tpu.dma_semaphore, #tpu.memory_space<semaphore_mem>>) src(%dma_wait3A_116 : memref<9984xi32, #tpu.memory_space<hbm>>) dst(%dma_wait3A_114 : memref<9984xi32, #tpu.memory_space<vmem>>)
        tpu.yield
      }) : () -> ()
    } else {
    }
    %lt3A_13 = arith.constant 15 : i32
    %lt3A_14 = arith.cmpi slt, %arg1, %lt3A_13 : i32
    %convert_element_type3A_15 = arith.extui %lt3A_14 : i1 to i32
    %cond3A_16 = arith.constant 0 : i32
    %cond3A_17 = arith.cmpi ne, %convert_element_type3A_15, %cond3A_16 : i32
    scf.if %cond3A_17 {
      %mul3A_100 = arith.constant 640 : i32
      %mul3A_101 = arith.muli %arg1, %mul3A_100 : i32
      %mul3A_102 = arith.constant 128 : i32
      %mul3A_103 = arith.muli %arg0, %mul3A_102 : i32
      %mul3A_104 = arith.constant 640 : i32
      %mul3A_105 = arith.muli %arg1, %mul3A_104 : i32
      "tpu.region"() ({
        %run_scoped3A = tpu.sem_alloc : memref<!tpu.dma_semaphore, #tpu.memory_space<semaphore_mem>>
        %dma_start3A_106 = arith.constant 0 : i32
        %dma_start3A_107 = tpu.memref_slice %arg16[%mul3A_105, %dma_start3A_106] : memref<10000x128xf32, #tpu.memory_space<vmem_shared>> -> memref<640x128xf32, #tpu.memory_space<vmem_shared>>
        %dma_start3A_108 = tpu.memref_slice %arg5[%mul3A_101, %mul3A_103] : memref<10000x256xf32, #tpu.memory_space<hbm>> -> memref<640x128xf32, #tpu.memory_space<hbm>>
        tpu.enqueue_dma source(%dma_start3A_108 : memref<640x128xf32, #tpu.memory_space<hbm>>) target(%dma_start3A_107 : memref<640x128xf32, #tpu.memory_space<vmem_shared>>) target_semaphore(%run_scoped3A : memref<!tpu.dma_semaphore, #tpu.memory_space<semaphore_mem>>)
        %dma_wait3A = arith.constant 0 : i32
        %dma_wait3A_109 = tpu.memref_slice %arg16[%mul3A_105, %dma_wait3A] : memref<10000x128xf32, #tpu.memory_space<vmem_shared>> -> memref<640x128xf32, #tpu.memory_space<vmem_shared>>
        %dma_wait3A_110 = tpu.memref_slice %arg5[%mul3A_101, %mul3A_103] : memref<10000x256xf32, #tpu.memory_space<hbm>> -> memref<640x128xf32, #tpu.memory_space<hbm>>
        tpu.wait_dma2 semaphore(%run_scoped3A : memref<!tpu.dma_semaphore, #tpu.memory_space<semaphore_mem>>) src(%dma_wait3A_110 : memref<640x128xf32, #tpu.memory_space<hbm>>) dst(%dma_wait3A_109 : memref<640x128xf32, #tpu.memory_space<vmem_shared>>)
        tpu.yield
      }) : () -> ()
    } else {
    }
    %eq3A = arith.constant 15 : i32
    %eq3A_18 = arith.cmpi eq, %arg1, %eq3A : i32
    %convert_element_type3A_19 = arith.extui %eq3A_18 : i1 to i32
    %cond3A_20 = arith.constant 0 : i32
    %cond3A_21 = arith.cmpi ne, %convert_element_type3A_19, %cond3A_20 : i32
    scf.if %cond3A_21 {
      %mul3A_100 = arith.constant 128 : i32
      %mul3A_101 = arith.muli %arg0, %mul3A_100 : i32
      "tpu.region"() ({
        %run_scoped3A = tpu.sem_alloc : memref<!tpu.dma_semaphore, #tpu.memory_space<semaphore_mem>>
        %dma_start3A_102 = arith.constant 9600 : i32
        %dma_start3A_103 = arith.constant 0 : i32
        %dma_start3A_104 = tpu.memref_slice %arg16[%dma_start3A_102, %dma_start3A_103] : memref<10000x128xf32, #tpu.memory_space<vmem_shared>> -> memref<400x128xf32, #tpu.memory_space<vmem_shared>>
        %dma_start3A_105 = arith.constant 9600 : i32
        %dma_start3A_106 = tpu.memref_slice %arg5[%dma_start3A_105, %mul3A_101] : memref<10000x256xf32, #tpu.memory_space<hbm>> -> memref<400x128xf32, #tpu.memory_space<hbm>>
        tpu.enqueue_dma source(%dma_start3A_106 : memref<400x128xf32, #tpu.memory_space<hbm>>) target(%dma_start3A_104 : memref<400x128xf32, #tpu.memory_space<vmem_shared>>) target_semaphore(%run_scoped3A : memref<!tpu.dma_semaphore, #tpu.memory_space<semaphore_mem>>)
        %dma_wait3A = arith.constant 9600 : i32
        %dma_wait3A_107 = arith.constant 0 : i32
        %dma_wait3A_108 = tpu.memref_slice %arg16[%dma_wait3A, %dma_wait3A_107] : memref<10000x128xf32, #tpu.memory_space<vmem_shared>> -> memref<400x128xf32, #tpu.memory_space<vmem_shared>>
        %dma_wait3A_109 = arith.constant 9600 : i32
        %dma_wait3A_110 = tpu.memref_slice %arg5[%dma_wait3A_109, %mul3A_101] : memref<10000x256xf32, #tpu.memory_space<hbm>> -> memref<400x128xf32, #tpu.memory_space<hbm>>
        tpu.wait_dma2 semaphore(%run_scoped3A : memref<!tpu.dma_semaphore, #tpu.memory_space<semaphore_mem>>) src(%dma_wait3A_110 : memref<400x128xf32, #tpu.memory_space<hbm>>) dst(%dma_wait3A_108 : memref<400x128xf32, #tpu.memory_space<vmem_shared>>)
        tpu.yield
      }) : () -> ()
    } else {
    }
    %barrier3A = arith.constant 0 : index
    tpu.barrier barrier_id(%barrier3A)
    %mul3A_22 = arith.constant 4 : i32
    %mul3A_23 = arith.muli %select_n3A, %mul3A_22 : i32
    %dma_start3A = arith.constant 0 : i32
    %dma_start3A_24 = tpu.memref_slice %arg7[%dma_start3A] : memref<10112xi32, #tpu.memory_space<vmem>> -> memref<32xi32, #tpu.memory_space<vmem>>
    %dma_start3A_25 = arith.constant 0 : i32
    %dma_start3A_26 = arith.constant 0 : i32
    %dma_start3A_27 = tpu.memref_slice %arg4[%dma_start3A_25, %dma_start3A_26] : memref<160000x128xf32, #tpu.memory_space<hbm>> -> memref<160000x128xf32, #tpu.memory_space<hbm>>
    tpu.enqueue_indirect_dma source(%dma_start3A_27 : memref<160000x128xf32, #tpu.memory_space<hbm>>) target(%arg9 : memref<32x128xf32, #tpu.memory_space<vmem>>) offsets(%dma_start3A_24 : memref<32xi32, #tpu.memory_space<vmem>>) semaphore(%arg17 : memref<!tpu.dma_semaphore, #tpu.memory_space<semaphore_mem>>)
    %dma_start3A_28 = arith.constant 32 : i32
    %dma_start3A_29 = tpu.memref_slice %arg7[%dma_start3A_28] : memref<10112xi32, #tpu.memory_space<vmem>> -> memref<32xi32, #tpu.memory_space<vmem>>
    %dma_start3A_30 = arith.constant 0 : i32
    %dma_start3A_31 = arith.constant 0 : i32
    %dma_start3A_32 = tpu.memref_slice %arg4[%dma_start3A_30, %dma_start3A_31] : memref<160000x128xf32, #tpu.memory_space<hbm>> -> memref<160000x128xf32, #tpu.memory_space<hbm>>
    tpu.enqueue_indirect_dma source(%dma_start3A_32 : memref<160000x128xf32, #tpu.memory_space<hbm>>) target(%arg10 : memref<32x128xf32, #tpu.memory_space<vmem>>) offsets(%dma_start3A_29 : memref<32xi32, #tpu.memory_space<vmem>>) semaphore(%arg18 : memref<!tpu.dma_semaphore, #tpu.memory_space<semaphore_mem>>)
    %dma_start3A_33 = arith.constant 64 : i32
    %dma_start3A_34 = tpu.memref_slice %arg7[%dma_start3A_33] : memref<10112xi32, #tpu.memory_space<vmem>> -> memref<32xi32, #tpu.memory_space<vmem>>
    %dma_start3A_35 = arith.constant 0 : i32
    %dma_start3A_36 = arith.constant 0 : i32
    %dma_start3A_37 = tpu.memref_slice %arg4[%dma_start3A_35, %dma_start3A_36] : memref<160000x128xf32, #tpu.memory_space<hbm>> -> memref<160000x128xf32, #tpu.memory_space<hbm>>
    tpu.enqueue_indirect_dma source(%dma_start3A_37 : memref<160000x128xf32, #tpu.memory_space<hbm>>) target(%arg11 : memref<32x128xf32, #tpu.memory_space<vmem>>) offsets(%dma_start3A_34 : memref<32xi32, #tpu.memory_space<vmem>>) semaphore(%arg19 : memref<!tpu.dma_semaphore, #tpu.memory_space<semaphore_mem>>)
    %dma_start3A_38 = arith.constant 96 : i32
    %dma_start3A_39 = tpu.memref_slice %arg7[%dma_start3A_38] : memref<10112xi32, #tpu.memory_space<vmem>> -> memref<32xi32, #tpu.memory_space<vmem>>
    %dma_start3A_40 = arith.constant 0 : i32
    %dma_start3A_41 = arith.constant 0 : i32
    %dma_start3A_42 = tpu.memref_slice %arg4[%dma_start3A_40, %dma_start3A_41] : memref<160000x128xf32, #tpu.memory_space<hbm>> -> memref<160000x128xf32, #tpu.memory_space<hbm>>
    tpu.enqueue_indirect_dma source(%dma_start3A_42 : memref<160000x128xf32, #tpu.memory_space<hbm>>) target(%arg12 : memref<32x128xf32, #tpu.memory_space<vmem>>) offsets(%dma_start3A_39 : memref<32xi32, #tpu.memory_space<vmem>>) semaphore(%arg20 : memref<!tpu.dma_semaphore, #tpu.memory_space<semaphore_mem>>)
    %dma_start3A_43 = arith.constant 128 : i32
    %dma_start3A_44 = tpu.memref_slice %arg7[%dma_start3A_43] : memref<10112xi32, #tpu.memory_space<vmem>> -> memref<32xi32, #tpu.memory_space<vmem>>
    %dma_start3A_45 = arith.constant 0 : i32
    %dma_start3A_46 = arith.constant 0 : i32
    %dma_start3A_47 = tpu.memref_slice %arg4[%dma_start3A_45, %dma_start3A_46] : memref<160000x128xf32, #tpu.memory_space<hbm>> -> memref<160000x128xf32, #tpu.memory_space<hbm>>
    tpu.enqueue_indirect_dma source(%dma_start3A_47 : memref<160000x128xf32, #tpu.memory_space<hbm>>) target(%arg13 : memref<32x128xf32, #tpu.memory_space<vmem>>) offsets(%dma_start3A_44 : memref<32xi32, #tpu.memory_space<vmem>>) semaphore(%arg21 : memref<!tpu.dma_semaphore, #tpu.memory_space<semaphore_mem>>)
    %dma_start3A_48 = arith.constant 160 : i32
    %dma_start3A_49 = tpu.memref_slice %arg7[%dma_start3A_48] : memref<10112xi32, #tpu.memory_space<vmem>> -> memref<32xi32, #tpu.memory_space<vmem>>
    %dma_start3A_50 = arith.constant 0 : i32
    %dma_start3A_51 = arith.constant 0 : i32
    %dma_start3A_52 = tpu.memref_slice %arg4[%dma_start3A_50, %dma_start3A_51] : memref<160000x128xf32, #tpu.memory_space<hbm>> -> memref<160000x128xf32, #tpu.memory_space<hbm>>
    tpu.enqueue_indirect_dma source(%dma_start3A_52 : memref<160000x128xf32, #tpu.memory_space<hbm>>) target(%arg14 : memref<32x128xf32, #tpu.memory_space<vmem>>) offsets(%dma_start3A_49 : memref<32xi32, #tpu.memory_space<vmem>>) semaphore(%arg22 : memref<!tpu.dma_semaphore, #tpu.memory_space<semaphore_mem>>)
    %dma_start3A_53 = arith.constant 192 : i32
    %dma_start3A_54 = tpu.memref_slice %arg7[%dma_start3A_53] : memref<10112xi32, #tpu.memory_space<vmem>> -> memref<32xi32, #tpu.memory_space<vmem>>
    %dma_start3A_55 = arith.constant 0 : i32
    %dma_start3A_56 = arith.constant 0 : i32
    %dma_start3A_57 = tpu.memref_slice %arg4[%dma_start3A_55, %dma_start3A_56] : memref<160000x128xf32, #tpu.memory_space<hbm>> -> memref<160000x128xf32, #tpu.memory_space<hbm>>
    tpu.enqueue_indirect_dma source(%dma_start3A_57 : memref<160000x128xf32, #tpu.memory_space<hbm>>) target(%arg15 : memref<32x128xf32, #tpu.memory_space<vmem>>) offsets(%dma_start3A_54 : memref<32xi32, #tpu.memory_space<vmem>>) semaphore(%arg23 : memref<!tpu.dma_semaphore, #tpu.memory_space<semaphore_mem>>)
    %add3A_58 = arith.constant 7 : i32
    %add3A_59 = arith.addi %mul3A_23, %add3A_58 : i32
    %sub3A = arith.constant 1 : i32
    %sub3A_60 = arith.subi %add3A_59, %sub3A : i32
    %jit3A_61 = arith.constant 7 : i32
    %div3A = arith.divsi %sub3A_60, %jit3A_61 : i32
    %sign3A = arith.constant 0 : i32
    %sign3A_62 = arith.cmpi sgt, %sub3A_60, %sign3A : i32
    %sign3A_63 = arith.extui %sign3A_62 : i1 to i32
    %sign3A_64 = arith.constant 0 : i32
    %sign3A_65 = arith.cmpi slt, %sub3A_60, %sign3A_64 : i32
    %sign3A_66 = arith.extui %sign3A_65 : i1 to i32
    %sign3A_67 = arith.subi %sign3A_63, %sign3A_66 : i32
    %sign3A_68 = arith.constant 0 : i32
    %sign3A_69 = arith.cmpi sgt, %jit3A_61, %sign3A_68 : i32
    %sign3A_70 = arith.extui %sign3A_69 : i1 to i32
    %sign3A_71 = arith.constant 0 : i32
    %sign3A_72 = arith.cmpi slt, %jit3A_61, %sign3A_71 : i32
    %sign3A_73 = arith.extui %sign3A_72 : i1 to i32
    %sign3A_74 = arith.subi %sign3A_70, %sign3A_73 : i32
    %ne3A = arith.cmpi ne, %sign3A_67, %sign3A_74 : i32
    %rem3A = arith.remsi %sub3A_60, %jit3A_61 : i32
    %ne3A_75 = arith.constant 0 : i32
    %ne3A_76 = arith.cmpi ne, %rem3A, %ne3A_75 : i32
    %and3A = arith.andi %ne3A, %ne3A_76 : i1
    %sub3A_77 = arith.constant 1 : i32
    %sub3A_78 = arith.subi %div3A, %sub3A_77 : i32
    %select_n3A_79 = arith.select %and3A, %sub3A_78, %div3A : i32
    %while3A = arith.constant 0 : i32
    %while3A_80 = arith.constant 0 : i32
    %while3A_81 = arith.subi %select_n3A_79, %while3A_80 : i32
    %while3A_82 = arith.addi %while3A_80, %while3A_81 : i32
    %while3A_83 = arith.constant 1 : i32
    %while3A_84 = arith.divsi %while3A_81, %while3A_83 : i32
    %while3A_85 = arith.muli %while3A_84, %while3A_83 : i32
    %while3A_86 = arith.addi %while3A_80, %while3A_85 : i32
    %while3A_87 = arith.constant 1 : i32
    scf.for %while3A_100 = %while3A_80 to %while3A_86 step %while3A_87  : i32 {
      %mul3A_101 = arith.constant 7 : i32
      %mul3A_102 = arith.muli %mul3A_101, %while3A_100 : i32
      %add3A_103 = arith.constant 0 : i32
      %add3A_104 = arith.addi %mul3A_102, %add3A_103 : i32
      %lt3A_105 = arith.cmpi slt, %add3A_104, %mul3A_23 : i32
      %convert_element_type3A_106 = arith.extui %lt3A_105 : i1 to i32
      %cond3A_107 = arith.constant 0 : i32
      %cond3A_108 = arith.cmpi ne, %convert_element_type3A_106, %cond3A_107 : i32
      scf.if %cond3A_108 {
        %dma_wait3A = arith.constant 0 : i32
        %dma_wait3A_199 = tpu.memref_slice %arg7[%dma_wait3A] : memref<10112xi32, #tpu.memory_space<vmem>> -> memref<32xi32, #tpu.memory_space<vmem>>
        %dma_wait3A_200 = arith.constant 0 : i32
        %dma_wait3A_201 = arith.constant 0 : i32
        %dma_wait3A_202 = tpu.memref_slice %arg4[%dma_wait3A_200, %dma_wait3A_201] : memref<160000x128xf32, #tpu.memory_space<hbm>> -> memref<160000x128xf32, #tpu.memory_space<hbm>>
        tpu.wait_indirect_dma semaphore(%arg17 : memref<!tpu.dma_semaphore, #tpu.memory_space<semaphore_mem>>) src(%dma_wait3A_202 : memref<160000x128xf32, #tpu.memory_space<hbm>>) dst(%arg9 : memref<32x128xf32, #tpu.memory_space<vmem>>)
        %mul3A_203 = arith.constant 32 : i32
        %mul3A_204 = arith.muli %add3A_104, %mul3A_203 : i32
        %add3A_205 = arith.constant 0 : i32
        %add3A_206 = arith.addi %mul3A_204, %add3A_205 : i32
        %get3A = arith.index_cast %add3A_206 : i32 to index
        %get3A_207 = tpu.vector_load %arg8[%get3A] {strides = array<i32>} : memref<10112xi32, #tpu.memory_space<vmem>>, vector<16xi32>,
        %get3A_208 = vector.shape_cast %get3A_207 : vector<16xi32> to vector<16xi32>
        %dma_start3A_209 = arith.constant 0 : i32
        %dma_start3A_210 = arith.constant 0 : i32
        %dma_start3A_211 = tpu.memref_slice %arg9[%dma_start3A_209, %dma_start3A_210] : memref<32x128xf32, #tpu.memory_space<vmem>> -> memref<16x128xf32, #tpu.memory_space<vmem>>
        %dma_start3A_212 = arith.constant 0 : i32
        %dma_start3A_213 = arith.constant 0 : i32
        %dma_start3A_214 = tpu.memref_slice %arg16[%dma_start3A_212, %dma_start3A_213] : memref<10000x128xf32, #tpu.memory_space<vmem_shared>> -> memref<10000x128xf32, #tpu.memory_space<vmem_shared>>
        tpu.enqueue_indirect_dma source(%dma_start3A_211 : memref<16x128xf32, #tpu.memory_space<vmem>>) target(%dma_start3A_214 : memref<10000x128xf32, #tpu.memory_space<vmem_shared>>) offsets(%get3A_208 : vector<16xi32>) semaphore(%arg24 : memref<!tpu.dma_semaphore, #tpu.memory_space<semaphore_mem>>) {add = true}
        %mul3A_215 = arith.constant 32 : i32
        %mul3A_216 = arith.muli %add3A_104, %mul3A_215 : i32
        %add3A_217 = arith.constant 16 : i32
        %add3A_218 = arith.addi %mul3A_216, %add3A_217 : i32
        %get3A_219 = arith.index_cast %add3A_218 : i32 to index
        %get3A_220 = tpu.vector_load %arg8[%get3A_219] {strides = array<i32>} : memref<10112xi32, #tpu.memory_space<vmem>>, vector<16xi32>,
        %get3A_221 = vector.shape_cast %get3A_220 : vector<16xi32> to vector<16xi32>
        %dma_start3A_222 = arith.constant 16 : i32
        %dma_start3A_223 = arith.constant 0 : i32
        %dma_start3A_224 = tpu.memref_slice %arg9[%dma_start3A_222, %dma_start3A_223] : memref<32x128xf32, #tpu.memory_space<vmem>> -> memref<16x128xf32, #tpu.memory_space<vmem>>
        %dma_start3A_225 = arith.constant 0 : i32
        %dma_start3A_226 = arith.constant 0 : i32
        %dma_start3A_227 = tpu.memref_slice %arg16[%dma_start3A_225, %dma_start3A_226] : memref<10000x128xf32, #tpu.memory_space<vmem_shared>> -> memref<10000x128xf32, #tpu.memory_space<vmem_shared>>
        tpu.enqueue_indirect_dma source(%dma_start3A_224 : memref<16x128xf32, #tpu.memory_space<vmem>>) target(%dma_start3A_227 : memref<10000x128xf32, #tpu.memory_space<vmem_shared>>) offsets(%get3A_221 : vector<16xi32>) semaphore(%arg24 : memref<!tpu.dma_semaphore, #tpu.memory_space<semaphore_mem>>) {add = true}
        %dma_wait3A_228 = arith.constant 0 : i32
        %dma_wait3A_229 = arith.constant 0 : i32
        %dma_wait3A_230 = tpu.memref_slice %arg9[%dma_wait3A_228, %dma_wait3A_229] : memref<32x128xf32, #tpu.memory_space<vmem>> -> memref<16x128xf32, #tpu.memory_space<vmem>>
        %dma_wait3A_231 = arith.constant 0 : i32
        %dma_wait3A_232 = arith.constant 0 : i32
        %dma_wait3A_233 = tpu.memref_slice %arg16[%dma_wait3A_231, %dma_wait3A_232] : memref<10000x128xf32, #tpu.memory_space<vmem_shared>> -> memref<10000x128xf32, #tpu.memory_space<vmem_shared>>
        tpu.wait_indirect_dma semaphore(%arg24 : memref<!tpu.dma_semaphore, #tpu.memory_space<semaphore_mem>>) src(%dma_wait3A_230 : memref<16x128xf32, #tpu.memory_space<vmem>>) dst(%dma_wait3A_233 : memref<10000x128xf32, #tpu.memory_space<vmem_shared>>)
        %dma_wait3A_234 = arith.constant 16 : i32
        %dma_wait3A_235 = arith.constant 0 : i32
        %dma_wait3A_236 = tpu.memref_slice %arg9[%dma_wait3A_234, %dma_wait3A_235] : memref<32x128xf32, #tpu.memory_space<vmem>> -> memref<16x128xf32, #tpu.memory_space<vmem>>
        %dma_wait3A_237 = arith.constant 0 : i32
        %dma_wait3A_238 = arith.constant 0 : i32
        %dma_wait3A_239 = tpu.memref_slice %arg16[%dma_wait3A_237, %dma_wait3A_238] : memref<10000x128xf32, #tpu.memory_space<vmem_shared>> -> memref<10000x128xf32, #tpu.memory_space<vmem_shared>>
        tpu.wait_indirect_dma semaphore(%arg24 : memref<!tpu.dma_semaphore, #tpu.memory_space<semaphore_mem>>) src(%dma_wait3A_236 : memref<16x128xf32, #tpu.memory_space<vmem>>) dst(%dma_wait3A_239 : memref<10000x128xf32, #tpu.memory_space<vmem_shared>>)
      } else {
      }
      %add3A_109 = arith.constant 7 : i32
      %add3A_110 = arith.addi %add3A_104, %add3A_109 : i32
      %lt3A_111 = arith.cmpi slt, %add3A_110, %mul3A_23 : i32
      %convert_element_type3A_112 = arith.extui %lt3A_111 : i1 to i32
      %cond3A_113 = arith.constant 0 : i32
      %cond3A_114 = arith.cmpi ne, %convert_element_type3A_112, %cond3A_113 : i32
      scf.if %cond3A_114 {
        %add3A_199 = arith.constant 7 : i32
        %add3A_200 = arith.addi %add3A_104, %add3A_199 : i32
        %mul3A_201 = arith.constant 32 : i32
        %mul3A_202 = arith.muli %add3A_200, %mul3A_201 : i32
        %dma_start3A_203 = tpu.memref_slice %arg7[%mul3A_202] : memref<10112xi32, #tpu.memory_space<vmem>> -> memref<32xi32, #tpu.memory_space<vmem>>
        %dma_start3A_204 = arith.constant 0 : i32
        %dma_start3A_205 = arith.constant 0 : i32
        %dma_start3A_206 = tpu.memref_slice %arg4[%dma_start3A_204, %dma_start3A_205] : memref<160000x128xf32, #tpu.memory_space<hbm>> -> memref<160000x128xf32, #tpu.memory_space<hbm>>
        tpu.enqueue_indirect_dma source(%dma_start3A_206 : memref<160000x128xf32, #tpu.memory_space<hbm>>) target(%arg9 : memref<32x128xf32, #tpu.memory_space<vmem>>) offsets(%dma_start3A_203 : memref<32xi32, #tpu.memory_space<vmem>>) semaphore(%arg17 : memref<!tpu.dma_semaphore, #tpu.memory_space<semaphore_mem>>)
      } else {
      }
      %mul3A_115 = arith.constant 7 : i32
      %mul3A_116 = arith.muli %mul3A_115, %while3A_100 : i32
      %add3A_117 = arith.constant 1 : i32
      %add3A_118 = arith.addi %mul3A_116, %add3A_117 : i32
      %lt3A_119 = arith.cmpi slt, %add3A_118, %mul3A_23 : i32
      %convert_element_type3A_120 = arith.extui %lt3A_119 : i1 to i32
      %cond3A_121 = arith.constant 0 : i32
      %cond3A_122 = arith.cmpi ne, %convert_element_type3A_120, %cond3A_121 : i32
      scf.if %cond3A_122 {
        %dma_wait3A = arith.constant 0 : i32
        %dma_wait3A_199 = tpu.memref_slice %arg7[%dma_wait3A] : memref<10112xi32, #tpu.memory_space<vmem>> -> memref<32xi32, #tpu.memory_space<vmem>>
        %dma_wait3A_200 = arith.constant 0 : i32
        %dma_wait3A_201 = arith.constant 0 : i32
        %dma_wait3A_202 = tpu.memref_slice %arg4[%dma_wait3A_200, %dma_wait3A_201] : memref<160000x128xf32, #tpu.memory_space<hbm>> -> memref<160000x128xf32, #tpu.memory_space<hbm>>
        tpu.wait_indirect_dma semaphore(%arg18 : memref<!tpu.dma_semaphore, #tpu.memory_space<semaphore_mem>>) src(%dma_wait3A_202 : memref<160000x128xf32, #tpu.memory_space<hbm>>) dst(%arg10 : memref<32x128xf32, #tpu.memory_space<vmem>>)
        %mul3A_203 = arith.constant 32 : i32
        %mul3A_204 = arith.muli %add3A_118, %mul3A_203 : i32
        %add3A_205 = arith.constant 0 : i32
        %add3A_206 = arith.addi %mul3A_204, %add3A_205 : i32
        %get3A = arith.index_cast %add3A_206 : i32 to index
        %get3A_207 = tpu.vector_load %arg8[%get3A] {strides = array<i32>} : memref<10112xi32, #tpu.memory_space<vmem>>, vector<16xi32>,
        %get3A_208 = vector.shape_cast %get3A_207 : vector<16xi32> to vector<16xi32>
        %dma_start3A_209 = arith.constant 0 : i32
        %dma_start3A_210 = arith.constant 0 : i32
        %dma_start3A_211 = tpu.memref_slice %arg10[%dma_start3A_209, %dma_start3A_210] : memref<32x128xf32, #tpu.memory_space<vmem>> -> memref<16x128xf32, #tpu.memory_space<vmem>>
        %dma_start3A_212 = arith.constant 0 : i32
        %dma_start3A_213 = arith.constant 0 : i32
        %dma_start3A_214 = tpu.memref_slice %arg16[%dma_start3A_212, %dma_start3A_213] : memref<10000x128xf32, #tpu.memory_space<vmem_shared>> -> memref<10000x128xf32, #tpu.memory_space<vmem_shared>>
        tpu.enqueue_indirect_dma source(%dma_start3A_211 : memref<16x128xf32, #tpu.memory_space<vmem>>) target(%dma_start3A_214 : memref<10000x128xf32, #tpu.memory_space<vmem_shared>>) offsets(%get3A_208 : vector<16xi32>) semaphore(%arg24 : memref<!tpu.dma_semaphore, #tpu.memory_space<semaphore_mem>>) {add = true}
        %mul3A_215 = arith.constant 32 : i32
        %mul3A_216 = arith.muli %add3A_118, %mul3A_215 : i32
        %add3A_217 = arith.constant 16 : i32
        %add3A_218 = arith.addi %mul3A_216, %add3A_217 : i32
        %get3A_219 = arith.index_cast %add3A_218 : i32 to index
        %get3A_220 = tpu.vector_load %arg8[%get3A_219] {strides = array<i32>} : memref<10112xi32, #tpu.memory_space<vmem>>, vector<16xi32>,
        %get3A_221 = vector.shape_cast %get3A_220 : vector<16xi32> to vector<16xi32>
        %dma_start3A_222 = arith.constant 16 : i32
        %dma_start3A_223 = arith.constant 0 : i32
        %dma_start3A_224 = tpu.memref_slice %arg10[%dma_start3A_222, %dma_start3A_223] : memref<32x128xf32, #tpu.memory_space<vmem>> -> memref<16x128xf32, #tpu.memory_space<vmem>>
        %dma_start3A_225 = arith.constant 0 : i32
        %dma_start3A_226 = arith.constant 0 : i32
        %dma_start3A_227 = tpu.memref_slice %arg16[%dma_start3A_225, %dma_start3A_226] : memref<10000x128xf32, #tpu.memory_space<vmem_shared>> -> memref<10000x128xf32, #tpu.memory_space<vmem_shared>>
        tpu.enqueue_indirect_dma source(%dma_start3A_224 : memref<16x128xf32, #tpu.memory_space<vmem>>) target(%dma_start3A_227 : memref<10000x128xf32, #tpu.memory_space<vmem_shared>>) offsets(%get3A_221 : vector<16xi32>) semaphore(%arg24 : memref<!tpu.dma_semaphore, #tpu.memory_space<semaphore_mem>>) {add = true}
        %dma_wait3A_228 = arith.constant 0 : i32
        %dma_wait3A_229 = arith.constant 0 : i32
        %dma_wait3A_230 = tpu.memref_slice %arg10[%dma_wait3A_228, %dma_wait3A_229] : memref<32x128xf32, #tpu.memory_space<vmem>> -> memref<16x128xf32, #tpu.memory_space<vmem>>
        %dma_wait3A_231 = arith.constant 0 : i32
        %dma_wait3A_232 = arith.constant 0 : i32
        %dma_wait3A_233 = tpu.memref_slice %arg16[%dma_wait3A_231, %dma_wait3A_232] : memref<10000x128xf32, #tpu.memory_space<vmem_shared>> -> memref<10000x128xf32, #tpu.memory_space<vmem_shared>>
        tpu.wait_indirect_dma semaphore(%arg24 : memref<!tpu.dma_semaphore, #tpu.memory_space<semaphore_mem>>) src(%dma_wait3A_230 : memref<16x128xf32, #tpu.memory_space<vmem>>) dst(%dma_wait3A_233 : memref<10000x128xf32, #tpu.memory_space<vmem_shared>>)
        %dma_wait3A_234 = arith.constant 16 : i32
        %dma_wait3A_235 = arith.constant 0 : i32
        %dma_wait3A_236 = tpu.memref_slice %arg10[%dma_wait3A_234, %dma_wait3A_235] : memref<32x128xf32, #tpu.memory_space<vmem>> -> memref<16x128xf32, #tpu.memory_space<vmem>>
        %dma_wait3A_237 = arith.constant 0 : i32
        %dma_wait3A_238 = arith.constant 0 : i32
        %dma_wait3A_239 = tpu.memref_slice %arg16[%dma_wait3A_237, %dma_wait3A_238] : memref<10000x128xf32, #tpu.memory_space<vmem_shared>> -> memref<10000x128xf32, #tpu.memory_space<vmem_shared>>
        tpu.wait_indirect_dma semaphore(%arg24 : memref<!tpu.dma_semaphore, #tpu.memory_space<semaphore_mem>>) src(%dma_wait3A_236 : memref<16x128xf32, #tpu.memory_space<vmem>>) dst(%dma_wait3A_239 : memref<10000x128xf32, #tpu.memory_space<vmem_shared>>)
      } else {
      }
      %add3A_123 = arith.constant 7 : i32
      %add3A_124 = arith.addi %add3A_118, %add3A_123 : i32
      %lt3A_125 = arith.cmpi slt, %add3A_124, %mul3A_23 : i32
      %convert_element_type3A_126 = arith.extui %lt3A_125 : i1 to i32
      %cond3A_127 = arith.constant 0 : i32
      %cond3A_128 = arith.cmpi ne, %convert_element_type3A_126, %cond3A_127 : i32
      scf.if %cond3A_128 {
        %add3A_199 = arith.constant 7 : i32
        %add3A_200 = arith.addi %add3A_118, %add3A_199 : i32
        %mul3A_201 = arith.constant 32 : i32
        %mul3A_202 = arith.muli %add3A_200, %mul3A_201 : i32
        %dma_start3A_203 = tpu.memref_slice %arg7[%mul3A_202] : memref<10112xi32, #tpu.memory_space<vmem>> -> memref<32xi32, #tpu.memory_space<vmem>>
        %dma_start3A_204 = arith.constant 0 : i32
        %dma_start3A_205 = arith.constant 0 : i32
        %dma_start3A_206 = tpu.memref_slice %arg4[%dma_start3A_204, %dma_start3A_205] : memref<160000x128xf32, #tpu.memory_space<hbm>> -> memref<160000x128xf32, #tpu.memory_space<hbm>>
        tpu.enqueue_indirect_dma source(%dma_start3A_206 : memref<160000x128xf32, #tpu.memory_space<hbm>>) target(%arg10 : memref<32x128xf32, #tpu.memory_space<vmem>>) offsets(%dma_start3A_203 : memref<32xi32, #tpu.memory_space<vmem>>) semaphore(%arg18 : memref<!tpu.dma_semaphore, #tpu.memory_space<semaphore_mem>>)
      } else {
      }
      %mul3A_129 = arith.constant 7 : i32
      %mul3A_130 = arith.muli %mul3A_129, %while3A_100 : i32
      %add3A_131 = arith.constant 2 : i32
      %add3A_132 = arith.addi %mul3A_130, %add3A_131 : i32
      %lt3A_133 = arith.cmpi slt, %add3A_132, %mul3A_23 : i32
      %convert_element_type3A_134 = arith.extui %lt3A_133 : i1 to i32
      %cond3A_135 = arith.constant 0 : i32
      %cond3A_136 = arith.cmpi ne, %convert_element_type3A_134, %cond3A_135 : i32
      scf.if %cond3A_136 {
        %dma_wait3A = arith.constant 0 : i32
        %dma_wait3A_199 = tpu.memref_slice %arg7[%dma_wait3A] : memref<10112xi32, #tpu.memory_space<vmem>> -> memref<32xi32, #tpu.memory_space<vmem>>
        %dma_wait3A_200 = arith.constant 0 : i32
        %dma_wait3A_201 = arith.constant 0 : i32
        %dma_wait3A_202 = tpu.memref_slice %arg4[%dma_wait3A_200, %dma_wait3A_201] : memref<160000x128xf32, #tpu.memory_space<hbm>> -> memref<160000x128xf32, #tpu.memory_space<hbm>>
        tpu.wait_indirect_dma semaphore(%arg19 : memref<!tpu.dma_semaphore, #tpu.memory_space<semaphore_mem>>) src(%dma_wait3A_202 : memref<160000x128xf32, #tpu.memory_space<hbm>>) dst(%arg11 : memref<32x128xf32, #tpu.memory_space<vmem>>)
        %mul3A_203 = arith.constant 32 : i32
        %mul3A_204 = arith.muli %add3A_132, %mul3A_203 : i32
        %add3A_205 = arith.constant 0 : i32
        %add3A_206 = arith.addi %mul3A_204, %add3A_205 : i32
        %get3A = arith.index_cast %add3A_206 : i32 to index
        %get3A_207 = tpu.vector_load %arg8[%get3A] {strides = array<i32>} : memref<10112xi32, #tpu.memory_space<vmem>>, vector<16xi32>,
        %get3A_208 = vector.shape_cast %get3A_207 : vector<16xi32> to vector<16xi32>
        %dma_start3A_209 = arith.constant 0 : i32
        %dma_start3A_210 = arith.constant 0 : i32
        %dma_start3A_211 = tpu.memref_slice %arg11[%dma_start3A_209, %dma_start3A_210] : memref<32x128xf32, #tpu.memory_space<vmem>> -> memref<16x128xf32, #tpu.memory_space<vmem>>
        %dma_start3A_212 = arith.constant 0 : i32
        %dma_start3A_213 = arith.constant 0 : i32
        %dma_start3A_214 = tpu.memref_slice %arg16[%dma_start3A_212, %dma_start3A_213] : memref<10000x128xf32, #tpu.memory_space<vmem_shared>> -> memref<10000x128xf32, #tpu.memory_space<vmem_shared>>
        tpu.enqueue_indirect_dma source(%dma_start3A_211 : memref<16x128xf32, #tpu.memory_space<vmem>>) target(%dma_start3A_214 : memref<10000x128xf32, #tpu.memory_space<vmem_shared>>) offsets(%get3A_208 : vector<16xi32>) semaphore(%arg24 : memref<!tpu.dma_semaphore, #tpu.memory_space<semaphore_mem>>) {add = true}
        %mul3A_215 = arith.constant 32 : i32
        %mul3A_216 = arith.muli %add3A_132, %mul3A_215 : i32
        %add3A_217 = arith.constant 16 : i32
        %add3A_218 = arith.addi %mul3A_216, %add3A_217 : i32
        %get3A_219 = arith.index_cast %add3A_218 : i32 to index
        %get3A_220 = tpu.vector_load %arg8[%get3A_219] {strides = array<i32>} : memref<10112xi32, #tpu.memory_space<vmem>>, vector<16xi32>,
        %get3A_221 = vector.shape_cast %get3A_220 : vector<16xi32> to vector<16xi32>
        %dma_start3A_222 = arith.constant 16 : i32
        %dma_start3A_223 = arith.constant 0 : i32
        %dma_start3A_224 = tpu.memref_slice %arg11[%dma_start3A_222, %dma_start3A_223] : memref<32x128xf32, #tpu.memory_space<vmem>> -> memref<16x128xf32, #tpu.memory_space<vmem>>
        %dma_start3A_225 = arith.constant 0 : i32
        %dma_start3A_226 = arith.constant 0 : i32
        %dma_start3A_227 = tpu.memref_slice %arg16[%dma_start3A_225, %dma_start3A_226] : memref<10000x128xf32, #tpu.memory_space<vmem_shared>> -> memref<10000x128xf32, #tpu.memory_space<vmem_shared>>
        tpu.enqueue_indirect_dma source(%dma_start3A_224 : memref<16x128xf32, #tpu.memory_space<vmem>>) target(%dma_start3A_227 : memref<10000x128xf32, #tpu.memory_space<vmem_shared>>) offsets(%get3A_221 : vector<16xi32>) semaphore(%arg24 : memref<!tpu.dma_semaphore, #tpu.memory_space<semaphore_mem>>) {add = true}
        %dma_wait3A_228 = arith.constant 0 : i32
        %dma_wait3A_229 = arith.constant 0 : i32
        %dma_wait3A_230 = tpu.memref_slice %arg11[%dma_wait3A_228, %dma_wait3A_229] : memref<32x128xf32, #tpu.memory_space<vmem>> -> memref<16x128xf32, #tpu.memory_space<vmem>>
        %dma_wait3A_231 = arith.constant 0 : i32
        %dma_wait3A_232 = arith.constant 0 : i32
        %dma_wait3A_233 = tpu.memref_slice %arg16[%dma_wait3A_231, %dma_wait3A_232] : memref<10000x128xf32, #tpu.memory_space<vmem_shared>> -> memref<10000x128xf32, #tpu.memory_space<vmem_shared>>
        tpu.wait_indirect_dma semaphore(%arg24 : memref<!tpu.dma_semaphore, #tpu.memory_space<semaphore_mem>>) src(%dma_wait3A_230 : memref<16x128xf32, #tpu.memory_space<vmem>>) dst(%dma_wait3A_233 : memref<10000x128xf32, #tpu.memory_space<vmem_shared>>)
        %dma_wait3A_234 = arith.constant 16 : i32
        %dma_wait3A_235 = arith.constant 0 : i32
        %dma_wait3A_236 = tpu.memref_slice %arg11[%dma_wait3A_234, %dma_wait3A_235] : memref<32x128xf32, #tpu.memory_space<vmem>> -> memref<16x128xf32, #tpu.memory_space<vmem>>
        %dma_wait3A_237 = arith.constant 0 : i32
        %dma_wait3A_238 = arith.constant 0 : i32
        %dma_wait3A_239 = tpu.memref_slice %arg16[%dma_wait3A_237, %dma_wait3A_238] : memref<10000x128xf32, #tpu.memory_space<vmem_shared>> -> memref<10000x128xf32, #tpu.memory_space<vmem_shared>>
        tpu.wait_indirect_dma semaphore(%arg24 : memref<!tpu.dma_semaphore, #tpu.memory_space<semaphore_mem>>) src(%dma_wait3A_236 : memref<16x128xf32, #tpu.memory_space<vmem>>) dst(%dma_wait3A_239 : memref<10000x128xf32, #tpu.memory_space<vmem_shared>>)
      } else {
      }
      %add3A_137 = arith.constant 7 : i32
      %add3A_138 = arith.addi %add3A_132, %add3A_137 : i32
      %lt3A_139 = arith.cmpi slt, %add3A_138, %mul3A_23 : i32
      %convert_element_type3A_140 = arith.extui %lt3A_139 : i1 to i32
      %cond3A_141 = arith.constant 0 : i32
      %cond3A_142 = arith.cmpi ne, %convert_element_type3A_140, %cond3A_141 : i32
      scf.if %cond3A_142 {
        %add3A_199 = arith.constant 7 : i32
        %add3A_200 = arith.addi %add3A_132, %add3A_199 : i32
        %mul3A_201 = arith.constant 32 : i32
        %mul3A_202 = arith.muli %add3A_200, %mul3A_201 : i32
        %dma_start3A_203 = tpu.memref_slice %arg7[%mul3A_202] : memref<10112xi32, #tpu.memory_space<vmem>> -> memref<32xi32, #tpu.memory_space<vmem>>
        %dma_start3A_204 = arith.constant 0 : i32
        %dma_start3A_205 = arith.constant 0 : i32
        %dma_start3A_206 = tpu.memref_slice %arg4[%dma_start3A_204, %dma_start3A_205] : memref<160000x128xf32, #tpu.memory_space<hbm>> -> memref<160000x128xf32, #tpu.memory_space<hbm>>
        tpu.enqueue_indirect_dma source(%dma_start3A_206 : memref<160000x128xf32, #tpu.memory_space<hbm>>) target(%arg11 : memref<32x128xf32, #tpu.memory_space<vmem>>) offsets(%dma_start3A_203 : memref<32xi32, #tpu.memory_space<vmem>>) semaphore(%arg19 : memref<!tpu.dma_semaphore, #tpu.memory_space<semaphore_mem>>)
      } else {
      }
      %mul3A_143 = arith.constant 7 : i32
      %mul3A_144 = arith.muli %mul3A_143, %while3A_100 : i32
      %add3A_145 = arith.constant 3 : i32
      %add3A_146 = arith.addi %mul3A_144, %add3A_145 : i32
      %lt3A_147 = arith.cmpi slt, %add3A_146, %mul3A_23 : i32
      %convert_element_type3A_148 = arith.extui %lt3A_147 : i1 to i32
      %cond3A_149 = arith.constant 0 : i32
      %cond3A_150 = arith.cmpi ne, %convert_element_type3A_148, %cond3A_149 : i32
      scf.if %cond3A_150 {
        %dma_wait3A = arith.constant 0 : i32
        %dma_wait3A_199 = tpu.memref_slice %arg7[%dma_wait3A] : memref<10112xi32, #tpu.memory_space<vmem>> -> memref<32xi32, #tpu.memory_space<vmem>>
        %dma_wait3A_200 = arith.constant 0 : i32
        %dma_wait3A_201 = arith.constant 0 : i32
        %dma_wait3A_202 = tpu.memref_slice %arg4[%dma_wait3A_200, %dma_wait3A_201] : memref<160000x128xf32, #tpu.memory_space<hbm>> -> memref<160000x128xf32, #tpu.memory_space<hbm>>
        tpu.wait_indirect_dma semaphore(%arg20 : memref<!tpu.dma_semaphore, #tpu.memory_space<semaphore_mem>>) src(%dma_wait3A_202 : memref<160000x128xf32, #tpu.memory_space<hbm>>) dst(%arg12 : memref<32x128xf32, #tpu.memory_space<vmem>>)
        %mul3A_203 = arith.constant 32 : i32
        %mul3A_204 = arith.muli %add3A_146, %mul3A_203 : i32
        %add3A_205 = arith.constant 0 : i32
        %add3A_206 = arith.addi %mul3A_204, %add3A_205 : i32
        %get3A = arith.index_cast %add3A_206 : i32 to index
        %get3A_207 = tpu.vector_load %arg8[%get3A] {strides = array<i32>} : memref<10112xi32, #tpu.memory_space<vmem>>, vector<16xi32>,
        %get3A_208 = vector.shape_cast %get3A_207 : vector<16xi32> to vector<16xi32>
        %dma_start3A_209 = arith.constant 0 : i32
        %dma_start3A_210 = arith.constant 0 : i32
        %dma_start3A_211 = tpu.memref_slice %arg12[%dma_start3A_209, %dma_start3A_210] : memref<32x128xf32, #tpu.memory_space<vmem>> -> memref<16x128xf32, #tpu.memory_space<vmem>>
        %dma_start3A_212 = arith.constant 0 : i32
        %dma_start3A_213 = arith.constant 0 : i32
        %dma_start3A_214 = tpu.memref_slice %arg16[%dma_start3A_212, %dma_start3A_213] : memref<10000x128xf32, #tpu.memory_space<vmem_shared>> -> memref<10000x128xf32, #tpu.memory_space<vmem_shared>>
        tpu.enqueue_indirect_dma source(%dma_start3A_211 : memref<16x128xf32, #tpu.memory_space<vmem>>) target(%dma_start3A_214 : memref<10000x128xf32, #tpu.memory_space<vmem_shared>>) offsets(%get3A_208 : vector<16xi32>) semaphore(%arg24 : memref<!tpu.dma_semaphore, #tpu.memory_space<semaphore_mem>>) {add = true}
        %mul3A_215 = arith.constant 32 : i32
        %mul3A_216 = arith.muli %add3A_146, %mul3A_215 : i32
        %add3A_217 = arith.constant 16 : i32
        %add3A_218 = arith.addi %mul3A_216, %add3A_217 : i32
        %get3A_219 = arith.index_cast %add3A_218 : i32 to index
        %get3A_220 = tpu.vector_load %arg8[%get3A_219] {strides = array<i32>} : memref<10112xi32, #tpu.memory_space<vmem>>, vector<16xi32>,
        %get3A_221 = vector.shape_cast %get3A_220 : vector<16xi32> to vector<16xi32>
        %dma_start3A_222 = arith.constant 16 : i32
        %dma_start3A_223 = arith.constant 0 : i32
        %dma_start3A_224 = tpu.memref_slice %arg12[%dma_start3A_222, %dma_start3A_223] : memref<32x128xf32, #tpu.memory_space<vmem>> -> memref<16x128xf32, #tpu.memory_space<vmem>>
        %dma_start3A_225 = arith.constant 0 : i32
        %dma_start3A_226 = arith.constant 0 : i32
        %dma_start3A_227 = tpu.memref_slice %arg16[%dma_start3A_225, %dma_start3A_226] : memref<10000x128xf32, #tpu.memory_space<vmem_shared>> -> memref<10000x128xf32, #tpu.memory_space<vmem_shared>>
        tpu.enqueue_indirect_dma source(%dma_start3A_224 : memref<16x128xf32, #tpu.memory_space<vmem>>) target(%dma_start3A_227 : memref<10000x128xf32, #tpu.memory_space<vmem_shared>>) offsets(%get3A_221 : vector<16xi32>) semaphore(%arg24 : memref<!tpu.dma_semaphore, #tpu.memory_space<semaphore_mem>>) {add = true}
        %dma_wait3A_228 = arith.constant 0 : i32
        %dma_wait3A_229 = arith.constant 0 : i32
        %dma_wait3A_230 = tpu.memref_slice %arg12[%dma_wait3A_228, %dma_wait3A_229] : memref<32x128xf32, #tpu.memory_space<vmem>> -> memref<16x128xf32, #tpu.memory_space<vmem>>
        %dma_wait3A_231 = arith.constant 0 : i32
        %dma_wait3A_232 = arith.constant 0 : i32
        %dma_wait3A_233 = tpu.memref_slice %arg16[%dma_wait3A_231, %dma_wait3A_232] : memref<10000x128xf32, #tpu.memory_space<vmem_shared>> -> memref<10000x128xf32, #tpu.memory_space<vmem_shared>>
        tpu.wait_indirect_dma semaphore(%arg24 : memref<!tpu.dma_semaphore, #tpu.memory_space<semaphore_mem>>) src(%dma_wait3A_230 : memref<16x128xf32, #tpu.memory_space<vmem>>) dst(%dma_wait3A_233 : memref<10000x128xf32, #tpu.memory_space<vmem_shared>>)
        %dma_wait3A_234 = arith.constant 16 : i32
        %dma_wait3A_235 = arith.constant 0 : i32
        %dma_wait3A_236 = tpu.memref_slice %arg12[%dma_wait3A_234, %dma_wait3A_235] : memref<32x128xf32, #tpu.memory_space<vmem>> -> memref<16x128xf32, #tpu.memory_space<vmem>>
        %dma_wait3A_237 = arith.constant 0 : i32
        %dma_wait3A_238 = arith.constant 0 : i32
        %dma_wait3A_239 = tpu.memref_slice %arg16[%dma_wait3A_237, %dma_wait3A_238] : memref<10000x128xf32, #tpu.memory_space<vmem_shared>> -> memref<10000x128xf32, #tpu.memory_space<vmem_shared>>
        tpu.wait_indirect_dma semaphore(%arg24 : memref<!tpu.dma_semaphore, #tpu.memory_space<semaphore_mem>>) src(%dma_wait3A_236 : memref<16x128xf32, #tpu.memory_space<vmem>>) dst(%dma_wait3A_239 : memref<10000x128xf32, #tpu.memory_space<vmem_shared>>)
      } else {
      }
      %add3A_151 = arith.constant 7 : i32
      %add3A_152 = arith.addi %add3A_146, %add3A_151 : i32
      %lt3A_153 = arith.cmpi slt, %add3A_152, %mul3A_23 : i32
      %convert_element_type3A_154 = arith.extui %lt3A_153 : i1 to i32
      %cond3A_155 = arith.constant 0 : i32
      %cond3A_156 = arith.cmpi ne, %convert_element_type3A_154, %cond3A_155 : i32
      scf.if %cond3A_156 {
        %add3A_199 = arith.constant 7 : i32
        %add3A_200 = arith.addi %add3A_146, %add3A_199 : i32
        %mul3A_201 = arith.constant 32 : i32
        %mul3A_202 = arith.muli %add3A_200, %mul3A_201 : i32
        %dma_start3A_203 = tpu.memref_slice %arg7[%mul3A_202] : memref<10112xi32, #tpu.memory_space<vmem>> -> memref<32xi32, #tpu.memory_space<vmem>>
        %dma_start3A_204 = arith.constant 0 : i32
        %dma_start3A_205 = arith.constant 0 : i32
        %dma_start3A_206 = tpu.memref_slice %arg4[%dma_start3A_204, %dma_start3A_205] : memref<160000x128xf32, #tpu.memory_space<hbm>> -> memref<160000x128xf32, #tpu.memory_space<hbm>>
        tpu.enqueue_indirect_dma source(%dma_start3A_206 : memref<160000x128xf32, #tpu.memory_space<hbm>>) target(%arg12 : memref<32x128xf32, #tpu.memory_space<vmem>>) offsets(%dma_start3A_203 : memref<32xi32, #tpu.memory_space<vmem>>) semaphore(%arg20 : memref<!tpu.dma_semaphore, #tpu.memory_space<semaphore_mem>>)
      } else {
      }
      %mul3A_157 = arith.constant 7 : i32
      %mul3A_158 = arith.muli %mul3A_157, %while3A_100 : i32
      %add3A_159 = arith.constant 4 : i32
      %add3A_160 = arith.addi %mul3A_158, %add3A_159 : i32
      %lt3A_161 = arith.cmpi slt, %add3A_160, %mul3A_23 : i32
      %convert_element_type3A_162 = arith.extui %lt3A_161 : i1 to i32
      %cond3A_163 = arith.constant 0 : i32
      %cond3A_164 = arith.cmpi ne, %convert_element_type3A_162, %cond3A_163 : i32
      scf.if %cond3A_164 {
        %dma_wait3A = arith.constant 0 : i32
        %dma_wait3A_199 = tpu.memref_slice %arg7[%dma_wait3A] : memref<10112xi32, #tpu.memory_space<vmem>> -> memref<32xi32, #tpu.memory_space<vmem>>
        %dma_wait3A_200 = arith.constant 0 : i32
        %dma_wait3A_201 = arith.constant 0 : i32
        %dma_wait3A_202 = tpu.memref_slice %arg4[%dma_wait3A_200, %dma_wait3A_201] : memref<160000x128xf32, #tpu.memory_space<hbm>> -> memref<160000x128xf32, #tpu.memory_space<hbm>>
        tpu.wait_indirect_dma semaphore(%arg21 : memref<!tpu.dma_semaphore, #tpu.memory_space<semaphore_mem>>) src(%dma_wait3A_202 : memref<160000x128xf32, #tpu.memory_space<hbm>>) dst(%arg13 : memref<32x128xf32, #tpu.memory_space<vmem>>)
        %mul3A_203 = arith.constant 32 : i32
        %mul3A_204 = arith.muli %add3A_160, %mul3A_203 : i32
        %add3A_205 = arith.constant 0 : i32
        %add3A_206 = arith.addi %mul3A_204, %add3A_205 : i32
        %get3A = arith.index_cast %add3A_206 : i32 to index
        %get3A_207 = tpu.vector_load %arg8[%get3A] {strides = array<i32>} : memref<10112xi32, #tpu.memory_space<vmem>>, vector<16xi32>,
        %get3A_208 = vector.shape_cast %get3A_207 : vector<16xi32> to vector<16xi32>
        %dma_start3A_209 = arith.constant 0 : i32
        %dma_start3A_210 = arith.constant 0 : i32
        %dma_start3A_211 = tpu.memref_slice %arg13[%dma_start3A_209, %dma_start3A_210] : memref<32x128xf32, #tpu.memory_space<vmem>> -> memref<16x128xf32, #tpu.memory_space<vmem>>
        %dma_start3A_212 = arith.constant 0 : i32
        %dma_start3A_213 = arith.constant 0 : i32
        %dma_start3A_214 = tpu.memref_slice %arg16[%dma_start3A_212, %dma_start3A_213] : memref<10000x128xf32, #tpu.memory_space<vmem_shared>> -> memref<10000x128xf32, #tpu.memory_space<vmem_shared>>
        tpu.enqueue_indirect_dma source(%dma_start3A_211 : memref<16x128xf32, #tpu.memory_space<vmem>>) target(%dma_start3A_214 : memref<10000x128xf32, #tpu.memory_space<vmem_shared>>) offsets(%get3A_208 : vector<16xi32>) semaphore(%arg24 : memref<!tpu.dma_semaphore, #tpu.memory_space<semaphore_mem>>) {add = true}
        %mul3A_215 = arith.constant 32 : i32
        %mul3A_216 = arith.muli %add3A_160, %mul3A_215 : i32
        %add3A_217 = arith.constant 16 : i32
        %add3A_218 = arith.addi %mul3A_216, %add3A_217 : i32
        %get3A_219 = arith.index_cast %add3A_218 : i32 to index
        %get3A_220 = tpu.vector_load %arg8[%get3A_219] {strides = array<i32>} : memref<10112xi32, #tpu.memory_space<vmem>>, vector<16xi32>,
        %get3A_221 = vector.shape_cast %get3A_220 : vector<16xi32> to vector<16xi32>
        %dma_start3A_222 = arith.constant 16 : i32
        %dma_start3A_223 = arith.constant 0 : i32
        %dma_start3A_224 = tpu.memref_slice %arg13[%dma_start3A_222, %dma_start3A_223] : memref<32x128xf32, #tpu.memory_space<vmem>> -> memref<16x128xf32, #tpu.memory_space<vmem>>
        %dma_start3A_225 = arith.constant 0 : i32
        %dma_start3A_226 = arith.constant 0 : i32
        %dma_start3A_227 = tpu.memref_slice %arg16[%dma_start3A_225, %dma_start3A_226] : memref<10000x128xf32, #tpu.memory_space<vmem_shared>> -> memref<10000x128xf32, #tpu.memory_space<vmem_shared>>
        tpu.enqueue_indirect_dma source(%dma_start3A_224 : memref<16x128xf32, #tpu.memory_space<vmem>>) target(%dma_start3A_227 : memref<10000x128xf32, #tpu.memory_space<vmem_shared>>) offsets(%get3A_221 : vector<16xi32>) semaphore(%arg24 : memref<!tpu.dma_semaphore, #tpu.memory_space<semaphore_mem>>) {add = true}
        %dma_wait3A_228 = arith.constant 0 : i32
        %dma_wait3A_229 = arith.constant 0 : i32
        %dma_wait3A_230 = tpu.memref_slice %arg13[%dma_wait3A_228, %dma_wait3A_229] : memref<32x128xf32, #tpu.memory_space<vmem>> -> memref<16x128xf32, #tpu.memory_space<vmem>>
        %dma_wait3A_231 = arith.constant 0 : i32
        %dma_wait3A_232 = arith.constant 0 : i32
        %dma_wait3A_233 = tpu.memref_slice %arg16[%dma_wait3A_231, %dma_wait3A_232] : memref<10000x128xf32, #tpu.memory_space<vmem_shared>> -> memref<10000x128xf32, #tpu.memory_space<vmem_shared>>
        tpu.wait_indirect_dma semaphore(%arg24 : memref<!tpu.dma_semaphore, #tpu.memory_space<semaphore_mem>>) src(%dma_wait3A_230 : memref<16x128xf32, #tpu.memory_space<vmem>>) dst(%dma_wait3A_233 : memref<10000x128xf32, #tpu.memory_space<vmem_shared>>)
        %dma_wait3A_234 = arith.constant 16 : i32
        %dma_wait3A_235 = arith.constant 0 : i32
        %dma_wait3A_236 = tpu.memref_slice %arg13[%dma_wait3A_234, %dma_wait3A_235] : memref<32x128xf32, #tpu.memory_space<vmem>> -> memref<16x128xf32, #tpu.memory_space<vmem>>
        %dma_wait3A_237 = arith.constant 0 : i32
        %dma_wait3A_238 = arith.constant 0 : i32
        %dma_wait3A_239 = tpu.memref_slice %arg16[%dma_wait3A_237, %dma_wait3A_238] : memref<10000x128xf32, #tpu.memory_space<vmem_shared>> -> memref<10000x128xf32, #tpu.memory_space<vmem_shared>>
        tpu.wait_indirect_dma semaphore(%arg24 : memref<!tpu.dma_semaphore, #tpu.memory_space<semaphore_mem>>) src(%dma_wait3A_236 : memref<16x128xf32, #tpu.memory_space<vmem>>) dst(%dma_wait3A_239 : memref<10000x128xf32, #tpu.memory_space<vmem_shared>>)
      } else {
      }
      %add3A_165 = arith.constant 7 : i32
      %add3A_166 = arith.addi %add3A_160, %add3A_165 : i32
      %lt3A_167 = arith.cmpi slt, %add3A_166, %mul3A_23 : i32
      %convert_element_type3A_168 = arith.extui %lt3A_167 : i1 to i32
      %cond3A_169 = arith.constant 0 : i32
      %cond3A_170 = arith.cmpi ne, %convert_element_type3A_168, %cond3A_169 : i32
      scf.if %cond3A_170 {
        %add3A_199 = arith.constant 7 : i32
        %add3A_200 = arith.addi %add3A_160, %add3A_199 : i32
        %mul3A_201 = arith.constant 32 : i32
        %mul3A_202 = arith.muli %add3A_200, %mul3A_201 : i32
        %dma_start3A_203 = tpu.memref_slice %arg7[%mul3A_202] : memref<10112xi32, #tpu.memory_space<vmem>> -> memref<32xi32, #tpu.memory_space<vmem>>
        %dma_start3A_204 = arith.constant 0 : i32
        %dma_start3A_205 = arith.constant 0 : i32
        %dma_start3A_206 = tpu.memref_slice %arg4[%dma_start3A_204, %dma_start3A_205] : memref<160000x128xf32, #tpu.memory_space<hbm>> -> memref<160000x128xf32, #tpu.memory_space<hbm>>
        tpu.enqueue_indirect_dma source(%dma_start3A_206 : memref<160000x128xf32, #tpu.memory_space<hbm>>) target(%arg13 : memref<32x128xf32, #tpu.memory_space<vmem>>) offsets(%dma_start3A_203 : memref<32xi32, #tpu.memory_space<vmem>>) semaphore(%arg21 : memref<!tpu.dma_semaphore, #tpu.memory_space<semaphore_mem>>)
      } else {
      }
      %mul3A_171 = arith.constant 7 : i32
      %mul3A_172 = arith.muli %mul3A_171, %while3A_100 : i32
      %add3A_173 = arith.constant 5 : i32
      %add3A_174 = arith.addi %mul3A_172, %add3A_173 : i32
      %lt3A_175 = arith.cmpi slt, %add3A_174, %mul3A_23 : i32
      %convert_element_type3A_176 = arith.extui %lt3A_175 : i1 to i32
      %cond3A_177 = arith.constant 0 : i32
      %cond3A_178 = arith.cmpi ne, %convert_element_type3A_176, %cond3A_177 : i32
      scf.if %cond3A_178 {
        %dma_wait3A = arith.constant 0 : i32
        %dma_wait3A_199 = tpu.memref_slice %arg7[%dma_wait3A] : memref<10112xi32, #tpu.memory_space<vmem>> -> memref<32xi32, #tpu.memory_space<vmem>>
        %dma_wait3A_200 = arith.constant 0 : i32
        %dma_wait3A_201 = arith.constant 0 : i32
        %dma_wait3A_202 = tpu.memref_slice %arg4[%dma_wait3A_200, %dma_wait3A_201] : memref<160000x128xf32, #tpu.memory_space<hbm>> -> memref<160000x128xf32, #tpu.memory_space<hbm>>
        tpu.wait_indirect_dma semaphore(%arg22 : memref<!tpu.dma_semaphore, #tpu.memory_space<semaphore_mem>>) src(%dma_wait3A_202 : memref<160000x128xf32, #tpu.memory_space<hbm>>) dst(%arg14 : memref<32x128xf32, #tpu.memory_space<vmem>>)
        %mul3A_203 = arith.constant 32 : i32
        %mul3A_204 = arith.muli %add3A_174, %mul3A_203 : i32
        %add3A_205 = arith.constant 0 : i32
        %add3A_206 = arith.addi %mul3A_204, %add3A_205 : i32
        %get3A = arith.index_cast %add3A_206 : i32 to index
        %get3A_207 = tpu.vector_load %arg8[%get3A] {strides = array<i32>} : memref<10112xi32, #tpu.memory_space<vmem>>, vector<16xi32>,
        %get3A_208 = vector.shape_cast %get3A_207 : vector<16xi32> to vector<16xi32>
        %dma_start3A_209 = arith.constant 0 : i32
        %dma_start3A_210 = arith.constant 0 : i32
        %dma_start3A_211 = tpu.memref_slice %arg14[%dma_start3A_209, %dma_start3A_210] : memref<32x128xf32, #tpu.memory_space<vmem>> -> memref<16x128xf32, #tpu.memory_space<vmem>>
        %dma_start3A_212 = arith.constant 0 : i32
        %dma_start3A_213 = arith.constant 0 : i32
        %dma_start3A_214 = tpu.memref_slice %arg16[%dma_start3A_212, %dma_start3A_213] : memref<10000x128xf32, #tpu.memory_space<vmem_shared>> -> memref<10000x128xf32, #tpu.memory_space<vmem_shared>>
        tpu.enqueue_indirect_dma source(%dma_start3A_211 : memref<16x128xf32, #tpu.memory_space<vmem>>) target(%dma_start3A_214 : memref<10000x128xf32, #tpu.memory_space<vmem_shared>>) offsets(%get3A_208 : vector<16xi32>) semaphore(%arg24 : memref<!tpu.dma_semaphore, #tpu.memory_space<semaphore_mem>>) {add = true}
        %mul3A_215 = arith.constant 32 : i32
        %mul3A_216 = arith.muli %add3A_174, %mul3A_215 : i32
        %add3A_217 = arith.constant 16 : i32
        %add3A_218 = arith.addi %mul3A_216, %add3A_217 : i32
        %get3A_219 = arith.index_cast %add3A_218 : i32 to index
        %get3A_220 = tpu.vector_load %arg8[%get3A_219] {strides = array<i32>} : memref<10112xi32, #tpu.memory_space<vmem>>, vector<16xi32>,
        %get3A_221 = vector.shape_cast %get3A_220 : vector<16xi32> to vector<16xi32>
        %dma_start3A_222 = arith.constant 16 : i32
        %dma_start3A_223 = arith.constant 0 : i32
        %dma_start3A_224 = tpu.memref_slice %arg14[%dma_start3A_222, %dma_start3A_223] : memref<32x128xf32, #tpu.memory_space<vmem>> -> memref<16x128xf32, #tpu.memory_space<vmem>>
        %dma_start3A_225 = arith.constant 0 : i32
        %dma_start3A_226 = arith.constant 0 : i32
        %dma_start3A_227 = tpu.memref_slice %arg16[%dma_start3A_225, %dma_start3A_226] : memref<10000x128xf32, #tpu.memory_space<vmem_shared>> -> memref<10000x128xf32, #tpu.memory_space<vmem_shared>>
        tpu.enqueue_indirect_dma source(%dma_start3A_224 : memref<16x128xf32, #tpu.memory_space<vmem>>) target(%dma_start3A_227 : memref<10000x128xf32, #tpu.memory_space<vmem_shared>>) offsets(%get3A_221 : vector<16xi32>) semaphore(%arg24 : memref<!tpu.dma_semaphore, #tpu.memory_space<semaphore_mem>>) {add = true}
        %dma_wait3A_228 = arith.constant 0 : i32
        %dma_wait3A_229 = arith.constant 0 : i32
        %dma_wait3A_230 = tpu.memref_slice %arg14[%dma_wait3A_228, %dma_wait3A_229] : memref<32x128xf32, #tpu.memory_space<vmem>> -> memref<16x128xf32, #tpu.memory_space<vmem>>
        %dma_wait3A_231 = arith.constant 0 : i32
        %dma_wait3A_232 = arith.constant 0 : i32
        %dma_wait3A_233 = tpu.memref_slice %arg16[%dma_wait3A_231, %dma_wait3A_232] : memref<10000x128xf32, #tpu.memory_space<vmem_shared>> -> memref<10000x128xf32, #tpu.memory_space<vmem_shared>>
        tpu.wait_indirect_dma semaphore(%arg24 : memref<!tpu.dma_semaphore, #tpu.memory_space<semaphore_mem>>) src(%dma_wait3A_230 : memref<16x128xf32, #tpu.memory_space<vmem>>) dst(%dma_wait3A_233 : memref<10000x128xf32, #tpu.memory_space<vmem_shared>>)
        %dma_wait3A_234 = arith.constant 16 : i32
        %dma_wait3A_235 = arith.constant 0 : i32
        %dma_wait3A_236 = tpu.memref_slice %arg14[%dma_wait3A_234, %dma_wait3A_235] : memref<32x128xf32, #tpu.memory_space<vmem>> -> memref<16x128xf32, #tpu.memory_space<vmem>>
        %dma_wait3A_237 = arith.constant 0 : i32
        %dma_wait3A_238 = arith.constant 0 : i32
        %dma_wait3A_239 = tpu.memref_slice %arg16[%dma_wait3A_237, %dma_wait3A_238] : memref<10000x128xf32, #tpu.memory_space<vmem_shared>> -> memref<10000x128xf32, #tpu.memory_space<vmem_shared>>
        tpu.wait_indirect_dma semaphore(%arg24 : memref<!tpu.dma_semaphore, #tpu.memory_space<semaphore_mem>>) src(%dma_wait3A_236 : memref<16x128xf32, #tpu.memory_space<vmem>>) dst(%dma_wait3A_239 : memref<10000x128xf32, #tpu.memory_space<vmem_shared>>)
      } else {
      }
      %add3A_179 = arith.constant 7 : i32
      %add3A_180 = arith.addi %add3A_174, %add3A_179 : i32
      %lt3A_181 = arith.cmpi slt, %add3A_180, %mul3A_23 : i32
      %convert_element_type3A_182 = arith.extui %lt3A_181 : i1 to i32
      %cond3A_183 = arith.constant 0 : i32
      %cond3A_184 = arith.cmpi ne, %convert_element_type3A_182, %cond3A_183 : i32
      scf.if %cond3A_184 {
        %add3A_199 = arith.constant 7 : i32
        %add3A_200 = arith.addi %add3A_174, %add3A_199 : i32
        %mul3A_201 = arith.constant 32 : i32
        %mul3A_202 = arith.muli %add3A_200, %mul3A_201 : i32
        %dma_start3A_203 = tpu.memref_slice %arg7[%mul3A_202] : memref<10112xi32, #tpu.memory_space<vmem>> -> memref<32xi32, #tpu.memory_space<vmem>>
        %dma_start3A_204 = arith.constant 0 : i32
        %dma_start3A_205 = arith.constant 0 : i32
        %dma_start3A_206 = tpu.memref_slice %arg4[%dma_start3A_204, %dma_start3A_205] : memref<160000x128xf32, #tpu.memory_space<hbm>> -> memref<160000x128xf32, #tpu.memory_space<hbm>>
        tpu.enqueue_indirect_dma source(%dma_start3A_206 : memref<160000x128xf32, #tpu.memory_space<hbm>>) target(%arg14 : memref<32x128xf32, #tpu.memory_space<vmem>>) offsets(%dma_start3A_203 : memref<32xi32, #tpu.memory_space<vmem>>) semaphore(%arg22 : memref<!tpu.dma_semaphore, #tpu.memory_space<semaphore_mem>>)
      } else {
      }
      %mul3A_185 = arith.constant 7 : i32
      %mul3A_186 = arith.muli %mul3A_185, %while3A_100 : i32
      %add3A_187 = arith.constant 6 : i32
      %add3A_188 = arith.addi %mul3A_186, %add3A_187 : i32
      %lt3A_189 = arith.cmpi slt, %add3A_188, %mul3A_23 : i32
      %convert_element_type3A_190 = arith.extui %lt3A_189 : i1 to i32
      %cond3A_191 = arith.constant 0 : i32
      %cond3A_192 = arith.cmpi ne, %convert_element_type3A_190, %cond3A_191 : i32
      scf.if %cond3A_192 {
        %dma_wait3A = arith.constant 0 : i32
        %dma_wait3A_199 = tpu.memref_slice %arg7[%dma_wait3A] : memref<10112xi32, #tpu.memory_space<vmem>> -> memref<32xi32, #tpu.memory_space<vmem>>
        %dma_wait3A_200 = arith.constant 0 : i32
        %dma_wait3A_201 = arith.constant 0 : i32
        %dma_wait3A_202 = tpu.memref_slice %arg4[%dma_wait3A_200, %dma_wait3A_201] : memref<160000x128xf32, #tpu.memory_space<hbm>> -> memref<160000x128xf32, #tpu.memory_space<hbm>>
        tpu.wait_indirect_dma semaphore(%arg23 : memref<!tpu.dma_semaphore, #tpu.memory_space<semaphore_mem>>) src(%dma_wait3A_202 : memref<160000x128xf32, #tpu.memory_space<hbm>>) dst(%arg15 : memref<32x128xf32, #tpu.memory_space<vmem>>)
        %mul3A_203 = arith.constant 32 : i32
        %mul3A_204 = arith.muli %add3A_188, %mul3A_203 : i32
        %add3A_205 = arith.constant 0 : i32
        %add3A_206 = arith.addi %mul3A_204, %add3A_205 : i32
        %get3A = arith.index_cast %add3A_206 : i32 to index
        %get3A_207 = tpu.vector_load %arg8[%get3A] {strides = array<i32>} : memref<10112xi32, #tpu.memory_space<vmem>>, vector<16xi32>,
        %get3A_208 = vector.shape_cast %get3A_207 : vector<16xi32> to vector<16xi32>
        %dma_start3A_209 = arith.constant 0 : i32
        %dma_start3A_210 = arith.constant 0 : i32
        %dma_start3A_211 = tpu.memref_slice %arg15[%dma_start3A_209, %dma_start3A_210] : memref<32x128xf32, #tpu.memory_space<vmem>> -> memref<16x128xf32, #tpu.memory_space<vmem>>
        %dma_start3A_212 = arith.constant 0 : i32
        %dma_start3A_213 = arith.constant 0 : i32
        %dma_start3A_214 = tpu.memref_slice %arg16[%dma_start3A_212, %dma_start3A_213] : memref<10000x128xf32, #tpu.memory_space<vmem_shared>> -> memref<10000x128xf32, #tpu.memory_space<vmem_shared>>
        tpu.enqueue_indirect_dma source(%dma_start3A_211 : memref<16x128xf32, #tpu.memory_space<vmem>>) target(%dma_start3A_214 : memref<10000x128xf32, #tpu.memory_space<vmem_shared>>) offsets(%get3A_208 : vector<16xi32>) semaphore(%arg24 : memref<!tpu.dma_semaphore, #tpu.memory_space<semaphore_mem>>) {add = true}
        %mul3A_215 = arith.constant 32 : i32
        %mul3A_216 = arith.muli %add3A_188, %mul3A_215 : i32
        %add3A_217 = arith.constant 16 : i32
        %add3A_218 = arith.addi %mul3A_216, %add3A_217 : i32
        %get3A_219 = arith.index_cast %add3A_218 : i32 to index
        %get3A_220 = tpu.vector_load %arg8[%get3A_219] {strides = array<i32>} : memref<10112xi32, #tpu.memory_space<vmem>>, vector<16xi32>,
        %get3A_221 = vector.shape_cast %get3A_220 : vector<16xi32> to vector<16xi32>
        %dma_start3A_222 = arith.constant 16 : i32
        %dma_start3A_223 = arith.constant 0 : i32
        %dma_start3A_224 = tpu.memref_slice %arg15[%dma_start3A_222, %dma_start3A_223] : memref<32x128xf32, #tpu.memory_space<vmem>> -> memref<16x128xf32, #tpu.memory_space<vmem>>
        %dma_start3A_225 = arith.constant 0 : i32
        %dma_start3A_226 = arith.constant 0 : i32
        %dma_start3A_227 = tpu.memref_slice %arg16[%dma_start3A_225, %dma_start3A_226] : memref<10000x128xf32, #tpu.memory_space<vmem_shared>> -> memref<10000x128xf32, #tpu.memory_space<vmem_shared>>
        tpu.enqueue_indirect_dma source(%dma_start3A_224 : memref<16x128xf32, #tpu.memory_space<vmem>>) target(%dma_start3A_227 : memref<10000x128xf32, #tpu.memory_space<vmem_shared>>) offsets(%get3A_221 : vector<16xi32>) semaphore(%arg24 : memref<!tpu.dma_semaphore, #tpu.memory_space<semaphore_mem>>) {add = true}
        %dma_wait3A_228 = arith.constant 0 : i32
        %dma_wait3A_229 = arith.constant 0 : i32
        %dma_wait3A_230 = tpu.memref_slice %arg15[%dma_wait3A_228, %dma_wait3A_229] : memref<32x128xf32, #tpu.memory_space<vmem>> -> memref<16x128xf32, #tpu.memory_space<vmem>>
        %dma_wait3A_231 = arith.constant 0 : i32
        %dma_wait3A_232 = arith.constant 0 : i32
        %dma_wait3A_233 = tpu.memref_slice %arg16[%dma_wait3A_231, %dma_wait3A_232] : memref<10000x128xf32, #tpu.memory_space<vmem_shared>> -> memref<10000x128xf32, #tpu.memory_space<vmem_shared>>
        tpu.wait_indirect_dma semaphore(%arg24 : memref<!tpu.dma_semaphore, #tpu.memory_space<semaphore_mem>>) src(%dma_wait3A_230 : memref<16x128xf32, #tpu.memory_space<vmem>>) dst(%dma_wait3A_233 : memref<10000x128xf32, #tpu.memory_space<vmem_shared>>)
        %dma_wait3A_234 = arith.constant 16 : i32
        %dma_wait3A_235 = arith.constant 0 : i32
        %dma_wait3A_236 = tpu.memref_slice %arg15[%dma_wait3A_234, %dma_wait3A_235] : memref<32x128xf32, #tpu.memory_space<vmem>> -> memref<16x128xf32, #tpu.memory_space<vmem>>
        %dma_wait3A_237 = arith.constant 0 : i32
        %dma_wait3A_238 = arith.constant 0 : i32
        %dma_wait3A_239 = tpu.memref_slice %arg16[%dma_wait3A_237, %dma_wait3A_238] : memref<10000x128xf32, #tpu.memory_space<vmem_shared>> -> memref<10000x128xf32, #tpu.memory_space<vmem_shared>>
        tpu.wait_indirect_dma semaphore(%arg24 : memref<!tpu.dma_semaphore, #tpu.memory_space<semaphore_mem>>) src(%dma_wait3A_236 : memref<16x128xf32, #tpu.memory_space<vmem>>) dst(%dma_wait3A_239 : memref<10000x128xf32, #tpu.memory_space<vmem_shared>>)
      } else {
      }
      %add3A_193 = arith.constant 7 : i32
      %add3A_194 = arith.addi %add3A_188, %add3A_193 : i32
      %lt3A_195 = arith.cmpi slt, %add3A_194, %mul3A_23 : i32
      %convert_element_type3A_196 = arith.extui %lt3A_195 : i1 to i32
      %cond3A_197 = arith.constant 0 : i32
      %cond3A_198 = arith.cmpi ne, %convert_element_type3A_196, %cond3A_197 : i32
      scf.if %cond3A_198 {
        %add3A_199 = arith.constant 7 : i32
        %add3A_200 = arith.addi %add3A_188, %add3A_199 : i32
        %mul3A_201 = arith.constant 32 : i32
        %mul3A_202 = arith.muli %add3A_200, %mul3A_201 : i32
        %dma_start3A_203 = tpu.memref_slice %arg7[%mul3A_202] : memref<10112xi32, #tpu.memory_space<vmem>> -> memref<32xi32, #tpu.memory_space<vmem>>
        %dma_start3A_204 = arith.constant 0 : i32
        %dma_start3A_205 = arith.constant 0 : i32
        %dma_start3A_206 = tpu.memref_slice %arg4[%dma_start3A_204, %dma_start3A_205] : memref<160000x128xf32, #tpu.memory_space<hbm>> -> memref<160000x128xf32, #tpu.memory_space<hbm>>
        tpu.enqueue_indirect_dma source(%dma_start3A_206 : memref<160000x128xf32, #tpu.memory_space<hbm>>) target(%arg15 : memref<32x128xf32, #tpu.memory_space<vmem>>) offsets(%dma_start3A_203 : memref<32xi32, #tpu.memory_space<vmem>>) semaphore(%arg23 : memref<!tpu.dma_semaphore, #tpu.memory_space<semaphore_mem>>)
      } else {
      }
    }
    %while3A_88 = arith.constant 1 : i32
    scf.for %while3A_100 = %while3A_86 to %while3A_82 step %while3A_88  : i32 {
      %mul3A_101 = arith.constant 7 : i32
      %mul3A_102 = arith.muli %mul3A_101, %while3A_100 : i32
      %add3A_103 = arith.constant 0 : i32
      %add3A_104 = arith.addi %mul3A_102, %add3A_103 : i32
      %lt3A_105 = arith.cmpi slt, %add3A_104, %mul3A_23 : i32
      %convert_element_type3A_106 = arith.extui %lt3A_105 : i1 to i32
      %cond3A_107 = arith.constant 0 : i32
      %cond3A_108 = arith.cmpi ne, %convert_element_type3A_106, %cond3A_107 : i32
      scf.if %cond3A_108 {
        %dma_wait3A = arith.constant 0 : i32
        %dma_wait3A_199 = tpu.memref_slice %arg7[%dma_wait3A] : memref<10112xi32, #tpu.memory_space<vmem>> -> memref<32xi32, #tpu.memory_space<vmem>>
        %dma_wait3A_200 = arith.constant 0 : i32
        %dma_wait3A_201 = arith.constant 0 : i32
        %dma_wait3A_202 = tpu.memref_slice %arg4[%dma_wait3A_200, %dma_wait3A_201] : memref<160000x128xf32, #tpu.memory_space<hbm>> -> memref<160000x128xf32, #tpu.memory_space<hbm>>
        tpu.wait_indirect_dma semaphore(%arg17 : memref<!tpu.dma_semaphore, #tpu.memory_space<semaphore_mem>>) src(%dma_wait3A_202 : memref<160000x128xf32, #tpu.memory_space<hbm>>) dst(%arg9 : memref<32x128xf32, #tpu.memory_space<vmem>>)
        %mul3A_203 = arith.constant 32 : i32
        %mul3A_204 = arith.muli %add3A_104, %mul3A_203 : i32
        %add3A_205 = arith.constant 0 : i32
        %add3A_206 = arith.addi %mul3A_204, %add3A_205 : i32
        %get3A = arith.index_cast %add3A_206 : i32 to index
        %get3A_207 = tpu.vector_load %arg8[%get3A] {strides = array<i32>} : memref<10112xi32, #tpu.memory_space<vmem>>, vector<16xi32>,
        %get3A_208 = vector.shape_cast %get3A_207 : vector<16xi32> to vector<16xi32>
        %dma_start3A_209 = arith.constant 0 : i32
        %dma_start3A_210 = arith.constant 0 : i32
        %dma_start3A_211 = tpu.memref_slice %arg9[%dma_start3A_209, %dma_start3A_210] : memref<32x128xf32, #tpu.memory_space<vmem>> -> memref<16x128xf32, #tpu.memory_space<vmem>>
        %dma_start3A_212 = arith.constant 0 : i32
        %dma_start3A_213 = arith.constant 0 : i32
        %dma_start3A_214 = tpu.memref_slice %arg16[%dma_start3A_212, %dma_start3A_213] : memref<10000x128xf32, #tpu.memory_space<vmem_shared>> -> memref<10000x128xf32, #tpu.memory_space<vmem_shared>>
        tpu.enqueue_indirect_dma source(%dma_start3A_211 : memref<16x128xf32, #tpu.memory_space<vmem>>) target(%dma_start3A_214 : memref<10000x128xf32, #tpu.memory_space<vmem_shared>>) offsets(%get3A_208 : vector<16xi32>) semaphore(%arg24 : memref<!tpu.dma_semaphore, #tpu.memory_space<semaphore_mem>>) {add = true}
        %mul3A_215 = arith.constant 32 : i32
        %mul3A_216 = arith.muli %add3A_104, %mul3A_215 : i32
        %add3A_217 = arith.constant 16 : i32
        %add3A_218 = arith.addi %mul3A_216, %add3A_217 : i32
        %get3A_219 = arith.index_cast %add3A_218 : i32 to index
        %get3A_220 = tpu.vector_load %arg8[%get3A_219] {strides = array<i32>} : memref<10112xi32, #tpu.memory_space<vmem>>, vector<16xi32>,
        %get3A_221 = vector.shape_cast %get3A_220 : vector<16xi32> to vector<16xi32>
        %dma_start3A_222 = arith.constant 16 : i32
        %dma_start3A_223 = arith.constant 0 : i32
        %dma_start3A_224 = tpu.memref_slice %arg9[%dma_start3A_222, %dma_start3A_223] : memref<32x128xf32, #tpu.memory_space<vmem>> -> memref<16x128xf32, #tpu.memory_space<vmem>>
        %dma_start3A_225 = arith.constant 0 : i32
        %dma_start3A_226 = arith.constant 0 : i32
        %dma_start3A_227 = tpu.memref_slice %arg16[%dma_start3A_225, %dma_start3A_226] : memref<10000x128xf32, #tpu.memory_space<vmem_shared>> -> memref<10000x128xf32, #tpu.memory_space<vmem_shared>>
        tpu.enqueue_indirect_dma source(%dma_start3A_224 : memref<16x128xf32, #tpu.memory_space<vmem>>) target(%dma_start3A_227 : memref<10000x128xf32, #tpu.memory_space<vmem_shared>>) offsets(%get3A_221 : vector<16xi32>) semaphore(%arg24 : memref<!tpu.dma_semaphore, #tpu.memory_space<semaphore_mem>>) {add = true}
        %dma_wait3A_228 = arith.constant 0 : i32
        %dma_wait3A_229 = arith.constant 0 : i32
        %dma_wait3A_230 = tpu.memref_slice %arg9[%dma_wait3A_228, %dma_wait3A_229] : memref<32x128xf32, #tpu.memory_space<vmem>> -> memref<16x128xf32, #tpu.memory_space<vmem>>
        %dma_wait3A_231 = arith.constant 0 : i32
        %dma_wait3A_232 = arith.constant 0 : i32
        %dma_wait3A_233 = tpu.memref_slice %arg16[%dma_wait3A_231, %dma_wait3A_232] : memref<10000x128xf32, #tpu.memory_space<vmem_shared>> -> memref<10000x128xf32, #tpu.memory_space<vmem_shared>>
        tpu.wait_indirect_dma semaphore(%arg24 : memref<!tpu.dma_semaphore, #tpu.memory_space<semaphore_mem>>) src(%dma_wait3A_230 : memref<16x128xf32, #tpu.memory_space<vmem>>) dst(%dma_wait3A_233 : memref<10000x128xf32, #tpu.memory_space<vmem_shared>>)
        %dma_wait3A_234 = arith.constant 16 : i32
        %dma_wait3A_235 = arith.constant 0 : i32
        %dma_wait3A_236 = tpu.memref_slice %arg9[%dma_wait3A_234, %dma_wait3A_235] : memref<32x128xf32, #tpu.memory_space<vmem>> -> memref<16x128xf32, #tpu.memory_space<vmem>>
        %dma_wait3A_237 = arith.constant 0 : i32
        %dma_wait3A_238 = arith.constant 0 : i32
        %dma_wait3A_239 = tpu.memref_slice %arg16[%dma_wait3A_237, %dma_wait3A_238] : memref<10000x128xf32, #tpu.memory_space<vmem_shared>> -> memref<10000x128xf32, #tpu.memory_space<vmem_shared>>
        tpu.wait_indirect_dma semaphore(%arg24 : memref<!tpu.dma_semaphore, #tpu.memory_space<semaphore_mem>>) src(%dma_wait3A_236 : memref<16x128xf32, #tpu.memory_space<vmem>>) dst(%dma_wait3A_239 : memref<10000x128xf32, #tpu.memory_space<vmem_shared>>)
      } else {
      }
      %add3A_109 = arith.constant 7 : i32
      %add3A_110 = arith.addi %add3A_104, %add3A_109 : i32
      %lt3A_111 = arith.cmpi slt, %add3A_110, %mul3A_23 : i32
      %convert_element_type3A_112 = arith.extui %lt3A_111 : i1 to i32
      %cond3A_113 = arith.constant 0 : i32
      %cond3A_114 = arith.cmpi ne, %convert_element_type3A_112, %cond3A_113 : i32
      scf.if %cond3A_114 {
        %add3A_199 = arith.constant 7 : i32
        %add3A_200 = arith.addi %add3A_104, %add3A_199 : i32
        %mul3A_201 = arith.constant 32 : i32
        %mul3A_202 = arith.muli %add3A_200, %mul3A_201 : i32
        %dma_start3A_203 = tpu.memref_slice %arg7[%mul3A_202] : memref<10112xi32, #tpu.memory_space<vmem>> -> memref<32xi32, #tpu.memory_space<vmem>>
        %dma_start3A_204 = arith.constant 0 : i32
        %dma_start3A_205 = arith.constant 0 : i32
        %dma_start3A_206 = tpu.memref_slice %arg4[%dma_start3A_204, %dma_start3A_205] : memref<160000x128xf32, #tpu.memory_space<hbm>> -> memref<160000x128xf32, #tpu.memory_space<hbm>>
        tpu.enqueue_indirect_dma source(%dma_start3A_206 : memref<160000x128xf32, #tpu.memory_space<hbm>>) target(%arg9 : memref<32x128xf32, #tpu.memory_space<vmem>>) offsets(%dma_start3A_203 : memref<32xi32, #tpu.memory_space<vmem>>) semaphore(%arg17 : memref<!tpu.dma_semaphore, #tpu.memory_space<semaphore_mem>>)
      } else {
      }
      %mul3A_115 = arith.constant 7 : i32
      %mul3A_116 = arith.muli %mul3A_115, %while3A_100 : i32
      %add3A_117 = arith.constant 1 : i32
      %add3A_118 = arith.addi %mul3A_116, %add3A_117 : i32
      %lt3A_119 = arith.cmpi slt, %add3A_118, %mul3A_23 : i32
      %convert_element_type3A_120 = arith.extui %lt3A_119 : i1 to i32
      %cond3A_121 = arith.constant 0 : i32
      %cond3A_122 = arith.cmpi ne, %convert_element_type3A_120, %cond3A_121 : i32
      scf.if %cond3A_122 {
        %dma_wait3A = arith.constant 0 : i32
        %dma_wait3A_199 = tpu.memref_slice %arg7[%dma_wait3A] : memref<10112xi32, #tpu.memory_space<vmem>> -> memref<32xi32, #tpu.memory_space<vmem>>
        %dma_wait3A_200 = arith.constant 0 : i32
        %dma_wait3A_201 = arith.constant 0 : i32
        %dma_wait3A_202 = tpu.memref_slice %arg4[%dma_wait3A_200, %dma_wait3A_201] : memref<160000x128xf32, #tpu.memory_space<hbm>> -> memref<160000x128xf32, #tpu.memory_space<hbm>>
        tpu.wait_indirect_dma semaphore(%arg18 : memref<!tpu.dma_semaphore, #tpu.memory_space<semaphore_mem>>) src(%dma_wait3A_202 : memref<160000x128xf32, #tpu.memory_space<hbm>>) dst(%arg10 : memref<32x128xf32, #tpu.memory_space<vmem>>)
        %mul3A_203 = arith.constant 32 : i32
        %mul3A_204 = arith.muli %add3A_118, %mul3A_203 : i32
        %add3A_205 = arith.constant 0 : i32
        %add3A_206 = arith.addi %mul3A_204, %add3A_205 : i32
        %get3A = arith.index_cast %add3A_206 : i32 to index
        %get3A_207 = tpu.vector_load %arg8[%get3A] {strides = array<i32>} : memref<10112xi32, #tpu.memory_space<vmem>>, vector<16xi32>,
        %get3A_208 = vector.shape_cast %get3A_207 : vector<16xi32> to vector<16xi32>
        %dma_start3A_209 = arith.constant 0 : i32
        %dma_start3A_210 = arith.constant 0 : i32
        %dma_start3A_211 = tpu.memref_slice %arg10[%dma_start3A_209, %dma_start3A_210] : memref<32x128xf32, #tpu.memory_space<vmem>> -> memref<16x128xf32, #tpu.memory_space<vmem>>
        %dma_start3A_212 = arith.constant 0 : i32
        %dma_start3A_213 = arith.constant 0 : i32
        %dma_start3A_214 = tpu.memref_slice %arg16[%dma_start3A_212, %dma_start3A_213] : memref<10000x128xf32, #tpu.memory_space<vmem_shared>> -> memref<10000x128xf32, #tpu.memory_space<vmem_shared>>
        tpu.enqueue_indirect_dma source(%dma_start3A_211 : memref<16x128xf32, #tpu.memory_space<vmem>>) target(%dma_start3A_214 : memref<10000x128xf32, #tpu.memory_space<vmem_shared>>) offsets(%get3A_208 : vector<16xi32>) semaphore(%arg24 : memref<!tpu.dma_semaphore, #tpu.memory_space<semaphore_mem>>) {add = true}
        %mul3A_215 = arith.constant 32 : i32
        %mul3A_216 = arith.muli %add3A_118, %mul3A_215 : i32
        %add3A_217 = arith.constant 16 : i32
        %add3A_218 = arith.addi %mul3A_216, %add3A_217 : i32
        %get3A_219 = arith.index_cast %add3A_218 : i32 to index
        %get3A_220 = tpu.vector_load %arg8[%get3A_219] {strides = array<i32>} : memref<10112xi32, #tpu.memory_space<vmem>>, vector<16xi32>,
        %get3A_221 = vector.shape_cast %get3A_220 : vector<16xi32> to vector<16xi32>
        %dma_start3A_222 = arith.constant 16 : i32
        %dma_start3A_223 = arith.constant 0 : i32
        %dma_start3A_224 = tpu.memref_slice %arg10[%dma_start3A_222, %dma_start3A_223] : memref<32x128xf32, #tpu.memory_space<vmem>> -> memref<16x128xf32, #tpu.memory_space<vmem>>
        %dma_start3A_225 = arith.constant 0 : i32
        %dma_start3A_226 = arith.constant 0 : i32
        %dma_start3A_227 = tpu.memref_slice %arg16[%dma_start3A_225, %dma_start3A_226] : memref<10000x128xf32, #tpu.memory_space<vmem_shared>> -> memref<10000x128xf32, #tpu.memory_space<vmem_shared>>
        tpu.enqueue_indirect_dma source(%dma_start3A_224 : memref<16x128xf32, #tpu.memory_space<vmem>>) target(%dma_start3A_227 : memref<10000x128xf32, #tpu.memory_space<vmem_shared>>) offsets(%get3A_221 : vector<16xi32>) semaphore(%arg24 : memref<!tpu.dma_semaphore, #tpu.memory_space<semaphore_mem>>) {add = true}
        %dma_wait3A_228 = arith.constant 0 : i32
        %dma_wait3A_229 = arith.constant 0 : i32
        %dma_wait3A_230 = tpu.memref_slice %arg10[%dma_wait3A_228, %dma_wait3A_229] : memref<32x128xf32, #tpu.memory_space<vmem>> -> memref<16x128xf32, #tpu.memory_space<vmem>>
        %dma_wait3A_231 = arith.constant 0 : i32
        %dma_wait3A_232 = arith.constant 0 : i32
        %dma_wait3A_233 = tpu.memref_slice %arg16[%dma_wait3A_231, %dma_wait3A_232] : memref<10000x128xf32, #tpu.memory_space<vmem_shared>> -> memref<10000x128xf32, #tpu.memory_space<vmem_shared>>
        tpu.wait_indirect_dma semaphore(%arg24 : memref<!tpu.dma_semaphore, #tpu.memory_space<semaphore_mem>>) src(%dma_wait3A_230 : memref<16x128xf32, #tpu.memory_space<vmem>>) dst(%dma_wait3A_233 : memref<10000x128xf32, #tpu.memory_space<vmem_shared>>)
        %dma_wait3A_234 = arith.constant 16 : i32
        %dma_wait3A_235 = arith.constant 0 : i32
        %dma_wait3A_236 = tpu.memref_slice %arg10[%dma_wait3A_234, %dma_wait3A_235] : memref<32x128xf32, #tpu.memory_space<vmem>> -> memref<16x128xf32, #tpu.memory_space<vmem>>
        %dma_wait3A_237 = arith.constant 0 : i32
        %dma_wait3A_238 = arith.constant 0 : i32
        %dma_wait3A_239 = tpu.memref_slice %arg16[%dma_wait3A_237, %dma_wait3A_238] : memref<10000x128xf32, #tpu.memory_space<vmem_shared>> -> memref<10000x128xf32, #tpu.memory_space<vmem_shared>>
        tpu.wait_indirect_dma semaphore(%arg24 : memref<!tpu.dma_semaphore, #tpu.memory_space<semaphore_mem>>) src(%dma_wait3A_236 : memref<16x128xf32, #tpu.memory_space<vmem>>) dst(%dma_wait3A_239 : memref<10000x128xf32, #tpu.memory_space<vmem_shared>>)
      } else {
      }
      %add3A_123 = arith.constant 7 : i32
      %add3A_124 = arith.addi %add3A_118, %add3A_123 : i32
      %lt3A_125 = arith.cmpi slt, %add3A_124, %mul3A_23 : i32
      %convert_element_type3A_126 = arith.extui %lt3A_125 : i1 to i32
      %cond3A_127 = arith.constant 0 : i32
      %cond3A_128 = arith.cmpi ne, %convert_element_type3A_126, %cond3A_127 : i32
      scf.if %cond3A_128 {
        %add3A_199 = arith.constant 7 : i32
        %add3A_200 = arith.addi %add3A_118, %add3A_199 : i32
        %mul3A_201 = arith.constant 32 : i32
        %mul3A_202 = arith.muli %add3A_200, %mul3A_201 : i32
        %dma_start3A_203 = tpu.memref_slice %arg7[%mul3A_202] : memref<10112xi32, #tpu.memory_space<vmem>> -> memref<32xi32, #tpu.memory_space<vmem>>
        %dma_start3A_204 = arith.constant 0 : i32
        %dma_start3A_205 = arith.constant 0 : i32
        %dma_start3A_206 = tpu.memref_slice %arg4[%dma_start3A_204, %dma_start3A_205] : memref<160000x128xf32, #tpu.memory_space<hbm>> -> memref<160000x128xf32, #tpu.memory_space<hbm>>
        tpu.enqueue_indirect_dma source(%dma_start3A_206 : memref<160000x128xf32, #tpu.memory_space<hbm>>) target(%arg10 : memref<32x128xf32, #tpu.memory_space<vmem>>) offsets(%dma_start3A_203 : memref<32xi32, #tpu.memory_space<vmem>>) semaphore(%arg18 : memref<!tpu.dma_semaphore, #tpu.memory_space<semaphore_mem>>)
      } else {
      }
      %mul3A_129 = arith.constant 7 : i32
      %mul3A_130 = arith.muli %mul3A_129, %while3A_100 : i32
      %add3A_131 = arith.constant 2 : i32
      %add3A_132 = arith.addi %mul3A_130, %add3A_131 : i32
      %lt3A_133 = arith.cmpi slt, %add3A_132, %mul3A_23 : i32
      %convert_element_type3A_134 = arith.extui %lt3A_133 : i1 to i32
      %cond3A_135 = arith.constant 0 : i32
      %cond3A_136 = arith.cmpi ne, %convert_element_type3A_134, %cond3A_135 : i32
      scf.if %cond3A_136 {
        %dma_wait3A = arith.constant 0 : i32
        %dma_wait3A_199 = tpu.memref_slice %arg7[%dma_wait3A] : memref<10112xi32, #tpu.memory_space<vmem>> -> memref<32xi32, #tpu.memory_space<vmem>>
        %dma_wait3A_200 = arith.constant 0 : i32
        %dma_wait3A_201 = arith.constant 0 : i32
        %dma_wait3A_202 = tpu.memref_slice %arg4[%dma_wait3A_200, %dma_wait3A_201] : memref<160000x128xf32, #tpu.memory_space<hbm>> -> memref<160000x128xf32, #tpu.memory_space<hbm>>
        tpu.wait_indirect_dma semaphore(%arg19 : memref<!tpu.dma_semaphore, #tpu.memory_space<semaphore_mem>>) src(%dma_wait3A_202 : memref<160000x128xf32, #tpu.memory_space<hbm>>) dst(%arg11 : memref<32x128xf32, #tpu.memory_space<vmem>>)
        %mul3A_203 = arith.constant 32 : i32
        %mul3A_204 = arith.muli %add3A_132, %mul3A_203 : i32
        %add3A_205 = arith.constant 0 : i32
        %add3A_206 = arith.addi %mul3A_204, %add3A_205 : i32
        %get3A = arith.index_cast %add3A_206 : i32 to index
        %get3A_207 = tpu.vector_load %arg8[%get3A] {strides = array<i32>} : memref<10112xi32, #tpu.memory_space<vmem>>, vector<16xi32>,
        %get3A_208 = vector.shape_cast %get3A_207 : vector<16xi32> to vector<16xi32>
        %dma_start3A_209 = arith.constant 0 : i32
        %dma_start3A_210 = arith.constant 0 : i32
        %dma_start3A_211 = tpu.memref_slice %arg11[%dma_start3A_209, %dma_start3A_210] : memref<32x128xf32, #tpu.memory_space<vmem>> -> memref<16x128xf32, #tpu.memory_space<vmem>>
        %dma_start3A_212 = arith.constant 0 : i32
        %dma_start3A_213 = arith.constant 0 : i32
        %dma_start3A_214 = tpu.memref_slice %arg16[%dma_start3A_212, %dma_start3A_213] : memref<10000x128xf32, #tpu.memory_space<vmem_shared>> -> memref<10000x128xf32, #tpu.memory_space<vmem_shared>>
        tpu.enqueue_indirect_dma source(%dma_start3A_211 : memref<16x128xf32, #tpu.memory_space<vmem>>) target(%dma_start3A_214 : memref<10000x128xf32, #tpu.memory_space<vmem_shared>>) offsets(%get3A_208 : vector<16xi32>) semaphore(%arg24 : memref<!tpu.dma_semaphore, #tpu.memory_space<semaphore_mem>>) {add = true}
        %mul3A_215 = arith.constant 32 : i32
        %mul3A_216 = arith.muli %add3A_132, %mul3A_215 : i32
        %add3A_217 = arith.constant 16 : i32
        %add3A_218 = arith.addi %mul3A_216, %add3A_217 : i32
        %get3A_219 = arith.index_cast %add3A_218 : i32 to index
        %get3A_220 = tpu.vector_load %arg8[%get3A_219] {strides = array<i32>} : memref<10112xi32, #tpu.memory_space<vmem>>, vector<16xi32>,
        %get3A_221 = vector.shape_cast %get3A_220 : vector<16xi32> to vector<16xi32>
        %dma_start3A_222 = arith.constant 16 : i32
        %dma_start3A_223 = arith.constant 0 : i32
        %dma_start3A_224 = tpu.memref_slice %arg11[%dma_start3A_222, %dma_start3A_223] : memref<32x128xf32, #tpu.memory_space<vmem>> -> memref<16x128xf32, #tpu.memory_space<vmem>>
        %dma_start3A_225 = arith.constant 0 : i32
        %dma_start3A_226 = arith.constant 0 : i32
        %dma_start3A_227 = tpu.memref_slice %arg16[%dma_start3A_225, %dma_start3A_226] : memref<10000x128xf32, #tpu.memory_space<vmem_shared>> -> memref<10000x128xf32, #tpu.memory_space<vmem_shared>>
        tpu.enqueue_indirect_dma source(%dma_start3A_224 : memref<16x128xf32, #tpu.memory_space<vmem>>) target(%dma_start3A_227 : memref<10000x128xf32, #tpu.memory_space<vmem_shared>>) offsets(%get3A_221 : vector<16xi32>) semaphore(%arg24 : memref<!tpu.dma_semaphore, #tpu.memory_space<semaphore_mem>>) {add = true}
        %dma_wait3A_228 = arith.constant 0 : i32
        %dma_wait3A_229 = arith.constant 0 : i32
        %dma_wait3A_230 = tpu.memref_slice %arg11[%dma_wait3A_228, %dma_wait3A_229] : memref<32x128xf32, #tpu.memory_space<vmem>> -> memref<16x128xf32, #tpu.memory_space<vmem>>
        %dma_wait3A_231 = arith.constant 0 : i32
        %dma_wait3A_232 = arith.constant 0 : i32
        %dma_wait3A_233 = tpu.memref_slice %arg16[%dma_wait3A_231, %dma_wait3A_232] : memref<10000x128xf32, #tpu.memory_space<vmem_shared>> -> memref<10000x128xf32, #tpu.memory_space<vmem_shared>>
        tpu.wait_indirect_dma semaphore(%arg24 : memref<!tpu.dma_semaphore, #tpu.memory_space<semaphore_mem>>) src(%dma_wait3A_230 : memref<16x128xf32, #tpu.memory_space<vmem>>) dst(%dma_wait3A_233 : memref<10000x128xf32, #tpu.memory_space<vmem_shared>>)
        %dma_wait3A_234 = arith.constant 16 : i32
        %dma_wait3A_235 = arith.constant 0 : i32
        %dma_wait3A_236 = tpu.memref_slice %arg11[%dma_wait3A_234, %dma_wait3A_235] : memref<32x128xf32, #tpu.memory_space<vmem>> -> memref<16x128xf32, #tpu.memory_space<vmem>>
        %dma_wait3A_237 = arith.constant 0 : i32
        %dma_wait3A_238 = arith.constant 0 : i32
        %dma_wait3A_239 = tpu.memref_slice %arg16[%dma_wait3A_237, %dma_wait3A_238] : memref<10000x128xf32, #tpu.memory_space<vmem_shared>> -> memref<10000x128xf32, #tpu.memory_space<vmem_shared>>
        tpu.wait_indirect_dma semaphore(%arg24 : memref<!tpu.dma_semaphore, #tpu.memory_space<semaphore_mem>>) src(%dma_wait3A_236 : memref<16x128xf32, #tpu.memory_space<vmem>>) dst(%dma_wait3A_239 : memref<10000x128xf32, #tpu.memory_space<vmem_shared>>)
      } else {
      }
      %add3A_137 = arith.constant 7 : i32
      %add3A_138 = arith.addi %add3A_132, %add3A_137 : i32
      %lt3A_139 = arith.cmpi slt, %add3A_138, %mul3A_23 : i32
      %convert_element_type3A_140 = arith.extui %lt3A_139 : i1 to i32
      %cond3A_141 = arith.constant 0 : i32
      %cond3A_142 = arith.cmpi ne, %convert_element_type3A_140, %cond3A_141 : i32
      scf.if %cond3A_142 {
        %add3A_199 = arith.constant 7 : i32
        %add3A_200 = arith.addi %add3A_132, %add3A_199 : i32
        %mul3A_201 = arith.constant 32 : i32
        %mul3A_202 = arith.muli %add3A_200, %mul3A_201 : i32
        %dma_start3A_203 = tpu.memref_slice %arg7[%mul3A_202] : memref<10112xi32, #tpu.memory_space<vmem>> -> memref<32xi32, #tpu.memory_space<vmem>>
        %dma_start3A_204 = arith.constant 0 : i32
        %dma_start3A_205 = arith.constant 0 : i32
        %dma_start3A_206 = tpu.memref_slice %arg4[%dma_start3A_204, %dma_start3A_205] : memref<160000x128xf32, #tpu.memory_space<hbm>> -> memref<160000x128xf32, #tpu.memory_space<hbm>>
        tpu.enqueue_indirect_dma source(%dma_start3A_206 : memref<160000x128xf32, #tpu.memory_space<hbm>>) target(%arg11 : memref<32x128xf32, #tpu.memory_space<vmem>>) offsets(%dma_start3A_203 : memref<32xi32, #tpu.memory_space<vmem>>) semaphore(%arg19 : memref<!tpu.dma_semaphore, #tpu.memory_space<semaphore_mem>>)
      } else {
      }
      %mul3A_143 = arith.constant 7 : i32
      %mul3A_144 = arith.muli %mul3A_143, %while3A_100 : i32
      %add3A_145 = arith.constant 3 : i32
      %add3A_146 = arith.addi %mul3A_144, %add3A_145 : i32
      %lt3A_147 = arith.cmpi slt, %add3A_146, %mul3A_23 : i32
      %convert_element_type3A_148 = arith.extui %lt3A_147 : i1 to i32
      %cond3A_149 = arith.constant 0 : i32
      %cond3A_150 = arith.cmpi ne, %convert_element_type3A_148, %cond3A_149 : i32
      scf.if %cond3A_150 {
        %dma_wait3A = arith.constant 0 : i32
        %dma_wait3A_199 = tpu.memref_slice %arg7[%dma_wait3A] : memref<10112xi32, #tpu.memory_space<vmem>> -> memref<32xi32, #tpu.memory_space<vmem>>
        %dma_wait3A_200 = arith.constant 0 : i32
        %dma_wait3A_201 = arith.constant 0 : i32
        %dma_wait3A_202 = tpu.memref_slice %arg4[%dma_wait3A_200, %dma_wait3A_201] : memref<160000x128xf32, #tpu.memory_space<hbm>> -> memref<160000x128xf32, #tpu.memory_space<hbm>>
        tpu.wait_indirect_dma semaphore(%arg20 : memref<!tpu.dma_semaphore, #tpu.memory_space<semaphore_mem>>) src(%dma_wait3A_202 : memref<160000x128xf32, #tpu.memory_space<hbm>>) dst(%arg12 : memref<32x128xf32, #tpu.memory_space<vmem>>)
        %mul3A_203 = arith.constant 32 : i32
        %mul3A_204 = arith.muli %add3A_146, %mul3A_203 : i32
        %add3A_205 = arith.constant 0 : i32
        %add3A_206 = arith.addi %mul3A_204, %add3A_205 : i32
        %get3A = arith.index_cast %add3A_206 : i32 to index
        %get3A_207 = tpu.vector_load %arg8[%get3A] {strides = array<i32>} : memref<10112xi32, #tpu.memory_space<vmem>>, vector<16xi32>,
        %get3A_208 = vector.shape_cast %get3A_207 : vector<16xi32> to vector<16xi32>
        %dma_start3A_209 = arith.constant 0 : i32
        %dma_start3A_210 = arith.constant 0 : i32
        %dma_start3A_211 = tpu.memref_slice %arg12[%dma_start3A_209, %dma_start3A_210] : memref<32x128xf32, #tpu.memory_space<vmem>> -> memref<16x128xf32, #tpu.memory_space<vmem>>
        %dma_start3A_212 = arith.constant 0 : i32
        %dma_start3A_213 = arith.constant 0 : i32
        %dma_start3A_214 = tpu.memref_slice %arg16[%dma_start3A_212, %dma_start3A_213] : memref<10000x128xf32, #tpu.memory_space<vmem_shared>> -> memref<10000x128xf32, #tpu.memory_space<vmem_shared>>
        tpu.enqueue_indirect_dma source(%dma_start3A_211 : memref<16x128xf32, #tpu.memory_space<vmem>>) target(%dma_start3A_214 : memref<10000x128xf32, #tpu.memory_space<vmem_shared>>) offsets(%get3A_208 : vector<16xi32>) semaphore(%arg24 : memref<!tpu.dma_semaphore, #tpu.memory_space<semaphore_mem>>) {add = true}
        %mul3A_215 = arith.constant 32 : i32
        %mul3A_216 = arith.muli %add3A_146, %mul3A_215 : i32
        %add3A_217 = arith.constant 16 : i32
        %add3A_218 = arith.addi %mul3A_216, %add3A_217 : i32
        %get3A_219 = arith.index_cast %add3A_218 : i32 to index
        %get3A_220 = tpu.vector_load %arg8[%get3A_219] {strides = array<i32>} : memref<10112xi32, #tpu.memory_space<vmem>>, vector<16xi32>,
        %get3A_221 = vector.shape_cast %get3A_220 : vector<16xi32> to vector<16xi32>
        %dma_start3A_222 = arith.constant 16 : i32
        %dma_start3A_223 = arith.constant 0 : i32
        %dma_start3A_224 = tpu.memref_slice %arg12[%dma_start3A_222, %dma_start3A_223] : memref<32x128xf32, #tpu.memory_space<vmem>> -> memref<16x128xf32, #tpu.memory_space<vmem>>
        %dma_start3A_225 = arith.constant 0 : i32
        %dma_start3A_226 = arith.constant 0 : i32
        %dma_start3A_227 = tpu.memref_slice %arg16[%dma_start3A_225, %dma_start3A_226] : memref<10000x128xf32, #tpu.memory_space<vmem_shared>> -> memref<10000x128xf32, #tpu.memory_space<vmem_shared>>
        tpu.enqueue_indirect_dma source(%dma_start3A_224 : memref<16x128xf32, #tpu.memory_space<vmem>>) target(%dma_start3A_227 : memref<10000x128xf32, #tpu.memory_space<vmem_shared>>) offsets(%get3A_221 : vector<16xi32>) semaphore(%arg24 : memref<!tpu.dma_semaphore, #tpu.memory_space<semaphore_mem>>) {add = true}
        %dma_wait3A_228 = arith.constant 0 : i32
        %dma_wait3A_229 = arith.constant 0 : i32
        %dma_wait3A_230 = tpu.memref_slice %arg12[%dma_wait3A_228, %dma_wait3A_229] : memref<32x128xf32, #tpu.memory_space<vmem>> -> memref<16x128xf32, #tpu.memory_space<vmem>>
        %dma_wait3A_231 = arith.constant 0 : i32
        %dma_wait3A_232 = arith.constant 0 : i32
        %dma_wait3A_233 = tpu.memref_slice %arg16[%dma_wait3A_231, %dma_wait3A_232] : memref<10000x128xf32, #tpu.memory_space<vmem_shared>> -> memref<10000x128xf32, #tpu.memory_space<vmem_shared>>
        tpu.wait_indirect_dma semaphore(%arg24 : memref<!tpu.dma_semaphore, #tpu.memory_space<semaphore_mem>>) src(%dma_wait3A_230 : memref<16x128xf32, #tpu.memory_space<vmem>>) dst(%dma_wait3A_233 : memref<10000x128xf32, #tpu.memory_space<vmem_shared>>)
        %dma_wait3A_234 = arith.constant 16 : i32
        %dma_wait3A_235 = arith.constant 0 : i32
        %dma_wait3A_236 = tpu.memref_slice %arg12[%dma_wait3A_234, %dma_wait3A_235] : memref<32x128xf32, #tpu.memory_space<vmem>> -> memref<16x128xf32, #tpu.memory_space<vmem>>
        %dma_wait3A_237 = arith.constant 0 : i32
        %dma_wait3A_238 = arith.constant 0 : i32
        %dma_wait3A_239 = tpu.memref_slice %arg16[%dma_wait3A_237, %dma_wait3A_238] : memref<10000x128xf32, #tpu.memory_space<vmem_shared>> -> memref<10000x128xf32, #tpu.memory_space<vmem_shared>>
        tpu.wait_indirect_dma semaphore(%arg24 : memref<!tpu.dma_semaphore, #tpu.memory_space<semaphore_mem>>) src(%dma_wait3A_236 : memref<16x128xf32, #tpu.memory_space<vmem>>) dst(%dma_wait3A_239 : memref<10000x128xf32, #tpu.memory_space<vmem_shared>>)
      } else {
      }
      %add3A_151 = arith.constant 7 : i32
      %add3A_152 = arith.addi %add3A_146, %add3A_151 : i32
      %lt3A_153 = arith.cmpi slt, %add3A_152, %mul3A_23 : i32
      %convert_element_type3A_154 = arith.extui %lt3A_153 : i1 to i32
      %cond3A_155 = arith.constant 0 : i32
      %cond3A_156 = arith.cmpi ne, %convert_element_type3A_154, %cond3A_155 : i32
      scf.if %cond3A_156 {
        %add3A_199 = arith.constant 7 : i32
        %add3A_200 = arith.addi %add3A_146, %add3A_199 : i32
        %mul3A_201 = arith.constant 32 : i32
        %mul3A_202 = arith.muli %add3A_200, %mul3A_201 : i32
        %dma_start3A_203 = tpu.memref_slice %arg7[%mul3A_202] : memref<10112xi32, #tpu.memory_space<vmem>> -> memref<32xi32, #tpu.memory_space<vmem>>
        %dma_start3A_204 = arith.constant 0 : i32
        %dma_start3A_205 = arith.constant 0 : i32
        %dma_start3A_206 = tpu.memref_slice %arg4[%dma_start3A_204, %dma_start3A_205] : memref<160000x128xf32, #tpu.memory_space<hbm>> -> memref<160000x128xf32, #tpu.memory_space<hbm>>
        tpu.enqueue_indirect_dma source(%dma_start3A_206 : memref<160000x128xf32, #tpu.memory_space<hbm>>) target(%arg12 : memref<32x128xf32, #tpu.memory_space<vmem>>) offsets(%dma_start3A_203 : memref<32xi32, #tpu.memory_space<vmem>>) semaphore(%arg20 : memref<!tpu.dma_semaphore, #tpu.memory_space<semaphore_mem>>)
      } else {
      }
      %mul3A_157 = arith.constant 7 : i32
      %mul3A_158 = arith.muli %mul3A_157, %while3A_100 : i32
      %add3A_159 = arith.constant 4 : i32
      %add3A_160 = arith.addi %mul3A_158, %add3A_159 : i32
      %lt3A_161 = arith.cmpi slt, %add3A_160, %mul3A_23 : i32
      %convert_element_type3A_162 = arith.extui %lt3A_161 : i1 to i32
      %cond3A_163 = arith.constant 0 : i32
      %cond3A_164 = arith.cmpi ne, %convert_element_type3A_162, %cond3A_163 : i32
      scf.if %cond3A_164 {
        %dma_wait3A = arith.constant 0 : i32
        %dma_wait3A_199 = tpu.memref_slice %arg7[%dma_wait3A] : memref<10112xi32, #tpu.memory_space<vmem>> -> memref<32xi32, #tpu.memory_space<vmem>>
        %dma_wait3A_200 = arith.constant 0 : i32
        %dma_wait3A_201 = arith.constant 0 : i32
        %dma_wait3A_202 = tpu.memref_slice %arg4[%dma_wait3A_200, %dma_wait3A_201] : memref<160000x128xf32, #tpu.memory_space<hbm>> -> memref<160000x128xf32, #tpu.memory_space<hbm>>
        tpu.wait_indirect_dma semaphore(%arg21 : memref<!tpu.dma_semaphore, #tpu.memory_space<semaphore_mem>>) src(%dma_wait3A_202 : memref<160000x128xf32, #tpu.memory_space<hbm>>) dst(%arg13 : memref<32x128xf32, #tpu.memory_space<vmem>>)
        %mul3A_203 = arith.constant 32 : i32
        %mul3A_204 = arith.muli %add3A_160, %mul3A_203 : i32
        %add3A_205 = arith.constant 0 : i32
        %add3A_206 = arith.addi %mul3A_204, %add3A_205 : i32
        %get3A = arith.index_cast %add3A_206 : i32 to index
        %get3A_207 = tpu.vector_load %arg8[%get3A] {strides = array<i32>} : memref<10112xi32, #tpu.memory_space<vmem>>, vector<16xi32>,
        %get3A_208 = vector.shape_cast %get3A_207 : vector<16xi32> to vector<16xi32>
        %dma_start3A_209 = arith.constant 0 : i32
        %dma_start3A_210 = arith.constant 0 : i32
        %dma_start3A_211 = tpu.memref_slice %arg13[%dma_start3A_209, %dma_start3A_210] : memref<32x128xf32, #tpu.memory_space<vmem>> -> memref<16x128xf32, #tpu.memory_space<vmem>>
        %dma_start3A_212 = arith.constant 0 : i32
        %dma_start3A_213 = arith.constant 0 : i32
        %dma_start3A_214 = tpu.memref_slice %arg16[%dma_start3A_212, %dma_start3A_213] : memref<10000x128xf32, #tpu.memory_space<vmem_shared>> -> memref<10000x128xf32, #tpu.memory_space<vmem_shared>>
        tpu.enqueue_indirect_dma source(%dma_start3A_211 : memref<16x128xf32, #tpu.memory_space<vmem>>) target(%dma_start3A_214 : memref<10000x128xf32, #tpu.memory_space<vmem_shared>>) offsets(%get3A_208 : vector<16xi32>) semaphore(%arg24 : memref<!tpu.dma_semaphore, #tpu.memory_space<semaphore_mem>>) {add = true}
        %mul3A_215 = arith.constant 32 : i32
        %mul3A_216 = arith.muli %add3A_160, %mul3A_215 : i32
        %add3A_217 = arith.constant 16 : i32
        %add3A_218 = arith.addi %mul3A_216, %add3A_217 : i32
        %get3A_219 = arith.index_cast %add3A_218 : i32 to index
        %get3A_220 = tpu.vector_load %arg8[%get3A_219] {strides = array<i32>} : memref<10112xi32, #tpu.memory_space<vmem>>, vector<16xi32>,
        %get3A_221 = vector.shape_cast %get3A_220 : vector<16xi32> to vector<16xi32>
        %dma_start3A_222 = arith.constant 16 : i32
        %dma_start3A_223 = arith.constant 0 : i32
        %dma_start3A_224 = tpu.memref_slice %arg13[%dma_start3A_222, %dma_start3A_223] : memref<32x128xf32, #tpu.memory_space<vmem>> -> memref<16x128xf32, #tpu.memory_space<vmem>>
        %dma_start3A_225 = arith.constant 0 : i32
        %dma_start3A_226 = arith.constant 0 : i32
        %dma_start3A_227 = tpu.memref_slice %arg16[%dma_start3A_225, %dma_start3A_226] : memref<10000x128xf32, #tpu.memory_space<vmem_shared>> -> memref<10000x128xf32, #tpu.memory_space<vmem_shared>>
        tpu.enqueue_indirect_dma source(%dma_start3A_224 : memref<16x128xf32, #tpu.memory_space<vmem>>) target(%dma_start3A_227 : memref<10000x128xf32, #tpu.memory_space<vmem_shared>>) offsets(%get3A_221 : vector<16xi32>) semaphore(%arg24 : memref<!tpu.dma_semaphore, #tpu.memory_space<semaphore_mem>>) {add = true}
        %dma_wait3A_228 = arith.constant 0 : i32
        %dma_wait3A_229 = arith.constant 0 : i32
        %dma_wait3A_230 = tpu.memref_slice %arg13[%dma_wait3A_228, %dma_wait3A_229] : memref<32x128xf32, #tpu.memory_space<vmem>> -> memref<16x128xf32, #tpu.memory_space<vmem>>
        %dma_wait3A_231 = arith.constant 0 : i32
        %dma_wait3A_232 = arith.constant 0 : i32
        %dma_wait3A_233 = tpu.memref_slice %arg16[%dma_wait3A_231, %dma_wait3A_232] : memref<10000x128xf32, #tpu.memory_space<vmem_shared>> -> memref<10000x128xf32, #tpu.memory_space<vmem_shared>>
        tpu.wait_indirect_dma semaphore(%arg24 : memref<!tpu.dma_semaphore, #tpu.memory_space<semaphore_mem>>) src(%dma_wait3A_230 : memref<16x128xf32, #tpu.memory_space<vmem>>) dst(%dma_wait3A_233 : memref<10000x128xf32, #tpu.memory_space<vmem_shared>>)
        %dma_wait3A_234 = arith.constant 16 : i32
        %dma_wait3A_235 = arith.constant 0 : i32
        %dma_wait3A_236 = tpu.memref_slice %arg13[%dma_wait3A_234, %dma_wait3A_235] : memref<32x128xf32, #tpu.memory_space<vmem>> -> memref<16x128xf32, #tpu.memory_space<vmem>>
        %dma_wait3A_237 = arith.constant 0 : i32
        %dma_wait3A_238 = arith.constant 0 : i32
        %dma_wait3A_239 = tpu.memref_slice %arg16[%dma_wait3A_237, %dma_wait3A_238] : memref<10000x128xf32, #tpu.memory_space<vmem_shared>> -> memref<10000x128xf32, #tpu.memory_space<vmem_shared>>
        tpu.wait_indirect_dma semaphore(%arg24 : memref<!tpu.dma_semaphore, #tpu.memory_space<semaphore_mem>>) src(%dma_wait3A_236 : memref<16x128xf32, #tpu.memory_space<vmem>>) dst(%dma_wait3A_239 : memref<10000x128xf32, #tpu.memory_space<vmem_shared>>)
      } else {
      }
      %add3A_165 = arith.constant 7 : i32
      %add3A_166 = arith.addi %add3A_160, %add3A_165 : i32
      %lt3A_167 = arith.cmpi slt, %add3A_166, %mul3A_23 : i32
      %convert_element_type3A_168 = arith.extui %lt3A_167 : i1 to i32
      %cond3A_169 = arith.constant 0 : i32
      %cond3A_170 = arith.cmpi ne, %convert_element_type3A_168, %cond3A_169 : i32
      scf.if %cond3A_170 {
        %add3A_199 = arith.constant 7 : i32
        %add3A_200 = arith.addi %add3A_160, %add3A_199 : i32
        %mul3A_201 = arith.constant 32 : i32
        %mul3A_202 = arith.muli %add3A_200, %mul3A_201 : i32
        %dma_start3A_203 = tpu.memref_slice %arg7[%mul3A_202] : memref<10112xi32, #tpu.memory_space<vmem>> -> memref<32xi32, #tpu.memory_space<vmem>>
        %dma_start3A_204 = arith.constant 0 : i32
        %dma_start3A_205 = arith.constant 0 : i32
        %dma_start3A_206 = tpu.memref_slice %arg4[%dma_start3A_204, %dma_start3A_205] : memref<160000x128xf32, #tpu.memory_space<hbm>> -> memref<160000x128xf32, #tpu.memory_space<hbm>>
        tpu.enqueue_indirect_dma source(%dma_start3A_206 : memref<160000x128xf32, #tpu.memory_space<hbm>>) target(%arg13 : memref<32x128xf32, #tpu.memory_space<vmem>>) offsets(%dma_start3A_203 : memref<32xi32, #tpu.memory_space<vmem>>) semaphore(%arg21 : memref<!tpu.dma_semaphore, #tpu.memory_space<semaphore_mem>>)
      } else {
      }
      %mul3A_171 = arith.constant 7 : i32
      %mul3A_172 = arith.muli %mul3A_171, %while3A_100 : i32
      %add3A_173 = arith.constant 5 : i32
      %add3A_174 = arith.addi %mul3A_172, %add3A_173 : i32
      %lt3A_175 = arith.cmpi slt, %add3A_174, %mul3A_23 : i32
      %convert_element_type3A_176 = arith.extui %lt3A_175 : i1 to i32
      %cond3A_177 = arith.constant 0 : i32
      %cond3A_178 = arith.cmpi ne, %convert_element_type3A_176, %cond3A_177 : i32
      scf.if %cond3A_178 {
        %dma_wait3A = arith.constant 0 : i32
        %dma_wait3A_199 = tpu.memref_slice %arg7[%dma_wait3A] : memref<10112xi32, #tpu.memory_space<vmem>> -> memref<32xi32, #tpu.memory_space<vmem>>
        %dma_wait3A_200 = arith.constant 0 : i32
        %dma_wait3A_201 = arith.constant 0 : i32
        %dma_wait3A_202 = tpu.memref_slice %arg4[%dma_wait3A_200, %dma_wait3A_201] : memref<160000x128xf32, #tpu.memory_space<hbm>> -> memref<160000x128xf32, #tpu.memory_space<hbm>>
        tpu.wait_indirect_dma semaphore(%arg22 : memref<!tpu.dma_semaphore, #tpu.memory_space<semaphore_mem>>) src(%dma_wait3A_202 : memref<160000x128xf32, #tpu.memory_space<hbm>>) dst(%arg14 : memref<32x128xf32, #tpu.memory_space<vmem>>)
        %mul3A_203 = arith.constant 32 : i32
        %mul3A_204 = arith.muli %add3A_174, %mul3A_203 : i32
        %add3A_205 = arith.constant 0 : i32
        %add3A_206 = arith.addi %mul3A_204, %add3A_205 : i32
        %get3A = arith.index_cast %add3A_206 : i32 to index
        %get3A_207 = tpu.vector_load %arg8[%get3A] {strides = array<i32>} : memref<10112xi32, #tpu.memory_space<vmem>>, vector<16xi32>,
        %get3A_208 = vector.shape_cast %get3A_207 : vector<16xi32> to vector<16xi32>
        %dma_start3A_209 = arith.constant 0 : i32
        %dma_start3A_210 = arith.constant 0 : i32
        %dma_start3A_211 = tpu.memref_slice %arg14[%dma_start3A_209, %dma_start3A_210] : memref<32x128xf32, #tpu.memory_space<vmem>> -> memref<16x128xf32, #tpu.memory_space<vmem>>
        %dma_start3A_212 = arith.constant 0 : i32
        %dma_start3A_213 = arith.constant 0 : i32
        %dma_start3A_214 = tpu.memref_slice %arg16[%dma_start3A_212, %dma_start3A_213] : memref<10000x128xf32, #tpu.memory_space<vmem_shared>> -> memref<10000x128xf32, #tpu.memory_space<vmem_shared>>
        tpu.enqueue_indirect_dma source(%dma_start3A_211 : memref<16x128xf32, #tpu.memory_space<vmem>>) target(%dma_start3A_214 : memref<10000x128xf32, #tpu.memory_space<vmem_shared>>) offsets(%get3A_208 : vector<16xi32>) semaphore(%arg24 : memref<!tpu.dma_semaphore, #tpu.memory_space<semaphore_mem>>) {add = true}
        %mul3A_215 = arith.constant 32 : i32
        %mul3A_216 = arith.muli %add3A_174, %mul3A_215 : i32
        %add3A_217 = arith.constant 16 : i32
        %add3A_218 = arith.addi %mul3A_216, %add3A_217 : i32
        %get3A_219 = arith.index_cast %add3A_218 : i32 to index
        %get3A_220 = tpu.vector_load %arg8[%get3A_219] {strides = array<i32>} : memref<10112xi32, #tpu.memory_space<vmem>>, vector<16xi32>,
        %get3A_221 = vector.shape_cast %get3A_220 : vector<16xi32> to vector<16xi32>
        %dma_start3A_222 = arith.constant 16 : i32
        %dma_start3A_223 = arith.constant 0 : i32
        %dma_start3A_224 = tpu.memref_slice %arg14[%dma_start3A_222, %dma_start3A_223] : memref<32x128xf32, #tpu.memory_space<vmem>> -> memref<16x128xf32, #tpu.memory_space<vmem>>
        %dma_start3A_225 = arith.constant 0 : i32
        %dma_start3A_226 = arith.constant 0 : i32
        %dma_start3A_227 = tpu.memref_slice %arg16[%dma_start3A_225, %dma_start3A_226] : memref<10000x128xf32, #tpu.memory_space<vmem_shared>> -> memref<10000x128xf32, #tpu.memory_space<vmem_shared>>
        tpu.enqueue_indirect_dma source(%dma_start3A_224 : memref<16x128xf32, #tpu.memory_space<vmem>>) target(%dma_start3A_227 : memref<10000x128xf32, #tpu.memory_space<vmem_shared>>) offsets(%get3A_221 : vector<16xi32>) semaphore(%arg24 : memref<!tpu.dma_semaphore, #tpu.memory_space<semaphore_mem>>) {add = true}
        %dma_wait3A_228 = arith.constant 0 : i32
        %dma_wait3A_229 = arith.constant 0 : i32
        %dma_wait3A_230 = tpu.memref_slice %arg14[%dma_wait3A_228, %dma_wait3A_229] : memref<32x128xf32, #tpu.memory_space<vmem>> -> memref<16x128xf32, #tpu.memory_space<vmem>>
        %dma_wait3A_231 = arith.constant 0 : i32
        %dma_wait3A_232 = arith.constant 0 : i32
        %dma_wait3A_233 = tpu.memref_slice %arg16[%dma_wait3A_231, %dma_wait3A_232] : memref<10000x128xf32, #tpu.memory_space<vmem_shared>> -> memref<10000x128xf32, #tpu.memory_space<vmem_shared>>
        tpu.wait_indirect_dma semaphore(%arg24 : memref<!tpu.dma_semaphore, #tpu.memory_space<semaphore_mem>>) src(%dma_wait3A_230 : memref<16x128xf32, #tpu.memory_space<vmem>>) dst(%dma_wait3A_233 : memref<10000x128xf32, #tpu.memory_space<vmem_shared>>)
        %dma_wait3A_234 = arith.constant 16 : i32
        %dma_wait3A_235 = arith.constant 0 : i32
        %dma_wait3A_236 = tpu.memref_slice %arg14[%dma_wait3A_234, %dma_wait3A_235] : memref<32x128xf32, #tpu.memory_space<vmem>> -> memref<16x128xf32, #tpu.memory_space<vmem>>
        %dma_wait3A_237 = arith.constant 0 : i32
        %dma_wait3A_238 = arith.constant 0 : i32
        %dma_wait3A_239 = tpu.memref_slice %arg16[%dma_wait3A_237, %dma_wait3A_238] : memref<10000x128xf32, #tpu.memory_space<vmem_shared>> -> memref<10000x128xf32, #tpu.memory_space<vmem_shared>>
        tpu.wait_indirect_dma semaphore(%arg24 : memref<!tpu.dma_semaphore, #tpu.memory_space<semaphore_mem>>) src(%dma_wait3A_236 : memref<16x128xf32, #tpu.memory_space<vmem>>) dst(%dma_wait3A_239 : memref<10000x128xf32, #tpu.memory_space<vmem_shared>>)
      } else {
      }
      %add3A_179 = arith.constant 7 : i32
      %add3A_180 = arith.addi %add3A_174, %add3A_179 : i32
      %lt3A_181 = arith.cmpi slt, %add3A_180, %mul3A_23 : i32
      %convert_element_type3A_182 = arith.extui %lt3A_181 : i1 to i32
      %cond3A_183 = arith.constant 0 : i32
      %cond3A_184 = arith.cmpi ne, %convert_element_type3A_182, %cond3A_183 : i32
      scf.if %cond3A_184 {
        %add3A_199 = arith.constant 7 : i32
        %add3A_200 = arith.addi %add3A_174, %add3A_199 : i32
        %mul3A_201 = arith.constant 32 : i32
        %mul3A_202 = arith.muli %add3A_200, %mul3A_201 : i32
        %dma_start3A_203 = tpu.memref_slice %arg7[%mul3A_202] : memref<10112xi32, #tpu.memory_space<vmem>> -> memref<32xi32, #tpu.memory_space<vmem>>
        %dma_start3A_204 = arith.constant 0 : i32
        %dma_start3A_205 = arith.constant 0 : i32
        %dma_start3A_206 = tpu.memref_slice %arg4[%dma_start3A_204, %dma_start3A_205] : memref<160000x128xf32, #tpu.memory_space<hbm>> -> memref<160000x128xf32, #tpu.memory_space<hbm>>
        tpu.enqueue_indirect_dma source(%dma_start3A_206 : memref<160000x128xf32, #tpu.memory_space<hbm>>) target(%arg14 : memref<32x128xf32, #tpu.memory_space<vmem>>) offsets(%dma_start3A_203 : memref<32xi32, #tpu.memory_space<vmem>>) semaphore(%arg22 : memref<!tpu.dma_semaphore, #tpu.memory_space<semaphore_mem>>)
      } else {
      }
      %mul3A_185 = arith.constant 7 : i32
      %mul3A_186 = arith.muli %mul3A_185, %while3A_100 : i32
      %add3A_187 = arith.constant 6 : i32
      %add3A_188 = arith.addi %mul3A_186, %add3A_187 : i32
      %lt3A_189 = arith.cmpi slt, %add3A_188, %mul3A_23 : i32
      %convert_element_type3A_190 = arith.extui %lt3A_189 : i1 to i32
      %cond3A_191 = arith.constant 0 : i32
      %cond3A_192 = arith.cmpi ne, %convert_element_type3A_190, %cond3A_191 : i32
      scf.if %cond3A_192 {
        %dma_wait3A = arith.constant 0 : i32
        %dma_wait3A_199 = tpu.memref_slice %arg7[%dma_wait3A] : memref<10112xi32, #tpu.memory_space<vmem>> -> memref<32xi32, #tpu.memory_space<vmem>>
        %dma_wait3A_200 = arith.constant 0 : i32
        %dma_wait3A_201 = arith.constant 0 : i32
        %dma_wait3A_202 = tpu.memref_slice %arg4[%dma_wait3A_200, %dma_wait3A_201] : memref<160000x128xf32, #tpu.memory_space<hbm>> -> memref<160000x128xf32, #tpu.memory_space<hbm>>
        tpu.wait_indirect_dma semaphore(%arg23 : memref<!tpu.dma_semaphore, #tpu.memory_space<semaphore_mem>>) src(%dma_wait3A_202 : memref<160000x128xf32, #tpu.memory_space<hbm>>) dst(%arg15 : memref<32x128xf32, #tpu.memory_space<vmem>>)
        %mul3A_203 = arith.constant 32 : i32
        %mul3A_204 = arith.muli %add3A_188, %mul3A_203 : i32
        %add3A_205 = arith.constant 0 : i32
        %add3A_206 = arith.addi %mul3A_204, %add3A_205 : i32
        %get3A = arith.index_cast %add3A_206 : i32 to index
        %get3A_207 = tpu.vector_load %arg8[%get3A] {strides = array<i32>} : memref<10112xi32, #tpu.memory_space<vmem>>, vector<16xi32>,
        %get3A_208 = vector.shape_cast %get3A_207 : vector<16xi32> to vector<16xi32>
        %dma_start3A_209 = arith.constant 0 : i32
        %dma_start3A_210 = arith.constant 0 : i32
        %dma_start3A_211 = tpu.memref_slice %arg15[%dma_start3A_209, %dma_start3A_210] : memref<32x128xf32, #tpu.memory_space<vmem>> -> memref<16x128xf32, #tpu.memory_space<vmem>>
        %dma_start3A_212 = arith.constant 0 : i32
        %dma_start3A_213 = arith.constant 0 : i32
        %dma_start3A_214 = tpu.memref_slice %arg16[%dma_start3A_212, %dma_start3A_213] : memref<10000x128xf32, #tpu.memory_space<vmem_shared>> -> memref<10000x128xf32, #tpu.memory_space<vmem_shared>>
        tpu.enqueue_indirect_dma source(%dma_start3A_211 : memref<16x128xf32, #tpu.memory_space<vmem>>) target(%dma_start3A_214 : memref<10000x128xf32, #tpu.memory_space<vmem_shared>>) offsets(%get3A_208 : vector<16xi32>) semaphore(%arg24 : memref<!tpu.dma_semaphore, #tpu.memory_space<semaphore_mem>>) {add = true}
        %mul3A_215 = arith.constant 32 : i32
        %mul3A_216 = arith.muli %add3A_188, %mul3A_215 : i32
        %add3A_217 = arith.constant 16 : i32
        %add3A_218 = arith.addi %mul3A_216, %add3A_217 : i32
        %get3A_219 = arith.index_cast %add3A_218 : i32 to index
        %get3A_220 = tpu.vector_load %arg8[%get3A_219] {strides = array<i32>} : memref<10112xi32, #tpu.memory_space<vmem>>, vector<16xi32>,
        %get3A_221 = vector.shape_cast %get3A_220 : vector<16xi32> to vector<16xi32>
        %dma_start3A_222 = arith.constant 16 : i32
        %dma_start3A_223 = arith.constant 0 : i32
        %dma_start3A_224 = tpu.memref_slice %arg15[%dma_start3A_222, %dma_start3A_223] : memref<32x128xf32, #tpu.memory_space<vmem>> -> memref<16x128xf32, #tpu.memory_space<vmem>>
        %dma_start3A_225 = arith.constant 0 : i32
        %dma_start3A_226 = arith.constant 0 : i32
        %dma_start3A_227 = tpu.memref_slice %arg16[%dma_start3A_225, %dma_start3A_226] : memref<10000x128xf32, #tpu.memory_space<vmem_shared>> -> memref<10000x128xf32, #tpu.memory_space<vmem_shared>>
        tpu.enqueue_indirect_dma source(%dma_start3A_224 : memref<16x128xf32, #tpu.memory_space<vmem>>) target(%dma_start3A_227 : memref<10000x128xf32, #tpu.memory_space<vmem_shared>>) offsets(%get3A_221 : vector<16xi32>) semaphore(%arg24 : memref<!tpu.dma_semaphore, #tpu.memory_space<semaphore_mem>>) {add = true}
        %dma_wait3A_228 = arith.constant 0 : i32
        %dma_wait3A_229 = arith.constant 0 : i32
        %dma_wait3A_230 = tpu.memref_slice %arg15[%dma_wait3A_228, %dma_wait3A_229] : memref<32x128xf32, #tpu.memory_space<vmem>> -> memref<16x128xf32, #tpu.memory_space<vmem>>
        %dma_wait3A_231 = arith.constant 0 : i32
        %dma_wait3A_232 = arith.constant 0 : i32
        %dma_wait3A_233 = tpu.memref_slice %arg16[%dma_wait3A_231, %dma_wait3A_232] : memref<10000x128xf32, #tpu.memory_space<vmem_shared>> -> memref<10000x128xf32, #tpu.memory_space<vmem_shared>>
        tpu.wait_indirect_dma semaphore(%arg24 : memref<!tpu.dma_semaphore, #tpu.memory_space<semaphore_mem>>) src(%dma_wait3A_230 : memref<16x128xf32, #tpu.memory_space<vmem>>) dst(%dma_wait3A_233 : memref<10000x128xf32, #tpu.memory_space<vmem_shared>>)
        %dma_wait3A_234 = arith.constant 16 : i32
        %dma_wait3A_235 = arith.constant 0 : i32
        %dma_wait3A_236 = tpu.memref_slice %arg15[%dma_wait3A_234, %dma_wait3A_235] : memref<32x128xf32, #tpu.memory_space<vmem>> -> memref<16x128xf32, #tpu.memory_space<vmem>>
        %dma_wait3A_237 = arith.constant 0 : i32
        %dma_wait3A_238 = arith.constant 0 : i32
        %dma_wait3A_239 = tpu.memref_slice %arg16[%dma_wait3A_237, %dma_wait3A_238] : memref<10000x128xf32, #tpu.memory_space<vmem_shared>> -> memref<10000x128xf32, #tpu.memory_space<vmem_shared>>
        tpu.wait_indirect_dma semaphore(%arg24 : memref<!tpu.dma_semaphore, #tpu.memory_space<semaphore_mem>>) src(%dma_wait3A_236 : memref<16x128xf32, #tpu.memory_space<vmem>>) dst(%dma_wait3A_239 : memref<10000x128xf32, #tpu.memory_space<vmem_shared>>)
      } else {
      }
      %add3A_193 = arith.constant 7 : i32
      %add3A_194 = arith.addi %add3A_188, %add3A_193 : i32
      %lt3A_195 = arith.cmpi slt, %add3A_194, %mul3A_23 : i32
      %convert_element_type3A_196 = arith.extui %lt3A_195 : i1 to i32
      %cond3A_197 = arith.constant 0 : i32
      %cond3A_198 = arith.cmpi ne, %convert_element_type3A_196, %cond3A_197 : i32
      scf.if %cond3A_198 {
        %add3A_199 = arith.constant 7 : i32
        %add3A_200 = arith.addi %add3A_188, %add3A_199 : i32
        %mul3A_201 = arith.constant 32 : i32
        %mul3A_202 = arith.muli %add3A_200, %mul3A_201 : i32
        %dma_start3A_203 = tpu.memref_slice %arg7[%mul3A_202] : memref<10112xi32, #tpu.memory_space<vmem>> -> memref<32xi32, #tpu.memory_space<vmem>>
        %dma_start3A_204 = arith.constant 0 : i32
        %dma_start3A_205 = arith.constant 0 : i32
        %dma_start3A_206 = tpu.memref_slice %arg4[%dma_start3A_204, %dma_start3A_205] : memref<160000x128xf32, #tpu.memory_space<hbm>> -> memref<160000x128xf32, #tpu.memory_space<hbm>>
        tpu.enqueue_indirect_dma source(%dma_start3A_206 : memref<160000x128xf32, #tpu.memory_space<hbm>>) target(%arg15 : memref<32x128xf32, #tpu.memory_space<vmem>>) offsets(%dma_start3A_203 : memref<32xi32, #tpu.memory_space<vmem>>) semaphore(%arg23 : memref<!tpu.dma_semaphore, #tpu.memory_space<semaphore_mem>>)
      } else {
      }
    }
    %barrier3A_89 = arith.constant 0 : index
    tpu.barrier barrier_id(%barrier3A_89)
    %lt3A_90 = arith.constant 15 : i32
    %lt3A_91 = arith.cmpi slt, %arg1, %lt3A_90 : i32
    %convert_element_type3A_92 = arith.extui %lt3A_91 : i1 to i32
    %cond3A_93 = arith.constant 0 : i32
    %cond3A_94 = arith.cmpi ne, %convert_element_type3A_92, %cond3A_93 : i32
    scf.if %cond3A_94 {
      %mul3A_100 = arith.constant 640 : i32
      %mul3A_101 = arith.muli %arg1, %mul3A_100 : i32
      %mul3A_102 = arith.constant 640 : i32
      %mul3A_103 = arith.muli %arg1, %mul3A_102 : i32
      %mul3A_104 = arith.constant 128 : i32
      %mul3A_105 = arith.muli %arg0, %mul3A_104 : i32
      "tpu.region"() ({
        %run_scoped3A = tpu.sem_alloc : memref<!tpu.dma_semaphore, #tpu.memory_space<semaphore_mem>>
        %dma_start3A_106 = tpu.memref_slice %arg6[%mul3A_103, %mul3A_105] : memref<10000x256xf32, #tpu.memory_space<hbm>> -> memref<640x128xf32, #tpu.memory_space<hbm>>
        %dma_start3A_107 = arith.constant 0 : i32
        %dma_start3A_108 = tpu.memref_slice %arg16[%mul3A_101, %dma_start3A_107] : memref<10000x128xf32, #tpu.memory_space<vmem_shared>> -> memref<640x128xf32, #tpu.memory_space<vmem_shared>>
        tpu.enqueue_dma source(%dma_start3A_108 : memref<640x128xf32, #tpu.memory_space<vmem_shared>>) target(%dma_start3A_106 : memref<640x128xf32, #tpu.memory_space<hbm>>) target_semaphore(%run_scoped3A : memref<!tpu.dma_semaphore, #tpu.memory_space<semaphore_mem>>)
        %dma_wait3A = tpu.memref_slice %arg6[%mul3A_103, %mul3A_105] : memref<10000x256xf32, #tpu.memory_space<hbm>> -> memref<640x128xf32, #tpu.memory_space<hbm>>
        %dma_wait3A_109 = arith.constant 0 : i32
        %dma_wait3A_110 = tpu.memref_slice %arg16[%mul3A_101, %dma_wait3A_109] : memref<10000x128xf32, #tpu.memory_space<vmem_shared>> -> memref<640x128xf32, #tpu.memory_space<vmem_shared>>
        tpu.wait_dma2 semaphore(%run_scoped3A : memref<!tpu.dma_semaphore, #tpu.memory_space<semaphore_mem>>) src(%dma_wait3A_110 : memref<640x128xf32, #tpu.memory_space<vmem_shared>>) dst(%dma_wait3A : memref<640x128xf32, #tpu.memory_space<hbm>>)
        tpu.yield
      }) : () -> ()
    } else {
    }
    %eq3A_95 = arith.constant 15 : i32
    %eq3A_96 = arith.cmpi eq, %arg1, %eq3A_95 : i32
    %convert_element_type3A_97 = arith.extui %eq3A_96 : i1 to i32
    %cond3A_98 = arith.constant 0 : i32
    %cond3A_99 = arith.cmpi ne, %convert_element_type3A_97, %cond3A_98 : i32
    scf.if %cond3A_99 {
      %mul3A_100 = arith.constant 128 : i32
      %mul3A_101 = arith.muli %arg0, %mul3A_100 : i32
      "tpu.region"() ({
        %run_scoped3A = tpu.sem_alloc : memref<!tpu.dma_semaphore, #tpu.memory_space<semaphore_mem>>
        %dma_start3A_102 = arith.constant 9600 : i32
        %dma_start3A_103 = tpu.memref_slice %arg6[%dma_start3A_102, %mul3A_101] : memref<10000x256xf32, #tpu.memory_space<hbm>> -> memref<400x128xf32, #tpu.memory_space<hbm>>
        %dma_start3A_104 = arith.constant 9600 : i32
        %dma_start3A_105 = arith.constant 0 : i32
        %dma_start3A_106 = tpu.memref_slice %arg16[%dma_start3A_104, %dma_start3A_105] : memref<10000x128xf32, #tpu.memory_space<vmem_shared>> -> memref<400x128xf32, #tpu.memory_space<vmem_shared>>
        tpu.enqueue_dma source(%dma_start3A_106 : memref<400x128xf32, #tpu.memory_space<vmem_shared>>) target(%dma_start3A_103 : memref<400x128xf32, #tpu.memory_space<hbm>>) target_semaphore(%run_scoped3A : memref<!tpu.dma_semaphore, #tpu.memory_space<semaphore_mem>>)
        %dma_wait3A = arith.constant 9600 : i32
        %dma_wait3A_107 = tpu.memref_slice %arg6[%dma_wait3A, %mul3A_101] : memref<10000x256xf32, #tpu.memory_space<hbm>> -> memref<400x128xf32, #tpu.memory_space<hbm>>
        %dma_wait3A_108 = arith.constant 9600 : i32
        %dma_wait3A_109 = arith.constant 0 : i32
        %dma_wait3A_110 = tpu.memref_slice %arg16[%dma_wait3A_108, %dma_wait3A_109] : memref<10000x128xf32, #tpu.memory_space<vmem_shared>> -> memref<400x128xf32, #tpu.memory_space<vmem_shared>>
        tpu.wait_dma2 semaphore(%run_scoped3A : memref<!tpu.dma_semaphore, #tpu.memory_space<semaphore_mem>>) src(%dma_wait3A_110 : memref<400x128xf32, #tpu.memory_space<vmem_shared>>) dst(%dma_wait3A_107 : memref<400x128xf32, #tpu.memory_space<hbm>>)
        tpu.yield
      }) : () -> ()
    } else {
    }
    return
  }
}

#map = affine_map<(d0, d1) -> (0, 0, 0)>
#map1 = affine_map<(d0, d1) -> (0, 0)>
module attributes {stable_mosaic.version = 14 : i64} {
  func.func @_sc_body(%arg0: i32, %arg1: i32, %arg2: memref<2x1x160000xi32, #tpu.memory_space<hbm>>, %arg3: memref<1x160000xi32, #tpu.memory_space<hbm>>, %arg4: memref<160000x128xf32, #tpu.memory_space<hbm>>, %arg5: memref<10000x256xf32, #tpu.memory_space<hbm>>, %arg6: memref<10000x256xf32, #tpu.memory_space<hbm>>, %arg7: memref<10112xi32, #tpu.memory_space<vmem>>, %arg8: memref<10112xi32, #tpu.memory_space<vmem>>, %arg9: memref<32x128xf32, #tpu.memory_space<vmem>>, %arg10: memref<32x128xf32, #tpu.memory_space<vmem>>, %arg11: memref<32x128xf32, #tpu.memory_space<vmem>>, %arg12: memref<32x128xf32, #tpu.memory_space<vmem>>, %arg13: memref<32x128xf32, #tpu.memory_space<vmem>>, %arg14: memref<32x128xf32, #tpu.memory_space<vmem>>, %arg15: memref<32x128xf32, #tpu.memory_space<vmem>>, %arg16: memref<10000x128xf32, #tpu.memory_space<vmem_shared>>, %arg17: memref<!tpu.dma_semaphore, #tpu.memory_space<semaphore_mem>>, %arg18: memref<!tpu.dma_semaphore, #tpu.memory_space<semaphore_mem>>, %arg19: memref<!tpu.dma_semaphore, #tpu.memory_space<semaphore_mem>>, %arg20: memref<!tpu.dma_semaphore, #tpu.memory_space<semaphore_mem>>, %arg21: memref<!tpu.dma_semaphore, #tpu.memory_space<semaphore_mem>>, %arg22: memref<!tpu.dma_semaphore, #tpu.memory_space<semaphore_mem>>, %arg23: memref<!tpu.dma_semaphore, #tpu.memory_space<semaphore_mem>>, %arg24: memref<!tpu.dma_semaphore, #tpu.memory_space<semaphore_mem>>) attributes {dimension_semantics = [#tpu.dimension_semantics<core_parallel>, #tpu.dimension_semantics<subcore_parallel>], iteration_bounds = array<i64: 2, 16>, scalar_prefetch = 0 : i64, scratch_operands = 18 : i64, tpu.core_type = #tpu.core_type<sc_vector_subcore>, window_params = [{transform_indices = #map}, {transform_indices = #map1}, {transform_indices = #map1}, {transform_indices = #map1}, {transform_indices = #map1}]} {
    %lt3A = arith.constant 2 : i32
    %lt3A_0 = arith.cmpi slt, %arg1, %lt3A : i32
    %jit3A = arith.constant 79 : i32
    %jit3A_1 = arith.constant 78 : i32
    %select_n3A = arith.select %lt3A_0, %jit3A, %jit3A_1 : i32
    %mul3A = arith.constant 9984 : i32
    %mul3A_2 = arith.muli %arg1, %mul3A : i32
    %min3A = arith.constant 2 : i32
    %min3A_3 = arith.minsi %arg1, %min3A : i32
    %mul3A_4 = arith.constant 128 : i32
    %mul3A_5 = arith.muli %min3A_3, %mul3A_4 : i32
    %add3A = arith.addi %mul3A_2, %mul3A_5 : i32
    %lt3A_6 = arith.constant 2 : i32
    %lt3A_7 = arith.cmpi slt, %arg1, %lt3A_6 : i32
    %convert_element_type3A = arith.extui %lt3A_7 : i1 to i32
    %cond3A = arith.constant 0 : i32
    %cond3A_8 = arith.cmpi ne, %convert_element_type3A, %cond3A : i32
    scf.if %cond3A_8 {
      %run_scoped3A = arith.constant 0 : i32
      "tpu.region"() ({
        %run_scoped3A_101 = tpu.sem_alloc : memref<!tpu.dma_semaphore, #tpu.memory_space<semaphore_mem>>
        %dma_start3A_102 = tpu.memref_slice %arg2[%arg0, %run_scoped3A, %add3A] : memref<2x1x160000xi32, #tpu.memory_space<hbm>> -> memref<1x1x10112xi32, #tpu.memory_space<hbm>>
        %dma_start3A_103 = tpu.memref_squeeze %dma_start3A_102 : memref<1x1x10112xi32, #tpu.memory_space<hbm>> -> memref<10112xi32, #tpu.memory_space<hbm>>
        %dma_start3A_104 = tpu.memref_slice %arg2[%arg0, %run_scoped3A, %add3A] : memref<2x1x160000xi32, #tpu.memory_space<hbm>> -> memref<1x1x10112xi32, #tpu.memory_space<hbm>>
        %dma_start3A_105 = tpu.memref_squeeze %dma_start3A_104 : memref<1x1x10112xi32, #tpu.memory_space<hbm>> -> memref<10112xi32, #tpu.memory_space<hbm>>
        tpu.enqueue_dma source(%dma_start3A_105 : memref<10112xi32, #tpu.memory_space<hbm>>) target(%arg7 : memref<10112xi32, #tpu.memory_space<vmem>>) target_semaphore(%run_scoped3A_101 : memref<!tpu.dma_semaphore, #tpu.memory_space<semaphore_mem>>)
        %dma_wait3A = tpu.memref_slice %arg2[%arg0, %run_scoped3A, %add3A] : memref<2x1x160000xi32, #tpu.memory_space<hbm>> -> memref<1x1x10112xi32, #tpu.memory_space<hbm>>
        %dma_wait3A_106 = tpu.memref_squeeze %dma_wait3A : memref<1x1x10112xi32, #tpu.memory_space<hbm>> -> memref<10112xi32, #tpu.memory_space<hbm>>
        %dma_wait3A_107 = tpu.memref_slice %arg2[%arg0, %run_scoped3A, %add3A] : memref<2x1x160000xi32, #tpu.memory_space<hbm>> -> memref<1x1x10112xi32, #tpu.memory_space<hbm>>
        %dma_wait3A_108 = tpu.memref_squeeze %dma_wait3A_107 : memref<1x1x10112xi32, #tpu.memory_space<hbm>> -> memref<10112xi32, #tpu.memory_space<hbm>>
        tpu.wait_dma2 semaphore(%run_scoped3A_101 : memref<!tpu.dma_semaphore, #tpu.memory_space<semaphore_mem>>) src(%dma_wait3A_108 : memref<10112xi32, #tpu.memory_space<hbm>>) dst(%arg7 : memref<10112xi32, #tpu.memory_space<vmem>>)
        tpu.yield
      }) : () -> ()
      %run_scoped3A_100 = arith.constant 0 : i32
      "tpu.region"() ({
        %run_scoped3A_101 = tpu.sem_alloc : memref<!tpu.dma_semaphore, #tpu.memory_space<semaphore_mem>>
        %dma_start3A_102 = tpu.memref_slice %arg3[%run_scoped3A_100, %add3A] : memref<1x160000xi32, #tpu.memory_space<hbm>> -> memref<1x10112xi32, #tpu.memory_space<hbm>>
        %dma_start3A_103 = tpu.memref_squeeze %dma_start3A_102 : memref<1x10112xi32, #tpu.memory_space<hbm>> -> memref<10112xi32, #tpu.memory_space<hbm>>
        %dma_start3A_104 = tpu.memref_slice %arg3[%run_scoped3A_100, %add3A] : memref<1x160000xi32, #tpu.memory_space<hbm>> -> memref<1x10112xi32, #tpu.memory_space<hbm>>
        %dma_start3A_105 = tpu.memref_squeeze %dma_start3A_104 : memref<1x10112xi32, #tpu.memory_space<hbm>> -> memref<10112xi32, #tpu.memory_space<hbm>>
        tpu.enqueue_dma source(%dma_start3A_105 : memref<10112xi32, #tpu.memory_space<hbm>>) target(%arg8 : memref<10112xi32, #tpu.memory_space<vmem>>) target_semaphore(%run_scoped3A_101 : memref<!tpu.dma_semaphore, #tpu.memory_space<semaphore_mem>>)
        %dma_wait3A = tpu.memref_slice %arg3[%run_scoped3A_100, %add3A] : memref<1x160000xi32, #tpu.memory_space<hbm>> -> memref<1x10112xi32, #tpu.memory_space<hbm>>
        %dma_wait3A_106 = tpu.memref_squeeze %dma_wait3A : memref<1x10112xi32, #tpu.memory_space<hbm>> -> memref<10112xi32, #tpu.memory_space<hbm>>
        %dma_wait3A_107 = tpu.memref_slice %arg3[%run_scoped3A_100, %add3A] : memref<1x160000xi32, #tpu.memory_space<hbm>> -> memref<1x10112xi32, #tpu.memory_space<hbm>>
        %dma_wait3A_108 = tpu.memref_squeeze %dma_wait3A_107 : memref<1x10112xi32, #tpu.memory_space<hbm>> -> memref<10112xi32, #tpu.memory_space<hbm>>
        tpu.wait_dma2 semaphore(%run_scoped3A_101 : memref<!tpu.dma_semaphore, #tpu.memory_space<semaphore_mem>>) src(%dma_wait3A_108 : memref<10112xi32, #tpu.memory_space<hbm>>) dst(%arg8 : memref<10112xi32, #tpu.memory_space<vmem>>)
        tpu.yield
      }) : () -> ()
    } else {
    }
    %ge3A = arith.constant 2 : i32
    %ge3A_9 = arith.cmpi sge, %arg1, %ge3A : i32
    %convert_element_type3A_10 = arith.extui %ge3A_9 : i1 to i32
    %cond3A_11 = arith.constant 0 : i32
    %cond3A_12 = arith.cmpi ne, %convert_element_type3A_10, %cond3A_11 : i32
    scf.if %cond3A_12 {
      %run_scoped3A = arith.constant 0 : i32
      "tpu.region"() ({
        %run_scoped3A_101 = tpu.sem_alloc : memref<!tpu.dma_semaphore, #tpu.memory_space<semaphore_mem>>
        %dma_start3A_102 = arith.constant 0 : i32
        %dma_start3A_103 = tpu.memref_slice %arg7[%dma_start3A_102] : memref<10112xi32, #tpu.memory_space<vmem>> -> memref<9984xi32, #tpu.memory_space<vmem>>
        %dma_start3A_104 = tpu.memref_slice %arg2[%arg0, %run_scoped3A, %add3A] : memref<2x1x160000xi32, #tpu.memory_space<hbm>> -> memref<1x1x9984xi32, #tpu.memory_space<hbm>>
        %dma_start3A_105 = tpu.memref_squeeze %dma_start3A_104 : memref<1x1x9984xi32, #tpu.memory_space<hbm>> -> memref<9984xi32, #tpu.memory_space<hbm>>
        %dma_start3A_106 = arith.constant 0 : i32
        %dma_start3A_107 = tpu.memref_slice %arg7[%dma_start3A_106] : memref<10112xi32, #tpu.memory_space<vmem>> -> memref<9984xi32, #tpu.memory_space<vmem>>
        %dma_start3A_108 = tpu.memref_slice %arg2[%arg0, %run_scoped3A, %add3A] : memref<2x1x160000xi32, #tpu.memory_space<hbm>> -> memref<1x1x9984xi32, #tpu.memory_space<hbm>>
        %dma_start3A_109 = tpu.memref_squeeze %dma_start3A_108 : memref<1x1x9984xi32, #tpu.memory_space<hbm>> -> memref<9984xi32, #tpu.memory_space<hbm>>
        tpu.enqueue_dma source(%dma_start3A_109 : memref<9984xi32, #tpu.memory_space<hbm>>) target(%dma_start3A_107 : memref<9984xi32, #tpu.memory_space<vmem>>) target_semaphore(%run_scoped3A_101 : memref<!tpu.dma_semaphore, #tpu.memory_space<semaphore_mem>>)
        %dma_wait3A = arith.constant 0 : i32
        %dma_wait3A_110 = tpu.memref_slice %arg7[%dma_wait3A] : memref<10112xi32, #tpu.memory_space<vmem>> -> memref<9984xi32, #tpu.memory_space<vmem>>
        %dma_wait3A_111 = tpu.memref_slice %arg2[%arg0, %run_scoped3A, %add3A] : memref<2x1x160000xi32, #tpu.memory_space<hbm>> -> memref<1x1x9984xi32, #tpu.memory_space<hbm>>
        %dma_wait3A_112 = tpu.memref_squeeze %dma_wait3A_111 : memref<1x1x9984xi32, #tpu.memory_space<hbm>> -> memref<9984xi32, #tpu.memory_space<hbm>>
        %dma_wait3A_113 = arith.constant 0 : i32
        %dma_wait3A_114 = tpu.memref_slice %arg7[%dma_wait3A_113] : memref<10112xi32, #tpu.memory_space<vmem>> -> memref<9984xi32, #tpu.memory_space<vmem>>
        %dma_wait3A_115 = tpu.memref_slice %arg2[%arg0, %run_scoped3A, %add3A] : memref<2x1x160000xi32, #tpu.memory_space<hbm>> -> memref<1x1x9984xi32, #tpu.memory_space<hbm>>
        %dma_wait3A_116 = tpu.memref_squeeze %dma_wait3A_115 : memref<1x1x9984xi32, #tpu.memory_space<hbm>> -> memref<9984xi32, #tpu.memory_space<hbm>>
        tpu.wait_dma2 semaphore(%run_scoped3A_101 : memref<!tpu.dma_semaphore, #tpu.memory_space<semaphore_mem>>) src(%dma_wait3A_116 : memref<9984xi32, #tpu.memory_space<hbm>>) dst(%dma_wait3A_114 : memref<9984xi32, #tpu.memory_space<vmem>>)
        tpu.yield
      }) : () -> ()
      %run_scoped3A_100 = arith.constant 0 : i32
      "tpu.region"() ({
        %run_scoped3A_101 = tpu.sem_alloc : memref<!tpu.dma_semaphore, #tpu.memory_space<semaphore_mem>>
        %dma_start3A_102 = arith.constant 0 : i32
        %dma_start3A_103 = tpu.memref_slice %arg8[%dma_start3A_102] : memref<10112xi32, #tpu.memory_space<vmem>> -> memref<9984xi32, #tpu.memory_space<vmem>>
        %dma_start3A_104 = tpu.memref_slice %arg3[%run_scoped3A_100, %add3A] : memref<1x160000xi32, #tpu.memory_space<hbm>> -> memref<1x9984xi32, #tpu.memory_space<hbm>>
        %dma_start3A_105 = tpu.memref_squeeze %dma_start3A_104 : memref<1x9984xi32, #tpu.memory_space<hbm>> -> memref<9984xi32, #tpu.memory_space<hbm>>
        %dma_start3A_106 = arith.constant 0 : i32
        %dma_start3A_107 = tpu.memref_slice %arg8[%dma_start3A_106] : memref<10112xi32, #tpu.memory_space<vmem>> -> memref<9984xi32, #tpu.memory_space<vmem>>
        %dma_start3A_108 = tpu.memref_slice %arg3[%run_scoped3A_100, %add3A] : memref<1x160000xi32, #tpu.memory_space<hbm>> -> memref<1x9984xi32, #tpu.memory_space<hbm>>
        %dma_start3A_109 = tpu.memref_squeeze %dma_start3A_108 : memref<1x9984xi32, #tpu.memory_space<hbm>> -> memref<9984xi32, #tpu.memory_space<hbm>>
        tpu.enqueue_dma source(%dma_start3A_109 : memref<9984xi32, #tpu.memory_space<hbm>>) target(%dma_start3A_107 : memref<9984xi32, #tpu.memory_space<vmem>>) target_semaphore(%run_scoped3A_101 : memref<!tpu.dma_semaphore, #tpu.memory_space<semaphore_mem>>)
        %dma_wait3A = arith.constant 0 : i32
        %dma_wait3A_110 = tpu.memref_slice %arg8[%dma_wait3A] : memref<10112xi32, #tpu.memory_space<vmem>> -> memref<9984xi32, #tpu.memory_space<vmem>>
        %dma_wait3A_111 = tpu.memref_slice %arg3[%run_scoped3A_100, %add3A] : memref<1x160000xi32, #tpu.memory_space<hbm>> -> memref<1x9984xi32, #tpu.memory_space<hbm>>
        %dma_wait3A_112 = tpu.memref_squeeze %dma_wait3A_111 : memref<1x9984xi32, #tpu.memory_space<hbm>> -> memref<9984xi32, #tpu.memory_space<hbm>>
        %dma_wait3A_113 = arith.constant 0 : i32
        %dma_wait3A_114 = tpu.memref_slice %arg8[%dma_wait3A_113] : memref<10112xi32, #tpu.memory_space<vmem>> -> memref<9984xi32, #tpu.memory_space<vmem>>
        %dma_wait3A_115 = tpu.memref_slice %arg3[%run_scoped3A_100, %add3A] : memref<1x160000xi32, #tpu.memory_space<hbm>> -> memref<1x9984xi32, #tpu.memory_space<hbm>>
        %dma_wait3A_116 = tpu.memref_squeeze %dma_wait3A_115 : memref<1x9984xi32, #tpu.memory_space<hbm>> -> memref<9984xi32, #tpu.memory_space<hbm>>
        tpu.wait_dma2 semaphore(%run_scoped3A_101 : memref<!tpu.dma_semaphore, #tpu.memory_space<semaphore_mem>>) src(%dma_wait3A_116 : memref<9984xi32, #tpu.memory_space<hbm>>) dst(%dma_wait3A_114 : memref<9984xi32, #tpu.memory_space<vmem>>)
        tpu.yield
      }) : () -> ()
    } else {
    }
    %lt3A_13 = arith.constant 15 : i32
    %lt3A_14 = arith.cmpi slt, %arg1, %lt3A_13 : i32
    %convert_element_type3A_15 = arith.extui %lt3A_14 : i1 to i32
    %cond3A_16 = arith.constant 0 : i32
    %cond3A_17 = arith.cmpi ne, %convert_element_type3A_15, %cond3A_16 : i32
    scf.if %cond3A_17 {
      %mul3A_100 = arith.constant 640 : i32
      %mul3A_101 = arith.muli %arg1, %mul3A_100 : i32
      %mul3A_102 = arith.constant 128 : i32
      %mul3A_103 = arith.muli %arg0, %mul3A_102 : i32
      %mul3A_104 = arith.constant 640 : i32
      %mul3A_105 = arith.muli %arg1, %mul3A_104 : i32
      "tpu.region"() ({
        %run_scoped3A = tpu.sem_alloc : memref<!tpu.dma_semaphore, #tpu.memory_space<semaphore_mem>>
        %dma_start3A_106 = arith.constant 0 : i32
        %dma_start3A_107 = tpu.memref_slice %arg16[%mul3A_105, %dma_start3A_106] : memref<10000x128xf32, #tpu.memory_space<vmem_shared>> -> memref<640x128xf32, #tpu.memory_space<vmem_shared>>
        %dma_start3A_108 = tpu.memref_slice %arg5[%mul3A_101, %mul3A_103] : memref<10000x256xf32, #tpu.memory_space<hbm>> -> memref<640x128xf32, #tpu.memory_space<hbm>>
        tpu.enqueue_dma source(%dma_start3A_108 : memref<640x128xf32, #tpu.memory_space<hbm>>) target(%dma_start3A_107 : memref<640x128xf32, #tpu.memory_space<vmem_shared>>) target_semaphore(%run_scoped3A : memref<!tpu.dma_semaphore, #tpu.memory_space<semaphore_mem>>)
        %dma_wait3A = arith.constant 0 : i32
        %dma_wait3A_109 = tpu.memref_slice %arg16[%mul3A_105, %dma_wait3A] : memref<10000x128xf32, #tpu.memory_space<vmem_shared>> -> memref<640x128xf32, #tpu.memory_space<vmem_shared>>
        %dma_wait3A_110 = tpu.memref_slice %arg5[%mul3A_101, %mul3A_103] : memref<10000x256xf32, #tpu.memory_space<hbm>> -> memref<640x128xf32, #tpu.memory_space<hbm>>
        tpu.wait_dma2 semaphore(%run_scoped3A : memref<!tpu.dma_semaphore, #tpu.memory_space<semaphore_mem>>) src(%dma_wait3A_110 : memref<640x128xf32, #tpu.memory_space<hbm>>) dst(%dma_wait3A_109 : memref<640x128xf32, #tpu.memory_space<vmem_shared>>)
        tpu.yield
      }) : () -> ()
    } else {
    }
    %eq3A = arith.constant 15 : i32
    %eq3A_18 = arith.cmpi eq, %arg1, %eq3A : i32
    %convert_element_type3A_19 = arith.extui %eq3A_18 : i1 to i32
    %cond3A_20 = arith.constant 0 : i32
    %cond3A_21 = arith.cmpi ne, %convert_element_type3A_19, %cond3A_20 : i32
    scf.if %cond3A_21 {
      %mul3A_100 = arith.constant 128 : i32
      %mul3A_101 = arith.muli %arg0, %mul3A_100 : i32
      "tpu.region"() ({
        %run_scoped3A = tpu.sem_alloc : memref<!tpu.dma_semaphore, #tpu.memory_space<semaphore_mem>>
        %dma_start3A_102 = arith.constant 9600 : i32
        %dma_start3A_103 = arith.constant 0 : i32
        %dma_start3A_104 = tpu.memref_slice %arg16[%dma_start3A_102, %dma_start3A_103] : memref<10000x128xf32, #tpu.memory_space<vmem_shared>> -> memref<400x128xf32, #tpu.memory_space<vmem_shared>>
        %dma_start3A_105 = arith.constant 9600 : i32
        %dma_start3A_106 = tpu.memref_slice %arg5[%dma_start3A_105, %mul3A_101] : memref<10000x256xf32, #tpu.memory_space<hbm>> -> memref<400x128xf32, #tpu.memory_space<hbm>>
        tpu.enqueue_dma source(%dma_start3A_106 : memref<400x128xf32, #tpu.memory_space<hbm>>) target(%dma_start3A_104 : memref<400x128xf32, #tpu.memory_space<vmem_shared>>) target_semaphore(%run_scoped3A : memref<!tpu.dma_semaphore, #tpu.memory_space<semaphore_mem>>)
        %dma_wait3A = arith.constant 9600 : i32
        %dma_wait3A_107 = arith.constant 0 : i32
        %dma_wait3A_108 = tpu.memref_slice %arg16[%dma_wait3A, %dma_wait3A_107] : memref<10000x128xf32, #tpu.memory_space<vmem_shared>> -> memref<400x128xf32, #tpu.memory_space<vmem_shared>>
        %dma_wait3A_109 = arith.constant 9600 : i32
        %dma_wait3A_110 = tpu.memref_slice %arg5[%dma_wait3A_109, %mul3A_101] : memref<10000x256xf32, #tpu.memory_space<hbm>> -> memref<400x128xf32, #tpu.memory_space<hbm>>
        tpu.wait_dma2 semaphore(%run_scoped3A : memref<!tpu.dma_semaphore, #tpu.memory_space<semaphore_mem>>) src(%dma_wait3A_110 : memref<400x128xf32, #tpu.memory_space<hbm>>) dst(%dma_wait3A_108 : memref<400x128xf32, #tpu.memory_space<vmem_shared>>)
        tpu.yield
      }) : () -> ()
    } else {
    }
    %barrier3A = arith.constant 0 : index
    tpu.barrier barrier_id(%barrier3A)
    %mul3A_22 = arith.constant 4 : i32
    %mul3A_23 = arith.muli %select_n3A, %mul3A_22 : i32
    %dma_start3A = arith.constant 0 : i32
    %dma_start3A_24 = tpu.memref_slice %arg7[%dma_start3A] : memref<10112xi32, #tpu.memory_space<vmem>> -> memref<32xi32, #tpu.memory_space<vmem>>
    %dma_start3A_25 = arith.constant 0 : i32
    %dma_start3A_26 = arith.constant 0 : i32
    %dma_start3A_27 = tpu.memref_slice %arg4[%dma_start3A_25, %dma_start3A_26] : memref<160000x128xf32, #tpu.memory_space<hbm>> -> memref<160000x128xf32, #tpu.memory_space<hbm>>
    tpu.enqueue_indirect_dma source(%dma_start3A_27 : memref<160000x128xf32, #tpu.memory_space<hbm>>) target(%arg9 : memref<32x128xf32, #tpu.memory_space<vmem>>) offsets(%dma_start3A_24 : memref<32xi32, #tpu.memory_space<vmem>>) semaphore(%arg17 : memref<!tpu.dma_semaphore, #tpu.memory_space<semaphore_mem>>)
    %dma_start3A_28 = arith.constant 32 : i32
    %dma_start3A_29 = tpu.memref_slice %arg7[%dma_start3A_28] : memref<10112xi32, #tpu.memory_space<vmem>> -> memref<32xi32, #tpu.memory_space<vmem>>
    %dma_start3A_30 = arith.constant 0 : i32
    %dma_start3A_31 = arith.constant 0 : i32
    %dma_start3A_32 = tpu.memref_slice %arg4[%dma_start3A_30, %dma_start3A_31] : memref<160000x128xf32, #tpu.memory_space<hbm>> -> memref<160000x128xf32, #tpu.memory_space<hbm>>
    tpu.enqueue_indirect_dma source(%dma_start3A_32 : memref<160000x128xf32, #tpu.memory_space<hbm>>) target(%arg10 : memref<32x128xf32, #tpu.memory_space<vmem>>) offsets(%dma_start3A_29 : memref<32xi32, #tpu.memory_space<vmem>>) semaphore(%arg18 : memref<!tpu.dma_semaphore, #tpu.memory_space<semaphore_mem>>)
    %dma_start3A_33 = arith.constant 64 : i32
    %dma_start3A_34 = tpu.memref_slice %arg7[%dma_start3A_33] : memref<10112xi32, #tpu.memory_space<vmem>> -> memref<32xi32, #tpu.memory_space<vmem>>
    %dma_start3A_35 = arith.constant 0 : i32
    %dma_start3A_36 = arith.constant 0 : i32
    %dma_start3A_37 = tpu.memref_slice %arg4[%dma_start3A_35, %dma_start3A_36] : memref<160000x128xf32, #tpu.memory_space<hbm>> -> memref<160000x128xf32, #tpu.memory_space<hbm>>
    tpu.enqueue_indirect_dma source(%dma_start3A_37 : memref<160000x128xf32, #tpu.memory_space<hbm>>) target(%arg11 : memref<32x128xf32, #tpu.memory_space<vmem>>) offsets(%dma_start3A_34 : memref<32xi32, #tpu.memory_space<vmem>>) semaphore(%arg19 : memref<!tpu.dma_semaphore, #tpu.memory_space<semaphore_mem>>)
    %dma_start3A_38 = arith.constant 96 : i32
    %dma_start3A_39 = tpu.memref_slice %arg7[%dma_start3A_38] : memref<10112xi32, #tpu.memory_space<vmem>> -> memref<32xi32, #tpu.memory_space<vmem>>
    %dma_start3A_40 = arith.constant 0 : i32
    %dma_start3A_41 = arith.constant 0 : i32
    %dma_start3A_42 = tpu.memref_slice %arg4[%dma_start3A_40, %dma_start3A_41] : memref<160000x128xf32, #tpu.memory_space<hbm>> -> memref<160000x128xf32, #tpu.memory_space<hbm>>
    tpu.enqueue_indirect_dma source(%dma_start3A_42 : memref<160000x128xf32, #tpu.memory_space<hbm>>) target(%arg12 : memref<32x128xf32, #tpu.memory_space<vmem>>) offsets(%dma_start3A_39 : memref<32xi32, #tpu.memory_space<vmem>>) semaphore(%arg20 : memref<!tpu.dma_semaphore, #tpu.memory_space<semaphore_mem>>)
    %dma_start3A_43 = arith.constant 128 : i32
    %dma_start3A_44 = tpu.memref_slice %arg7[%dma_start3A_43] : memref<10112xi32, #tpu.memory_space<vmem>> -> memref<32xi32, #tpu.memory_space<vmem>>
    %dma_start3A_45 = arith.constant 0 : i32
    %dma_start3A_46 = arith.constant 0 : i32
    %dma_start3A_47 = tpu.memref_slice %arg4[%dma_start3A_45, %dma_start3A_46] : memref<160000x128xf32, #tpu.memory_space<hbm>> -> memref<160000x128xf32, #tpu.memory_space<hbm>>
    tpu.enqueue_indirect_dma source(%dma_start3A_47 : memref<160000x128xf32, #tpu.memory_space<hbm>>) target(%arg13 : memref<32x128xf32, #tpu.memory_space<vmem>>) offsets(%dma_start3A_44 : memref<32xi32, #tpu.memory_space<vmem>>) semaphore(%arg21 : memref<!tpu.dma_semaphore, #tpu.memory_space<semaphore_mem>>)
    %dma_start3A_48 = arith.constant 160 : i32
    %dma_start3A_49 = tpu.memref_slice %arg7[%dma_start3A_48] : memref<10112xi32, #tpu.memory_space<vmem>> -> memref<32xi32, #tpu.memory_space<vmem>>
    %dma_start3A_50 = arith.constant 0 : i32
    %dma_start3A_51 = arith.constant 0 : i32
    %dma_start3A_52 = tpu.memref_slice %arg4[%dma_start3A_50, %dma_start3A_51] : memref<160000x128xf32, #tpu.memory_space<hbm>> -> memref<160000x128xf32, #tpu.memory_space<hbm>>
    tpu.enqueue_indirect_dma source(%dma_start3A_52 : memref<160000x128xf32, #tpu.memory_space<hbm>>) target(%arg14 : memref<32x128xf32, #tpu.memory_space<vmem>>) offsets(%dma_start3A_49 : memref<32xi32, #tpu.memory_space<vmem>>) semaphore(%arg22 : memref<!tpu.dma_semaphore, #tpu.memory_space<semaphore_mem>>)
    %dma_start3A_53 = arith.constant 192 : i32
    %dma_start3A_54 = tpu.memref_slice %arg7[%dma_start3A_53] : memref<10112xi32, #tpu.memory_space<vmem>> -> memref<32xi32, #tpu.memory_space<vmem>>
    %dma_start3A_55 = arith.constant 0 : i32
    %dma_start3A_56 = arith.constant 0 : i32
    %dma_start3A_57 = tpu.memref_slice %arg4[%dma_start3A_55, %dma_start3A_56] : memref<160000x128xf32, #tpu.memory_space<hbm>> -> memref<160000x128xf32, #tpu.memory_space<hbm>>
    tpu.enqueue_indirect_dma source(%dma_start3A_57 : memref<160000x128xf32, #tpu.memory_space<hbm>>) target(%arg15 : memref<32x128xf32, #tpu.memory_space<vmem>>) offsets(%dma_start3A_54 : memref<32xi32, #tpu.memory_space<vmem>>) semaphore(%arg23 : memref<!tpu.dma_semaphore, #tpu.memory_space<semaphore_mem>>)
    %add3A_58 = arith.constant 7 : i32
    %add3A_59 = arith.addi %mul3A_23, %add3A_58 : i32
    %sub3A = arith.constant 1 : i32
    %sub3A_60 = arith.subi %add3A_59, %sub3A : i32
    %jit3A_61 = arith.constant 7 : i32
    %div3A = arith.divsi %sub3A_60, %jit3A_61 : i32
    %sign3A = arith.constant 0 : i32
    %sign3A_62 = arith.cmpi sgt, %sub3A_60, %sign3A : i32
    %sign3A_63 = arith.extui %sign3A_62 : i1 to i32
    %sign3A_64 = arith.constant 0 : i32
    %sign3A_65 = arith.cmpi slt, %sub3A_60, %sign3A_64 : i32
    %sign3A_66 = arith.extui %sign3A_65 : i1 to i32
    %sign3A_67 = arith.subi %sign3A_63, %sign3A_66 : i32
    %sign3A_68 = arith.constant 0 : i32
    %sign3A_69 = arith.cmpi sgt, %jit3A_61, %sign3A_68 : i32
    %sign3A_70 = arith.extui %sign3A_69 : i1 to i32
    %sign3A_71 = arith.constant 0 : i32
    %sign3A_72 = arith.cmpi slt, %jit3A_61, %sign3A_71 : i32
    %sign3A_73 = arith.extui %sign3A_72 : i1 to i32
    %sign3A_74 = arith.subi %sign3A_70, %sign3A_73 : i32
    %ne3A = arith.cmpi ne, %sign3A_67, %sign3A_74 : i32
    %rem3A = arith.remsi %sub3A_60, %jit3A_61 : i32
    %ne3A_75 = arith.constant 0 : i32
    %ne3A_76 = arith.cmpi ne, %rem3A, %ne3A_75 : i32
    %and3A = arith.andi %ne3A, %ne3A_76 : i1
    %sub3A_77 = arith.constant 1 : i32
    %sub3A_78 = arith.subi %div3A, %sub3A_77 : i32
    %select_n3A_79 = arith.select %and3A, %sub3A_78, %div3A : i32
    %while3A = arith.constant 0 : i32
    %while3A_80 = arith.constant 0 : i32
    %while3A_81 = arith.subi %select_n3A_79, %while3A_80 : i32
    %while3A_82 = arith.addi %while3A_80, %while3A_81 : i32
    %while3A_83 = arith.constant 1 : i32
    %while3A_84 = arith.divsi %while3A_81, %while3A_83 : i32
    %while3A_85 = arith.muli %while3A_84, %while3A_83 : i32
    %while3A_86 = arith.addi %while3A_80, %while3A_85 : i32
    %while3A_87 = arith.constant 1 : i32
    scf.for %while3A_100 = %while3A_80 to %while3A_86 step %while3A_87  : i32 {
      %mul3A_101 = arith.constant 7 : i32
      %mul3A_102 = arith.muli %mul3A_101, %while3A_100 : i32
      %add3A_103 = arith.constant 0 : i32
      %add3A_104 = arith.addi %mul3A_102, %add3A_103 : i32
      %lt3A_105 = arith.cmpi slt, %add3A_104, %mul3A_23 : i32
      %convert_element_type3A_106 = arith.extui %lt3A_105 : i1 to i32
      %cond3A_107 = arith.constant 0 : i32
      %cond3A_108 = arith.cmpi ne, %convert_element_type3A_106, %cond3A_107 : i32
      scf.if %cond3A_108 {
        %dma_wait3A = arith.constant 0 : i32
        %dma_wait3A_199 = tpu.memref_slice %arg7[%dma_wait3A] : memref<10112xi32, #tpu.memory_space<vmem>> -> memref<32xi32, #tpu.memory_space<vmem>>
        %dma_wait3A_200 = arith.constant 0 : i32
        %dma_wait3A_201 = arith.constant 0 : i32
        %dma_wait3A_202 = tpu.memref_slice %arg4[%dma_wait3A_200, %dma_wait3A_201] : memref<160000x128xf32, #tpu.memory_space<hbm>> -> memref<160000x128xf32, #tpu.memory_space<hbm>>
        tpu.wait_indirect_dma semaphore(%arg17 : memref<!tpu.dma_semaphore, #tpu.memory_space<semaphore_mem>>) src(%dma_wait3A_202 : memref<160000x128xf32, #tpu.memory_space<hbm>>) dst(%arg9 : memref<32x128xf32, #tpu.memory_space<vmem>>)
        %mul3A_203 = arith.constant 32 : i32
        %mul3A_204 = arith.muli %add3A_104, %mul3A_203 : i32
        %add3A_205 = arith.constant 0 : i32
        %add3A_206 = arith.addi %mul3A_204, %add3A_205 : i32
        %get3A = arith.index_cast %add3A_206 : i32 to index
        %get3A_207 = tpu.vector_load %arg8[%get3A] {strides = array<i32>} : memref<10112xi32, #tpu.memory_space<vmem>>, vector<16xi32>,
        %get3A_208 = vector.shape_cast %get3A_207 : vector<16xi32> to vector<16xi32>
        %dma_start3A_209 = arith.constant 0 : i32
        %dma_start3A_210 = arith.constant 0 : i32
        %dma_start3A_211 = tpu.memref_slice %arg9[%dma_start3A_209, %dma_start3A_210] : memref<32x128xf32, #tpu.memory_space<vmem>> -> memref<16x128xf32, #tpu.memory_space<vmem>>
        %dma_start3A_212 = arith.constant 0 : i32
        %dma_start3A_213 = arith.constant 0 : i32
        %dma_start3A_214 = tpu.memref_slice %arg16[%dma_start3A_212, %dma_start3A_213] : memref<10000x128xf32, #tpu.memory_space<vmem_shared>> -> memref<10000x128xf32, #tpu.memory_space<vmem_shared>>
        tpu.enqueue_indirect_dma source(%dma_start3A_211 : memref<16x128xf32, #tpu.memory_space<vmem>>) target(%dma_start3A_214 : memref<10000x128xf32, #tpu.memory_space<vmem_shared>>) offsets(%get3A_208 : vector<16xi32>) semaphore(%arg24 : memref<!tpu.dma_semaphore, #tpu.memory_space<semaphore_mem>>) {add = true}
        %mul3A_215 = arith.constant 32 : i32
        %mul3A_216 = arith.muli %add3A_104, %mul3A_215 : i32
        %add3A_217 = arith.constant 16 : i32
        %add3A_218 = arith.addi %mul3A_216, %add3A_217 : i32
        %get3A_219 = arith.index_cast %add3A_218 : i32 to index
        %get3A_220 = tpu.vector_load %arg8[%get3A_219] {strides = array<i32>} : memref<10112xi32, #tpu.memory_space<vmem>>, vector<16xi32>,
        %get3A_221 = vector.shape_cast %get3A_220 : vector<16xi32> to vector<16xi32>
        %dma_start3A_222 = arith.constant 16 : i32
        %dma_start3A_223 = arith.constant 0 : i32
        %dma_start3A_224 = tpu.memref_slice %arg9[%dma_start3A_222, %dma_start3A_223] : memref<32x128xf32, #tpu.memory_space<vmem>> -> memref<16x128xf32, #tpu.memory_space<vmem>>
        %dma_start3A_225 = arith.constant 0 : i32
        %dma_start3A_226 = arith.constant 0 : i32
        %dma_start3A_227 = tpu.memref_slice %arg16[%dma_start3A_225, %dma_start3A_226] : memref<10000x128xf32, #tpu.memory_space<vmem_shared>> -> memref<10000x128xf32, #tpu.memory_space<vmem_shared>>
        tpu.enqueue_indirect_dma source(%dma_start3A_224 : memref<16x128xf32, #tpu.memory_space<vmem>>) target(%dma_start3A_227 : memref<10000x128xf32, #tpu.memory_space<vmem_shared>>) offsets(%get3A_221 : vector<16xi32>) semaphore(%arg24 : memref<!tpu.dma_semaphore, #tpu.memory_space<semaphore_mem>>) {add = true}
        %dma_wait3A_228 = arith.constant 0 : i32
        %dma_wait3A_229 = arith.constant 0 : i32
        %dma_wait3A_230 = tpu.memref_slice %arg9[%dma_wait3A_228, %dma_wait3A_229] : memref<32x128xf32, #tpu.memory_space<vmem>> -> memref<16x128xf32, #tpu.memory_space<vmem>>
        %dma_wait3A_231 = arith.constant 0 : i32
        %dma_wait3A_232 = arith.constant 0 : i32
        %dma_wait3A_233 = tpu.memref_slice %arg16[%dma_wait3A_231, %dma_wait3A_232] : memref<10000x128xf32, #tpu.memory_space<vmem_shared>> -> memref<10000x128xf32, #tpu.memory_space<vmem_shared>>
        tpu.wait_indirect_dma semaphore(%arg24 : memref<!tpu.dma_semaphore, #tpu.memory_space<semaphore_mem>>) src(%dma_wait3A_230 : memref<16x128xf32, #tpu.memory_space<vmem>>) dst(%dma_wait3A_233 : memref<10000x128xf32, #tpu.memory_space<vmem_shared>>)
        %dma_wait3A_234 = arith.constant 16 : i32
        %dma_wait3A_235 = arith.constant 0 : i32
        %dma_wait3A_236 = tpu.memref_slice %arg9[%dma_wait3A_234, %dma_wait3A_235] : memref<32x128xf32, #tpu.memory_space<vmem>> -> memref<16x128xf32, #tpu.memory_space<vmem>>
        %dma_wait3A_237 = arith.constant 0 : i32
        %dma_wait3A_238 = arith.constant 0 : i32
        %dma_wait3A_239 = tpu.memref_slice %arg16[%dma_wait3A_237, %dma_wait3A_238] : memref<10000x128xf32, #tpu.memory_space<vmem_shared>> -> memref<10000x128xf32, #tpu.memory_space<vmem_shared>>
        tpu.wait_indirect_dma semaphore(%arg24 : memref<!tpu.dma_semaphore, #tpu.memory_space<semaphore_mem>>) src(%dma_wait3A_236 : memref<16x128xf32, #tpu.memory_space<vmem>>) dst(%dma_wait3A_239 : memref<10000x128xf32, #tpu.memory_space<vmem_shared>>)
      } else {
      }
      %add3A_109 = arith.constant 7 : i32
      %add3A_110 = arith.addi %add3A_104, %add3A_109 : i32
      %lt3A_111 = arith.cmpi slt, %add3A_110, %mul3A_23 : i32
      %convert_element_type3A_112 = arith.extui %lt3A_111 : i1 to i32
      %cond3A_113 = arith.constant 0 : i32
      %cond3A_114 = arith.cmpi ne, %convert_element_type3A_112, %cond3A_113 : i32
      scf.if %cond3A_114 {
        %add3A_199 = arith.constant 7 : i32
        %add3A_200 = arith.addi %add3A_104, %add3A_199 : i32
        %mul3A_201 = arith.constant 32 : i32
        %mul3A_202 = arith.muli %add3A_200, %mul3A_201 : i32
        %dma_start3A_203 = tpu.memref_slice %arg7[%mul3A_202] : memref<10112xi32, #tpu.memory_space<vmem>> -> memref<32xi32, #tpu.memory_space<vmem>>
        %dma_start3A_204 = arith.constant 0 : i32
        %dma_start3A_205 = arith.constant 0 : i32
        %dma_start3A_206 = tpu.memref_slice %arg4[%dma_start3A_204, %dma_start3A_205] : memref<160000x128xf32, #tpu.memory_space<hbm>> -> memref<160000x128xf32, #tpu.memory_space<hbm>>
        tpu.enqueue_indirect_dma source(%dma_start3A_206 : memref<160000x128xf32, #tpu.memory_space<hbm>>) target(%arg9 : memref<32x128xf32, #tpu.memory_space<vmem>>) offsets(%dma_start3A_203 : memref<32xi32, #tpu.memory_space<vmem>>) semaphore(%arg17 : memref<!tpu.dma_semaphore, #tpu.memory_space<semaphore_mem>>)
      } else {
      }
      %mul3A_115 = arith.constant 7 : i32
      %mul3A_116 = arith.muli %mul3A_115, %while3A_100 : i32
      %add3A_117 = arith.constant 1 : i32
      %add3A_118 = arith.addi %mul3A_116, %add3A_117 : i32
      %lt3A_119 = arith.cmpi slt, %add3A_118, %mul3A_23 : i32
      %convert_element_type3A_120 = arith.extui %lt3A_119 : i1 to i32
      %cond3A_121 = arith.constant 0 : i32
      %cond3A_122 = arith.cmpi ne, %convert_element_type3A_120, %cond3A_121 : i32
      scf.if %cond3A_122 {
        %dma_wait3A = arith.constant 0 : i32
        %dma_wait3A_199 = tpu.memref_slice %arg7[%dma_wait3A] : memref<10112xi32, #tpu.memory_space<vmem>> -> memref<32xi32, #tpu.memory_space<vmem>>
        %dma_wait3A_200 = arith.constant 0 : i32
        %dma_wait3A_201 = arith.constant 0 : i32
        %dma_wait3A_202 = tpu.memref_slice %arg4[%dma_wait3A_200, %dma_wait3A_201] : memref<160000x128xf32, #tpu.memory_space<hbm>> -> memref<160000x128xf32, #tpu.memory_space<hbm>>
        tpu.wait_indirect_dma semaphore(%arg18 : memref<!tpu.dma_semaphore, #tpu.memory_space<semaphore_mem>>) src(%dma_wait3A_202 : memref<160000x128xf32, #tpu.memory_space<hbm>>) dst(%arg10 : memref<32x128xf32, #tpu.memory_space<vmem>>)
        %mul3A_203 = arith.constant 32 : i32
        %mul3A_204 = arith.muli %add3A_118, %mul3A_203 : i32
        %add3A_205 = arith.constant 0 : i32
        %add3A_206 = arith.addi %mul3A_204, %add3A_205 : i32
        %get3A = arith.index_cast %add3A_206 : i32 to index
        %get3A_207 = tpu.vector_load %arg8[%get3A] {strides = array<i32>} : memref<10112xi32, #tpu.memory_space<vmem>>, vector<16xi32>,
        %get3A_208 = vector.shape_cast %get3A_207 : vector<16xi32> to vector<16xi32>
        %dma_start3A_209 = arith.constant 0 : i32
        %dma_start3A_210 = arith.constant 0 : i32
        %dma_start3A_211 = tpu.memref_slice %arg10[%dma_start3A_209, %dma_start3A_210] : memref<32x128xf32, #tpu.memory_space<vmem>> -> memref<16x128xf32, #tpu.memory_space<vmem>>
        %dma_start3A_212 = arith.constant 0 : i32
        %dma_start3A_213 = arith.constant 0 : i32
        %dma_start3A_214 = tpu.memref_slice %arg16[%dma_start3A_212, %dma_start3A_213] : memref<10000x128xf32, #tpu.memory_space<vmem_shared>> -> memref<10000x128xf32, #tpu.memory_space<vmem_shared>>
        tpu.enqueue_indirect_dma source(%dma_start3A_211 : memref<16x128xf32, #tpu.memory_space<vmem>>) target(%dma_start3A_214 : memref<10000x128xf32, #tpu.memory_space<vmem_shared>>) offsets(%get3A_208 : vector<16xi32>) semaphore(%arg24 : memref<!tpu.dma_semaphore, #tpu.memory_space<semaphore_mem>>) {add = true}
        %mul3A_215 = arith.constant 32 : i32
        %mul3A_216 = arith.muli %add3A_118, %mul3A_215 : i32
        %add3A_217 = arith.constant 16 : i32
        %add3A_218 = arith.addi %mul3A_216, %add3A_217 : i32
        %get3A_219 = arith.index_cast %add3A_218 : i32 to index
        %get3A_220 = tpu.vector_load %arg8[%get3A_219] {strides = array<i32>} : memref<10112xi32, #tpu.memory_space<vmem>>, vector<16xi32>,
        %get3A_221 = vector.shape_cast %get3A_220 : vector<16xi32> to vector<16xi32>
        %dma_start3A_222 = arith.constant 16 : i32
        %dma_start3A_223 = arith.constant 0 : i32
        %dma_start3A_224 = tpu.memref_slice %arg10[%dma_start3A_222, %dma_start3A_223] : memref<32x128xf32, #tpu.memory_space<vmem>> -> memref<16x128xf32, #tpu.memory_space<vmem>>
        %dma_start3A_225 = arith.constant 0 : i32
        %dma_start3A_226 = arith.constant 0 : i32
        %dma_start3A_227 = tpu.memref_slice %arg16[%dma_start3A_225, %dma_start3A_226] : memref<10000x128xf32, #tpu.memory_space<vmem_shared>> -> memref<10000x128xf32, #tpu.memory_space<vmem_shared>>
        tpu.enqueue_indirect_dma source(%dma_start3A_224 : memref<16x128xf32, #tpu.memory_space<vmem>>) target(%dma_start3A_227 : memref<10000x128xf32, #tpu.memory_space<vmem_shared>>) offsets(%get3A_221 : vector<16xi32>) semaphore(%arg24 : memref<!tpu.dma_semaphore, #tpu.memory_space<semaphore_mem>>) {add = true}
        %dma_wait3A_228 = arith.constant 0 : i32
        %dma_wait3A_229 = arith.constant 0 : i32
        %dma_wait3A_230 = tpu.memref_slice %arg10[%dma_wait3A_228, %dma_wait3A_229] : memref<32x128xf32, #tpu.memory_space<vmem>> -> memref<16x128xf32, #tpu.memory_space<vmem>>
        %dma_wait3A_231 = arith.constant 0 : i32
        %dma_wait3A_232 = arith.constant 0 : i32
        %dma_wait3A_233 = tpu.memref_slice %arg16[%dma_wait3A_231, %dma_wait3A_232] : memref<10000x128xf32, #tpu.memory_space<vmem_shared>> -> memref<10000x128xf32, #tpu.memory_space<vmem_shared>>
        tpu.wait_indirect_dma semaphore(%arg24 : memref<!tpu.dma_semaphore, #tpu.memory_space<semaphore_mem>>) src(%dma_wait3A_230 : memref<16x128xf32, #tpu.memory_space<vmem>>) dst(%dma_wait3A_233 : memref<10000x128xf32, #tpu.memory_space<vmem_shared>>)
        %dma_wait3A_234 = arith.constant 16 : i32
        %dma_wait3A_235 = arith.constant 0 : i32
        %dma_wait3A_236 = tpu.memref_slice %arg10[%dma_wait3A_234, %dma_wait3A_235] : memref<32x128xf32, #tpu.memory_space<vmem>> -> memref<16x128xf32, #tpu.memory_space<vmem>>
        %dma_wait3A_237 = arith.constant 0 : i32
        %dma_wait3A_238 = arith.constant 0 : i32
        %dma_wait3A_239 = tpu.memref_slice %arg16[%dma_wait3A_237, %dma_wait3A_238] : memref<10000x128xf32, #tpu.memory_space<vmem_shared>> -> memref<10000x128xf32, #tpu.memory_space<vmem_shared>>
        tpu.wait_indirect_dma semaphore(%arg24 : memref<!tpu.dma_semaphore, #tpu.memory_space<semaphore_mem>>) src(%dma_wait3A_236 : memref<16x128xf32, #tpu.memory_space<vmem>>) dst(%dma_wait3A_239 : memref<10000x128xf32, #tpu.memory_space<vmem_shared>>)
      } else {
      }
      %add3A_123 = arith.constant 7 : i32
      %add3A_124 = arith.addi %add3A_118, %add3A_123 : i32
      %lt3A_125 = arith.cmpi slt, %add3A_124, %mul3A_23 : i32
      %convert_element_type3A_126 = arith.extui %lt3A_125 : i1 to i32
      %cond3A_127 = arith.constant 0 : i32
      %cond3A_128 = arith.cmpi ne, %convert_element_type3A_126, %cond3A_127 : i32
      scf.if %cond3A_128 {
        %add3A_199 = arith.constant 7 : i32
        %add3A_200 = arith.addi %add3A_118, %add3A_199 : i32
        %mul3A_201 = arith.constant 32 : i32
        %mul3A_202 = arith.muli %add3A_200, %mul3A_201 : i32
        %dma_start3A_203 = tpu.memref_slice %arg7[%mul3A_202] : memref<10112xi32, #tpu.memory_space<vmem>> -> memref<32xi32, #tpu.memory_space<vmem>>
        %dma_start3A_204 = arith.constant 0 : i32
        %dma_start3A_205 = arith.constant 0 : i32
        %dma_start3A_206 = tpu.memref_slice %arg4[%dma_start3A_204, %dma_start3A_205] : memref<160000x128xf32, #tpu.memory_space<hbm>> -> memref<160000x128xf32, #tpu.memory_space<hbm>>
        tpu.enqueue_indirect_dma source(%dma_start3A_206 : memref<160000x128xf32, #tpu.memory_space<hbm>>) target(%arg10 : memref<32x128xf32, #tpu.memory_space<vmem>>) offsets(%dma_start3A_203 : memref<32xi32, #tpu.memory_space<vmem>>) semaphore(%arg18 : memref<!tpu.dma_semaphore, #tpu.memory_space<semaphore_mem>>)
      } else {
      }
      %mul3A_129 = arith.constant 7 : i32
      %mul3A_130 = arith.muli %mul3A_129, %while3A_100 : i32
      %add3A_131 = arith.constant 2 : i32
      %add3A_132 = arith.addi %mul3A_130, %add3A_131 : i32
      %lt3A_133 = arith.cmpi slt, %add3A_132, %mul3A_23 : i32
      %convert_element_type3A_134 = arith.extui %lt3A_133 : i1 to i32
      %cond3A_135 = arith.constant 0 : i32
      %cond3A_136 = arith.cmpi ne, %convert_element_type3A_134, %cond3A_135 : i32
      scf.if %cond3A_136 {
        %dma_wait3A = arith.constant 0 : i32
        %dma_wait3A_199 = tpu.memref_slice %arg7[%dma_wait3A] : memref<10112xi32, #tpu.memory_space<vmem>> -> memref<32xi32, #tpu.memory_space<vmem>>
        %dma_wait3A_200 = arith.constant 0 : i32
        %dma_wait3A_201 = arith.constant 0 : i32
        %dma_wait3A_202 = tpu.memref_slice %arg4[%dma_wait3A_200, %dma_wait3A_201] : memref<160000x128xf32, #tpu.memory_space<hbm>> -> memref<160000x128xf32, #tpu.memory_space<hbm>>
        tpu.wait_indirect_dma semaphore(%arg19 : memref<!tpu.dma_semaphore, #tpu.memory_space<semaphore_mem>>) src(%dma_wait3A_202 : memref<160000x128xf32, #tpu.memory_space<hbm>>) dst(%arg11 : memref<32x128xf32, #tpu.memory_space<vmem>>)
        %mul3A_203 = arith.constant 32 : i32
        %mul3A_204 = arith.muli %add3A_132, %mul3A_203 : i32
        %add3A_205 = arith.constant 0 : i32
        %add3A_206 = arith.addi %mul3A_204, %add3A_205 : i32
        %get3A = arith.index_cast %add3A_206 : i32 to index
        %get3A_207 = tpu.vector_load %arg8[%get3A] {strides = array<i32>} : memref<10112xi32, #tpu.memory_space<vmem>>, vector<16xi32>,
        %get3A_208 = vector.shape_cast %get3A_207 : vector<16xi32> to vector<16xi32>
        %dma_start3A_209 = arith.constant 0 : i32
        %dma_start3A_210 = arith.constant 0 : i32
        %dma_start3A_211 = tpu.memref_slice %arg11[%dma_start3A_209, %dma_start3A_210] : memref<32x128xf32, #tpu.memory_space<vmem>> -> memref<16x128xf32, #tpu.memory_space<vmem>>
        %dma_start3A_212 = arith.constant 0 : i32
        %dma_start3A_213 = arith.constant 0 : i32
        %dma_start3A_214 = tpu.memref_slice %arg16[%dma_start3A_212, %dma_start3A_213] : memref<10000x128xf32, #tpu.memory_space<vmem_shared>> -> memref<10000x128xf32, #tpu.memory_space<vmem_shared>>
        tpu.enqueue_indirect_dma source(%dma_start3A_211 : memref<16x128xf32, #tpu.memory_space<vmem>>) target(%dma_start3A_214 : memref<10000x128xf32, #tpu.memory_space<vmem_shared>>) offsets(%get3A_208 : vector<16xi32>) semaphore(%arg24 : memref<!tpu.dma_semaphore, #tpu.memory_space<semaphore_mem>>) {add = true}
        %mul3A_215 = arith.constant 32 : i32
        %mul3A_216 = arith.muli %add3A_132, %mul3A_215 : i32
        %add3A_217 = arith.constant 16 : i32
        %add3A_218 = arith.addi %mul3A_216, %add3A_217 : i32
        %get3A_219 = arith.index_cast %add3A_218 : i32 to index
        %get3A_220 = tpu.vector_load %arg8[%get3A_219] {strides = array<i32>} : memref<10112xi32, #tpu.memory_space<vmem>>, vector<16xi32>,
        %get3A_221 = vector.shape_cast %get3A_220 : vector<16xi32> to vector<16xi32>
        %dma_start3A_222 = arith.constant 16 : i32
        %dma_start3A_223 = arith.constant 0 : i32
        %dma_start3A_224 = tpu.memref_slice %arg11[%dma_start3A_222, %dma_start3A_223] : memref<32x128xf32, #tpu.memory_space<vmem>> -> memref<16x128xf32, #tpu.memory_space<vmem>>
        %dma_start3A_225 = arith.constant 0 : i32
        %dma_start3A_226 = arith.constant 0 : i32
        %dma_start3A_227 = tpu.memref_slice %arg16[%dma_start3A_225, %dma_start3A_226] : memref<10000x128xf32, #tpu.memory_space<vmem_shared>> -> memref<10000x128xf32, #tpu.memory_space<vmem_shared>>
        tpu.enqueue_indirect_dma source(%dma_start3A_224 : memref<16x128xf32, #tpu.memory_space<vmem>>) target(%dma_start3A_227 : memref<10000x128xf32, #tpu.memory_space<vmem_shared>>) offsets(%get3A_221 : vector<16xi32>) semaphore(%arg24 : memref<!tpu.dma_semaphore, #tpu.memory_space<semaphore_mem>>) {add = true}
        %dma_wait3A_228 = arith.constant 0 : i32
        %dma_wait3A_229 = arith.constant 0 : i32
        %dma_wait3A_230 = tpu.memref_slice %arg11[%dma_wait3A_228, %dma_wait3A_229] : memref<32x128xf32, #tpu.memory_space<vmem>> -> memref<16x128xf32, #tpu.memory_space<vmem>>
        %dma_wait3A_231 = arith.constant 0 : i32
        %dma_wait3A_232 = arith.constant 0 : i32
        %dma_wait3A_233 = tpu.memref_slice %arg16[%dma_wait3A_231, %dma_wait3A_232] : memref<10000x128xf32, #tpu.memory_space<vmem_shared>> -> memref<10000x128xf32, #tpu.memory_space<vmem_shared>>
        tpu.wait_indirect_dma semaphore(%arg24 : memref<!tpu.dma_semaphore, #tpu.memory_space<semaphore_mem>>) src(%dma_wait3A_230 : memref<16x128xf32, #tpu.memory_space<vmem>>) dst(%dma_wait3A_233 : memref<10000x128xf32, #tpu.memory_space<vmem_shared>>)
        %dma_wait3A_234 = arith.constant 16 : i32
        %dma_wait3A_235 = arith.constant 0 : i32
        %dma_wait3A_236 = tpu.memref_slice %arg11[%dma_wait3A_234, %dma_wait3A_235] : memref<32x128xf32, #tpu.memory_space<vmem>> -> memref<16x128xf32, #tpu.memory_space<vmem>>
        %dma_wait3A_237 = arith.constant 0 : i32
        %dma_wait3A_238 = arith.constant 0 : i32
        %dma_wait3A_239 = tpu.memref_slice %arg16[%dma_wait3A_237, %dma_wait3A_238] : memref<10000x128xf32, #tpu.memory_space<vmem_shared>> -> memref<10000x128xf32, #tpu.memory_space<vmem_shared>>
        tpu.wait_indirect_dma semaphore(%arg24 : memref<!tpu.dma_semaphore, #tpu.memory_space<semaphore_mem>>) src(%dma_wait3A_236 : memref<16x128xf32, #tpu.memory_space<vmem>>) dst(%dma_wait3A_239 : memref<10000x128xf32, #tpu.memory_space<vmem_shared>>)
      } else {
      }
      %add3A_137 = arith.constant 7 : i32
      %add3A_138 = arith.addi %add3A_132, %add3A_137 : i32
      %lt3A_139 = arith.cmpi slt, %add3A_138, %mul3A_23 : i32
      %convert_element_type3A_140 = arith.extui %lt3A_139 : i1 to i32
      %cond3A_141 = arith.constant 0 : i32
      %cond3A_142 = arith.cmpi ne, %convert_element_type3A_140, %cond3A_141 : i32
      scf.if %cond3A_142 {
        %add3A_199 = arith.constant 7 : i32
        %add3A_200 = arith.addi %add3A_132, %add3A_199 : i32
        %mul3A_201 = arith.constant 32 : i32
        %mul3A_202 = arith.muli %add3A_200, %mul3A_201 : i32
        %dma_start3A_203 = tpu.memref_slice %arg7[%mul3A_202] : memref<10112xi32, #tpu.memory_space<vmem>> -> memref<32xi32, #tpu.memory_space<vmem>>
        %dma_start3A_204 = arith.constant 0 : i32
        %dma_start3A_205 = arith.constant 0 : i32
        %dma_start3A_206 = tpu.memref_slice %arg4[%dma_start3A_204, %dma_start3A_205] : memref<160000x128xf32, #tpu.memory_space<hbm>> -> memref<160000x128xf32, #tpu.memory_space<hbm>>
        tpu.enqueue_indirect_dma source(%dma_start3A_206 : memref<160000x128xf32, #tpu.memory_space<hbm>>) target(%arg11 : memref<32x128xf32, #tpu.memory_space<vmem>>) offsets(%dma_start3A_203 : memref<32xi32, #tpu.memory_space<vmem>>) semaphore(%arg19 : memref<!tpu.dma_semaphore, #tpu.memory_space<semaphore_mem>>)
      } else {
      }
      %mul3A_143 = arith.constant 7 : i32
      %mul3A_144 = arith.muli %mul3A_143, %while3A_100 : i32
      %add3A_145 = arith.constant 3 : i32
      %add3A_146 = arith.addi %mul3A_144, %add3A_145 : i32
      %lt3A_147 = arith.cmpi slt, %add3A_146, %mul3A_23 : i32
      %convert_element_type3A_148 = arith.extui %lt3A_147 : i1 to i32
      %cond3A_149 = arith.constant 0 : i32
      %cond3A_150 = arith.cmpi ne, %convert_element_type3A_148, %cond3A_149 : i32
      scf.if %cond3A_150 {
        %dma_wait3A = arith.constant 0 : i32
        %dma_wait3A_199 = tpu.memref_slice %arg7[%dma_wait3A] : memref<10112xi32, #tpu.memory_space<vmem>> -> memref<32xi32, #tpu.memory_space<vmem>>
        %dma_wait3A_200 = arith.constant 0 : i32
        %dma_wait3A_201 = arith.constant 0 : i32
        %dma_wait3A_202 = tpu.memref_slice %arg4[%dma_wait3A_200, %dma_wait3A_201] : memref<160000x128xf32, #tpu.memory_space<hbm>> -> memref<160000x128xf32, #tpu.memory_space<hbm>>
        tpu.wait_indirect_dma semaphore(%arg20 : memref<!tpu.dma_semaphore, #tpu.memory_space<semaphore_mem>>) src(%dma_wait3A_202 : memref<160000x128xf32, #tpu.memory_space<hbm>>) dst(%arg12 : memref<32x128xf32, #tpu.memory_space<vmem>>)
        %mul3A_203 = arith.constant 32 : i32
        %mul3A_204 = arith.muli %add3A_146, %mul3A_203 : i32
        %add3A_205 = arith.constant 0 : i32
        %add3A_206 = arith.addi %mul3A_204, %add3A_205 : i32
        %get3A = arith.index_cast %add3A_206 : i32 to index
        %get3A_207 = tpu.vector_load %arg8[%get3A] {strides = array<i32>} : memref<10112xi32, #tpu.memory_space<vmem>>, vector<16xi32>,
        %get3A_208 = vector.shape_cast %get3A_207 : vector<16xi32> to vector<16xi32>
        %dma_start3A_209 = arith.constant 0 : i32
        %dma_start3A_210 = arith.constant 0 : i32
        %dma_start3A_211 = tpu.memref_slice %arg12[%dma_start3A_209, %dma_start3A_210] : memref<32x128xf32, #tpu.memory_space<vmem>> -> memref<16x128xf32, #tpu.memory_space<vmem>>
        %dma_start3A_212 = arith.constant 0 : i32
        %dma_start3A_213 = arith.constant 0 : i32
        %dma_start3A_214 = tpu.memref_slice %arg16[%dma_start3A_212, %dma_start3A_213] : memref<10000x128xf32, #tpu.memory_space<vmem_shared>> -> memref<10000x128xf32, #tpu.memory_space<vmem_shared>>
        tpu.enqueue_indirect_dma source(%dma_start3A_211 : memref<16x128xf32, #tpu.memory_space<vmem>>) target(%dma_start3A_214 : memref<10000x128xf32, #tpu.memory_space<vmem_shared>>) offsets(%get3A_208 : vector<16xi32>) semaphore(%arg24 : memref<!tpu.dma_semaphore, #tpu.memory_space<semaphore_mem>>) {add = true}
        %mul3A_215 = arith.constant 32 : i32
        %mul3A_216 = arith.muli %add3A_146, %mul3A_215 : i32
        %add3A_217 = arith.constant 16 : i32
        %add3A_218 = arith.addi %mul3A_216, %add3A_217 : i32
        %get3A_219 = arith.index_cast %add3A_218 : i32 to index
        %get3A_220 = tpu.vector_load %arg8[%get3A_219] {strides = array<i32>} : memref<10112xi32, #tpu.memory_space<vmem>>, vector<16xi32>,
        %get3A_221 = vector.shape_cast %get3A_220 : vector<16xi32> to vector<16xi32>
        %dma_start3A_222 = arith.constant 16 : i32
        %dma_start3A_223 = arith.constant 0 : i32
        %dma_start3A_224 = tpu.memref_slice %arg12[%dma_start3A_222, %dma_start3A_223] : memref<32x128xf32, #tpu.memory_space<vmem>> -> memref<16x128xf32, #tpu.memory_space<vmem>>
        %dma_start3A_225 = arith.constant 0 : i32
        %dma_start3A_226 = arith.constant 0 : i32
        %dma_start3A_227 = tpu.memref_slice %arg16[%dma_start3A_225, %dma_start3A_226] : memref<10000x128xf32, #tpu.memory_space<vmem_shared>> -> memref<10000x128xf32, #tpu.memory_space<vmem_shared>>
        tpu.enqueue_indirect_dma source(%dma_start3A_224 : memref<16x128xf32, #tpu.memory_space<vmem>>) target(%dma_start3A_227 : memref<10000x128xf32, #tpu.memory_space<vmem_shared>>) offsets(%get3A_221 : vector<16xi32>) semaphore(%arg24 : memref<!tpu.dma_semaphore, #tpu.memory_space<semaphore_mem>>) {add = true}
        %dma_wait3A_228 = arith.constant 0 : i32
        %dma_wait3A_229 = arith.constant 0 : i32
        %dma_wait3A_230 = tpu.memref_slice %arg12[%dma_wait3A_228, %dma_wait3A_229] : memref<32x128xf32, #tpu.memory_space<vmem>> -> memref<16x128xf32, #tpu.memory_space<vmem>>
        %dma_wait3A_231 = arith.constant 0 : i32
        %dma_wait3A_232 = arith.constant 0 : i32
        %dma_wait3A_233 = tpu.memref_slice %arg16[%dma_wait3A_231, %dma_wait3A_232] : memref<10000x128xf32, #tpu.memory_space<vmem_shared>> -> memref<10000x128xf32, #tpu.memory_space<vmem_shared>>
        tpu.wait_indirect_dma semaphore(%arg24 : memref<!tpu.dma_semaphore, #tpu.memory_space<semaphore_mem>>) src(%dma_wait3A_230 : memref<16x128xf32, #tpu.memory_space<vmem>>) dst(%dma_wait3A_233 : memref<10000x128xf32, #tpu.memory_space<vmem_shared>>)
        %dma_wait3A_234 = arith.constant 16 : i32
        %dma_wait3A_235 = arith.constant 0 : i32
        %dma_wait3A_236 = tpu.memref_slice %arg12[%dma_wait3A_234, %dma_wait3A_235] : memref<32x128xf32, #tpu.memory_space<vmem>> -> memref<16x128xf32, #tpu.memory_space<vmem>>
        %dma_wait3A_237 = arith.constant 0 : i32
        %dma_wait3A_238 = arith.constant 0 : i32
        %dma_wait3A_239 = tpu.memref_slice %arg16[%dma_wait3A_237, %dma_wait3A_238] : memref<10000x128xf32, #tpu.memory_space<vmem_shared>> -> memref<10000x128xf32, #tpu.memory_space<vmem_shared>>
        tpu.wait_indirect_dma semaphore(%arg24 : memref<!tpu.dma_semaphore, #tpu.memory_space<semaphore_mem>>) src(%dma_wait3A_236 : memref<16x128xf32, #tpu.memory_space<vmem>>) dst(%dma_wait3A_239 : memref<10000x128xf32, #tpu.memory_space<vmem_shared>>)
      } else {
      }
      %add3A_151 = arith.constant 7 : i32
      %add3A_152 = arith.addi %add3A_146, %add3A_151 : i32
      %lt3A_153 = arith.cmpi slt, %add3A_152, %mul3A_23 : i32
      %convert_element_type3A_154 = arith.extui %lt3A_153 : i1 to i32
      %cond3A_155 = arith.constant 0 : i32
      %cond3A_156 = arith.cmpi ne, %convert_element_type3A_154, %cond3A_155 : i32
      scf.if %cond3A_156 {
        %add3A_199 = arith.constant 7 : i32
        %add3A_200 = arith.addi %add3A_146, %add3A_199 : i32
        %mul3A_201 = arith.constant 32 : i32
        %mul3A_202 = arith.muli %add3A_200, %mul3A_201 : i32
        %dma_start3A_203 = tpu.memref_slice %arg7[%mul3A_202] : memref<10112xi32, #tpu.memory_space<vmem>> -> memref<32xi32, #tpu.memory_space<vmem>>
        %dma_start3A_204 = arith.constant 0 : i32
        %dma_start3A_205 = arith.constant 0 : i32
        %dma_start3A_206 = tpu.memref_slice %arg4[%dma_start3A_204, %dma_start3A_205] : memref<160000x128xf32, #tpu.memory_space<hbm>> -> memref<160000x128xf32, #tpu.memory_space<hbm>>
        tpu.enqueue_indirect_dma source(%dma_start3A_206 : memref<160000x128xf32, #tpu.memory_space<hbm>>) target(%arg12 : memref<32x128xf32, #tpu.memory_space<vmem>>) offsets(%dma_start3A_203 : memref<32xi32, #tpu.memory_space<vmem>>) semaphore(%arg20 : memref<!tpu.dma_semaphore, #tpu.memory_space<semaphore_mem>>)
      } else {
      }
      %mul3A_157 = arith.constant 7 : i32
      %mul3A_158 = arith.muli %mul3A_157, %while3A_100 : i32
      %add3A_159 = arith.constant 4 : i32
      %add3A_160 = arith.addi %mul3A_158, %add3A_159 : i32
      %lt3A_161 = arith.cmpi slt, %add3A_160, %mul3A_23 : i32
      %convert_element_type3A_162 = arith.extui %lt3A_161 : i1 to i32
      %cond3A_163 = arith.constant 0 : i32
      %cond3A_164 = arith.cmpi ne, %convert_element_type3A_162, %cond3A_163 : i32
      scf.if %cond3A_164 {
        %dma_wait3A = arith.constant 0 : i32
        %dma_wait3A_199 = tpu.memref_slice %arg7[%dma_wait3A] : memref<10112xi32, #tpu.memory_space<vmem>> -> memref<32xi32, #tpu.memory_space<vmem>>
        %dma_wait3A_200 = arith.constant 0 : i32
        %dma_wait3A_201 = arith.constant 0 : i32
        %dma_wait3A_202 = tpu.memref_slice %arg4[%dma_wait3A_200, %dma_wait3A_201] : memref<160000x128xf32, #tpu.memory_space<hbm>> -> memref<160000x128xf32, #tpu.memory_space<hbm>>
        tpu.wait_indirect_dma semaphore(%arg21 : memref<!tpu.dma_semaphore, #tpu.memory_space<semaphore_mem>>) src(%dma_wait3A_202 : memref<160000x128xf32, #tpu.memory_space<hbm>>) dst(%arg13 : memref<32x128xf32, #tpu.memory_space<vmem>>)
        %mul3A_203 = arith.constant 32 : i32
        %mul3A_204 = arith.muli %add3A_160, %mul3A_203 : i32
        %add3A_205 = arith.constant 0 : i32
        %add3A_206 = arith.addi %mul3A_204, %add3A_205 : i32
        %get3A = arith.index_cast %add3A_206 : i32 to index
        %get3A_207 = tpu.vector_load %arg8[%get3A] {strides = array<i32>} : memref<10112xi32, #tpu.memory_space<vmem>>, vector<16xi32>,
        %get3A_208 = vector.shape_cast %get3A_207 : vector<16xi32> to vector<16xi32>
        %dma_start3A_209 = arith.constant 0 : i32
        %dma_start3A_210 = arith.constant 0 : i32
        %dma_start3A_211 = tpu.memref_slice %arg13[%dma_start3A_209, %dma_start3A_210] : memref<32x128xf32, #tpu.memory_space<vmem>> -> memref<16x128xf32, #tpu.memory_space<vmem>>
        %dma_start3A_212 = arith.constant 0 : i32
        %dma_start3A_213 = arith.constant 0 : i32
        %dma_start3A_214 = tpu.memref_slice %arg16[%dma_start3A_212, %dma_start3A_213] : memref<10000x128xf32, #tpu.memory_space<vmem_shared>> -> memref<10000x128xf32, #tpu.memory_space<vmem_shared>>
        tpu.enqueue_indirect_dma source(%dma_start3A_211 : memref<16x128xf32, #tpu.memory_space<vmem>>) target(%dma_start3A_214 : memref<10000x128xf32, #tpu.memory_space<vmem_shared>>) offsets(%get3A_208 : vector<16xi32>) semaphore(%arg24 : memref<!tpu.dma_semaphore, #tpu.memory_space<semaphore_mem>>) {add = true}
        %mul3A_215 = arith.constant 32 : i32
        %mul3A_216 = arith.muli %add3A_160, %mul3A_215 : i32
        %add3A_217 = arith.constant 16 : i32
        %add3A_218 = arith.addi %mul3A_216, %add3A_217 : i32
        %get3A_219 = arith.index_cast %add3A_218 : i32 to index
        %get3A_220 = tpu.vector_load %arg8[%get3A_219] {strides = array<i32>} : memref<10112xi32, #tpu.memory_space<vmem>>, vector<16xi32>,
        %get3A_221 = vector.shape_cast %get3A_220 : vector<16xi32> to vector<16xi32>
        %dma_start3A_222 = arith.constant 16 : i32
        %dma_start3A_223 = arith.constant 0 : i32
        %dma_start3A_224 = tpu.memref_slice %arg13[%dma_start3A_222, %dma_start3A_223] : memref<32x128xf32, #tpu.memory_space<vmem>> -> memref<16x128xf32, #tpu.memory_space<vmem>>
        %dma_start3A_225 = arith.constant 0 : i32
        %dma_start3A_226 = arith.constant 0 : i32
        %dma_start3A_227 = tpu.memref_slice %arg16[%dma_start3A_225, %dma_start3A_226] : memref<10000x128xf32, #tpu.memory_space<vmem_shared>> -> memref<10000x128xf32, #tpu.memory_space<vmem_shared>>
        tpu.enqueue_indirect_dma source(%dma_start3A_224 : memref<16x128xf32, #tpu.memory_space<vmem>>) target(%dma_start3A_227 : memref<10000x128xf32, #tpu.memory_space<vmem_shared>>) offsets(%get3A_221 : vector<16xi32>) semaphore(%arg24 : memref<!tpu.dma_semaphore, #tpu.memory_space<semaphore_mem>>) {add = true}
        %dma_wait3A_228 = arith.constant 0 : i32
        %dma_wait3A_229 = arith.constant 0 : i32
        %dma_wait3A_230 = tpu.memref_slice %arg13[%dma_wait3A_228, %dma_wait3A_229] : memref<32x128xf32, #tpu.memory_space<vmem>> -> memref<16x128xf32, #tpu.memory_space<vmem>>
        %dma_wait3A_231 = arith.constant 0 : i32
        %dma_wait3A_232 = arith.constant 0 : i32
        %dma_wait3A_233 = tpu.memref_slice %arg16[%dma_wait3A_231, %dma_wait3A_232] : memref<10000x128xf32, #tpu.memory_space<vmem_shared>> -> memref<10000x128xf32, #tpu.memory_space<vmem_shared>>
        tpu.wait_indirect_dma semaphore(%arg24 : memref<!tpu.dma_semaphore, #tpu.memory_space<semaphore_mem>>) src(%dma_wait3A_230 : memref<16x128xf32, #tpu.memory_space<vmem>>) dst(%dma_wait3A_233 : memref<10000x128xf32, #tpu.memory_space<vmem_shared>>)
        %dma_wait3A_234 = arith.constant 16 : i32
        %dma_wait3A_235 = arith.constant 0 : i32
        %dma_wait3A_236 = tpu.memref_slice %arg13[%dma_wait3A_234, %dma_wait3A_235] : memref<32x128xf32, #tpu.memory_space<vmem>> -> memref<16x128xf32, #tpu.memory_space<vmem>>
        %dma_wait3A_237 = arith.constant 0 : i32
        %dma_wait3A_238 = arith.constant 0 : i32
        %dma_wait3A_239 = tpu.memref_slice %arg16[%dma_wait3A_237, %dma_wait3A_238] : memref<10000x128xf32, #tpu.memory_space<vmem_shared>> -> memref<10000x128xf32, #tpu.memory_space<vmem_shared>>
        tpu.wait_indirect_dma semaphore(%arg24 : memref<!tpu.dma_semaphore, #tpu.memory_space<semaphore_mem>>) src(%dma_wait3A_236 : memref<16x128xf32, #tpu.memory_space<vmem>>) dst(%dma_wait3A_239 : memref<10000x128xf32, #tpu.memory_space<vmem_shared>>)
      } else {
      }
      %add3A_165 = arith.constant 7 : i32
      %add3A_166 = arith.addi %add3A_160, %add3A_165 : i32
      %lt3A_167 = arith.cmpi slt, %add3A_166, %mul3A_23 : i32
      %convert_element_type3A_168 = arith.extui %lt3A_167 : i1 to i32
      %cond3A_169 = arith.constant 0 : i32
      %cond3A_170 = arith.cmpi ne, %convert_element_type3A_168, %cond3A_169 : i32
      scf.if %cond3A_170 {
        %add3A_199 = arith.constant 7 : i32
        %add3A_200 = arith.addi %add3A_160, %add3A_199 : i32
        %mul3A_201 = arith.constant 32 : i32
        %mul3A_202 = arith.muli %add3A_200, %mul3A_201 : i32
        %dma_start3A_203 = tpu.memref_slice %arg7[%mul3A_202] : memref<10112xi32, #tpu.memory_space<vmem>> -> memref<32xi32, #tpu.memory_space<vmem>>
        %dma_start3A_204 = arith.constant 0 : i32
        %dma_start3A_205 = arith.constant 0 : i32
        %dma_start3A_206 = tpu.memref_slice %arg4[%dma_start3A_204, %dma_start3A_205] : memref<160000x128xf32, #tpu.memory_space<hbm>> -> memref<160000x128xf32, #tpu.memory_space<hbm>>
        tpu.enqueue_indirect_dma source(%dma_start3A_206 : memref<160000x128xf32, #tpu.memory_space<hbm>>) target(%arg13 : memref<32x128xf32, #tpu.memory_space<vmem>>) offsets(%dma_start3A_203 : memref<32xi32, #tpu.memory_space<vmem>>) semaphore(%arg21 : memref<!tpu.dma_semaphore, #tpu.memory_space<semaphore_mem>>)
      } else {
      }
      %mul3A_171 = arith.constant 7 : i32
      %mul3A_172 = arith.muli %mul3A_171, %while3A_100 : i32
      %add3A_173 = arith.constant 5 : i32
      %add3A_174 = arith.addi %mul3A_172, %add3A_173 : i32
      %lt3A_175 = arith.cmpi slt, %add3A_174, %mul3A_23 : i32
      %convert_element_type3A_176 = arith.extui %lt3A_175 : i1 to i32
      %cond3A_177 = arith.constant 0 : i32
      %cond3A_178 = arith.cmpi ne, %convert_element_type3A_176, %cond3A_177 : i32
      scf.if %cond3A_178 {
        %dma_wait3A = arith.constant 0 : i32
        %dma_wait3A_199 = tpu.memref_slice %arg7[%dma_wait3A] : memref<10112xi32, #tpu.memory_space<vmem>> -> memref<32xi32, #tpu.memory_space<vmem>>
        %dma_wait3A_200 = arith.constant 0 : i32
        %dma_wait3A_201 = arith.constant 0 : i32
        %dma_wait3A_202 = tpu.memref_slice %arg4[%dma_wait3A_200, %dma_wait3A_201] : memref<160000x128xf32, #tpu.memory_space<hbm>> -> memref<160000x128xf32, #tpu.memory_space<hbm>>
        tpu.wait_indirect_dma semaphore(%arg22 : memref<!tpu.dma_semaphore, #tpu.memory_space<semaphore_mem>>) src(%dma_wait3A_202 : memref<160000x128xf32, #tpu.memory_space<hbm>>) dst(%arg14 : memref<32x128xf32, #tpu.memory_space<vmem>>)
        %mul3A_203 = arith.constant 32 : i32
        %mul3A_204 = arith.muli %add3A_174, %mul3A_203 : i32
        %add3A_205 = arith.constant 0 : i32
        %add3A_206 = arith.addi %mul3A_204, %add3A_205 : i32
        %get3A = arith.index_cast %add3A_206 : i32 to index
        %get3A_207 = tpu.vector_load %arg8[%get3A] {strides = array<i32>} : memref<10112xi32, #tpu.memory_space<vmem>>, vector<16xi32>,
        %get3A_208 = vector.shape_cast %get3A_207 : vector<16xi32> to vector<16xi32>
        %dma_start3A_209 = arith.constant 0 : i32
        %dma_start3A_210 = arith.constant 0 : i32
        %dma_start3A_211 = tpu.memref_slice %arg14[%dma_start3A_209, %dma_start3A_210] : memref<32x128xf32, #tpu.memory_space<vmem>> -> memref<16x128xf32, #tpu.memory_space<vmem>>
        %dma_start3A_212 = arith.constant 0 : i32
        %dma_start3A_213 = arith.constant 0 : i32
        %dma_start3A_214 = tpu.memref_slice %arg16[%dma_start3A_212, %dma_start3A_213] : memref<10000x128xf32, #tpu.memory_space<vmem_shared>> -> memref<10000x128xf32, #tpu.memory_space<vmem_shared>>
        tpu.enqueue_indirect_dma source(%dma_start3A_211 : memref<16x128xf32, #tpu.memory_space<vmem>>) target(%dma_start3A_214 : memref<10000x128xf32, #tpu.memory_space<vmem_shared>>) offsets(%get3A_208 : vector<16xi32>) semaphore(%arg24 : memref<!tpu.dma_semaphore, #tpu.memory_space<semaphore_mem>>) {add = true}
        %mul3A_215 = arith.constant 32 : i32
        %mul3A_216 = arith.muli %add3A_174, %mul3A_215 : i32
        %add3A_217 = arith.constant 16 : i32
        %add3A_218 = arith.addi %mul3A_216, %add3A_217 : i32
        %get3A_219 = arith.index_cast %add3A_218 : i32 to index
        %get3A_220 = tpu.vector_load %arg8[%get3A_219] {strides = array<i32>} : memref<10112xi32, #tpu.memory_space<vmem>>, vector<16xi32>,
        %get3A_221 = vector.shape_cast %get3A_220 : vector<16xi32> to vector<16xi32>
        %dma_start3A_222 = arith.constant 16 : i32
        %dma_start3A_223 = arith.constant 0 : i32
        %dma_start3A_224 = tpu.memref_slice %arg14[%dma_start3A_222, %dma_start3A_223] : memref<32x128xf32, #tpu.memory_space<vmem>> -> memref<16x128xf32, #tpu.memory_space<vmem>>
        %dma_start3A_225 = arith.constant 0 : i32
        %dma_start3A_226 = arith.constant 0 : i32
        %dma_start3A_227 = tpu.memref_slice %arg16[%dma_start3A_225, %dma_start3A_226] : memref<10000x128xf32, #tpu.memory_space<vmem_shared>> -> memref<10000x128xf32, #tpu.memory_space<vmem_shared>>
        tpu.enqueue_indirect_dma source(%dma_start3A_224 : memref<16x128xf32, #tpu.memory_space<vmem>>) target(%dma_start3A_227 : memref<10000x128xf32, #tpu.memory_space<vmem_shared>>) offsets(%get3A_221 : vector<16xi32>) semaphore(%arg24 : memref<!tpu.dma_semaphore, #tpu.memory_space<semaphore_mem>>) {add = true}
        %dma_wait3A_228 = arith.constant 0 : i32
        %dma_wait3A_229 = arith.constant 0 : i32
        %dma_wait3A_230 = tpu.memref_slice %arg14[%dma_wait3A_228, %dma_wait3A_229] : memref<32x128xf32, #tpu.memory_space<vmem>> -> memref<16x128xf32, #tpu.memory_space<vmem>>
        %dma_wait3A_231 = arith.constant 0 : i32
        %dma_wait3A_232 = arith.constant 0 : i32
        %dma_wait3A_233 = tpu.memref_slice %arg16[%dma_wait3A_231, %dma_wait3A_232] : memref<10000x128xf32, #tpu.memory_space<vmem_shared>> -> memref<10000x128xf32, #tpu.memory_space<vmem_shared>>
        tpu.wait_indirect_dma semaphore(%arg24 : memref<!tpu.dma_semaphore, #tpu.memory_space<semaphore_mem>>) src(%dma_wait3A_230 : memref<16x128xf32, #tpu.memory_space<vmem>>) dst(%dma_wait3A_233 : memref<10000x128xf32, #tpu.memory_space<vmem_shared>>)
        %dma_wait3A_234 = arith.constant 16 : i32
        %dma_wait3A_235 = arith.constant 0 : i32
        %dma_wait3A_236 = tpu.memref_slice %arg14[%dma_wait3A_234, %dma_wait3A_235] : memref<32x128xf32, #tpu.memory_space<vmem>> -> memref<16x128xf32, #tpu.memory_space<vmem>>
        %dma_wait3A_237 = arith.constant 0 : i32
        %dma_wait3A_238 = arith.constant 0 : i32
        %dma_wait3A_239 = tpu.memref_slice %arg16[%dma_wait3A_237, %dma_wait3A_238] : memref<10000x128xf32, #tpu.memory_space<vmem_shared>> -> memref<10000x128xf32, #tpu.memory_space<vmem_shared>>
        tpu.wait_indirect_dma semaphore(%arg24 : memref<!tpu.dma_semaphore, #tpu.memory_space<semaphore_mem>>) src(%dma_wait3A_236 : memref<16x128xf32, #tpu.memory_space<vmem>>) dst(%dma_wait3A_239 : memref<10000x128xf32, #tpu.memory_space<vmem_shared>>)
      } else {
      }
      %add3A_179 = arith.constant 7 : i32
      %add3A_180 = arith.addi %add3A_174, %add3A_179 : i32
      %lt3A_181 = arith.cmpi slt, %add3A_180, %mul3A_23 : i32
      %convert_element_type3A_182 = arith.extui %lt3A_181 : i1 to i32
      %cond3A_183 = arith.constant 0 : i32
      %cond3A_184 = arith.cmpi ne, %convert_element_type3A_182, %cond3A_183 : i32
      scf.if %cond3A_184 {
        %add3A_199 = arith.constant 7 : i32
        %add3A_200 = arith.addi %add3A_174, %add3A_199 : i32
        %mul3A_201 = arith.constant 32 : i32
        %mul3A_202 = arith.muli %add3A_200, %mul3A_201 : i32
        %dma_start3A_203 = tpu.memref_slice %arg7[%mul3A_202] : memref<10112xi32, #tpu.memory_space<vmem>> -> memref<32xi32, #tpu.memory_space<vmem>>
        %dma_start3A_204 = arith.constant 0 : i32
        %dma_start3A_205 = arith.constant 0 : i32
        %dma_start3A_206 = tpu.memref_slice %arg4[%dma_start3A_204, %dma_start3A_205] : memref<160000x128xf32, #tpu.memory_space<hbm>> -> memref<160000x128xf32, #tpu.memory_space<hbm>>
        tpu.enqueue_indirect_dma source(%dma_start3A_206 : memref<160000x128xf32, #tpu.memory_space<hbm>>) target(%arg14 : memref<32x128xf32, #tpu.memory_space<vmem>>) offsets(%dma_start3A_203 : memref<32xi32, #tpu.memory_space<vmem>>) semaphore(%arg22 : memref<!tpu.dma_semaphore, #tpu.memory_space<semaphore_mem>>)
      } else {
      }
      %mul3A_185 = arith.constant 7 : i32
      %mul3A_186 = arith.muli %mul3A_185, %while3A_100 : i32
      %add3A_187 = arith.constant 6 : i32
      %add3A_188 = arith.addi %mul3A_186, %add3A_187 : i32
      %lt3A_189 = arith.cmpi slt, %add3A_188, %mul3A_23 : i32
      %convert_element_type3A_190 = arith.extui %lt3A_189 : i1 to i32
      %cond3A_191 = arith.constant 0 : i32
      %cond3A_192 = arith.cmpi ne, %convert_element_type3A_190, %cond3A_191 : i32
      scf.if %cond3A_192 {
        %dma_wait3A = arith.constant 0 : i32
        %dma_wait3A_199 = tpu.memref_slice %arg7[%dma_wait3A] : memref<10112xi32, #tpu.memory_space<vmem>> -> memref<32xi32, #tpu.memory_space<vmem>>
        %dma_wait3A_200 = arith.constant 0 : i32
        %dma_wait3A_201 = arith.constant 0 : i32
        %dma_wait3A_202 = tpu.memref_slice %arg4[%dma_wait3A_200, %dma_wait3A_201] : memref<160000x128xf32, #tpu.memory_space<hbm>> -> memref<160000x128xf32, #tpu.memory_space<hbm>>
        tpu.wait_indirect_dma semaphore(%arg23 : memref<!tpu.dma_semaphore, #tpu.memory_space<semaphore_mem>>) src(%dma_wait3A_202 : memref<160000x128xf32, #tpu.memory_space<hbm>>) dst(%arg15 : memref<32x128xf32, #tpu.memory_space<vmem>>)
        %mul3A_203 = arith.constant 32 : i32
        %mul3A_204 = arith.muli %add3A_188, %mul3A_203 : i32
        %add3A_205 = arith.constant 0 : i32
        %add3A_206 = arith.addi %mul3A_204, %add3A_205 : i32
        %get3A = arith.index_cast %add3A_206 : i32 to index
        %get3A_207 = tpu.vector_load %arg8[%get3A] {strides = array<i32>} : memref<10112xi32, #tpu.memory_space<vmem>>, vector<16xi32>,
        %get3A_208 = vector.shape_cast %get3A_207 : vector<16xi32> to vector<16xi32>
        %dma_start3A_209 = arith.constant 0 : i32
        %dma_start3A_210 = arith.constant 0 : i32
        %dma_start3A_211 = tpu.memref_slice %arg15[%dma_start3A_209, %dma_start3A_210] : memref<32x128xf32, #tpu.memory_space<vmem>> -> memref<16x128xf32, #tpu.memory_space<vmem>>
        %dma_start3A_212 = arith.constant 0 : i32
        %dma_start3A_213 = arith.constant 0 : i32
        %dma_start3A_214 = tpu.memref_slice %arg16[%dma_start3A_212, %dma_start3A_213] : memref<10000x128xf32, #tpu.memory_space<vmem_shared>> -> memref<10000x128xf32, #tpu.memory_space<vmem_shared>>
        tpu.enqueue_indirect_dma source(%dma_start3A_211 : memref<16x128xf32, #tpu.memory_space<vmem>>) target(%dma_start3A_214 : memref<10000x128xf32, #tpu.memory_space<vmem_shared>>) offsets(%get3A_208 : vector<16xi32>) semaphore(%arg24 : memref<!tpu.dma_semaphore, #tpu.memory_space<semaphore_mem>>) {add = true}
        %mul3A_215 = arith.constant 32 : i32
        %mul3A_216 = arith.muli %add3A_188, %mul3A_215 : i32
        %add3A_217 = arith.constant 16 : i32
        %add3A_218 = arith.addi %mul3A_216, %add3A_217 : i32
        %get3A_219 = arith.index_cast %add3A_218 : i32 to index
        %get3A_220 = tpu.vector_load %arg8[%get3A_219] {strides = array<i32>} : memref<10112xi32, #tpu.memory_space<vmem>>, vector<16xi32>,
        %get3A_221 = vector.shape_cast %get3A_220 : vector<16xi32> to vector<16xi32>
        %dma_start3A_222 = arith.constant 16 : i32
        %dma_start3A_223 = arith.constant 0 : i32
        %dma_start3A_224 = tpu.memref_slice %arg15[%dma_start3A_222, %dma_start3A_223] : memref<32x128xf32, #tpu.memory_space<vmem>> -> memref<16x128xf32, #tpu.memory_space<vmem>>
        %dma_start3A_225 = arith.constant 0 : i32
        %dma_start3A_226 = arith.constant 0 : i32
        %dma_start3A_227 = tpu.memref_slice %arg16[%dma_start3A_225, %dma_start3A_226] : memref<10000x128xf32, #tpu.memory_space<vmem_shared>> -> memref<10000x128xf32, #tpu.memory_space<vmem_shared>>
        tpu.enqueue_indirect_dma source(%dma_start3A_224 : memref<16x128xf32, #tpu.memory_space<vmem>>) target(%dma_start3A_227 : memref<10000x128xf32, #tpu.memory_space<vmem_shared>>) offsets(%get3A_221 : vector<16xi32>) semaphore(%arg24 : memref<!tpu.dma_semaphore, #tpu.memory_space<semaphore_mem>>) {add = true}
        %dma_wait3A_228 = arith.constant 0 : i32
        %dma_wait3A_229 = arith.constant 0 : i32
        %dma_wait3A_230 = tpu.memref_slice %arg15[%dma_wait3A_228, %dma_wait3A_229] : memref<32x128xf32, #tpu.memory_space<vmem>> -> memref<16x128xf32, #tpu.memory_space<vmem>>
        %dma_wait3A_231 = arith.constant 0 : i32
        %dma_wait3A_232 = arith.constant 0 : i32
        %dma_wait3A_233 = tpu.memref_slice %arg16[%dma_wait3A_231, %dma_wait3A_232] : memref<10000x128xf32, #tpu.memory_space<vmem_shared>> -> memref<10000x128xf32, #tpu.memory_space<vmem_shared>>
        tpu.wait_indirect_dma semaphore(%arg24 : memref<!tpu.dma_semaphore, #tpu.memory_space<semaphore_mem>>) src(%dma_wait3A_230 : memref<16x128xf32, #tpu.memory_space<vmem>>) dst(%dma_wait3A_233 : memref<10000x128xf32, #tpu.memory_space<vmem_shared>>)
        %dma_wait3A_234 = arith.constant 16 : i32
        %dma_wait3A_235 = arith.constant 0 : i32
        %dma_wait3A_236 = tpu.memref_slice %arg15[%dma_wait3A_234, %dma_wait3A_235] : memref<32x128xf32, #tpu.memory_space<vmem>> -> memref<16x128xf32, #tpu.memory_space<vmem>>
        %dma_wait3A_237 = arith.constant 0 : i32
        %dma_wait3A_238 = arith.constant 0 : i32
        %dma_wait3A_239 = tpu.memref_slice %arg16[%dma_wait3A_237, %dma_wait3A_238] : memref<10000x128xf32, #tpu.memory_space<vmem_shared>> -> memref<10000x128xf32, #tpu.memory_space<vmem_shared>>
        tpu.wait_indirect_dma semaphore(%arg24 : memref<!tpu.dma_semaphore, #tpu.memory_space<semaphore_mem>>) src(%dma_wait3A_236 : memref<16x128xf32, #tpu.memory_space<vmem>>) dst(%dma_wait3A_239 : memref<10000x128xf32, #tpu.memory_space<vmem_shared>>)
      } else {
      }
      %add3A_193 = arith.constant 7 : i32
      %add3A_194 = arith.addi %add3A_188, %add3A_193 : i32
      %lt3A_195 = arith.cmpi slt, %add3A_194, %mul3A_23 : i32
      %convert_element_type3A_196 = arith.extui %lt3A_195 : i1 to i32
      %cond3A_197 = arith.constant 0 : i32
      %cond3A_198 = arith.cmpi ne, %convert_element_type3A_196, %cond3A_197 : i32
      scf.if %cond3A_198 {
        %add3A_199 = arith.constant 7 : i32
        %add3A_200 = arith.addi %add3A_188, %add3A_199 : i32
        %mul3A_201 = arith.constant 32 : i32
        %mul3A_202 = arith.muli %add3A_200, %mul3A_201 : i32
        %dma_start3A_203 = tpu.memref_slice %arg7[%mul3A_202] : memref<10112xi32, #tpu.memory_space<vmem>> -> memref<32xi32, #tpu.memory_space<vmem>>
        %dma_start3A_204 = arith.constant 0 : i32
        %dma_start3A_205 = arith.constant 0 : i32
        %dma_start3A_206 = tpu.memref_slice %arg4[%dma_start3A_204, %dma_start3A_205] : memref<160000x128xf32, #tpu.memory_space<hbm>> -> memref<160000x128xf32, #tpu.memory_space<hbm>>
        tpu.enqueue_indirect_dma source(%dma_start3A_206 : memref<160000x128xf32, #tpu.memory_space<hbm>>) target(%arg15 : memref<32x128xf32, #tpu.memory_space<vmem>>) offsets(%dma_start3A_203 : memref<32xi32, #tpu.memory_space<vmem>>) semaphore(%arg23 : memref<!tpu.dma_semaphore, #tpu.memory_space<semaphore_mem>>)
      } else {
      }
    }
    %while3A_88 = arith.constant 1 : i32
    scf.for %while3A_100 = %while3A_86 to %while3A_82 step %while3A_88  : i32 {
      %mul3A_101 = arith.constant 7 : i32
      %mul3A_102 = arith.muli %mul3A_101, %while3A_100 : i32
      %add3A_103 = arith.constant 0 : i32
      %add3A_104 = arith.addi %mul3A_102, %add3A_103 : i32
      %lt3A_105 = arith.cmpi slt, %add3A_104, %mul3A_23 : i32
      %convert_element_type3A_106 = arith.extui %lt3A_105 : i1 to i32
      %cond3A_107 = arith.constant 0 : i32
      %cond3A_108 = arith.cmpi ne, %convert_element_type3A_106, %cond3A_107 : i32
      scf.if %cond3A_108 {
        %dma_wait3A = arith.constant 0 : i32
        %dma_wait3A_199 = tpu.memref_slice %arg7[%dma_wait3A] : memref<10112xi32, #tpu.memory_space<vmem>> -> memref<32xi32, #tpu.memory_space<vmem>>
        %dma_wait3A_200 = arith.constant 0 : i32
        %dma_wait3A_201 = arith.constant 0 : i32
        %dma_wait3A_202 = tpu.memref_slice %arg4[%dma_wait3A_200, %dma_wait3A_201] : memref<160000x128xf32, #tpu.memory_space<hbm>> -> memref<160000x128xf32, #tpu.memory_space<hbm>>
        tpu.wait_indirect_dma semaphore(%arg17 : memref<!tpu.dma_semaphore, #tpu.memory_space<semaphore_mem>>) src(%dma_wait3A_202 : memref<160000x128xf32, #tpu.memory_space<hbm>>) dst(%arg9 : memref<32x128xf32, #tpu.memory_space<vmem>>)
        %mul3A_203 = arith.constant 32 : i32
        %mul3A_204 = arith.muli %add3A_104, %mul3A_203 : i32
        %add3A_205 = arith.constant 0 : i32
        %add3A_206 = arith.addi %mul3A_204, %add3A_205 : i32
        %get3A = arith.index_cast %add3A_206 : i32 to index
        %get3A_207 = tpu.vector_load %arg8[%get3A] {strides = array<i32>} : memref<10112xi32, #tpu.memory_space<vmem>>, vector<16xi32>,
        %get3A_208 = vector.shape_cast %get3A_207 : vector<16xi32> to vector<16xi32>
        %dma_start3A_209 = arith.constant 0 : i32
        %dma_start3A_210 = arith.constant 0 : i32
        %dma_start3A_211 = tpu.memref_slice %arg9[%dma_start3A_209, %dma_start3A_210] : memref<32x128xf32, #tpu.memory_space<vmem>> -> memref<16x128xf32, #tpu.memory_space<vmem>>
        %dma_start3A_212 = arith.constant 0 : i32
        %dma_start3A_213 = arith.constant 0 : i32
        %dma_start3A_214 = tpu.memref_slice %arg16[%dma_start3A_212, %dma_start3A_213] : memref<10000x128xf32, #tpu.memory_space<vmem_shared>> -> memref<10000x128xf32, #tpu.memory_space<vmem_shared>>
        tpu.enqueue_indirect_dma source(%dma_start3A_211 : memref<16x128xf32, #tpu.memory_space<vmem>>) target(%dma_start3A_214 : memref<10000x128xf32, #tpu.memory_space<vmem_shared>>) offsets(%get3A_208 : vector<16xi32>) semaphore(%arg24 : memref<!tpu.dma_semaphore, #tpu.memory_space<semaphore_mem>>) {add = true}
        %mul3A_215 = arith.constant 32 : i32
        %mul3A_216 = arith.muli %add3A_104, %mul3A_215 : i32
        %add3A_217 = arith.constant 16 : i32
        %add3A_218 = arith.addi %mul3A_216, %add3A_217 : i32
        %get3A_219 = arith.index_cast %add3A_218 : i32 to index
        %get3A_220 = tpu.vector_load %arg8[%get3A_219] {strides = array<i32>} : memref<10112xi32, #tpu.memory_space<vmem>>, vector<16xi32>,
        %get3A_221 = vector.shape_cast %get3A_220 : vector<16xi32> to vector<16xi32>
        %dma_start3A_222 = arith.constant 16 : i32
        %dma_start3A_223 = arith.constant 0 : i32
        %dma_start3A_224 = tpu.memref_slice %arg9[%dma_start3A_222, %dma_start3A_223] : memref<32x128xf32, #tpu.memory_space<vmem>> -> memref<16x128xf32, #tpu.memory_space<vmem>>
        %dma_start3A_225 = arith.constant 0 : i32
        %dma_start3A_226 = arith.constant 0 : i32
        %dma_start3A_227 = tpu.memref_slice %arg16[%dma_start3A_225, %dma_start3A_226] : memref<10000x128xf32, #tpu.memory_space<vmem_shared>> -> memref<10000x128xf32, #tpu.memory_space<vmem_shared>>
        tpu.enqueue_indirect_dma source(%dma_start3A_224 : memref<16x128xf32, #tpu.memory_space<vmem>>) target(%dma_start3A_227 : memref<10000x128xf32, #tpu.memory_space<vmem_shared>>) offsets(%get3A_221 : vector<16xi32>) semaphore(%arg24 : memref<!tpu.dma_semaphore, #tpu.memory_space<semaphore_mem>>) {add = true}
        %dma_wait3A_228 = arith.constant 0 : i32
        %dma_wait3A_229 = arith.constant 0 : i32
        %dma_wait3A_230 = tpu.memref_slice %arg9[%dma_wait3A_228, %dma_wait3A_229] : memref<32x128xf32, #tpu.memory_space<vmem>> -> memref<16x128xf32, #tpu.memory_space<vmem>>
        %dma_wait3A_231 = arith.constant 0 : i32
        %dma_wait3A_232 = arith.constant 0 : i32
        %dma_wait3A_233 = tpu.memref_slice %arg16[%dma_wait3A_231, %dma_wait3A_232] : memref<10000x128xf32, #tpu.memory_space<vmem_shared>> -> memref<10000x128xf32, #tpu.memory_space<vmem_shared>>
        tpu.wait_indirect_dma semaphore(%arg24 : memref<!tpu.dma_semaphore, #tpu.memory_space<semaphore_mem>>) src(%dma_wait3A_230 : memref<16x128xf32, #tpu.memory_space<vmem>>) dst(%dma_wait3A_233 : memref<10000x128xf32, #tpu.memory_space<vmem_shared>>)
        %dma_wait3A_234 = arith.constant 16 : i32
        %dma_wait3A_235 = arith.constant 0 : i32
        %dma_wait3A_236 = tpu.memref_slice %arg9[%dma_wait3A_234, %dma_wait3A_235] : memref<32x128xf32, #tpu.memory_space<vmem>> -> memref<16x128xf32, #tpu.memory_space<vmem>>
        %dma_wait3A_237 = arith.constant 0 : i32
        %dma_wait3A_238 = arith.constant 0 : i32
        %dma_wait3A_239 = tpu.memref_slice %arg16[%dma_wait3A_237, %dma_wait3A_238] : memref<10000x128xf32, #tpu.memory_space<vmem_shared>> -> memref<10000x128xf32, #tpu.memory_space<vmem_shared>>
        tpu.wait_indirect_dma semaphore(%arg24 : memref<!tpu.dma_semaphore, #tpu.memory_space<semaphore_mem>>) src(%dma_wait3A_236 : memref<16x128xf32, #tpu.memory_space<vmem>>) dst(%dma_wait3A_239 : memref<10000x128xf32, #tpu.memory_space<vmem_shared>>)
      } else {
      }
      %add3A_109 = arith.constant 7 : i32
      %add3A_110 = arith.addi %add3A_104, %add3A_109 : i32
      %lt3A_111 = arith.cmpi slt, %add3A_110, %mul3A_23 : i32
      %convert_element_type3A_112 = arith.extui %lt3A_111 : i1 to i32
      %cond3A_113 = arith.constant 0 : i32
      %cond3A_114 = arith.cmpi ne, %convert_element_type3A_112, %cond3A_113 : i32
      scf.if %cond3A_114 {
        %add3A_199 = arith.constant 7 : i32
        %add3A_200 = arith.addi %add3A_104, %add3A_199 : i32
        %mul3A_201 = arith.constant 32 : i32
        %mul3A_202 = arith.muli %add3A_200, %mul3A_201 : i32
        %dma_start3A_203 = tpu.memref_slice %arg7[%mul3A_202] : memref<10112xi32, #tpu.memory_space<vmem>> -> memref<32xi32, #tpu.memory_space<vmem>>
        %dma_start3A_204 = arith.constant 0 : i32
        %dma_start3A_205 = arith.constant 0 : i32
        %dma_start3A_206 = tpu.memref_slice %arg4[%dma_start3A_204, %dma_start3A_205] : memref<160000x128xf32, #tpu.memory_space<hbm>> -> memref<160000x128xf32, #tpu.memory_space<hbm>>
        tpu.enqueue_indirect_dma source(%dma_start3A_206 : memref<160000x128xf32, #tpu.memory_space<hbm>>) target(%arg9 : memref<32x128xf32, #tpu.memory_space<vmem>>) offsets(%dma_start3A_203 : memref<32xi32, #tpu.memory_space<vmem>>) semaphore(%arg17 : memref<!tpu.dma_semaphore, #tpu.memory_space<semaphore_mem>>)
      } else {
      }
      %mul3A_115 = arith.constant 7 : i32
      %mul3A_116 = arith.muli %mul3A_115, %while3A_100 : i32
      %add3A_117 = arith.constant 1 : i32
      %add3A_118 = arith.addi %mul3A_116, %add3A_117 : i32
      %lt3A_119 = arith.cmpi slt, %add3A_118, %mul3A_23 : i32
      %convert_element_type3A_120 = arith.extui %lt3A_119 : i1 to i32
      %cond3A_121 = arith.constant 0 : i32
      %cond3A_122 = arith.cmpi ne, %convert_element_type3A_120, %cond3A_121 : i32
      scf.if %cond3A_122 {
        %dma_wait3A = arith.constant 0 : i32
        %dma_wait3A_199 = tpu.memref_slice %arg7[%dma_wait3A] : memref<10112xi32, #tpu.memory_space<vmem>> -> memref<32xi32, #tpu.memory_space<vmem>>
        %dma_wait3A_200 = arith.constant 0 : i32
        %dma_wait3A_201 = arith.constant 0 : i32
        %dma_wait3A_202 = tpu.memref_slice %arg4[%dma_wait3A_200, %dma_wait3A_201] : memref<160000x128xf32, #tpu.memory_space<hbm>> -> memref<160000x128xf32, #tpu.memory_space<hbm>>
        tpu.wait_indirect_dma semaphore(%arg18 : memref<!tpu.dma_semaphore, #tpu.memory_space<semaphore_mem>>) src(%dma_wait3A_202 : memref<160000x128xf32, #tpu.memory_space<hbm>>) dst(%arg10 : memref<32x128xf32, #tpu.memory_space<vmem>>)
        %mul3A_203 = arith.constant 32 : i32
        %mul3A_204 = arith.muli %add3A_118, %mul3A_203 : i32
        %add3A_205 = arith.constant 0 : i32
        %add3A_206 = arith.addi %mul3A_204, %add3A_205 : i32
        %get3A = arith.index_cast %add3A_206 : i32 to index
        %get3A_207 = tpu.vector_load %arg8[%get3A] {strides = array<i32>} : memref<10112xi32, #tpu.memory_space<vmem>>, vector<16xi32>,
        %get3A_208 = vector.shape_cast %get3A_207 : vector<16xi32> to vector<16xi32>
        %dma_start3A_209 = arith.constant 0 : i32
        %dma_start3A_210 = arith.constant 0 : i32
        %dma_start3A_211 = tpu.memref_slice %arg10[%dma_start3A_209, %dma_start3A_210] : memref<32x128xf32, #tpu.memory_space<vmem>> -> memref<16x128xf32, #tpu.memory_space<vmem>>
        %dma_start3A_212 = arith.constant 0 : i32
        %dma_start3A_213 = arith.constant 0 : i32
        %dma_start3A_214 = tpu.memref_slice %arg16[%dma_start3A_212, %dma_start3A_213] : memref<10000x128xf32, #tpu.memory_space<vmem_shared>> -> memref<10000x128xf32, #tpu.memory_space<vmem_shared>>
        tpu.enqueue_indirect_dma source(%dma_start3A_211 : memref<16x128xf32, #tpu.memory_space<vmem>>) target(%dma_start3A_214 : memref<10000x128xf32, #tpu.memory_space<vmem_shared>>) offsets(%get3A_208 : vector<16xi32>) semaphore(%arg24 : memref<!tpu.dma_semaphore, #tpu.memory_space<semaphore_mem>>) {add = true}
        %mul3A_215 = arith.constant 32 : i32
        %mul3A_216 = arith.muli %add3A_118, %mul3A_215 : i32
        %add3A_217 = arith.constant 16 : i32
        %add3A_218 = arith.addi %mul3A_216, %add3A_217 : i32
        %get3A_219 = arith.index_cast %add3A_218 : i32 to index
        %get3A_220 = tpu.vector_load %arg8[%get3A_219] {strides = array<i32>} : memref<10112xi32, #tpu.memory_space<vmem>>, vector<16xi32>,
        %get3A_221 = vector.shape_cast %get3A_220 : vector<16xi32> to vector<16xi32>
        %dma_start3A_222 = arith.constant 16 : i32
        %dma_start3A_223 = arith.constant 0 : i32
        %dma_start3A_224 = tpu.memref_slice %arg10[%dma_start3A_222, %dma_start3A_223] : memref<32x128xf32, #tpu.memory_space<vmem>> -> memref<16x128xf32, #tpu.memory_space<vmem>>
        %dma_start3A_225 = arith.constant 0 : i32
        %dma_start3A_226 = arith.constant 0 : i32
        %dma_start3A_227 = tpu.memref_slice %arg16[%dma_start3A_225, %dma_start3A_226] : memref<10000x128xf32, #tpu.memory_space<vmem_shared>> -> memref<10000x128xf32, #tpu.memory_space<vmem_shared>>
        tpu.enqueue_indirect_dma source(%dma_start3A_224 : memref<16x128xf32, #tpu.memory_space<vmem>>) target(%dma_start3A_227 : memref<10000x128xf32, #tpu.memory_space<vmem_shared>>) offsets(%get3A_221 : vector<16xi32>) semaphore(%arg24 : memref<!tpu.dma_semaphore, #tpu.memory_space<semaphore_mem>>) {add = true}
        %dma_wait3A_228 = arith.constant 0 : i32
        %dma_wait3A_229 = arith.constant 0 : i32
        %dma_wait3A_230 = tpu.memref_slice %arg10[%dma_wait3A_228, %dma_wait3A_229] : memref<32x128xf32, #tpu.memory_space<vmem>> -> memref<16x128xf32, #tpu.memory_space<vmem>>
        %dma_wait3A_231 = arith.constant 0 : i32
        %dma_wait3A_232 = arith.constant 0 : i32
        %dma_wait3A_233 = tpu.memref_slice %arg16[%dma_wait3A_231, %dma_wait3A_232] : memref<10000x128xf32, #tpu.memory_space<vmem_shared>> -> memref<10000x128xf32, #tpu.memory_space<vmem_shared>>
        tpu.wait_indirect_dma semaphore(%arg24 : memref<!tpu.dma_semaphore, #tpu.memory_space<semaphore_mem>>) src(%dma_wait3A_230 : memref<16x128xf32, #tpu.memory_space<vmem>>) dst(%dma_wait3A_233 : memref<10000x128xf32, #tpu.memory_space<vmem_shared>>)
        %dma_wait3A_234 = arith.constant 16 : i32
        %dma_wait3A_235 = arith.constant 0 : i32
        %dma_wait3A_236 = tpu.memref_slice %arg10[%dma_wait3A_234, %dma_wait3A_235] : memref<32x128xf32, #tpu.memory_space<vmem>> -> memref<16x128xf32, #tpu.memory_space<vmem>>
        %dma_wait3A_237 = arith.constant 0 : i32
        %dma_wait3A_238 = arith.constant 0 : i32
        %dma_wait3A_239 = tpu.memref_slice %arg16[%dma_wait3A_237, %dma_wait3A_238] : memref<10000x128xf32, #tpu.memory_space<vmem_shared>> -> memref<10000x128xf32, #tpu.memory_space<vmem_shared>>
        tpu.wait_indirect_dma semaphore(%arg24 : memref<!tpu.dma_semaphore, #tpu.memory_space<semaphore_mem>>) src(%dma_wait3A_236 : memref<16x128xf32, #tpu.memory_space<vmem>>) dst(%dma_wait3A_239 : memref<10000x128xf32, #tpu.memory_space<vmem_shared>>)
      } else {
      }
      %add3A_123 = arith.constant 7 : i32
      %add3A_124 = arith.addi %add3A_118, %add3A_123 : i32
      %lt3A_125 = arith.cmpi slt, %add3A_124, %mul3A_23 : i32
      %convert_element_type3A_126 = arith.extui %lt3A_125 : i1 to i32
      %cond3A_127 = arith.constant 0 : i32
      %cond3A_128 = arith.cmpi ne, %convert_element_type3A_126, %cond3A_127 : i32
      scf.if %cond3A_128 {
        %add3A_199 = arith.constant 7 : i32
        %add3A_200 = arith.addi %add3A_118, %add3A_199 : i32
        %mul3A_201 = arith.constant 32 : i32
        %mul3A_202 = arith.muli %add3A_200, %mul3A_201 : i32
        %dma_start3A_203 = tpu.memref_slice %arg7[%mul3A_202] : memref<10112xi32, #tpu.memory_space<vmem>> -> memref<32xi32, #tpu.memory_space<vmem>>
        %dma_start3A_204 = arith.constant 0 : i32
        %dma_start3A_205 = arith.constant 0 : i32
        %dma_start3A_206 = tpu.memref_slice %arg4[%dma_start3A_204, %dma_start3A_205] : memref<160000x128xf32, #tpu.memory_space<hbm>> -> memref<160000x128xf32, #tpu.memory_space<hbm>>
        tpu.enqueue_indirect_dma source(%dma_start3A_206 : memref<160000x128xf32, #tpu.memory_space<hbm>>) target(%arg10 : memref<32x128xf32, #tpu.memory_space<vmem>>) offsets(%dma_start3A_203 : memref<32xi32, #tpu.memory_space<vmem>>) semaphore(%arg18 : memref<!tpu.dma_semaphore, #tpu.memory_space<semaphore_mem>>)
      } else {
      }
      %mul3A_129 = arith.constant 7 : i32
      %mul3A_130 = arith.muli %mul3A_129, %while3A_100 : i32
      %add3A_131 = arith.constant 2 : i32
      %add3A_132 = arith.addi %mul3A_130, %add3A_131 : i32
      %lt3A_133 = arith.cmpi slt, %add3A_132, %mul3A_23 : i32
      %convert_element_type3A_134 = arith.extui %lt3A_133 : i1 to i32
      %cond3A_135 = arith.constant 0 : i32
      %cond3A_136 = arith.cmpi ne, %convert_element_type3A_134, %cond3A_135 : i32
      scf.if %cond3A_136 {
        %dma_wait3A = arith.constant 0 : i32
        %dma_wait3A_199 = tpu.memref_slice %arg7[%dma_wait3A] : memref<10112xi32, #tpu.memory_space<vmem>> -> memref<32xi32, #tpu.memory_space<vmem>>
        %dma_wait3A_200 = arith.constant 0 : i32
        %dma_wait3A_201 = arith.constant 0 : i32
        %dma_wait3A_202 = tpu.memref_slice %arg4[%dma_wait3A_200, %dma_wait3A_201] : memref<160000x128xf32, #tpu.memory_space<hbm>> -> memref<160000x128xf32, #tpu.memory_space<hbm>>
        tpu.wait_indirect_dma semaphore(%arg19 : memref<!tpu.dma_semaphore, #tpu.memory_space<semaphore_mem>>) src(%dma_wait3A_202 : memref<160000x128xf32, #tpu.memory_space<hbm>>) dst(%arg11 : memref<32x128xf32, #tpu.memory_space<vmem>>)
        %mul3A_203 = arith.constant 32 : i32
        %mul3A_204 = arith.muli %add3A_132, %mul3A_203 : i32
        %add3A_205 = arith.constant 0 : i32
        %add3A_206 = arith.addi %mul3A_204, %add3A_205 : i32
        %get3A = arith.index_cast %add3A_206 : i32 to index
        %get3A_207 = tpu.vector_load %arg8[%get3A] {strides = array<i32>} : memref<10112xi32, #tpu.memory_space<vmem>>, vector<16xi32>,
        %get3A_208 = vector.shape_cast %get3A_207 : vector<16xi32> to vector<16xi32>
        %dma_start3A_209 = arith.constant 0 : i32
        %dma_start3A_210 = arith.constant 0 : i32
        %dma_start3A_211 = tpu.memref_slice %arg11[%dma_start3A_209, %dma_start3A_210] : memref<32x128xf32, #tpu.memory_space<vmem>> -> memref<16x128xf32, #tpu.memory_space<vmem>>
        %dma_start3A_212 = arith.constant 0 : i32
        %dma_start3A_213 = arith.constant 0 : i32
        %dma_start3A_214 = tpu.memref_slice %arg16[%dma_start3A_212, %dma_start3A_213] : memref<10000x128xf32, #tpu.memory_space<vmem_shared>> -> memref<10000x128xf32, #tpu.memory_space<vmem_shared>>
        tpu.enqueue_indirect_dma source(%dma_start3A_211 : memref<16x128xf32, #tpu.memory_space<vmem>>) target(%dma_start3A_214 : memref<10000x128xf32, #tpu.memory_space<vmem_shared>>) offsets(%get3A_208 : vector<16xi32>) semaphore(%arg24 : memref<!tpu.dma_semaphore, #tpu.memory_space<semaphore_mem>>) {add = true}
        %mul3A_215 = arith.constant 32 : i32
        %mul3A_216 = arith.muli %add3A_132, %mul3A_215 : i32
        %add3A_217 = arith.constant 16 : i32
        %add3A_218 = arith.addi %mul3A_216, %add3A_217 : i32
        %get3A_219 = arith.index_cast %add3A_218 : i32 to index
        %get3A_220 = tpu.vector_load %arg8[%get3A_219] {strides = array<i32>} : memref<10112xi32, #tpu.memory_space<vmem>>, vector<16xi32>,
        %get3A_221 = vector.shape_cast %get3A_220 : vector<16xi32> to vector<16xi32>
        %dma_start3A_222 = arith.constant 16 : i32
        %dma_start3A_223 = arith.constant 0 : i32
        %dma_start3A_224 = tpu.memref_slice %arg11[%dma_start3A_222, %dma_start3A_223] : memref<32x128xf32, #tpu.memory_space<vmem>> -> memref<16x128xf32, #tpu.memory_space<vmem>>
        %dma_start3A_225 = arith.constant 0 : i32
        %dma_start3A_226 = arith.constant 0 : i32
        %dma_start3A_227 = tpu.memref_slice %arg16[%dma_start3A_225, %dma_start3A_226] : memref<10000x128xf32, #tpu.memory_space<vmem_shared>> -> memref<10000x128xf32, #tpu.memory_space<vmem_shared>>
        tpu.enqueue_indirect_dma source(%dma_start3A_224 : memref<16x128xf32, #tpu.memory_space<vmem>>) target(%dma_start3A_227 : memref<10000x128xf32, #tpu.memory_space<vmem_shared>>) offsets(%get3A_221 : vector<16xi32>) semaphore(%arg24 : memref<!tpu.dma_semaphore, #tpu.memory_space<semaphore_mem>>) {add = true}
        %dma_wait3A_228 = arith.constant 0 : i32
        %dma_wait3A_229 = arith.constant 0 : i32
        %dma_wait3A_230 = tpu.memref_slice %arg11[%dma_wait3A_228, %dma_wait3A_229] : memref<32x128xf32, #tpu.memory_space<vmem>> -> memref<16x128xf32, #tpu.memory_space<vmem>>
        %dma_wait3A_231 = arith.constant 0 : i32
        %dma_wait3A_232 = arith.constant 0 : i32
        %dma_wait3A_233 = tpu.memref_slice %arg16[%dma_wait3A_231, %dma_wait3A_232] : memref<10000x128xf32, #tpu.memory_space<vmem_shared>> -> memref<10000x128xf32, #tpu.memory_space<vmem_shared>>
        tpu.wait_indirect_dma semaphore(%arg24 : memref<!tpu.dma_semaphore, #tpu.memory_space<semaphore_mem>>) src(%dma_wait3A_230 : memref<16x128xf32, #tpu.memory_space<vmem>>) dst(%dma_wait3A_233 : memref<10000x128xf32, #tpu.memory_space<vmem_shared>>)
        %dma_wait3A_234 = arith.constant 16 : i32
        %dma_wait3A_235 = arith.constant 0 : i32
        %dma_wait3A_236 = tpu.memref_slice %arg11[%dma_wait3A_234, %dma_wait3A_235] : memref<32x128xf32, #tpu.memory_space<vmem>> -> memref<16x128xf32, #tpu.memory_space<vmem>>
        %dma_wait3A_237 = arith.constant 0 : i32
        %dma_wait3A_238 = arith.constant 0 : i32
        %dma_wait3A_239 = tpu.memref_slice %arg16[%dma_wait3A_237, %dma_wait3A_238] : memref<10000x128xf32, #tpu.memory_space<vmem_shared>> -> memref<10000x128xf32, #tpu.memory_space<vmem_shared>>
        tpu.wait_indirect_dma semaphore(%arg24 : memref<!tpu.dma_semaphore, #tpu.memory_space<semaphore_mem>>) src(%dma_wait3A_236 : memref<16x128xf32, #tpu.memory_space<vmem>>) dst(%dma_wait3A_239 : memref<10000x128xf32, #tpu.memory_space<vmem_shared>>)
      } else {
      }
      %add3A_137 = arith.constant 7 : i32
      %add3A_138 = arith.addi %add3A_132, %add3A_137 : i32
      %lt3A_139 = arith.cmpi slt, %add3A_138, %mul3A_23 : i32
      %convert_element_type3A_140 = arith.extui %lt3A_139 : i1 to i32
      %cond3A_141 = arith.constant 0 : i32
      %cond3A_142 = arith.cmpi ne, %convert_element_type3A_140, %cond3A_141 : i32
      scf.if %cond3A_142 {
        %add3A_199 = arith.constant 7 : i32
        %add3A_200 = arith.addi %add3A_132, %add3A_199 : i32
        %mul3A_201 = arith.constant 32 : i32
        %mul3A_202 = arith.muli %add3A_200, %mul3A_201 : i32
        %dma_start3A_203 = tpu.memref_slice %arg7[%mul3A_202] : memref<10112xi32, #tpu.memory_space<vmem>> -> memref<32xi32, #tpu.memory_space<vmem>>
        %dma_start3A_204 = arith.constant 0 : i32
        %dma_start3A_205 = arith.constant 0 : i32
        %dma_start3A_206 = tpu.memref_slice %arg4[%dma_start3A_204, %dma_start3A_205] : memref<160000x128xf32, #tpu.memory_space<hbm>> -> memref<160000x128xf32, #tpu.memory_space<hbm>>
        tpu.enqueue_indirect_dma source(%dma_start3A_206 : memref<160000x128xf32, #tpu.memory_space<hbm>>) target(%arg11 : memref<32x128xf32, #tpu.memory_space<vmem>>) offsets(%dma_start3A_203 : memref<32xi32, #tpu.memory_space<vmem>>) semaphore(%arg19 : memref<!tpu.dma_semaphore, #tpu.memory_space<semaphore_mem>>)
      } else {
      }
      %mul3A_143 = arith.constant 7 : i32
      %mul3A_144 = arith.muli %mul3A_143, %while3A_100 : i32
      %add3A_145 = arith.constant 3 : i32
      %add3A_146 = arith.addi %mul3A_144, %add3A_145 : i32
      %lt3A_147 = arith.cmpi slt, %add3A_146, %mul3A_23 : i32
      %convert_element_type3A_148 = arith.extui %lt3A_147 : i1 to i32
      %cond3A_149 = arith.constant 0 : i32
      %cond3A_150 = arith.cmpi ne, %convert_element_type3A_148, %cond3A_149 : i32
      scf.if %cond3A_150 {
        %dma_wait3A = arith.constant 0 : i32
        %dma_wait3A_199 = tpu.memref_slice %arg7[%dma_wait3A] : memref<10112xi32, #tpu.memory_space<vmem>> -> memref<32xi32, #tpu.memory_space<vmem>>
        %dma_wait3A_200 = arith.constant 0 : i32
        %dma_wait3A_201 = arith.constant 0 : i32
        %dma_wait3A_202 = tpu.memref_slice %arg4[%dma_wait3A_200, %dma_wait3A_201] : memref<160000x128xf32, #tpu.memory_space<hbm>> -> memref<160000x128xf32, #tpu.memory_space<hbm>>
        tpu.wait_indirect_dma semaphore(%arg20 : memref<!tpu.dma_semaphore, #tpu.memory_space<semaphore_mem>>) src(%dma_wait3A_202 : memref<160000x128xf32, #tpu.memory_space<hbm>>) dst(%arg12 : memref<32x128xf32, #tpu.memory_space<vmem>>)
        %mul3A_203 = arith.constant 32 : i32
        %mul3A_204 = arith.muli %add3A_146, %mul3A_203 : i32
        %add3A_205 = arith.constant 0 : i32
        %add3A_206 = arith.addi %mul3A_204, %add3A_205 : i32
        %get3A = arith.index_cast %add3A_206 : i32 to index
        %get3A_207 = tpu.vector_load %arg8[%get3A] {strides = array<i32>} : memref<10112xi32, #tpu.memory_space<vmem>>, vector<16xi32>,
        %get3A_208 = vector.shape_cast %get3A_207 : vector<16xi32> to vector<16xi32>
        %dma_start3A_209 = arith.constant 0 : i32
        %dma_start3A_210 = arith.constant 0 : i32
        %dma_start3A_211 = tpu.memref_slice %arg12[%dma_start3A_209, %dma_start3A_210] : memref<32x128xf32, #tpu.memory_space<vmem>> -> memref<16x128xf32, #tpu.memory_space<vmem>>
        %dma_start3A_212 = arith.constant 0 : i32
        %dma_start3A_213 = arith.constant 0 : i32
        %dma_start3A_214 = tpu.memref_slice %arg16[%dma_start3A_212, %dma_start3A_213] : memref<10000x128xf32, #tpu.memory_space<vmem_shared>> -> memref<10000x128xf32, #tpu.memory_space<vmem_shared>>
        tpu.enqueue_indirect_dma source(%dma_start3A_211 : memref<16x128xf32, #tpu.memory_space<vmem>>) target(%dma_start3A_214 : memref<10000x128xf32, #tpu.memory_space<vmem_shared>>) offsets(%get3A_208 : vector<16xi32>) semaphore(%arg24 : memref<!tpu.dma_semaphore, #tpu.memory_space<semaphore_mem>>) {add = true}
        %mul3A_215 = arith.constant 32 : i32
        %mul3A_216 = arith.muli %add3A_146, %mul3A_215 : i32
        %add3A_217 = arith.constant 16 : i32
        %add3A_218 = arith.addi %mul3A_216, %add3A_217 : i32
        %get3A_219 = arith.index_cast %add3A_218 : i32 to index
        %get3A_220 = tpu.vector_load %arg8[%get3A_219] {strides = array<i32>} : memref<10112xi32, #tpu.memory_space<vmem>>, vector<16xi32>,
        %get3A_221 = vector.shape_cast %get3A_220 : vector<16xi32> to vector<16xi32>
        %dma_start3A_222 = arith.constant 16 : i32
        %dma_start3A_223 = arith.constant 0 : i32
        %dma_start3A_224 = tpu.memref_slice %arg12[%dma_start3A_222, %dma_start3A_223] : memref<32x128xf32, #tpu.memory_space<vmem>> -> memref<16x128xf32, #tpu.memory_space<vmem>>
        %dma_start3A_225 = arith.constant 0 : i32
        %dma_start3A_226 = arith.constant 0 : i32
        %dma_start3A_227 = tpu.memref_slice %arg16[%dma_start3A_225, %dma_start3A_226] : memref<10000x128xf32, #tpu.memory_space<vmem_shared>> -> memref<10000x128xf32, #tpu.memory_space<vmem_shared>>
        tpu.enqueue_indirect_dma source(%dma_start3A_224 : memref<16x128xf32, #tpu.memory_space<vmem>>) target(%dma_start3A_227 : memref<10000x128xf32, #tpu.memory_space<vmem_shared>>) offsets(%get3A_221 : vector<16xi32>) semaphore(%arg24 : memref<!tpu.dma_semaphore, #tpu.memory_space<semaphore_mem>>) {add = true}
        %dma_wait3A_228 = arith.constant 0 : i32
        %dma_wait3A_229 = arith.constant 0 : i32
        %dma_wait3A_230 = tpu.memref_slice %arg12[%dma_wait3A_228, %dma_wait3A_229] : memref<32x128xf32, #tpu.memory_space<vmem>> -> memref<16x128xf32, #tpu.memory_space<vmem>>
        %dma_wait3A_231 = arith.constant 0 : i32
        %dma_wait3A_232 = arith.constant 0 : i32
        %dma_wait3A_233 = tpu.memref_slice %arg16[%dma_wait3A_231, %dma_wait3A_232] : memref<10000x128xf32, #tpu.memory_space<vmem_shared>> -> memref<10000x128xf32, #tpu.memory_space<vmem_shared>>
        tpu.wait_indirect_dma semaphore(%arg24 : memref<!tpu.dma_semaphore, #tpu.memory_space<semaphore_mem>>) src(%dma_wait3A_230 : memref<16x128xf32, #tpu.memory_space<vmem>>) dst(%dma_wait3A_233 : memref<10000x128xf32, #tpu.memory_space<vmem_shared>>)
        %dma_wait3A_234 = arith.constant 16 : i32
        %dma_wait3A_235 = arith.constant 0 : i32
        %dma_wait3A_236 = tpu.memref_slice %arg12[%dma_wait3A_234, %dma_wait3A_235] : memref<32x128xf32, #tpu.memory_space<vmem>> -> memref<16x128xf32, #tpu.memory_space<vmem>>
        %dma_wait3A_237 = arith.constant 0 : i32
        %dma_wait3A_238 = arith.constant 0 : i32
        %dma_wait3A_239 = tpu.memref_slice %arg16[%dma_wait3A_237, %dma_wait3A_238] : memref<10000x128xf32, #tpu.memory_space<vmem_shared>> -> memref<10000x128xf32, #tpu.memory_space<vmem_shared>>
        tpu.wait_indirect_dma semaphore(%arg24 : memref<!tpu.dma_semaphore, #tpu.memory_space<semaphore_mem>>) src(%dma_wait3A_236 : memref<16x128xf32, #tpu.memory_space<vmem>>) dst(%dma_wait3A_239 : memref<10000x128xf32, #tpu.memory_space<vmem_shared>>)
      } else {
      }
      %add3A_151 = arith.constant 7 : i32
      %add3A_152 = arith.addi %add3A_146, %add3A_151 : i32
      %lt3A_153 = arith.cmpi slt, %add3A_152, %mul3A_23 : i32
      %convert_element_type3A_154 = arith.extui %lt3A_153 : i1 to i32
      %cond3A_155 = arith.constant 0 : i32
      %cond3A_156 = arith.cmpi ne, %convert_element_type3A_154, %cond3A_155 : i32
      scf.if %cond3A_156 {
        %add3A_199 = arith.constant 7 : i32
        %add3A_200 = arith.addi %add3A_146, %add3A_199 : i32
        %mul3A_201 = arith.constant 32 : i32
        %mul3A_202 = arith.muli %add3A_200, %mul3A_201 : i32
        %dma_start3A_203 = tpu.memref_slice %arg7[%mul3A_202] : memref<10112xi32, #tpu.memory_space<vmem>> -> memref<32xi32, #tpu.memory_space<vmem>>
        %dma_start3A_204 = arith.constant 0 : i32
        %dma_start3A_205 = arith.constant 0 : i32
        %dma_start3A_206 = tpu.memref_slice %arg4[%dma_start3A_204, %dma_start3A_205] : memref<160000x128xf32, #tpu.memory_space<hbm>> -> memref<160000x128xf32, #tpu.memory_space<hbm>>
        tpu.enqueue_indirect_dma source(%dma_start3A_206 : memref<160000x128xf32, #tpu.memory_space<hbm>>) target(%arg12 : memref<32x128xf32, #tpu.memory_space<vmem>>) offsets(%dma_start3A_203 : memref<32xi32, #tpu.memory_space<vmem>>) semaphore(%arg20 : memref<!tpu.dma_semaphore, #tpu.memory_space<semaphore_mem>>)
      } else {
      }
      %mul3A_157 = arith.constant 7 : i32
      %mul3A_158 = arith.muli %mul3A_157, %while3A_100 : i32
      %add3A_159 = arith.constant 4 : i32
      %add3A_160 = arith.addi %mul3A_158, %add3A_159 : i32
      %lt3A_161 = arith.cmpi slt, %add3A_160, %mul3A_23 : i32
      %convert_element_type3A_162 = arith.extui %lt3A_161 : i1 to i32
      %cond3A_163 = arith.constant 0 : i32
      %cond3A_164 = arith.cmpi ne, %convert_element_type3A_162, %cond3A_163 : i32
      scf.if %cond3A_164 {
        %dma_wait3A = arith.constant 0 : i32
        %dma_wait3A_199 = tpu.memref_slice %arg7[%dma_wait3A] : memref<10112xi32, #tpu.memory_space<vmem>> -> memref<32xi32, #tpu.memory_space<vmem>>
        %dma_wait3A_200 = arith.constant 0 : i32
        %dma_wait3A_201 = arith.constant 0 : i32
        %dma_wait3A_202 = tpu.memref_slice %arg4[%dma_wait3A_200, %dma_wait3A_201] : memref<160000x128xf32, #tpu.memory_space<hbm>> -> memref<160000x128xf32, #tpu.memory_space<hbm>>
        tpu.wait_indirect_dma semaphore(%arg21 : memref<!tpu.dma_semaphore, #tpu.memory_space<semaphore_mem>>) src(%dma_wait3A_202 : memref<160000x128xf32, #tpu.memory_space<hbm>>) dst(%arg13 : memref<32x128xf32, #tpu.memory_space<vmem>>)
        %mul3A_203 = arith.constant 32 : i32
        %mul3A_204 = arith.muli %add3A_160, %mul3A_203 : i32
        %add3A_205 = arith.constant 0 : i32
        %add3A_206 = arith.addi %mul3A_204, %add3A_205 : i32
        %get3A = arith.index_cast %add3A_206 : i32 to index
        %get3A_207 = tpu.vector_load %arg8[%get3A] {strides = array<i32>} : memref<10112xi32, #tpu.memory_space<vmem>>, vector<16xi32>,
        %get3A_208 = vector.shape_cast %get3A_207 : vector<16xi32> to vector<16xi32>
        %dma_start3A_209 = arith.constant 0 : i32
        %dma_start3A_210 = arith.constant 0 : i32
        %dma_start3A_211 = tpu.memref_slice %arg13[%dma_start3A_209, %dma_start3A_210] : memref<32x128xf32, #tpu.memory_space<vmem>> -> memref<16x128xf32, #tpu.memory_space<vmem>>
        %dma_start3A_212 = arith.constant 0 : i32
        %dma_start3A_213 = arith.constant 0 : i32
        %dma_start3A_214 = tpu.memref_slice %arg16[%dma_start3A_212, %dma_start3A_213] : memref<10000x128xf32, #tpu.memory_space<vmem_shared>> -> memref<10000x128xf32, #tpu.memory_space<vmem_shared>>
        tpu.enqueue_indirect_dma source(%dma_start3A_211 : memref<16x128xf32, #tpu.memory_space<vmem>>) target(%dma_start3A_214 : memref<10000x128xf32, #tpu.memory_space<vmem_shared>>) offsets(%get3A_208 : vector<16xi32>) semaphore(%arg24 : memref<!tpu.dma_semaphore, #tpu.memory_space<semaphore_mem>>) {add = true}
        %mul3A_215 = arith.constant 32 : i32
        %mul3A_216 = arith.muli %add3A_160, %mul3A_215 : i32
        %add3A_217 = arith.constant 16 : i32
        %add3A_218 = arith.addi %mul3A_216, %add3A_217 : i32
        %get3A_219 = arith.index_cast %add3A_218 : i32 to index
        %get3A_220 = tpu.vector_load %arg8[%get3A_219] {strides = array<i32>} : memref<10112xi32, #tpu.memory_space<vmem>>, vector<16xi32>,
        %get3A_221 = vector.shape_cast %get3A_220 : vector<16xi32> to vector<16xi32>
        %dma_start3A_222 = arith.constant 16 : i32
        %dma_start3A_223 = arith.constant 0 : i32
        %dma_start3A_224 = tpu.memref_slice %arg13[%dma_start3A_222, %dma_start3A_223] : memref<32x128xf32, #tpu.memory_space<vmem>> -> memref<16x128xf32, #tpu.memory_space<vmem>>
        %dma_start3A_225 = arith.constant 0 : i32
        %dma_start3A_226 = arith.constant 0 : i32
        %dma_start3A_227 = tpu.memref_slice %arg16[%dma_start3A_225, %dma_start3A_226] : memref<10000x128xf32, #tpu.memory_space<vmem_shared>> -> memref<10000x128xf32, #tpu.memory_space<vmem_shared>>
        tpu.enqueue_indirect_dma source(%dma_start3A_224 : memref<16x128xf32, #tpu.memory_space<vmem>>) target(%dma_start3A_227 : memref<10000x128xf32, #tpu.memory_space<vmem_shared>>) offsets(%get3A_221 : vector<16xi32>) semaphore(%arg24 : memref<!tpu.dma_semaphore, #tpu.memory_space<semaphore_mem>>) {add = true}
        %dma_wait3A_228 = arith.constant 0 : i32
        %dma_wait3A_229 = arith.constant 0 : i32
        %dma_wait3A_230 = tpu.memref_slice %arg13[%dma_wait3A_228, %dma_wait3A_229] : memref<32x128xf32, #tpu.memory_space<vmem>> -> memref<16x128xf32, #tpu.memory_space<vmem>>
        %dma_wait3A_231 = arith.constant 0 : i32
        %dma_wait3A_232 = arith.constant 0 : i32
        %dma_wait3A_233 = tpu.memref_slice %arg16[%dma_wait3A_231, %dma_wait3A_232] : memref<10000x128xf32, #tpu.memory_space<vmem_shared>> -> memref<10000x128xf32, #tpu.memory_space<vmem_shared>>
        tpu.wait_indirect_dma semaphore(%arg24 : memref<!tpu.dma_semaphore, #tpu.memory_space<semaphore_mem>>) src(%dma_wait3A_230 : memref<16x128xf32, #tpu.memory_space<vmem>>) dst(%dma_wait3A_233 : memref<10000x128xf32, #tpu.memory_space<vmem_shared>>)
        %dma_wait3A_234 = arith.constant 16 : i32
        %dma_wait3A_235 = arith.constant 0 : i32
        %dma_wait3A_236 = tpu.memref_slice %arg13[%dma_wait3A_234, %dma_wait3A_235] : memref<32x128xf32, #tpu.memory_space<vmem>> -> memref<16x128xf32, #tpu.memory_space<vmem>>
        %dma_wait3A_237 = arith.constant 0 : i32
        %dma_wait3A_238 = arith.constant 0 : i32
        %dma_wait3A_239 = tpu.memref_slice %arg16[%dma_wait3A_237, %dma_wait3A_238] : memref<10000x128xf32, #tpu.memory_space<vmem_shared>> -> memref<10000x128xf32, #tpu.memory_space<vmem_shared>>
        tpu.wait_indirect_dma semaphore(%arg24 : memref<!tpu.dma_semaphore, #tpu.memory_space<semaphore_mem>>) src(%dma_wait3A_236 : memref<16x128xf32, #tpu.memory_space<vmem>>) dst(%dma_wait3A_239 : memref<10000x128xf32, #tpu.memory_space<vmem_shared>>)
      } else {
      }
      %add3A_165 = arith.constant 7 : i32
      %add3A_166 = arith.addi %add3A_160, %add3A_165 : i32
      %lt3A_167 = arith.cmpi slt, %add3A_166, %mul3A_23 : i32
      %convert_element_type3A_168 = arith.extui %lt3A_167 : i1 to i32
      %cond3A_169 = arith.constant 0 : i32
      %cond3A_170 = arith.cmpi ne, %convert_element_type3A_168, %cond3A_169 : i32
      scf.if %cond3A_170 {
        %add3A_199 = arith.constant 7 : i32
        %add3A_200 = arith.addi %add3A_160, %add3A_199 : i32
        %mul3A_201 = arith.constant 32 : i32
        %mul3A_202 = arith.muli %add3A_200, %mul3A_201 : i32
        %dma_start3A_203 = tpu.memref_slice %arg7[%mul3A_202] : memref<10112xi32, #tpu.memory_space<vmem>> -> memref<32xi32, #tpu.memory_space<vmem>>
        %dma_start3A_204 = arith.constant 0 : i32
        %dma_start3A_205 = arith.constant 0 : i32
        %dma_start3A_206 = tpu.memref_slice %arg4[%dma_start3A_204, %dma_start3A_205] : memref<160000x128xf32, #tpu.memory_space<hbm>> -> memref<160000x128xf32, #tpu.memory_space<hbm>>
        tpu.enqueue_indirect_dma source(%dma_start3A_206 : memref<160000x128xf32, #tpu.memory_space<hbm>>) target(%arg13 : memref<32x128xf32, #tpu.memory_space<vmem>>) offsets(%dma_start3A_203 : memref<32xi32, #tpu.memory_space<vmem>>) semaphore(%arg21 : memref<!tpu.dma_semaphore, #tpu.memory_space<semaphore_mem>>)
      } else {
      }
      %mul3A_171 = arith.constant 7 : i32
      %mul3A_172 = arith.muli %mul3A_171, %while3A_100 : i32
      %add3A_173 = arith.constant 5 : i32
      %add3A_174 = arith.addi %mul3A_172, %add3A_173 : i32
      %lt3A_175 = arith.cmpi slt, %add3A_174, %mul3A_23 : i32
      %convert_element_type3A_176 = arith.extui %lt3A_175 : i1 to i32
      %cond3A_177 = arith.constant 0 : i32
      %cond3A_178 = arith.cmpi ne, %convert_element_type3A_176, %cond3A_177 : i32
      scf.if %cond3A_178 {
        %dma_wait3A = arith.constant 0 : i32
        %dma_wait3A_199 = tpu.memref_slice %arg7[%dma_wait3A] : memref<10112xi32, #tpu.memory_space<vmem>> -> memref<32xi32, #tpu.memory_space<vmem>>
        %dma_wait3A_200 = arith.constant 0 : i32
        %dma_wait3A_201 = arith.constant 0 : i32
        %dma_wait3A_202 = tpu.memref_slice %arg4[%dma_wait3A_200, %dma_wait3A_201] : memref<160000x128xf32, #tpu.memory_space<hbm>> -> memref<160000x128xf32, #tpu.memory_space<hbm>>
        tpu.wait_indirect_dma semaphore(%arg22 : memref<!tpu.dma_semaphore, #tpu.memory_space<semaphore_mem>>) src(%dma_wait3A_202 : memref<160000x128xf32, #tpu.memory_space<hbm>>) dst(%arg14 : memref<32x128xf32, #tpu.memory_space<vmem>>)
        %mul3A_203 = arith.constant 32 : i32
        %mul3A_204 = arith.muli %add3A_174, %mul3A_203 : i32
        %add3A_205 = arith.constant 0 : i32
        %add3A_206 = arith.addi %mul3A_204, %add3A_205 : i32
        %get3A = arith.index_cast %add3A_206 : i32 to index
        %get3A_207 = tpu.vector_load %arg8[%get3A] {strides = array<i32>} : memref<10112xi32, #tpu.memory_space<vmem>>, vector<16xi32>,
        %get3A_208 = vector.shape_cast %get3A_207 : vector<16xi32> to vector<16xi32>
        %dma_start3A_209 = arith.constant 0 : i32
        %dma_start3A_210 = arith.constant 0 : i32
        %dma_start3A_211 = tpu.memref_slice %arg14[%dma_start3A_209, %dma_start3A_210] : memref<32x128xf32, #tpu.memory_space<vmem>> -> memref<16x128xf32, #tpu.memory_space<vmem>>
        %dma_start3A_212 = arith.constant 0 : i32
        %dma_start3A_213 = arith.constant 0 : i32
        %dma_start3A_214 = tpu.memref_slice %arg16[%dma_start3A_212, %dma_start3A_213] : memref<10000x128xf32, #tpu.memory_space<vmem_shared>> -> memref<10000x128xf32, #tpu.memory_space<vmem_shared>>
        tpu.enqueue_indirect_dma source(%dma_start3A_211 : memref<16x128xf32, #tpu.memory_space<vmem>>) target(%dma_start3A_214 : memref<10000x128xf32, #tpu.memory_space<vmem_shared>>) offsets(%get3A_208 : vector<16xi32>) semaphore(%arg24 : memref<!tpu.dma_semaphore, #tpu.memory_space<semaphore_mem>>) {add = true}
        %mul3A_215 = arith.constant 32 : i32
        %mul3A_216 = arith.muli %add3A_174, %mul3A_215 : i32
        %add3A_217 = arith.constant 16 : i32
        %add3A_218 = arith.addi %mul3A_216, %add3A_217 : i32
        %get3A_219 = arith.index_cast %add3A_218 : i32 to index
        %get3A_220 = tpu.vector_load %arg8[%get3A_219] {strides = array<i32>} : memref<10112xi32, #tpu.memory_space<vmem>>, vector<16xi32>,
        %get3A_221 = vector.shape_cast %get3A_220 : vector<16xi32> to vector<16xi32>
        %dma_start3A_222 = arith.constant 16 : i32
        %dma_start3A_223 = arith.constant 0 : i32
        %dma_start3A_224 = tpu.memref_slice %arg14[%dma_start3A_222, %dma_start3A_223] : memref<32x128xf32, #tpu.memory_space<vmem>> -> memref<16x128xf32, #tpu.memory_space<vmem>>
        %dma_start3A_225 = arith.constant 0 : i32
        %dma_start3A_226 = arith.constant 0 : i32
        %dma_start3A_227 = tpu.memref_slice %arg16[%dma_start3A_225, %dma_start3A_226] : memref<10000x128xf32, #tpu.memory_space<vmem_shared>> -> memref<10000x128xf32, #tpu.memory_space<vmem_shared>>
        tpu.enqueue_indirect_dma source(%dma_start3A_224 : memref<16x128xf32, #tpu.memory_space<vmem>>) target(%dma_start3A_227 : memref<10000x128xf32, #tpu.memory_space<vmem_shared>>) offsets(%get3A_221 : vector<16xi32>) semaphore(%arg24 : memref<!tpu.dma_semaphore, #tpu.memory_space<semaphore_mem>>) {add = true}
        %dma_wait3A_228 = arith.constant 0 : i32
        %dma_wait3A_229 = arith.constant 0 : i32
        %dma_wait3A_230 = tpu.memref_slice %arg14[%dma_wait3A_228, %dma_wait3A_229] : memref<32x128xf32, #tpu.memory_space<vmem>> -> memref<16x128xf32, #tpu.memory_space<vmem>>
        %dma_wait3A_231 = arith.constant 0 : i32
        %dma_wait3A_232 = arith.constant 0 : i32
        %dma_wait3A_233 = tpu.memref_slice %arg16[%dma_wait3A_231, %dma_wait3A_232] : memref<10000x128xf32, #tpu.memory_space<vmem_shared>> -> memref<10000x128xf32, #tpu.memory_space<vmem_shared>>
        tpu.wait_indirect_dma semaphore(%arg24 : memref<!tpu.dma_semaphore, #tpu.memory_space<semaphore_mem>>) src(%dma_wait3A_230 : memref<16x128xf32, #tpu.memory_space<vmem>>) dst(%dma_wait3A_233 : memref<10000x128xf32, #tpu.memory_space<vmem_shared>>)
        %dma_wait3A_234 = arith.constant 16 : i32
        %dma_wait3A_235 = arith.constant 0 : i32
        %dma_wait3A_236 = tpu.memref_slice %arg14[%dma_wait3A_234, %dma_wait3A_235] : memref<32x128xf32, #tpu.memory_space<vmem>> -> memref<16x128xf32, #tpu.memory_space<vmem>>
        %dma_wait3A_237 = arith.constant 0 : i32
        %dma_wait3A_238 = arith.constant 0 : i32
        %dma_wait3A_239 = tpu.memref_slice %arg16[%dma_wait3A_237, %dma_wait3A_238] : memref<10000x128xf32, #tpu.memory_space<vmem_shared>> -> memref<10000x128xf32, #tpu.memory_space<vmem_shared>>
        tpu.wait_indirect_dma semaphore(%arg24 : memref<!tpu.dma_semaphore, #tpu.memory_space<semaphore_mem>>) src(%dma_wait3A_236 : memref<16x128xf32, #tpu.memory_space<vmem>>) dst(%dma_wait3A_239 : memref<10000x128xf32, #tpu.memory_space<vmem_shared>>)
      } else {
      }
      %add3A_179 = arith.constant 7 : i32
      %add3A_180 = arith.addi %add3A_174, %add3A_179 : i32
      %lt3A_181 = arith.cmpi slt, %add3A_180, %mul3A_23 : i32
      %convert_element_type3A_182 = arith.extui %lt3A_181 : i1 to i32
      %cond3A_183 = arith.constant 0 : i32
      %cond3A_184 = arith.cmpi ne, %convert_element_type3A_182, %cond3A_183 : i32
      scf.if %cond3A_184 {
        %add3A_199 = arith.constant 7 : i32
        %add3A_200 = arith.addi %add3A_174, %add3A_199 : i32
        %mul3A_201 = arith.constant 32 : i32
        %mul3A_202 = arith.muli %add3A_200, %mul3A_201 : i32
        %dma_start3A_203 = tpu.memref_slice %arg7[%mul3A_202] : memref<10112xi32, #tpu.memory_space<vmem>> -> memref<32xi32, #tpu.memory_space<vmem>>
        %dma_start3A_204 = arith.constant 0 : i32
        %dma_start3A_205 = arith.constant 0 : i32
        %dma_start3A_206 = tpu.memref_slice %arg4[%dma_start3A_204, %dma_start3A_205] : memref<160000x128xf32, #tpu.memory_space<hbm>> -> memref<160000x128xf32, #tpu.memory_space<hbm>>
        tpu.enqueue_indirect_dma source(%dma_start3A_206 : memref<160000x128xf32, #tpu.memory_space<hbm>>) target(%arg14 : memref<32x128xf32, #tpu.memory_space<vmem>>) offsets(%dma_start3A_203 : memref<32xi32, #tpu.memory_space<vmem>>) semaphore(%arg22 : memref<!tpu.dma_semaphore, #tpu.memory_space<semaphore_mem>>)
      } else {
      }
      %mul3A_185 = arith.constant 7 : i32
      %mul3A_186 = arith.muli %mul3A_185, %while3A_100 : i32
      %add3A_187 = arith.constant 6 : i32
      %add3A_188 = arith.addi %mul3A_186, %add3A_187 : i32
      %lt3A_189 = arith.cmpi slt, %add3A_188, %mul3A_23 : i32
      %convert_element_type3A_190 = arith.extui %lt3A_189 : i1 to i32
      %cond3A_191 = arith.constant 0 : i32
      %cond3A_192 = arith.cmpi ne, %convert_element_type3A_190, %cond3A_191 : i32
      scf.if %cond3A_192 {
        %dma_wait3A = arith.constant 0 : i32
        %dma_wait3A_199 = tpu.memref_slice %arg7[%dma_wait3A] : memref<10112xi32, #tpu.memory_space<vmem>> -> memref<32xi32, #tpu.memory_space<vmem>>
        %dma_wait3A_200 = arith.constant 0 : i32
        %dma_wait3A_201 = arith.constant 0 : i32
        %dma_wait3A_202 = tpu.memref_slice %arg4[%dma_wait3A_200, %dma_wait3A_201] : memref<160000x128xf32, #tpu.memory_space<hbm>> -> memref<160000x128xf32, #tpu.memory_space<hbm>>
        tpu.wait_indirect_dma semaphore(%arg23 : memref<!tpu.dma_semaphore, #tpu.memory_space<semaphore_mem>>) src(%dma_wait3A_202 : memref<160000x128xf32, #tpu.memory_space<hbm>>) dst(%arg15 : memref<32x128xf32, #tpu.memory_space<vmem>>)
        %mul3A_203 = arith.constant 32 : i32
        %mul3A_204 = arith.muli %add3A_188, %mul3A_203 : i32
        %add3A_205 = arith.constant 0 : i32
        %add3A_206 = arith.addi %mul3A_204, %add3A_205 : i32
        %get3A = arith.index_cast %add3A_206 : i32 to index
        %get3A_207 = tpu.vector_load %arg8[%get3A] {strides = array<i32>} : memref<10112xi32, #tpu.memory_space<vmem>>, vector<16xi32>,
        %get3A_208 = vector.shape_cast %get3A_207 : vector<16xi32> to vector<16xi32>
        %dma_start3A_209 = arith.constant 0 : i32
        %dma_start3A_210 = arith.constant 0 : i32
        %dma_start3A_211 = tpu.memref_slice %arg15[%dma_start3A_209, %dma_start3A_210] : memref<32x128xf32, #tpu.memory_space<vmem>> -> memref<16x128xf32, #tpu.memory_space<vmem>>
        %dma_start3A_212 = arith.constant 0 : i32
        %dma_start3A_213 = arith.constant 0 : i32
        %dma_start3A_214 = tpu.memref_slice %arg16[%dma_start3A_212, %dma_start3A_213] : memref<10000x128xf32, #tpu.memory_space<vmem_shared>> -> memref<10000x128xf32, #tpu.memory_space<vmem_shared>>
        tpu.enqueue_indirect_dma source(%dma_start3A_211 : memref<16x128xf32, #tpu.memory_space<vmem>>) target(%dma_start3A_214 : memref<10000x128xf32, #tpu.memory_space<vmem_shared>>) offsets(%get3A_208 : vector<16xi32>) semaphore(%arg24 : memref<!tpu.dma_semaphore, #tpu.memory_space<semaphore_mem>>) {add = true}
        %mul3A_215 = arith.constant 32 : i32
        %mul3A_216 = arith.muli %add3A_188, %mul3A_215 : i32
        %add3A_217 = arith.constant 16 : i32
        %add3A_218 = arith.addi %mul3A_216, %add3A_217 : i32
        %get3A_219 = arith.index_cast %add3A_218 : i32 to index
        %get3A_220 = tpu.vector_load %arg8[%get3A_219] {strides = array<i32>} : memref<10112xi32, #tpu.memory_space<vmem>>, vector<16xi32>,
        %get3A_221 = vector.shape_cast %get3A_220 : vector<16xi32> to vector<16xi32>
        %dma_start3A_222 = arith.constant 16 : i32
        %dma_start3A_223 = arith.constant 0 : i32
        %dma_start3A_224 = tpu.memref_slice %arg15[%dma_start3A_222, %dma_start3A_223] : memref<32x128xf32, #tpu.memory_space<vmem>> -> memref<16x128xf32, #tpu.memory_space<vmem>>
        %dma_start3A_225 = arith.constant 0 : i32
        %dma_start3A_226 = arith.constant 0 : i32
        %dma_start3A_227 = tpu.memref_slice %arg16[%dma_start3A_225, %dma_start3A_226] : memref<10000x128xf32, #tpu.memory_space<vmem_shared>> -> memref<10000x128xf32, #tpu.memory_space<vmem_shared>>
        tpu.enqueue_indirect_dma source(%dma_start3A_224 : memref<16x128xf32, #tpu.memory_space<vmem>>) target(%dma_start3A_227 : memref<10000x128xf32, #tpu.memory_space<vmem_shared>>) offsets(%get3A_221 : vector<16xi32>) semaphore(%arg24 : memref<!tpu.dma_semaphore, #tpu.memory_space<semaphore_mem>>) {add = true}
        %dma_wait3A_228 = arith.constant 0 : i32
        %dma_wait3A_229 = arith.constant 0 : i32
        %dma_wait3A_230 = tpu.memref_slice %arg15[%dma_wait3A_228, %dma_wait3A_229] : memref<32x128xf32, #tpu.memory_space<vmem>> -> memref<16x128xf32, #tpu.memory_space<vmem>>
        %dma_wait3A_231 = arith.constant 0 : i32
        %dma_wait3A_232 = arith.constant 0 : i32
        %dma_wait3A_233 = tpu.memref_slice %arg16[%dma_wait3A_231, %dma_wait3A_232] : memref<10000x128xf32, #tpu.memory_space<vmem_shared>> -> memref<10000x128xf32, #tpu.memory_space<vmem_shared>>
        tpu.wait_indirect_dma semaphore(%arg24 : memref<!tpu.dma_semaphore, #tpu.memory_space<semaphore_mem>>) src(%dma_wait3A_230 : memref<16x128xf32, #tpu.memory_space<vmem>>) dst(%dma_wait3A_233 : memref<10000x128xf32, #tpu.memory_space<vmem_shared>>)
        %dma_wait3A_234 = arith.constant 16 : i32
        %dma_wait3A_235 = arith.constant 0 : i32
        %dma_wait3A_236 = tpu.memref_slice %arg15[%dma_wait3A_234, %dma_wait3A_235] : memref<32x128xf32, #tpu.memory_space<vmem>> -> memref<16x128xf32, #tpu.memory_space<vmem>>
        %dma_wait3A_237 = arith.constant 0 : i32
        %dma_wait3A_238 = arith.constant 0 : i32
        %dma_wait3A_239 = tpu.memref_slice %arg16[%dma_wait3A_237, %dma_wait3A_238] : memref<10000x128xf32, #tpu.memory_space<vmem_shared>> -> memref<10000x128xf32, #tpu.memory_space<vmem_shared>>
        tpu.wait_indirect_dma semaphore(%arg24 : memref<!tpu.dma_semaphore, #tpu.memory_space<semaphore_mem>>) src(%dma_wait3A_236 : memref<16x128xf32, #tpu.memory_space<vmem>>) dst(%dma_wait3A_239 : memref<10000x128xf32, #tpu.memory_space<vmem_shared>>)
      } else {
      }
      %add3A_193 = arith.constant 7 : i32
      %add3A_194 = arith.addi %add3A_188, %add3A_193 : i32
      %lt3A_195 = arith.cmpi slt, %add3A_194, %mul3A_23 : i32
      %convert_element_type3A_196 = arith.extui %lt3A_195 : i1 to i32
      %cond3A_197 = arith.constant 0 : i32
      %cond3A_198 = arith.cmpi ne, %convert_element_type3A_196, %cond3A_197 : i32
      scf.if %cond3A_198 {
        %add3A_199 = arith.constant 7 : i32
        %add3A_200 = arith.addi %add3A_188, %add3A_199 : i32
        %mul3A_201 = arith.constant 32 : i32
        %mul3A_202 = arith.muli %add3A_200, %mul3A_201 : i32
        %dma_start3A_203 = tpu.memref_slice %arg7[%mul3A_202] : memref<10112xi32, #tpu.memory_space<vmem>> -> memref<32xi32, #tpu.memory_space<vmem>>
        %dma_start3A_204 = arith.constant 0 : i32
        %dma_start3A_205 = arith.constant 0 : i32
        %dma_start3A_206 = tpu.memref_slice %arg4[%dma_start3A_204, %dma_start3A_205] : memref<160000x128xf32, #tpu.memory_space<hbm>> -> memref<160000x128xf32, #tpu.memory_space<hbm>>
        tpu.enqueue_indirect_dma source(%dma_start3A_206 : memref<160000x128xf32, #tpu.memory_space<hbm>>) target(%arg15 : memref<32x128xf32, #tpu.memory_space<vmem>>) offsets(%dma_start3A_203 : memref<32xi32, #tpu.memory_space<vmem>>) semaphore(%arg23 : memref<!tpu.dma_semaphore, #tpu.memory_space<semaphore_mem>>)
      } else {
      }
    }
    %barrier3A_89 = arith.constant 0 : index
    tpu.barrier barrier_id(%barrier3A_89)
    %lt3A_90 = arith.constant 15 : i32
    %lt3A_91 = arith.cmpi slt, %arg1, %lt3A_90 : i32
    %convert_element_type3A_92 = arith.extui %lt3A_91 : i1 to i32
    %cond3A_93 = arith.constant 0 : i32
    %cond3A_94 = arith.cmpi ne, %convert_element_type3A_92, %cond3A_93 : i32
    scf.if %cond3A_94 {
      %mul3A_100 = arith.constant 640 : i32
      %mul3A_101 = arith.muli %arg1, %mul3A_100 : i32
      %mul3A_102 = arith.constant 640 : i32
      %mul3A_103 = arith.muli %arg1, %mul3A_102 : i32
      %mul3A_104 = arith.constant 128 : i32
      %mul3A_105 = arith.muli %arg0, %mul3A_104 : i32
      "tpu.region"() ({
        %run_scoped3A = tpu.sem_alloc : memref<!tpu.dma_semaphore, #tpu.memory_space<semaphore_mem>>
        %dma_start3A_106 = tpu.memref_slice %arg6[%mul3A_103, %mul3A_105] : memref<10000x256xf32, #tpu.memory_space<hbm>> -> memref<640x128xf32, #tpu.memory_space<hbm>>
        %dma_start3A_107 = arith.constant 0 : i32
        %dma_start3A_108 = tpu.memref_slice %arg16[%mul3A_101, %dma_start3A_107] : memref<10000x128xf32, #tpu.memory_space<vmem_shared>> -> memref<640x128xf32, #tpu.memory_space<vmem_shared>>
        tpu.enqueue_dma source(%dma_start3A_108 : memref<640x128xf32, #tpu.memory_space<vmem_shared>>) target(%dma_start3A_106 : memref<640x128xf32, #tpu.memory_space<hbm>>) target_semaphore(%run_scoped3A : memref<!tpu.dma_semaphore, #tpu.memory_space<semaphore_mem>>)
        %dma_wait3A = tpu.memref_slice %arg6[%mul3A_103, %mul3A_105] : memref<10000x256xf32, #tpu.memory_space<hbm>> -> memref<640x128xf32, #tpu.memory_space<hbm>>
        %dma_wait3A_109 = arith.constant 0 : i32
        %dma_wait3A_110 = tpu.memref_slice %arg16[%mul3A_101, %dma_wait3A_109] : memref<10000x128xf32, #tpu.memory_space<vmem_shared>> -> memref<640x128xf32, #tpu.memory_space<vmem_shared>>
        tpu.wait_dma2 semaphore(%run_scoped3A : memref<!tpu.dma_semaphore, #tpu.memory_space<semaphore_mem>>) src(%dma_wait3A_110 : memref<640x128xf32, #tpu.memory_space<vmem_shared>>) dst(%dma_wait3A : memref<640x128xf32, #tpu.memory_space<hbm>>)
        tpu.yield
      }) : () -> ()
    } else {
    }
    %eq3A_95 = arith.constant 15 : i32
    %eq3A_96 = arith.cmpi eq, %arg1, %eq3A_95 : i32
    %convert_element_type3A_97 = arith.extui %eq3A_96 : i1 to i32
    %cond3A_98 = arith.constant 0 : i32
    %cond3A_99 = arith.cmpi ne, %convert_element_type3A_97, %cond3A_98 : i32
    scf.if %cond3A_99 {
      %mul3A_100 = arith.constant 128 : i32
      %mul3A_101 = arith.muli %arg0, %mul3A_100 : i32
      "tpu.region"() ({
        %run_scoped3A = tpu.sem_alloc : memref<!tpu.dma_semaphore, #tpu.memory_space<semaphore_mem>>
        %dma_start3A_102 = arith.constant 9600 : i32
        %dma_start3A_103 = tpu.memref_slice %arg6[%dma_start3A_102, %mul3A_101] : memref<10000x256xf32, #tpu.memory_space<hbm>> -> memref<400x128xf32, #tpu.memory_space<hbm>>
        %dma_start3A_104 = arith.constant 9600 : i32
        %dma_start3A_105 = arith.constant 0 : i32
        %dma_start3A_106 = tpu.memref_slice %arg16[%dma_start3A_104, %dma_start3A_105] : memref<10000x128xf32, #tpu.memory_space<vmem_shared>> -> memref<400x128xf32, #tpu.memory_space<vmem_shared>>
        tpu.enqueue_dma source(%dma_start3A_106 : memref<400x128xf32, #tpu.memory_space<vmem_shared>>) target(%dma_start3A_103 : memref<400x128xf32, #tpu.memory_space<hbm>>) target_semaphore(%run_scoped3A : memref<!tpu.dma_semaphore, #tpu.memory_space<semaphore_mem>>)
        %dma_wait3A = arith.constant 9600 : i32
        %dma_wait3A_107 = tpu.memref_slice %arg6[%dma_wait3A, %mul3A_101] : memref<10000x256xf32, #tpu.memory_space<hbm>> -> memref<400x128xf32, #tpu.memory_space<hbm>>
        %dma_wait3A_108 = arith.constant 9600 : i32
        %dma_wait3A_109 = arith.constant 0 : i32
        %dma_wait3A_110 = tpu.memref_slice %arg16[%dma_wait3A_108, %dma_wait3A_109] : memref<10000x128xf32, #tpu.memory_space<vmem_shared>> -> memref<400x128xf32, #tpu.memory_space<vmem_shared>>
        tpu.wait_dma2 semaphore(%run_scoped3A : memref<!tpu.dma_semaphore, #tpu.memory_space<semaphore_mem>>) src(%dma_wait3A_110 : memref<400x128xf32, #tpu.memory_space<vmem_shared>>) dst(%dma_wait3A_107 : memref<400x128xf32, #tpu.memory_space<hbm>>)
        tpu.yield
      }) : () -> ()
    } else {
    }
    return
  }
}

module attributes {stable_mosaic.version = 14 : i64} {
  func.func @_tc_body(%arg0: i32, %arg1: memref<1000x256xf32, #tpu.memory_space<vmem>>, %arg2: memref<8x256x256xf32, #tpu.memory_space<vmem>>, %arg3: memref<256x256xf32, #tpu.memory_space<vmem>>, %arg4: memref<1x256xf32, #tpu.memory_space<vmem>>, %arg5: memref<2x8x1000x128xf32, #tpu.memory_space<vmem>>, %arg6: memref<1000x256xf32, #tpu.memory_space<vmem>>) attributes {dimension_semantics = [#tpu.dimension_semantics<arbitrary>], iteration_bounds = array<i64: 10>, scalar_prefetch = 0 : i64, scratch_operands = 0 : i64, tpu.core_type = #tpu.core_type<tc>, window_params = [{transform_indices = @transform_0, window_bounds = array<i64: 1000, 256>}, {pipeline_mode = #tpu.pipeline_mode<synchronous>, transform_indices = @transform_1, window_bounds = array<i64: 8, 256, 256>}, {pipeline_mode = #tpu.pipeline_mode<synchronous>, transform_indices = @transform_2, window_bounds = array<i64: 256, 256>}, {pipeline_mode = #tpu.pipeline_mode<synchronous>, transform_indices = @transform_3, window_bounds = array<i64: 1, 256>}, {transform_indices = @transform_4, window_bounds = array<i64: 2, 8, 1000, 128>}, {transform_indices = @transform_5, window_bounds = array<i64: 1000, 256>}]} {
    %get3A = arith.constant 0 : index
    %get3A_0 = arith.constant 0 : index
    %get3A_1 = vector.load %arg1[%get3A, %get3A_0] : memref<1000x256xf32, #tpu.memory_space<vmem>>, vector<1000x256xf32>
    %max3A = arith.constant 0.000000e+00 : f32
    %max3A_2 = vector.broadcast %max3A : f32 to vector<1000x256xf32>
    %max3A_3 = arith.maximumf %get3A_1, %max3A_2 : vector<1000x256xf32>
    %get3A_4 = arith.constant 0 : index
    %get3A_5 = arith.constant 0 : index
    %get3A_6 = arith.constant 0 : index
    %get3A_7 = vector.load %arg2[%get3A_4, %get3A_5, %get3A_6] : memref<8x256x256xf32, #tpu.memory_space<vmem>>, vector<1x256x256xf32>
    %get3A_8 = vector.shape_cast %get3A_7 : vector<1x256x256xf32> to vector<256x256xf32>
    %dot_general3A = arith.constant dense<0.000000e+00> : vector<1000x256xf32>
    %dot_general3A_9 = tpu.matmul %max3A_3, %get3A_8, %dot_general3A {dimension_numbers = #tpu.dot_dimension_numbers<[1], [0], [0], [1], [0, 0, 1, 1], [], []>, transpose_lhs_hint = false} : vector<1000x256xf32>, vector<256x256xf32>, vector<1000x256xf32> -> vector<1000x256xf32>
    %slice3A = vector.extract_strided_slice %dot_general3A_9 {offsets = [0, 0], sizes = [1000, 128], strides = [1, 1]} : vector<1000x256xf32> to vector<1000x128xf32>
    %swap3A = arith.constant 0 : index
    %swap3A_10 = arith.constant 0 : index
    %swap3A_11 = arith.constant 0 : index
    %swap3A_12 = arith.constant 0 : index
    %swap3A_13 = vector.load %arg5[%swap3A, %swap3A_10, %swap3A_11, %swap3A_12] : memref<2x8x1000x128xf32, #tpu.memory_space<vmem>>, vector<1x1x1000x128xf32>
    %swap3A_14 = vector.shape_cast %swap3A_13 : vector<1x1x1000x128xf32> to vector<1000x128xf32>
    %swap3A_15 = vector.shape_cast %slice3A : vector<1000x128xf32> to vector<1x1x1000x128xf32>
    tpu.vector_store %arg5[%swap3A, %swap3A_10, %swap3A_11, %swap3A_12], %swap3A_15 {strides = array<i32>} : memref<2x8x1000x128xf32, #tpu.memory_space<vmem>>, vector<1x1x1000x128xf32>,
    %slice3A_16 = vector.extract_strided_slice %dot_general3A_9 {offsets = [0, 128], sizes = [1000, 128], strides = [1, 1]} : vector<1000x256xf32> to vector<1000x128xf32>
    %swap3A_17 = arith.constant 1 : index
    %swap3A_18 = arith.constant 0 : index
    %swap3A_19 = arith.constant 0 : index
    %swap3A_20 = arith.constant 0 : index
    %swap3A_21 = vector.load %arg5[%swap3A_17, %swap3A_18, %swap3A_19, %swap3A_20] : memref<2x8x1000x128xf32, #tpu.memory_space<vmem>>, vector<1x1x1000x128xf32>
    %swap3A_22 = vector.shape_cast %swap3A_21 : vector<1x1x1000x128xf32> to vector<1000x128xf32>
    %swap3A_23 = vector.shape_cast %slice3A_16 : vector<1000x128xf32> to vector<1x1x1000x128xf32>
    tpu.vector_store %arg5[%swap3A_17, %swap3A_18, %swap3A_19, %swap3A_20], %swap3A_23 {strides = array<i32>} : memref<2x8x1000x128xf32, #tpu.memory_space<vmem>>, vector<1x1x1000x128xf32>,
    %get3A_24 = arith.constant 1 : index
    %get3A_25 = arith.constant 0 : index
    %get3A_26 = arith.constant 0 : index
    %get3A_27 = vector.load %arg2[%get3A_24, %get3A_25, %get3A_26] : memref<8x256x256xf32, #tpu.memory_space<vmem>>, vector<1x256x256xf32>
    %get3A_28 = vector.shape_cast %get3A_27 : vector<1x256x256xf32> to vector<256x256xf32>
    %dot_general3A_29 = arith.constant dense<0.000000e+00> : vector<1000x256xf32>
    %dot_general3A_30 = tpu.matmul %max3A_3, %get3A_28, %dot_general3A_29 {dimension_numbers = #tpu.dot_dimension_numbers<[1], [0], [0], [1], [0, 0, 1, 1], [], []>, transpose_lhs_hint = false} : vector<1000x256xf32>, vector<256x256xf32>, vector<1000x256xf32> -> vector<1000x256xf32>
    %slice3A_31 = vector.extract_strided_slice %dot_general3A_30 {offsets = [0, 0], sizes = [1000, 128], strides = [1, 1]} : vector<1000x256xf32> to vector<1000x128xf32>
    %swap3A_32 = arith.constant 0 : index
    %swap3A_33 = arith.constant 1 : index
    %swap3A_34 = arith.constant 0 : index
    %swap3A_35 = arith.constant 0 : index
    %swap3A_36 = vector.load %arg5[%swap3A_32, %swap3A_33, %swap3A_34, %swap3A_35] : memref<2x8x1000x128xf32, #tpu.memory_space<vmem>>, vector<1x1x1000x128xf32>
    %swap3A_37 = vector.shape_cast %swap3A_36 : vector<1x1x1000x128xf32> to vector<1000x128xf32>
    %swap3A_38 = vector.shape_cast %slice3A_31 : vector<1000x128xf32> to vector<1x1x1000x128xf32>
    tpu.vector_store %arg5[%swap3A_32, %swap3A_33, %swap3A_34, %swap3A_35], %swap3A_38 {strides = array<i32>} : memref<2x8x1000x128xf32, #tpu.memory_space<vmem>>, vector<1x1x1000x128xf32>,
    %slice3A_39 = vector.extract_strided_slice %dot_general3A_30 {offsets = [0, 128], sizes = [1000, 128], strides = [1, 1]} : vector<1000x256xf32> to vector<1000x128xf32>
    %swap3A_40 = arith.constant 1 : index
    %swap3A_41 = arith.constant 1 : index
    %swap3A_42 = arith.constant 0 : index
    %swap3A_43 = arith.constant 0 : index
    %swap3A_44 = vector.load %arg5[%swap3A_40, %swap3A_41, %swap3A_42, %swap3A_43] : memref<2x8x1000x128xf32, #tpu.memory_space<vmem>>, vector<1x1x1000x128xf32>
    %swap3A_45 = vector.shape_cast %swap3A_44 : vector<1x1x1000x128xf32> to vector<1000x128xf32>
    %swap3A_46 = vector.shape_cast %slice3A_39 : vector<1000x128xf32> to vector<1x1x1000x128xf32>
    tpu.vector_store %arg5[%swap3A_40, %swap3A_41, %swap3A_42, %swap3A_43], %swap3A_46 {strides = array<i32>} : memref<2x8x1000x128xf32, #tpu.memory_space<vmem>>, vector<1x1x1000x128xf32>,
    %get3A_47 = arith.constant 2 : index
    %get3A_48 = arith.constant 0 : index
    %get3A_49 = arith.constant 0 : index
    %get3A_50 = vector.load %arg2[%get3A_47, %get3A_48, %get3A_49] : memref<8x256x256xf32, #tpu.memory_space<vmem>>, vector<1x256x256xf32>
    %get3A_51 = vector.shape_cast %get3A_50 : vector<1x256x256xf32> to vector<256x256xf32>
    %dot_general3A_52 = arith.constant dense<0.000000e+00> : vector<1000x256xf32>
    %dot_general3A_53 = tpu.matmul %max3A_3, %get3A_51, %dot_general3A_52 {dimension_numbers = #tpu.dot_dimension_numbers<[1], [0], [0], [1], [0, 0, 1, 1], [], []>, transpose_lhs_hint = false} : vector<1000x256xf32>, vector<256x256xf32>, vector<1000x256xf32> -> vector<1000x256xf32>
    %slice3A_54 = vector.extract_strided_slice %dot_general3A_53 {offsets = [0, 0], sizes = [1000, 128], strides = [1, 1]} : vector<1000x256xf32> to vector<1000x128xf32>
    %swap3A_55 = arith.constant 0 : index
    %swap3A_56 = arith.constant 2 : index
    %swap3A_57 = arith.constant 0 : index
    %swap3A_58 = arith.constant 0 : index
    %swap3A_59 = vector.load %arg5[%swap3A_55, %swap3A_56, %swap3A_57, %swap3A_58] : memref<2x8x1000x128xf32, #tpu.memory_space<vmem>>, vector<1x1x1000x128xf32>
    %swap3A_60 = vector.shape_cast %swap3A_59 : vector<1x1x1000x128xf32> to vector<1000x128xf32>
    %swap3A_61 = vector.shape_cast %slice3A_54 : vector<1000x128xf32> to vector<1x1x1000x128xf32>
    tpu.vector_store %arg5[%swap3A_55, %swap3A_56, %swap3A_57, %swap3A_58], %swap3A_61 {strides = array<i32>} : memref<2x8x1000x128xf32, #tpu.memory_space<vmem>>, vector<1x1x1000x128xf32>,
    %slice3A_62 = vector.extract_strided_slice %dot_general3A_53 {offsets = [0, 128], sizes = [1000, 128], strides = [1, 1]} : vector<1000x256xf32> to vector<1000x128xf32>
    %swap3A_63 = arith.constant 1 : index
    %swap3A_64 = arith.constant 2 : index
    %swap3A_65 = arith.constant 0 : index
    %swap3A_66 = arith.constant 0 : index
    %swap3A_67 = vector.load %arg5[%swap3A_63, %swap3A_64, %swap3A_65, %swap3A_66] : memref<2x8x1000x128xf32, #tpu.memory_space<vmem>>, vector<1x1x1000x128xf32>
    %swap3A_68 = vector.shape_cast %swap3A_67 : vector<1x1x1000x128xf32> to vector<1000x128xf32>
    %swap3A_69 = vector.shape_cast %slice3A_62 : vector<1000x128xf32> to vector<1x1x1000x128xf32>
    tpu.vector_store %arg5[%swap3A_63, %swap3A_64, %swap3A_65, %swap3A_66], %swap3A_69 {strides = array<i32>} : memref<2x8x1000x128xf32, #tpu.memory_space<vmem>>, vector<1x1x1000x128xf32>,
    %get3A_70 = arith.constant 3 : index
    %get3A_71 = arith.constant 0 : index
    %get3A_72 = arith.constant 0 : index
    %get3A_73 = vector.load %arg2[%get3A_70, %get3A_71, %get3A_72] : memref<8x256x256xf32, #tpu.memory_space<vmem>>, vector<1x256x256xf32>
    %get3A_74 = vector.shape_cast %get3A_73 : vector<1x256x256xf32> to vector<256x256xf32>
    %dot_general3A_75 = arith.constant dense<0.000000e+00> : vector<1000x256xf32>
    %dot_general3A_76 = tpu.matmul %max3A_3, %get3A_74, %dot_general3A_75 {dimension_numbers = #tpu.dot_dimension_numbers<[1], [0], [0], [1], [0, 0, 1, 1], [], []>, transpose_lhs_hint = false} : vector<1000x256xf32>, vector<256x256xf32>, vector<1000x256xf32> -> vector<1000x256xf32>
    %slice3A_77 = vector.extract_strided_slice %dot_general3A_76 {offsets = [0, 0], sizes = [1000, 128], strides = [1, 1]} : vector<1000x256xf32> to vector<1000x128xf32>
    %swap3A_78 = arith.constant 0 : index
    %swap3A_79 = arith.constant 3 : index
    %swap3A_80 = arith.constant 0 : index
    %swap3A_81 = arith.constant 0 : index
    %swap3A_82 = vector.load %arg5[%swap3A_78, %swap3A_79, %swap3A_80, %swap3A_81] : memref<2x8x1000x128xf32, #tpu.memory_space<vmem>>, vector<1x1x1000x128xf32>
    %swap3A_83 = vector.shape_cast %swap3A_82 : vector<1x1x1000x128xf32> to vector<1000x128xf32>
    %swap3A_84 = vector.shape_cast %slice3A_77 : vector<1000x128xf32> to vector<1x1x1000x128xf32>
    tpu.vector_store %arg5[%swap3A_78, %swap3A_79, %swap3A_80, %swap3A_81], %swap3A_84 {strides = array<i32>} : memref<2x8x1000x128xf32, #tpu.memory_space<vmem>>, vector<1x1x1000x128xf32>,
    %slice3A_85 = vector.extract_strided_slice %dot_general3A_76 {offsets = [0, 128], sizes = [1000, 128], strides = [1, 1]} : vector<1000x256xf32> to vector<1000x128xf32>
    %swap3A_86 = arith.constant 1 : index
    %swap3A_87 = arith.constant 3 : index
    %swap3A_88 = arith.constant 0 : index
    %swap3A_89 = arith.constant 0 : index
    %swap3A_90 = vector.load %arg5[%swap3A_86, %swap3A_87, %swap3A_88, %swap3A_89] : memref<2x8x1000x128xf32, #tpu.memory_space<vmem>>, vector<1x1x1000x128xf32>
    %swap3A_91 = vector.shape_cast %swap3A_90 : vector<1x1x1000x128xf32> to vector<1000x128xf32>
    %swap3A_92 = vector.shape_cast %slice3A_85 : vector<1000x128xf32> to vector<1x1x1000x128xf32>
    tpu.vector_store %arg5[%swap3A_86, %swap3A_87, %swap3A_88, %swap3A_89], %swap3A_92 {strides = array<i32>} : memref<2x8x1000x128xf32, #tpu.memory_space<vmem>>, vector<1x1x1000x128xf32>,
    %get3A_93 = arith.constant 4 : index
    %get3A_94 = arith.constant 0 : index
    %get3A_95 = arith.constant 0 : index
    %get3A_96 = vector.load %arg2[%get3A_93, %get3A_94, %get3A_95] : memref<8x256x256xf32, #tpu.memory_space<vmem>>, vector<1x256x256xf32>
    %get3A_97 = vector.shape_cast %get3A_96 : vector<1x256x256xf32> to vector<256x256xf32>
    %dot_general3A_98 = arith.constant dense<0.000000e+00> : vector<1000x256xf32>
    %dot_general3A_99 = tpu.matmul %max3A_3, %get3A_97, %dot_general3A_98 {dimension_numbers = #tpu.dot_dimension_numbers<[1], [0], [0], [1], [0, 0, 1, 1], [], []>, transpose_lhs_hint = false} : vector<1000x256xf32>, vector<256x256xf32>, vector<1000x256xf32> -> vector<1000x256xf32>
    %slice3A_100 = vector.extract_strided_slice %dot_general3A_99 {offsets = [0, 0], sizes = [1000, 128], strides = [1, 1]} : vector<1000x256xf32> to vector<1000x128xf32>
    %swap3A_101 = arith.constant 0 : index
    %swap3A_102 = arith.constant 4 : index
    %swap3A_103 = arith.constant 0 : index
    %swap3A_104 = arith.constant 0 : index
    %swap3A_105 = vector.load %arg5[%swap3A_101, %swap3A_102, %swap3A_103, %swap3A_104] : memref<2x8x1000x128xf32, #tpu.memory_space<vmem>>, vector<1x1x1000x128xf32>
    %swap3A_106 = vector.shape_cast %swap3A_105 : vector<1x1x1000x128xf32> to vector<1000x128xf32>
    %swap3A_107 = vector.shape_cast %slice3A_100 : vector<1000x128xf32> to vector<1x1x1000x128xf32>
    tpu.vector_store %arg5[%swap3A_101, %swap3A_102, %swap3A_103, %swap3A_104], %swap3A_107 {strides = array<i32>} : memref<2x8x1000x128xf32, #tpu.memory_space<vmem>>, vector<1x1x1000x128xf32>,
    %slice3A_108 = vector.extract_strided_slice %dot_general3A_99 {offsets = [0, 128], sizes = [1000, 128], strides = [1, 1]} : vector<1000x256xf32> to vector<1000x128xf32>
    %swap3A_109 = arith.constant 1 : index
    %swap3A_110 = arith.constant 4 : index
    %swap3A_111 = arith.constant 0 : index
    %swap3A_112 = arith.constant 0 : index
    %swap3A_113 = vector.load %arg5[%swap3A_109, %swap3A_110, %swap3A_111, %swap3A_112] : memref<2x8x1000x128xf32, #tpu.memory_space<vmem>>, vector<1x1x1000x128xf32>
    %swap3A_114 = vector.shape_cast %swap3A_113 : vector<1x1x1000x128xf32> to vector<1000x128xf32>
    %swap3A_115 = vector.shape_cast %slice3A_108 : vector<1000x128xf32> to vector<1x1x1000x128xf32>
    tpu.vector_store %arg5[%swap3A_109, %swap3A_110, %swap3A_111, %swap3A_112], %swap3A_115 {strides = array<i32>} : memref<2x8x1000x128xf32, #tpu.memory_space<vmem>>, vector<1x1x1000x128xf32>,
    %get3A_116 = arith.constant 5 : index
    %get3A_117 = arith.constant 0 : index
    %get3A_118 = arith.constant 0 : index
    %get3A_119 = vector.load %arg2[%get3A_116, %get3A_117, %get3A_118] : memref<8x256x256xf32, #tpu.memory_space<vmem>>, vector<1x256x256xf32>
    %get3A_120 = vector.shape_cast %get3A_119 : vector<1x256x256xf32> to vector<256x256xf32>
    %dot_general3A_121 = arith.constant dense<0.000000e+00> : vector<1000x256xf32>
    %dot_general3A_122 = tpu.matmul %max3A_3, %get3A_120, %dot_general3A_121 {dimension_numbers = #tpu.dot_dimension_numbers<[1], [0], [0], [1], [0, 0, 1, 1], [], []>, transpose_lhs_hint = false} : vector<1000x256xf32>, vector<256x256xf32>, vector<1000x256xf32> -> vector<1000x256xf32>
    %slice3A_123 = vector.extract_strided_slice %dot_general3A_122 {offsets = [0, 0], sizes = [1000, 128], strides = [1, 1]} : vector<1000x256xf32> to vector<1000x128xf32>
    %swap3A_124 = arith.constant 0 : index
    %swap3A_125 = arith.constant 5 : index
    %swap3A_126 = arith.constant 0 : index
    %swap3A_127 = arith.constant 0 : index
    %swap3A_128 = vector.load %arg5[%swap3A_124, %swap3A_125, %swap3A_126, %swap3A_127] : memref<2x8x1000x128xf32, #tpu.memory_space<vmem>>, vector<1x1x1000x128xf32>
    %swap3A_129 = vector.shape_cast %swap3A_128 : vector<1x1x1000x128xf32> to vector<1000x128xf32>
    %swap3A_130 = vector.shape_cast %slice3A_123 : vector<1000x128xf32> to vector<1x1x1000x128xf32>
    tpu.vector_store %arg5[%swap3A_124, %swap3A_125, %swap3A_126, %swap3A_127], %swap3A_130 {strides = array<i32>} : memref<2x8x1000x128xf32, #tpu.memory_space<vmem>>, vector<1x1x1000x128xf32>,
    %slice3A_131 = vector.extract_strided_slice %dot_general3A_122 {offsets = [0, 128], sizes = [1000, 128], strides = [1, 1]} : vector<1000x256xf32> to vector<1000x128xf32>
    %swap3A_132 = arith.constant 1 : index
    %swap3A_133 = arith.constant 5 : index
    %swap3A_134 = arith.constant 0 : index
    %swap3A_135 = arith.constant 0 : index
    %swap3A_136 = vector.load %arg5[%swap3A_132, %swap3A_133, %swap3A_134, %swap3A_135] : memref<2x8x1000x128xf32, #tpu.memory_space<vmem>>, vector<1x1x1000x128xf32>
    %swap3A_137 = vector.shape_cast %swap3A_136 : vector<1x1x1000x128xf32> to vector<1000x128xf32>
    %swap3A_138 = vector.shape_cast %slice3A_131 : vector<1000x128xf32> to vector<1x1x1000x128xf32>
    tpu.vector_store %arg5[%swap3A_132, %swap3A_133, %swap3A_134, %swap3A_135], %swap3A_138 {strides = array<i32>} : memref<2x8x1000x128xf32, #tpu.memory_space<vmem>>, vector<1x1x1000x128xf32>,
    %get3A_139 = arith.constant 6 : index
    %get3A_140 = arith.constant 0 : index
    %get3A_141 = arith.constant 0 : index
    %get3A_142 = vector.load %arg2[%get3A_139, %get3A_140, %get3A_141] : memref<8x256x256xf32, #tpu.memory_space<vmem>>, vector<1x256x256xf32>
    %get3A_143 = vector.shape_cast %get3A_142 : vector<1x256x256xf32> to vector<256x256xf32>
    %dot_general3A_144 = arith.constant dense<0.000000e+00> : vector<1000x256xf32>
    %dot_general3A_145 = tpu.matmul %max3A_3, %get3A_143, %dot_general3A_144 {dimension_numbers = #tpu.dot_dimension_numbers<[1], [0], [0], [1], [0, 0, 1, 1], [], []>, transpose_lhs_hint = false} : vector<1000x256xf32>, vector<256x256xf32>, vector<1000x256xf32> -> vector<1000x256xf32>
    %slice3A_146 = vector.extract_strided_slice %dot_general3A_145 {offsets = [0, 0], sizes = [1000, 128], strides = [1, 1]} : vector<1000x256xf32> to vector<1000x128xf32>
    %swap3A_147 = arith.constant 0 : index
    %swap3A_148 = arith.constant 6 : index
    %swap3A_149 = arith.constant 0 : index
    %swap3A_150 = arith.constant 0 : index
    %swap3A_151 = vector.load %arg5[%swap3A_147, %swap3A_148, %swap3A_149, %swap3A_150] : memref<2x8x1000x128xf32, #tpu.memory_space<vmem>>, vector<1x1x1000x128xf32>
    %swap3A_152 = vector.shape_cast %swap3A_151 : vector<1x1x1000x128xf32> to vector<1000x128xf32>
    %swap3A_153 = vector.shape_cast %slice3A_146 : vector<1000x128xf32> to vector<1x1x1000x128xf32>
    tpu.vector_store %arg5[%swap3A_147, %swap3A_148, %swap3A_149, %swap3A_150], %swap3A_153 {strides = array<i32>} : memref<2x8x1000x128xf32, #tpu.memory_space<vmem>>, vector<1x1x1000x128xf32>,
    %slice3A_154 = vector.extract_strided_slice %dot_general3A_145 {offsets = [0, 128], sizes = [1000, 128], strides = [1, 1]} : vector<1000x256xf32> to vector<1000x128xf32>
    %swap3A_155 = arith.constant 1 : index
    %swap3A_156 = arith.constant 6 : index
    %swap3A_157 = arith.constant 0 : index
    %swap3A_158 = arith.constant 0 : index
    %swap3A_159 = vector.load %arg5[%swap3A_155, %swap3A_156, %swap3A_157, %swap3A_158] : memref<2x8x1000x128xf32, #tpu.memory_space<vmem>>, vector<1x1x1000x128xf32>
    %swap3A_160 = vector.shape_cast %swap3A_159 : vector<1x1x1000x128xf32> to vector<1000x128xf32>
    %swap3A_161 = vector.shape_cast %slice3A_154 : vector<1000x128xf32> to vector<1x1x1000x128xf32>
    tpu.vector_store %arg5[%swap3A_155, %swap3A_156, %swap3A_157, %swap3A_158], %swap3A_161 {strides = array<i32>} : memref<2x8x1000x128xf32, #tpu.memory_space<vmem>>, vector<1x1x1000x128xf32>,
    %get3A_162 = arith.constant 7 : index
    %get3A_163 = arith.constant 0 : index
    %get3A_164 = arith.constant 0 : index
    %get3A_165 = vector.load %arg2[%get3A_162, %get3A_163, %get3A_164] : memref<8x256x256xf32, #tpu.memory_space<vmem>>, vector<1x256x256xf32>
    %get3A_166 = vector.shape_cast %get3A_165 : vector<1x256x256xf32> to vector<256x256xf32>
    %dot_general3A_167 = arith.constant dense<0.000000e+00> : vector<1000x256xf32>
    %dot_general3A_168 = tpu.matmul %max3A_3, %get3A_166, %dot_general3A_167 {dimension_numbers = #tpu.dot_dimension_numbers<[1], [0], [0], [1], [0, 0, 1, 1], [], []>, transpose_lhs_hint = false} : vector<1000x256xf32>, vector<256x256xf32>, vector<1000x256xf32> -> vector<1000x256xf32>
    %slice3A_169 = vector.extract_strided_slice %dot_general3A_168 {offsets = [0, 0], sizes = [1000, 128], strides = [1, 1]} : vector<1000x256xf32> to vector<1000x128xf32>
    %swap3A_170 = arith.constant 0 : index
    %swap3A_171 = arith.constant 7 : index
    %swap3A_172 = arith.constant 0 : index
    %swap3A_173 = arith.constant 0 : index
    %swap3A_174 = vector.load %arg5[%swap3A_170, %swap3A_171, %swap3A_172, %swap3A_173] : memref<2x8x1000x128xf32, #tpu.memory_space<vmem>>, vector<1x1x1000x128xf32>
    %swap3A_175 = vector.shape_cast %swap3A_174 : vector<1x1x1000x128xf32> to vector<1000x128xf32>
    %swap3A_176 = vector.shape_cast %slice3A_169 : vector<1000x128xf32> to vector<1x1x1000x128xf32>
    tpu.vector_store %arg5[%swap3A_170, %swap3A_171, %swap3A_172, %swap3A_173], %swap3A_176 {strides = array<i32>} : memref<2x8x1000x128xf32, #tpu.memory_space<vmem>>, vector<1x1x1000x128xf32>,
    %slice3A_177 = vector.extract_strided_slice %dot_general3A_168 {offsets = [0, 128], sizes = [1000, 128], strides = [1, 1]} : vector<1000x256xf32> to vector<1000x128xf32>
    %swap3A_178 = arith.constant 1 : index
    %swap3A_179 = arith.constant 7 : index
    %swap3A_180 = arith.constant 0 : index
    %swap3A_181 = arith.constant 0 : index
    %swap3A_182 = vector.load %arg5[%swap3A_178, %swap3A_179, %swap3A_180, %swap3A_181] : memref<2x8x1000x128xf32, #tpu.memory_space<vmem>>, vector<1x1x1000x128xf32>
    %swap3A_183 = vector.shape_cast %swap3A_182 : vector<1x1x1000x128xf32> to vector<1000x128xf32>
    %swap3A_184 = vector.shape_cast %slice3A_177 : vector<1000x128xf32> to vector<1x1x1000x128xf32>
    tpu.vector_store %arg5[%swap3A_178, %swap3A_179, %swap3A_180, %swap3A_181], %swap3A_184 {strides = array<i32>} : memref<2x8x1000x128xf32, #tpu.memory_space<vmem>>, vector<1x1x1000x128xf32>,
    %get3A_185 = arith.constant 0 : index
    %get3A_186 = arith.constant 0 : index
    %get3A_187 = vector.load %arg3[%get3A_185, %get3A_186] : memref<256x256xf32, #tpu.memory_space<vmem>>, vector<256x256xf32>
    %dot_general3A_188 = arith.constant dense<0.000000e+00> : vector<1000x256xf32>
    %dot_general3A_189 = tpu.matmul %max3A_3, %get3A_187, %dot_general3A_188 {dimension_numbers = #tpu.dot_dimension_numbers<[1], [0], [0], [1], [0, 0, 1, 1], [], []>, transpose_lhs_hint = false} : vector<1000x256xf32>, vector<256x256xf32>, vector<1000x256xf32> -> vector<1000x256xf32>
    %get3A_190 = arith.constant 0 : index
    %get3A_191 = arith.constant 0 : index
    %get3A_192 = vector.load %arg4[%get3A_190, %get3A_191] : memref<1x256xf32, #tpu.memory_space<vmem>>, vector<1x256xf32>
    %add3A = vector.broadcast %get3A_192 : vector<1x256xf32> to vector<1000x256xf32>
    %add3A_193 = arith.addf %dot_general3A_189, %add3A : vector<1000x256xf32>
    %swap3A_194 = arith.constant 0 : index
    %swap3A_195 = arith.constant 0 : index
    %swap3A_196 = vector.load %arg6[%swap3A_194, %swap3A_195] : memref<1000x256xf32, #tpu.memory_space<vmem>>, vector<1000x256xf32>
    tpu.vector_store %arg6[%swap3A_194, %swap3A_195], %add3A_193 {strides = array<i32>} : memref<1000x256xf32, #tpu.memory_space<vmem>>, vector<1000x256xf32>,
    return
  }
  func.func @transform_0(%arg0: i32) -> (i32, i32) {
    %c0_i32 = arith.constant 0 : i32
    %c0_i32_0 = arith.constant 0 : i32
    return %arg0, %c0_i32 : i32, i32
  }
  func.func @transform_1(%arg0: i32) -> (i32, i32, i32) {
    %c0_i32 = arith.constant 0 : i32
    %c0_i32_0 = arith.constant 0 : i32
    %c0_i32_1 = arith.constant 0 : i32
    %c0_i32_2 = arith.constant 0 : i32
    return %c0_i32, %c0_i32_0, %c0_i32_1 : i32, i32, i32
  }
  func.func @transform_2(%arg0: i32) -> (i32, i32) {
    %c0_i32 = arith.constant 0 : i32
    %c0_i32_0 = arith.constant 0 : i32
    %c0_i32_1 = arith.constant 0 : i32
    return %c0_i32, %c0_i32_0 : i32, i32
  }
  func.func @transform_3(%arg0: i32) -> (i32, i32) {
    %c0_i32 = arith.constant 0 : i32
    %c0_i32_0 = arith.constant 0 : i32
    %c0_i32_1 = arith.constant 0 : i32
    return %c0_i32, %c0_i32_0 : i32, i32
  }
  func.func @transform_4(%arg0: i32) -> (i32, i32, i32, i32) {
    %c0_i32 = arith.constant 0 : i32
    %c0_i32_0 = arith.constant 0 : i32
    %c0_i32_1 = arith.constant 0 : i32
    %c0_i32_2 = arith.constant 0 : i32
    return %c0_i32, %c0_i32_0, %arg0, %c0_i32_1 : i32, i32, i32, i32
  }
  func.func @transform_5(%arg0: i32) -> (i32, i32) {
    %c0_i32 = arith.constant 0 : i32
    %c0_i32_0 = arith.constant 0 : i32
    return %arg0, %c0_i32 : i32, i32
  }
}

module attributes {stable_mosaic.version = 14 : i64} {
  func.func @_tc_body(%arg0: i32, %arg1: memref<1000x256xf32, #tpu.memory_space<vmem>>, %arg2: memref<8x256x256xf32, #tpu.memory_space<vmem>>, %arg3: memref<256x256xf32, #tpu.memory_space<vmem>>, %arg4: memref<1x256xf32, #tpu.memory_space<vmem>>, %arg5: memref<1250x128xi32, #tpu.memory_space<vmem>>, %arg6: memref<1250x128xi32, #tpu.memory_space<vmem>>, %arg7: memref<2x8x1000x128xf32, #tpu.memory_space<vmem>>, %arg8: memref<1000x256xf32, #tpu.memory_space<vmem>>, %arg9: memref<2x1250x128xi32, #tpu.memory_space<vmem>>) attributes {dimension_semantics = [#tpu.dimension_semantics<arbitrary>], iteration_bounds = array<i64: 10>, scalar_prefetch = 0 : i64, scratch_operands = 0 : i64, tpu.core_type = #tpu.core_type<tc>, window_params = [{transform_indices = @transform_0, window_bounds = array<i64: 1000, 256>}, {pipeline_mode = #tpu.pipeline_mode<synchronous>, transform_indices = @transform_1, window_bounds = array<i64: 8, 256, 256>}, {pipeline_mode = #tpu.pipeline_mode<synchronous>, transform_indices = @transform_2, window_bounds = array<i64: 256, 256>}, {pipeline_mode = #tpu.pipeline_mode<synchronous>, transform_indices = @transform_3, window_bounds = array<i64: 1, 256>}, {pipeline_mode = #tpu.pipeline_mode<synchronous>, transform_indices = @transform_4, window_bounds = array<i64: 1250, 128>}, {pipeline_mode = #tpu.pipeline_mode<synchronous>, transform_indices = @transform_5, window_bounds = array<i64: 1250, 128>}, {transform_indices = @transform_6, window_bounds = array<i64: 2, 8, 1000, 128>}, {transform_indices = @transform_7, window_bounds = array<i64: 1000, 256>}, {pipeline_mode = #tpu.pipeline_mode<synchronous>, transform_indices = @transform_8, window_bounds = array<i64: 2, 1250, 128>}]} {
    %eq3A = arith.constant 0 : i32
    %eq3A_0 = arith.cmpi eq, %arg0, %eq3A : i32
    %convert_element_type3A = arith.extui %eq3A_0 : i1 to i32
    %cond3A = arith.constant 0 : i32
    %cond3A_1 = arith.cmpi ne, %convert_element_type3A, %cond3A : i32
    scf.if %cond3A_1 {
      %get3A_203 = arith.constant 0 : index
      %get3A_204 = arith.constant 0 : index
      %get3A_205 = vector.load %arg6[%get3A_203, %get3A_204] : memref<1250x128xi32, #tpu.memory_space<vmem>>, vector<1250x128xi32>
      %mul3A_206 = arith.constant 10000 : i32
      %mul3A_207 = vector.broadcast %mul3A_206 : i32 to vector<1250x128xi32>
      %mul3A_208 = arith.muli %get3A_205, %mul3A_207 : vector<1250x128xi32>
      %get3A_209 = arith.constant 0 : index
      %get3A_210 = arith.constant 0 : index
      %get3A_211 = vector.load %arg5[%get3A_209, %get3A_210] : memref<1250x128xi32, #tpu.memory_space<vmem>>, vector<1250x128xi32>
      %add3A_212 = arith.addi %mul3A_208, %get3A_211 : vector<1250x128xi32>
      %swap3A_213 = arith.constant 0 : index
      %swap3A_214 = arith.constant 0 : index
      %swap3A_215 = arith.constant 0 : index
      %swap3A_216 = vector.load %arg9[%swap3A_213, %swap3A_214, %swap3A_215] : memref<2x1250x128xi32, #tpu.memory_space<vmem>>, vector<1x1250x128xi32>
      %swap3A_217 = vector.shape_cast %swap3A_216 : vector<1x1250x128xi32> to vector<1250x128xi32>
      %swap3A_218 = vector.shape_cast %add3A_212 : vector<1250x128xi32> to vector<1x1250x128xi32>
      tpu.vector_store %arg9[%swap3A_213, %swap3A_214, %swap3A_215], %swap3A_218 {strides = array<i32>} : memref<2x1250x128xi32, #tpu.memory_space<vmem>>, vector<1x1250x128xi32>,
      %add3A_219 = arith.constant 80000 : i32
      %add3A_220 = vector.broadcast %add3A_219 : i32 to vector<1250x128xi32>
      %add3A_221 = arith.addi %add3A_212, %add3A_220 : vector<1250x128xi32>
      %swap3A_222 = arith.constant 1 : index
      %swap3A_223 = arith.constant 0 : index
      %swap3A_224 = arith.constant 0 : index
      %swap3A_225 = vector.load %arg9[%swap3A_222, %swap3A_223, %swap3A_224] : memref<2x1250x128xi32, #tpu.memory_space<vmem>>, vector<1x1250x128xi32>
      %swap3A_226 = vector.shape_cast %swap3A_225 : vector<1x1250x128xi32> to vector<1250x128xi32>
      %swap3A_227 = vector.shape_cast %add3A_221 : vector<1250x128xi32> to vector<1x1250x128xi32>
      tpu.vector_store %arg9[%swap3A_222, %swap3A_223, %swap3A_224], %swap3A_227 {strides = array<i32>} : memref<2x1250x128xi32, #tpu.memory_space<vmem>>, vector<1x1250x128xi32>,
    } else {
    }
    %get3A = arith.constant 0 : index
    %get3A_2 = arith.constant 0 : index
    %get3A_3 = vector.load %arg1[%get3A, %get3A_2] : memref<1000x256xf32, #tpu.memory_space<vmem>>, vector<1000x256xf32>
    %iota3A = tpu.iota {dimensions = array<i32: 0>} : vector<1000x256xi32>
    %mul3A = arith.constant 1000 : i32
    %mul3A_4 = arith.muli %arg0, %mul3A : i32
    %add3A = vector.broadcast %mul3A_4 : i32 to vector<1000x256xi32>
    %add3A_5 = arith.addi %iota3A, %add3A : vector<1000x256xi32>
    %eq3A_6 = arith.constant 0 : i32
    %eq3A_7 = vector.broadcast %eq3A_6 : i32 to vector<1000x256xi32>
    %eq3A_8 = arith.cmpi eq, %add3A_5, %eq3A_7 : vector<1000x256xi32>
    %jit3A = arith.constant 0.000000e+00 : f32
    %broadcast_in_dim3A = vector.broadcast %jit3A : f32 to vector<1000x256xf32>
    %select_n3A = arith.select %eq3A_8, %broadcast_in_dim3A, %get3A_3 : vector<1000x256xi1>, vector<1000x256xf32>
    %get3A_9 = arith.constant 0 : index
    %get3A_10 = arith.constant 0 : index
    %get3A_11 = arith.constant 0 : index
    %get3A_12 = vector.load %arg2[%get3A_9, %get3A_10, %get3A_11] : memref<8x256x256xf32, #tpu.memory_space<vmem>>, vector<1x256x256xf32>
    %get3A_13 = vector.shape_cast %get3A_12 : vector<1x256x256xf32> to vector<256x256xf32>
    %dot_general3A = arith.constant dense<0.000000e+00> : vector<1000x256xf32>
    %dot_general3A_14 = tpu.matmul %select_n3A, %get3A_13, %dot_general3A {dimension_numbers = #tpu.dot_dimension_numbers<[1], [0], [0], [1], [0, 0, 1, 1], [], []>, transpose_lhs_hint = false} : vector<1000x256xf32>, vector<256x256xf32>, vector<1000x256xf32> -> vector<1000x256xf32>
    %slice3A = vector.extract_strided_slice %dot_general3A_14 {offsets = [0, 0], sizes = [1000, 128], strides = [1, 1]} : vector<1000x256xf32> to vector<1000x128xf32>
    %swap3A = arith.constant 0 : index
    %swap3A_15 = arith.constant 0 : index
    %swap3A_16 = arith.constant 0 : index
    %swap3A_17 = arith.constant 0 : index
    %swap3A_18 = vector.load %arg7[%swap3A, %swap3A_15, %swap3A_16, %swap3A_17] : memref<2x8x1000x128xf32, #tpu.memory_space<vmem>>, vector<1x1x1000x128xf32>
    %swap3A_19 = vector.shape_cast %swap3A_18 : vector<1x1x1000x128xf32> to vector<1000x128xf32>
    %swap3A_20 = vector.shape_cast %slice3A : vector<1000x128xf32> to vector<1x1x1000x128xf32>
    tpu.vector_store %arg7[%swap3A, %swap3A_15, %swap3A_16, %swap3A_17], %swap3A_20 {strides = array<i32>} : memref<2x8x1000x128xf32, #tpu.memory_space<vmem>>, vector<1x1x1000x128xf32>,
    %slice3A_21 = vector.extract_strided_slice %dot_general3A_14 {offsets = [0, 128], sizes = [1000, 128], strides = [1, 1]} : vector<1000x256xf32> to vector<1000x128xf32>
    %swap3A_22 = arith.constant 1 : index
    %swap3A_23 = arith.constant 0 : index
    %swap3A_24 = arith.constant 0 : index
    %swap3A_25 = arith.constant 0 : index
    %swap3A_26 = vector.load %arg7[%swap3A_22, %swap3A_23, %swap3A_24, %swap3A_25] : memref<2x8x1000x128xf32, #tpu.memory_space<vmem>>, vector<1x1x1000x128xf32>
    %swap3A_27 = vector.shape_cast %swap3A_26 : vector<1x1x1000x128xf32> to vector<1000x128xf32>
    %swap3A_28 = vector.shape_cast %slice3A_21 : vector<1000x128xf32> to vector<1x1x1000x128xf32>
    tpu.vector_store %arg7[%swap3A_22, %swap3A_23, %swap3A_24, %swap3A_25], %swap3A_28 {strides = array<i32>} : memref<2x8x1000x128xf32, #tpu.memory_space<vmem>>, vector<1x1x1000x128xf32>,
    %get3A_29 = arith.constant 1 : index
    %get3A_30 = arith.constant 0 : index
    %get3A_31 = arith.constant 0 : index
    %get3A_32 = vector.load %arg2[%get3A_29, %get3A_30, %get3A_31] : memref<8x256x256xf32, #tpu.memory_space<vmem>>, vector<1x256x256xf32>
    %get3A_33 = vector.shape_cast %get3A_32 : vector<1x256x256xf32> to vector<256x256xf32>
    %dot_general3A_34 = arith.constant dense<0.000000e+00> : vector<1000x256xf32>
    %dot_general3A_35 = tpu.matmul %select_n3A, %get3A_33, %dot_general3A_34 {dimension_numbers = #tpu.dot_dimension_numbers<[1], [0], [0], [1], [0, 0, 1, 1], [], []>, transpose_lhs_hint = false} : vector<1000x256xf32>, vector<256x256xf32>, vector<1000x256xf32> -> vector<1000x256xf32>
    %slice3A_36 = vector.extract_strided_slice %dot_general3A_35 {offsets = [0, 0], sizes = [1000, 128], strides = [1, 1]} : vector<1000x256xf32> to vector<1000x128xf32>
    %swap3A_37 = arith.constant 0 : index
    %swap3A_38 = arith.constant 1 : index
    %swap3A_39 = arith.constant 0 : index
    %swap3A_40 = arith.constant 0 : index
    %swap3A_41 = vector.load %arg7[%swap3A_37, %swap3A_38, %swap3A_39, %swap3A_40] : memref<2x8x1000x128xf32, #tpu.memory_space<vmem>>, vector<1x1x1000x128xf32>
    %swap3A_42 = vector.shape_cast %swap3A_41 : vector<1x1x1000x128xf32> to vector<1000x128xf32>
    %swap3A_43 = vector.shape_cast %slice3A_36 : vector<1000x128xf32> to vector<1x1x1000x128xf32>
    tpu.vector_store %arg7[%swap3A_37, %swap3A_38, %swap3A_39, %swap3A_40], %swap3A_43 {strides = array<i32>} : memref<2x8x1000x128xf32, #tpu.memory_space<vmem>>, vector<1x1x1000x128xf32>,
    %slice3A_44 = vector.extract_strided_slice %dot_general3A_35 {offsets = [0, 128], sizes = [1000, 128], strides = [1, 1]} : vector<1000x256xf32> to vector<1000x128xf32>
    %swap3A_45 = arith.constant 1 : index
    %swap3A_46 = arith.constant 1 : index
    %swap3A_47 = arith.constant 0 : index
    %swap3A_48 = arith.constant 0 : index
    %swap3A_49 = vector.load %arg7[%swap3A_45, %swap3A_46, %swap3A_47, %swap3A_48] : memref<2x8x1000x128xf32, #tpu.memory_space<vmem>>, vector<1x1x1000x128xf32>
    %swap3A_50 = vector.shape_cast %swap3A_49 : vector<1x1x1000x128xf32> to vector<1000x128xf32>
    %swap3A_51 = vector.shape_cast %slice3A_44 : vector<1000x128xf32> to vector<1x1x1000x128xf32>
    tpu.vector_store %arg7[%swap3A_45, %swap3A_46, %swap3A_47, %swap3A_48], %swap3A_51 {strides = array<i32>} : memref<2x8x1000x128xf32, #tpu.memory_space<vmem>>, vector<1x1x1000x128xf32>,
    %get3A_52 = arith.constant 2 : index
    %get3A_53 = arith.constant 0 : index
    %get3A_54 = arith.constant 0 : index
    %get3A_55 = vector.load %arg2[%get3A_52, %get3A_53, %get3A_54] : memref<8x256x256xf32, #tpu.memory_space<vmem>>, vector<1x256x256xf32>
    %get3A_56 = vector.shape_cast %get3A_55 : vector<1x256x256xf32> to vector<256x256xf32>
    %dot_general3A_57 = arith.constant dense<0.000000e+00> : vector<1000x256xf32>
    %dot_general3A_58 = tpu.matmul %select_n3A, %get3A_56, %dot_general3A_57 {dimension_numbers = #tpu.dot_dimension_numbers<[1], [0], [0], [1], [0, 0, 1, 1], [], []>, transpose_lhs_hint = false} : vector<1000x256xf32>, vector<256x256xf32>, vector<1000x256xf32> -> vector<1000x256xf32>
    %slice3A_59 = vector.extract_strided_slice %dot_general3A_58 {offsets = [0, 0], sizes = [1000, 128], strides = [1, 1]} : vector<1000x256xf32> to vector<1000x128xf32>
    %swap3A_60 = arith.constant 0 : index
    %swap3A_61 = arith.constant 2 : index
    %swap3A_62 = arith.constant 0 : index
    %swap3A_63 = arith.constant 0 : index
    %swap3A_64 = vector.load %arg7[%swap3A_60, %swap3A_61, %swap3A_62, %swap3A_63] : memref<2x8x1000x128xf32, #tpu.memory_space<vmem>>, vector<1x1x1000x128xf32>
    %swap3A_65 = vector.shape_cast %swap3A_64 : vector<1x1x1000x128xf32> to vector<1000x128xf32>
    %swap3A_66 = vector.shape_cast %slice3A_59 : vector<1000x128xf32> to vector<1x1x1000x128xf32>
    tpu.vector_store %arg7[%swap3A_60, %swap3A_61, %swap3A_62, %swap3A_63], %swap3A_66 {strides = array<i32>} : memref<2x8x1000x128xf32, #tpu.memory_space<vmem>>, vector<1x1x1000x128xf32>,
    %slice3A_67 = vector.extract_strided_slice %dot_general3A_58 {offsets = [0, 128], sizes = [1000, 128], strides = [1, 1]} : vector<1000x256xf32> to vector<1000x128xf32>
    %swap3A_68 = arith.constant 1 : index
    %swap3A_69 = arith.constant 2 : index
    %swap3A_70 = arith.constant 0 : index
    %swap3A_71 = arith.constant 0 : index
    %swap3A_72 = vector.load %arg7[%swap3A_68, %swap3A_69, %swap3A_70, %swap3A_71] : memref<2x8x1000x128xf32, #tpu.memory_space<vmem>>, vector<1x1x1000x128xf32>
    %swap3A_73 = vector.shape_cast %swap3A_72 : vector<1x1x1000x128xf32> to vector<1000x128xf32>
    %swap3A_74 = vector.shape_cast %slice3A_67 : vector<1000x128xf32> to vector<1x1x1000x128xf32>
    tpu.vector_store %arg7[%swap3A_68, %swap3A_69, %swap3A_70, %swap3A_71], %swap3A_74 {strides = array<i32>} : memref<2x8x1000x128xf32, #tpu.memory_space<vmem>>, vector<1x1x1000x128xf32>,
    %get3A_75 = arith.constant 3 : index
    %get3A_76 = arith.constant 0 : index
    %get3A_77 = arith.constant 0 : index
    %get3A_78 = vector.load %arg2[%get3A_75, %get3A_76, %get3A_77] : memref<8x256x256xf32, #tpu.memory_space<vmem>>, vector<1x256x256xf32>
    %get3A_79 = vector.shape_cast %get3A_78 : vector<1x256x256xf32> to vector<256x256xf32>
    %dot_general3A_80 = arith.constant dense<0.000000e+00> : vector<1000x256xf32>
    %dot_general3A_81 = tpu.matmul %select_n3A, %get3A_79, %dot_general3A_80 {dimension_numbers = #tpu.dot_dimension_numbers<[1], [0], [0], [1], [0, 0, 1, 1], [], []>, transpose_lhs_hint = false} : vector<1000x256xf32>, vector<256x256xf32>, vector<1000x256xf32> -> vector<1000x256xf32>
    %slice3A_82 = vector.extract_strided_slice %dot_general3A_81 {offsets = [0, 0], sizes = [1000, 128], strides = [1, 1]} : vector<1000x256xf32> to vector<1000x128xf32>
    %swap3A_83 = arith.constant 0 : index
    %swap3A_84 = arith.constant 3 : index
    %swap3A_85 = arith.constant 0 : index
    %swap3A_86 = arith.constant 0 : index
    %swap3A_87 = vector.load %arg7[%swap3A_83, %swap3A_84, %swap3A_85, %swap3A_86] : memref<2x8x1000x128xf32, #tpu.memory_space<vmem>>, vector<1x1x1000x128xf32>
    %swap3A_88 = vector.shape_cast %swap3A_87 : vector<1x1x1000x128xf32> to vector<1000x128xf32>
    %swap3A_89 = vector.shape_cast %slice3A_82 : vector<1000x128xf32> to vector<1x1x1000x128xf32>
    tpu.vector_store %arg7[%swap3A_83, %swap3A_84, %swap3A_85, %swap3A_86], %swap3A_89 {strides = array<i32>} : memref<2x8x1000x128xf32, #tpu.memory_space<vmem>>, vector<1x1x1000x128xf32>,
    %slice3A_90 = vector.extract_strided_slice %dot_general3A_81 {offsets = [0, 128], sizes = [1000, 128], strides = [1, 1]} : vector<1000x256xf32> to vector<1000x128xf32>
    %swap3A_91 = arith.constant 1 : index
    %swap3A_92 = arith.constant 3 : index
    %swap3A_93 = arith.constant 0 : index
    %swap3A_94 = arith.constant 0 : index
    %swap3A_95 = vector.load %arg7[%swap3A_91, %swap3A_92, %swap3A_93, %swap3A_94] : memref<2x8x1000x128xf32, #tpu.memory_space<vmem>>, vector<1x1x1000x128xf32>
    %swap3A_96 = vector.shape_cast %swap3A_95 : vector<1x1x1000x128xf32> to vector<1000x128xf32>
    %swap3A_97 = vector.shape_cast %slice3A_90 : vector<1000x128xf32> to vector<1x1x1000x128xf32>
    tpu.vector_store %arg7[%swap3A_91, %swap3A_92, %swap3A_93, %swap3A_94], %swap3A_97 {strides = array<i32>} : memref<2x8x1000x128xf32, #tpu.memory_space<vmem>>, vector<1x1x1000x128xf32>,
    %get3A_98 = arith.constant 4 : index
    %get3A_99 = arith.constant 0 : index
    %get3A_100 = arith.constant 0 : index
    %get3A_101 = vector.load %arg2[%get3A_98, %get3A_99, %get3A_100] : memref<8x256x256xf32, #tpu.memory_space<vmem>>, vector<1x256x256xf32>
    %get3A_102 = vector.shape_cast %get3A_101 : vector<1x256x256xf32> to vector<256x256xf32>
    %dot_general3A_103 = arith.constant dense<0.000000e+00> : vector<1000x256xf32>
    %dot_general3A_104 = tpu.matmul %select_n3A, %get3A_102, %dot_general3A_103 {dimension_numbers = #tpu.dot_dimension_numbers<[1], [0], [0], [1], [0, 0, 1, 1], [], []>, transpose_lhs_hint = false} : vector<1000x256xf32>, vector<256x256xf32>, vector<1000x256xf32> -> vector<1000x256xf32>
    %slice3A_105 = vector.extract_strided_slice %dot_general3A_104 {offsets = [0, 0], sizes = [1000, 128], strides = [1, 1]} : vector<1000x256xf32> to vector<1000x128xf32>
    %swap3A_106 = arith.constant 0 : index
    %swap3A_107 = arith.constant 4 : index
    %swap3A_108 = arith.constant 0 : index
    %swap3A_109 = arith.constant 0 : index
    %swap3A_110 = vector.load %arg7[%swap3A_106, %swap3A_107, %swap3A_108, %swap3A_109] : memref<2x8x1000x128xf32, #tpu.memory_space<vmem>>, vector<1x1x1000x128xf32>
    %swap3A_111 = vector.shape_cast %swap3A_110 : vector<1x1x1000x128xf32> to vector<1000x128xf32>
    %swap3A_112 = vector.shape_cast %slice3A_105 : vector<1000x128xf32> to vector<1x1x1000x128xf32>
    tpu.vector_store %arg7[%swap3A_106, %swap3A_107, %swap3A_108, %swap3A_109], %swap3A_112 {strides = array<i32>} : memref<2x8x1000x128xf32, #tpu.memory_space<vmem>>, vector<1x1x1000x128xf32>,
    %slice3A_113 = vector.extract_strided_slice %dot_general3A_104 {offsets = [0, 128], sizes = [1000, 128], strides = [1, 1]} : vector<1000x256xf32> to vector<1000x128xf32>
    %swap3A_114 = arith.constant 1 : index
    %swap3A_115 = arith.constant 4 : index
    %swap3A_116 = arith.constant 0 : index
    %swap3A_117 = arith.constant 0 : index
    %swap3A_118 = vector.load %arg7[%swap3A_114, %swap3A_115, %swap3A_116, %swap3A_117] : memref<2x8x1000x128xf32, #tpu.memory_space<vmem>>, vector<1x1x1000x128xf32>
    %swap3A_119 = vector.shape_cast %swap3A_118 : vector<1x1x1000x128xf32> to vector<1000x128xf32>
    %swap3A_120 = vector.shape_cast %slice3A_113 : vector<1000x128xf32> to vector<1x1x1000x128xf32>
    tpu.vector_store %arg7[%swap3A_114, %swap3A_115, %swap3A_116, %swap3A_117], %swap3A_120 {strides = array<i32>} : memref<2x8x1000x128xf32, #tpu.memory_space<vmem>>, vector<1x1x1000x128xf32>,
    %get3A_121 = arith.constant 5 : index
    %get3A_122 = arith.constant 0 : index
    %get3A_123 = arith.constant 0 : index
    %get3A_124 = vector.load %arg2[%get3A_121, %get3A_122, %get3A_123] : memref<8x256x256xf32, #tpu.memory_space<vmem>>, vector<1x256x256xf32>
    %get3A_125 = vector.shape_cast %get3A_124 : vector<1x256x256xf32> to vector<256x256xf32>
    %dot_general3A_126 = arith.constant dense<0.000000e+00> : vector<1000x256xf32>
    %dot_general3A_127 = tpu.matmul %select_n3A, %get3A_125, %dot_general3A_126 {dimension_numbers = #tpu.dot_dimension_numbers<[1], [0], [0], [1], [0, 0, 1, 1], [], []>, transpose_lhs_hint = false} : vector<1000x256xf32>, vector<256x256xf32>, vector<1000x256xf32> -> vector<1000x256xf32>
    %slice3A_128 = vector.extract_strided_slice %dot_general3A_127 {offsets = [0, 0], sizes = [1000, 128], strides = [1, 1]} : vector<1000x256xf32> to vector<1000x128xf32>
    %swap3A_129 = arith.constant 0 : index
    %swap3A_130 = arith.constant 5 : index
    %swap3A_131 = arith.constant 0 : index
    %swap3A_132 = arith.constant 0 : index
    %swap3A_133 = vector.load %arg7[%swap3A_129, %swap3A_130, %swap3A_131, %swap3A_132] : memref<2x8x1000x128xf32, #tpu.memory_space<vmem>>, vector<1x1x1000x128xf32>
    %swap3A_134 = vector.shape_cast %swap3A_133 : vector<1x1x1000x128xf32> to vector<1000x128xf32>
    %swap3A_135 = vector.shape_cast %slice3A_128 : vector<1000x128xf32> to vector<1x1x1000x128xf32>
    tpu.vector_store %arg7[%swap3A_129, %swap3A_130, %swap3A_131, %swap3A_132], %swap3A_135 {strides = array<i32>} : memref<2x8x1000x128xf32, #tpu.memory_space<vmem>>, vector<1x1x1000x128xf32>,
    %slice3A_136 = vector.extract_strided_slice %dot_general3A_127 {offsets = [0, 128], sizes = [1000, 128], strides = [1, 1]} : vector<1000x256xf32> to vector<1000x128xf32>
    %swap3A_137 = arith.constant 1 : index
    %swap3A_138 = arith.constant 5 : index
    %swap3A_139 = arith.constant 0 : index
    %swap3A_140 = arith.constant 0 : index
    %swap3A_141 = vector.load %arg7[%swap3A_137, %swap3A_138, %swap3A_139, %swap3A_140] : memref<2x8x1000x128xf32, #tpu.memory_space<vmem>>, vector<1x1x1000x128xf32>
    %swap3A_142 = vector.shape_cast %swap3A_141 : vector<1x1x1000x128xf32> to vector<1000x128xf32>
    %swap3A_143 = vector.shape_cast %slice3A_136 : vector<1000x128xf32> to vector<1x1x1000x128xf32>
    tpu.vector_store %arg7[%swap3A_137, %swap3A_138, %swap3A_139, %swap3A_140], %swap3A_143 {strides = array<i32>} : memref<2x8x1000x128xf32, #tpu.memory_space<vmem>>, vector<1x1x1000x128xf32>,
    %get3A_144 = arith.constant 6 : index
    %get3A_145 = arith.constant 0 : index
    %get3A_146 = arith.constant 0 : index
    %get3A_147 = vector.load %arg2[%get3A_144, %get3A_145, %get3A_146] : memref<8x256x256xf32, #tpu.memory_space<vmem>>, vector<1x256x256xf32>
    %get3A_148 = vector.shape_cast %get3A_147 : vector<1x256x256xf32> to vector<256x256xf32>
    %dot_general3A_149 = arith.constant dense<0.000000e+00> : vector<1000x256xf32>
    %dot_general3A_150 = tpu.matmul %select_n3A, %get3A_148, %dot_general3A_149 {dimension_numbers = #tpu.dot_dimension_numbers<[1], [0], [0], [1], [0, 0, 1, 1], [], []>, transpose_lhs_hint = false} : vector<1000x256xf32>, vector<256x256xf32>, vector<1000x256xf32> -> vector<1000x256xf32>
    %slice3A_151 = vector.extract_strided_slice %dot_general3A_150 {offsets = [0, 0], sizes = [1000, 128], strides = [1, 1]} : vector<1000x256xf32> to vector<1000x128xf32>
    %swap3A_152 = arith.constant 0 : index
    %swap3A_153 = arith.constant 6 : index
    %swap3A_154 = arith.constant 0 : index
    %swap3A_155 = arith.constant 0 : index
    %swap3A_156 = vector.load %arg7[%swap3A_152, %swap3A_153, %swap3A_154, %swap3A_155] : memref<2x8x1000x128xf32, #tpu.memory_space<vmem>>, vector<1x1x1000x128xf32>
    %swap3A_157 = vector.shape_cast %swap3A_156 : vector<1x1x1000x128xf32> to vector<1000x128xf32>
    %swap3A_158 = vector.shape_cast %slice3A_151 : vector<1000x128xf32> to vector<1x1x1000x128xf32>
    tpu.vector_store %arg7[%swap3A_152, %swap3A_153, %swap3A_154, %swap3A_155], %swap3A_158 {strides = array<i32>} : memref<2x8x1000x128xf32, #tpu.memory_space<vmem>>, vector<1x1x1000x128xf32>,
    %slice3A_159 = vector.extract_strided_slice %dot_general3A_150 {offsets = [0, 128], sizes = [1000, 128], strides = [1, 1]} : vector<1000x256xf32> to vector<1000x128xf32>
    %swap3A_160 = arith.constant 1 : index
    %swap3A_161 = arith.constant 6 : index
    %swap3A_162 = arith.constant 0 : index
    %swap3A_163 = arith.constant 0 : index
    %swap3A_164 = vector.load %arg7[%swap3A_160, %swap3A_161, %swap3A_162, %swap3A_163] : memref<2x8x1000x128xf32, #tpu.memory_space<vmem>>, vector<1x1x1000x128xf32>
    %swap3A_165 = vector.shape_cast %swap3A_164 : vector<1x1x1000x128xf32> to vector<1000x128xf32>
    %swap3A_166 = vector.shape_cast %slice3A_159 : vector<1000x128xf32> to vector<1x1x1000x128xf32>
    tpu.vector_store %arg7[%swap3A_160, %swap3A_161, %swap3A_162, %swap3A_163], %swap3A_166 {strides = array<i32>} : memref<2x8x1000x128xf32, #tpu.memory_space<vmem>>, vector<1x1x1000x128xf32>,
    %get3A_167 = arith.constant 7 : index
    %get3A_168 = arith.constant 0 : index
    %get3A_169 = arith.constant 0 : index
    %get3A_170 = vector.load %arg2[%get3A_167, %get3A_168, %get3A_169] : memref<8x256x256xf32, #tpu.memory_space<vmem>>, vector<1x256x256xf32>
    %get3A_171 = vector.shape_cast %get3A_170 : vector<1x256x256xf32> to vector<256x256xf32>
    %dot_general3A_172 = arith.constant dense<0.000000e+00> : vector<1000x256xf32>
    %dot_general3A_173 = tpu.matmul %select_n3A, %get3A_171, %dot_general3A_172 {dimension_numbers = #tpu.dot_dimension_numbers<[1], [0], [0], [1], [0, 0, 1, 1], [], []>, transpose_lhs_hint = false} : vector<1000x256xf32>, vector<256x256xf32>, vector<1000x256xf32> -> vector<1000x256xf32>
    %slice3A_174 = vector.extract_strided_slice %dot_general3A_173 {offsets = [0, 0], sizes = [1000, 128], strides = [1, 1]} : vector<1000x256xf32> to vector<1000x128xf32>
    %swap3A_175 = arith.constant 0 : index
    %swap3A_176 = arith.constant 7 : index
    %swap3A_177 = arith.constant 0 : index
    %swap3A_178 = arith.constant 0 : index
    %swap3A_179 = vector.load %arg7[%swap3A_175, %swap3A_176, %swap3A_177, %swap3A_178] : memref<2x8x1000x128xf32, #tpu.memory_space<vmem>>, vector<1x1x1000x128xf32>
    %swap3A_180 = vector.shape_cast %swap3A_179 : vector<1x1x1000x128xf32> to vector<1000x128xf32>
    %swap3A_181 = vector.shape_cast %slice3A_174 : vector<1000x128xf32> to vector<1x1x1000x128xf32>
    tpu.vector_store %arg7[%swap3A_175, %swap3A_176, %swap3A_177, %swap3A_178], %swap3A_181 {strides = array<i32>} : memref<2x8x1000x128xf32, #tpu.memory_space<vmem>>, vector<1x1x1000x128xf32>,
    %slice3A_182 = vector.extract_strided_slice %dot_general3A_173 {offsets = [0, 128], sizes = [1000, 128], strides = [1, 1]} : vector<1000x256xf32> to vector<1000x128xf32>
    %swap3A_183 = arith.constant 1 : index
    %swap3A_184 = arith.constant 7 : index
    %swap3A_185 = arith.constant 0 : index
    %swap3A_186 = arith.constant 0 : index
    %swap3A_187 = vector.load %arg7[%swap3A_183, %swap3A_184, %swap3A_185, %swap3A_186] : memref<2x8x1000x128xf32, #tpu.memory_space<vmem>>, vector<1x1x1000x128xf32>
    %swap3A_188 = vector.shape_cast %swap3A_187 : vector<1x1x1000x128xf32> to vector<1000x128xf32>
    %swap3A_189 = vector.shape_cast %slice3A_182 : vector<1000x128xf32> to vector<1x1x1000x128xf32>
    tpu.vector_store %arg7[%swap3A_183, %swap3A_184, %swap3A_185, %swap3A_186], %swap3A_189 {strides = array<i32>} : memref<2x8x1000x128xf32, #tpu.memory_space<vmem>>, vector<1x1x1000x128xf32>,
    %get3A_190 = arith.constant 0 : index
    %get3A_191 = arith.constant 0 : index
    %get3A_192 = vector.load %arg3[%get3A_190, %get3A_191] : memref<256x256xf32, #tpu.memory_space<vmem>>, vector<256x256xf32>
    %dot_general3A_193 = arith.constant dense<0.000000e+00> : vector<1000x256xf32>
    %dot_general3A_194 = tpu.matmul %select_n3A, %get3A_192, %dot_general3A_193 {dimension_numbers = #tpu.dot_dimension_numbers<[1], [0], [0], [1], [0, 0, 1, 1], [], []>, transpose_lhs_hint = false} : vector<1000x256xf32>, vector<256x256xf32>, vector<1000x256xf32> -> vector<1000x256xf32>
    %get3A_195 = arith.constant 0 : index
    %get3A_196 = arith.constant 0 : index
    %get3A_197 = vector.load %arg4[%get3A_195, %get3A_196] : memref<1x256xf32, #tpu.memory_space<vmem>>, vector<1x256xf32>
    %add3A_198 = vector.broadcast %get3A_197 : vector<1x256xf32> to vector<1000x256xf32>
    %add3A_199 = arith.addf %dot_general3A_194, %add3A_198 : vector<1000x256xf32>
    %swap3A_200 = arith.constant 0 : index
    %swap3A_201 = arith.constant 0 : index
    %swap3A_202 = vector.load %arg8[%swap3A_200, %swap3A_201] : memref<1000x256xf32, #tpu.memory_space<vmem>>, vector<1000x256xf32>
    tpu.vector_store %arg8[%swap3A_200, %swap3A_201], %add3A_199 {strides = array<i32>} : memref<1000x256xf32, #tpu.memory_space<vmem>>, vector<1000x256xf32>,
    return
  }
  func.func @transform_0(%arg0: i32) -> (i32, i32) {
    %c0_i32 = arith.constant 0 : i32
    %c0_i32_0 = arith.constant 0 : i32
    return %arg0, %c0_i32 : i32, i32
  }
  func.func @transform_1(%arg0: i32) -> (i32, i32, i32) {
    %c0_i32 = arith.constant 0 : i32
    %c0_i32_0 = arith.constant 0 : i32
    %c0_i32_1 = arith.constant 0 : i32
    %c0_i32_2 = arith.constant 0 : i32
    return %c0_i32, %c0_i32_0, %c0_i32_1 : i32, i32, i32
  }
  func.func @transform_2(%arg0: i32) -> (i32, i32) {
    %c0_i32 = arith.constant 0 : i32
    %c0_i32_0 = arith.constant 0 : i32
    %c0_i32_1 = arith.constant 0 : i32
    return %c0_i32, %c0_i32_0 : i32, i32
  }
  func.func @transform_3(%arg0: i32) -> (i32, i32) {
    %c0_i32 = arith.constant 0 : i32
    %c0_i32_0 = arith.constant 0 : i32
    %c0_i32_1 = arith.constant 0 : i32
    return %c0_i32, %c0_i32_0 : i32, i32
  }
  func.func @transform_4(%arg0: i32) -> (i32, i32) {
    %c0_i32 = arith.constant 0 : i32
    %c0_i32_0 = arith.constant 0 : i32
    %c0_i32_1 = arith.constant 0 : i32
    return %c0_i32, %c0_i32_0 : i32, i32
  }
  func.func @transform_5(%arg0: i32) -> (i32, i32) {
    %c0_i32 = arith.constant 0 : i32
    %c0_i32_0 = arith.constant 0 : i32
    %c0_i32_1 = arith.constant 0 : i32
    return %c0_i32, %c0_i32_0 : i32, i32
  }
  func.func @transform_6(%arg0: i32) -> (i32, i32, i32, i32) {
    %c0_i32 = arith.constant 0 : i32
    %c0_i32_0 = arith.constant 0 : i32
    %c0_i32_1 = arith.constant 0 : i32
    %c0_i32_2 = arith.constant 0 : i32
    return %c0_i32, %c0_i32_0, %arg0, %c0_i32_1 : i32, i32, i32, i32
  }
  func.func @transform_7(%arg0: i32) -> (i32, i32) {
    %c0_i32 = arith.constant 0 : i32
    %c0_i32_0 = arith.constant 0 : i32
    return %arg0, %c0_i32 : i32, i32
  }
  func.func @transform_8(%arg0: i32) -> (i32, i32, i32) {
    %c0_i32 = arith.constant 0 : i32
    %c0_i32_0 = arith.constant 0 : i32
    %c0_i32_1 = arith.constant 0 : i32
    %c0_i32_2 = arith.constant 0 : i32
    return %c0_i32, %c0_i32_0, %c0_i32_1 : i32, i32, i32
  }
}

</mosaic_0001>

<sc_bundles>
// kernel: kernel.6.cloned.1.call-start
scs
__scs_entry_jumppad:
0x0: {  	(pc) =	sbr.rel $0x88, $3  }
0x1: {  	(tag) =	ssettag $0x0;
	lr =	simm.s32 $0x1  }
0x2: {  	[smem:$0x3F98] =	sst lr;
	_ =	strace $0xD0000000  }
0x3: {  	_ = 	snop  }
0x4: {  	_ = 	snop  }
0x5: {  	_ = 	snop  }
0x6: {  	_ = 	snop  }
0x7: {  	_ = 	snop  }
__scs_overlays_trampoline_lowered:
0x8: {  	[smem:$0x3FA7] =	sst s0  }
0x9: {  	[smem:$0x3FA8] =	sst s1  }
0xa: {  	[smem:$0x3FA9] =	sst s2  }
0xb: {  	[smem:$0x3FAA] =	sst s3  }
0xc: {  	[smem:$0x3FAB] =	sst s4  }
0xd: {  	[smem:$0x3FAC] =	sst s5  }
0xe: {  	[smem:$0x3FAD] =	sst s6  }
0xf: {  	[smem:$0x3FAE] =	sst s7  }
0x10: {  	[smem:$0x3FAF] =	sst s8  }
0x11: {  	[smem:$0x3FB0] =	sst s9;
	s0 =	simm.s32 @!p0 $0x0  }
0x12: {  	s1 =	sld [smem:$0x3F96];
	s0 =	simm.s32 @p0 $0x1  }
0x13: {  	[smem:$0x3FB1] =	sst s0;
	s0 =	simm.s32 @!p1 $0x0  }
0x14: {  	s2 =	sld [smem:$0x3F95];
	s0 =	simm.s32 @p1 $0x1  }
0x15: {  	[smem:$0x3FB2] =	sst s0;
	s0 =	simm.s32 @!p2 $0x0  }
0x16: {  	s3 =	sld [smem:$0x3FDB];
	s0 =	simm.s32 @p2 $0x1  }
0x17: {  	s4 =	simm.s32 $0x1BF5;
	[smem:$0x3FB4] =	sst s0  }
0x18: {  	s0 =	sld [smem:$0x3F97];
	_ =	swait.ge [sflag:s4], $0x0  }
0x19: {  	s7 =	sld [smem:$0x3F98]  }
0x1a: {  	s8 =	sadd.s32 $0xFFFFE003, lr  }
0x1b: {  	s9 =	sadd.s32 $0xFFFFFEF7, lr;
	s5 =	simm.s32 $0xFFFFFFFF;
	p2 =	slt.u32 s8, $0xFFFFF086  }
0x1c: {  	p1 =	slt.u32 s9, $0xF7A;
	s5 =	simm.s32 @!p2 $0x0  }
0x1d: {  	s5 =	simm.s32 @p1 $0x1;
	p0 =	seq.s32 s7, s2  }
0x1e: {  	s7 =	smul.u32 @!p0 $0xF7A, s2;
	p2 =	seq.s32 @!p0 s5, $0x0  }
0x1f: {  	s9 =	smul.u32 $0xF7A, s1;
	s8 =	simm.s32 @!p0 $0x1BF5;
	p2 =	por !p2, p0  }
0x20: {  	[sflag:s8] =	ssyncset.s32 @!p0 $0xFFFFF086;
	s6 =	sadd.s32 @!p0 s3, s7;
	s7 =	simm.s32 @!p0 $0x108  }
0x21: {  	s3 =	sadd.s32 s3, s9;
	s6 =	sadd.s32 @!p0 $0x88, s6;
	s7 =	simm.s32 @p2 $0x1082  }
0x22: {  	[simem:s7], [sflag:s8] =	dma.local @!p0 [hbm:s6], $0xF7A  }
0x23: {  	s9 =	sor.u32 $0xD0000000, s2;
	s6 =	simm.s32 $0x108;
	_ =	swait.ge @!p0 [sflag:s8], $0x0  }
0x24: {  	s3 =	sadd.s32 $0x88, s3;
	s6 =	simm.s32 @!p1 $0x1082;
	[sflag:s4] =	ssyncset.s32 $0xFFFFF086  }
0x25: {  	[simem:s6], [sflag:s4] =	dma.local [hbm:s3], $0xF7A  }
0x26: {  	[smem:$0x3F98] =	sst s1;
	(tag) =	ssettag s2;
	_ =	strace s9  }
0x27: {  	s1 =	sld [smem:$0x3FA8]  }
0x28: {  	s2 =	sld [smem:$0x3FA9]  }
0x29: {  	s4 =	sld [smem:$0x3FAB]  }
0x2a: {  	p0 =	seq.s32 s5, $0x0;
	s5 =	sld [smem:$0x3FAC]  }
0x2b: {  	s6 =	sld [smem:$0x3FAD]  }
0x2c: {  	s7 =	sld [smem:$0x3FAE]  }
0x2d: {  	s3 =	simm.s32 $0x108;
	s8 =	sld [smem:$0x3FAF]  }
0x2e: {  	s3 =	simm.s32 @!p0 $0x1082;
	s9 =	sld [smem:$0x3FB0]  }
0x2f: {  	lr =	sadd.s32 s0, s3;
	s0 =	sld [smem:$0x3FA7]  }
0x30: {  	s3 =	sld [smem:$0x3FAA]  }
0x31: {  	[smem:$0x3FB3] =	sst s10  }
0x32: {  	s10 =	sld [smem:$0x3FB1];
	_ =	sdelay $0x3  }
0x33: {  	p0 =	seq.s32 s10, $0x1;
	s10 =	sld [smem:$0x3FB3];
	_ =	sdelay $0x3  }
0x34: {  	[smem:$0x3FB3] =	sst s10  }
0x35: {  	s10 =	sld [smem:$0x3FB2];
	_ =	sdelay $0x3  }
0x36: {  	p1 =	seq.s32 s10, $0x1;
	s10 =	sld [smem:$0x3FB3];
	_ =	sdelay $0x3  }
0x37: {  	[smem:$0x3FB3] =	sst s10  }
0x38: {  	s10 =	sld [smem:$0x3FB4]  }
0x39: {  	_ = 	snop;
	(pc) =	sbr.ind lr, $3  }
0x3a: {  	_ = 	snop  }
0x3b: {  	_ = 	snop  }
0x3c: {  	p2 =	seq.s32 s10, $0x1;
	s10 =	sld [smem:$0x3FB3]  }
0x3d: {  	_ =	shalt  }
0x3e: {  	_ =	shalt  }
0x3f: {  	_ =	shalt  }
0x40: {  	_ =	shalt  }
0x41: {  	_ =	shalt  }
0x42: {  	_ =	shalt  }
0x43: {  	_ =	shalt  }
0x44: {  	_ =	shalt  }
0x45: {  	_ =	shalt  }
0x46: {  	_ =	shalt  }
0x47: {  	_ =	shalt  }
0x48: {  	_ =	shalt  }
0x49: {  	_ =	shalt  }
0x4a: {  	_ =	shalt  }
0x4b: {  	_ =	shalt  }
0x4c: {  	_ =	shalt  }
0x4d: {  	_ =	shalt  }
0x4e: {  	_ =	shalt  }
0x4f: {  	_ =	shalt  }
0x50: {  	_ =	shalt  }
0x51: {  	_ =	shalt  }
0x52: {  	_ =	shalt  }
0x53: {  	_ =	shalt  }
0x54: {  	_ =	shalt  }
0x55: {  	_ =	shalt  }
0x56: {  	_ =	shalt  }
0x57: {  	_ =	shalt  }
0x58: {  	_ =	shalt  }
0x59: {  	_ =	shalt  }
0x5a: {  	_ =	shalt  }
0x5b: {  	_ =	shalt  }
0x5c: {  	_ =	shalt  }
0x5d: {  	_ =	shalt  }
0x5e: {  	_ =	shalt  }
0x5f: {  	_ =	shalt  }
0x60: {  	_ =	shalt  }
0x61: {  	_ =	shalt  }
0x62: {  	_ =	shalt  }
0x63: {  	_ =	shalt  }
0x64: {  	_ =	shalt  }
0x65: {  	_ =	shalt  }
0x66: {  	_ =	shalt  }
0x67: {  	_ =	shalt  }
0x68: {  	_ =	shalt  }
0x69: {  	_ =	shalt  }
0x6a: {  	_ =	shalt  }
0x6b: {  	_ =	shalt  }
0x6c: {  	_ =	shalt  }
0x6d: {  	_ =	shalt  }
0x6e: {  	_ =	shalt  }
0x6f: {  	_ =	shalt  }
0x70: {  	_ =	shalt  }
0x71: {  	_ =	shalt  }
0x72: {  	_ =	shalt  }
0x73: {  	_ =	shalt  }
0x74: {  	_ =	shalt  }
0x75: {  	_ =	shalt  }
0x76: {  	_ =	shalt  }
0x77: {  	_ =	shalt  }
0x78: {  	_ =	shalt  }
0x79: {  	_ =	shalt  }
0x7a: {  	_ =	shalt  }
0x7b: {  	_ =	shalt  }
0x7c: {  	_ =	shalt  }
0x7d: {  	_ =	shalt  }
0x7e: {  	_ =	shalt  }
0x7f: {  	_ =	shalt  }
0x80: {  	_ =	shalt  }
0x81: {  	_ =	shalt  }
0x82: {  	_ =	shalt  }
0x83: {  	_ =	shalt  }
0x84: {  	_ =	shalt  }
0x85: {  	_ =	shalt  }
0x86: {  	_ =	shalt  }
0x87: {  	_ =	shalt  }
.Lfunc_end0:
.L_simem_size_0:
called_computation_lowered:
.L_overlay_start_0:
0x88: {  	s2 =	sld [smem:$0x3FD9]  }
0x89: {  	s3 =	sld [smem:$0x3FFE];
	_ =	sdelay $0x1  }
0x8a: {  	s1 =	srdreg.scid  }
0x8b: {  	s0 =	sand.u32 $0x1, s1  }
0x8c: {  	s17 =	sshll.u32 s0, $0xA;
	s2 =	sadd.s32 s3, s2  }
0x8d: {  	s2 =	sadd.s32 s2, s17  }
0x8e: {  	[smem:$0x3FBF] =	sst s2  }
0x8f: {  	_ = 	snop  }
0x90: {  	s2 =	sld [smem:$0x3FD0];
	(tm) =	ssettm $0x1  }
0x91: {  	s18 =	sld [smem:$0x3FFB];
	_ =	sdelay $0x3  }
0x92: {  	_ =	strace s18  }
0x93: {  	s3 =	sld [smem:$0x3FFC];
	_ =	sdelay $0x3  }
0x94: {  	_ =	strace s3  }
0x95: {  	s3 =	sld [smem:$0x3FFD];
	_ =	sdelay $0x3  }
0x96: {  	_ =	strace s3  }
0x97: {  	_ =	strace $0x8FFFFFFF  }
0x98: {  	s19 =	sld [smem:$0x3FDB];
	_ =	sdelay $0x1  }
0x99: {  	s4 =	simm.s32 $_scs_section_size  }
0x9a: {  	s5 =	simm.s32 $_size__tile_overlayer_lowered;
	s6 =	simm.s32 $_tile_overlayer_lowered  }
0x9b: {  	s22 =	simm.s32 $0x1BFF;
	s21 =	sshll.u32 s6, $0x1;
	s3 =	sadd.s32 s4, s19  }
0x9c: {  	s7 =	simm.s32 $0x0;
	s20 =	sshll.u32 s5, $0x1;
	s5 =	sadd.s32 s21, s3  }
0x9d: {  	[timem:s7], [sflag:s22] =	dma.local [hbm:s5], s20  }
0x9e: {  	_ =	swait.ge [sflag:s22], s20  }
0x9f: {  	s4 =	ssub.s32 $0x0, s20;
	[sflag:s22] =	ssyncset.done $0x0  }
0xa0: {  	[sflag:s22] =	ssyncadd.s32 s4;
	_ =	sdelay $0x1  }
0xa1: {  	s23 =	simm.s32 $0x1B8B  }
0xa2: {  	_ =	swait.ge [sflag:s23], $0x1  }
0xa3: {  	[sflag:s23] =	ssyncset.done $0x0  }
0xa4: {  	s25 =	simm.s32 $0x1B8E;
	s24 =	sld [smem:$0x3FFE];
	[sflag:s23] =	ssyncadd.s32 $0xFFFFFFFF  }
0xa5: {  	s26 =	simm.s32 $execute0_lowered;
	[smem:$0x3FD2] =	sst s25  }
0xa6: {  	s5 =	sshll.u32 s26, $0x1;
	_ =	strace $0x80000046;
	[dreg:$0x1] =	wrdreg $0xFFFFFFFF  }
0xa7: {  	s28 =	simm.s32 $_size_execute0_lowered;
	s3 =	sadd.s32 s3, s5;
	[dreg:$0x0] =	wrdreg $0x0  }
0xa8: {  	s5 =	sshll.u32 s28, $0x1;
	[dreg:$0x2] =	wrdreg s3  }
0xa9: {  	[dreg:$0x3] =	wrdreg s5  }
0xaa: {  	[dreg:$0x4] =	wrdreg $0xC0  }
0xab: {  	_ =	task [dreg:s7], $0x5FFFF  }
0xac: {  	[dreg:$0x1] =	wrdreg $0xFFFFFFFF  }
0xad: {  	[dreg:$0x0] =	wrdreg $0x60  }
0xae: {  	[dreg:$0x2] =	wrdreg s24  }
0xaf: {  	[dreg:$0x3] =	wrdreg s2  }
0xb0: {  	[dreg:$0x4] =	wrdreg $0xBF000  }
0xb1: {  	[dreg:$0x5] =	wrdreg $0x9  }
0xb2: {  	_ =	task.clear_ibuf [dreg:s7], $0x6FFFF;
	_ =	strace $0x90000046  }
0xb3: {  	s29 =	simm.s32 $0x9;
	_ =	strace $0x80000048  }
0xb4: {  	_ =	swait.ge [sflag:s29], $0x1  }
0xb5: {  	[sflag:s29] =	ssyncadd.s32 $0xFFFFFFFF  }
0xb6: {  	_ =	strace $0x90000048  }
0xb7: {  	_ =	sfence  }
0xb8: {  	s30 =	sld [smem:$0x0];
	_ =	sdelay $0x2  }
0xb9: {  	s31 =	sshll.u32 s1, $0xD;
	s1 =	sshrl.u32 s1, $0x2  }
0xba: {  	s3 =	sand.u32 $0x4000, s31;
	s1 =	sadd.s32 s1, s30  }
0xbb: {  	s0 =	sor.u32 s3, s0;
	s1 =	sshll.u32 s1, $0x11  }
0xbc: {  	s0 =	sor.u32 s1, s0  }
0xbd: {  	s0 =	sadd.s32 $0x8F2B, s0  }
0xbe: {  	[sflag:s0] =	ssyncadd.remote.s32 $0x1  }
0xbf: {  	_ =	sfence.sel $0xFFFF  }
0xc0: {  	[dreg:$0x0] =	wrdreg $0xFFFFFFFF;
	(pc) =	sbr.abs _section_cstart, $3  }
0xc1: {  	[dreg:$0x1] =	wrdreg $0xFFFFFFFF  }
0xc2: {  	_ =	task.clear_ibuf [dreg:s7], $0x2FFFF;
	_ =	strace $0x9FFFFFFF  }
0xc3: {  	(tm) =	ssettm $0x7FFFFFFF  }
tec
execute0_lowered:
.L_overlay_start_1:
0x0: {  	(tag) =	ssettag $0x1  }
0x1: {  	s1 =	rddreg [dreg:$0x0]  }
0x2: {  	s9 =	rddreg [dreg:$0x1];
	s2 =	srdreg.scid  }
0x3: {  	s0 =	stileid.u32;
	s20 =	simm.s32 $0x80;
	s29 =	simm.s32 $0x7F00  }
0x4: {  	s30 =	simm.s32 $0x8F00;
	s31 =	simm.s32 $0xA0;
	s19 =	simm.s32 $0x0  }
0x5: {  	s10 =	sand.u32 $0x1, s2;
	s4 =	smul.u32 $0x2700, s0;
	s3 =	smin.u32 s0, $0x2  }
0x6: {  	s2 =	rddreg [dreg:$0x2];
	p0 =	slt.u32 s0, $0x2;
	s11 =	smul.u32 $0x28000, s0  }
0x7: {  	s16 =	smul.u32 $0x50000, s0;
	s28 =	sshll.u32 s0, $0x6;
	p1 =	seq.s32 s0, $0xF  }
0x8: {  	s5 =	sshll.u32 s3, $0x7;
	s6 =	smul.u32 $0x27100, s10;
	s3 =	simm.s32 $0x0  }
0x9: {  	s23 =	ssub.s32 $0x2, s10;
	s13 =	sshll.u32 s10, $0x7;
	s10 =	sshll.u32 s10, $0xA  }
0xa: {  	s17 =	sor.u32 $0x1C09, s28;
	s4 =	sadd.s32 s4, s5;
	[smem:$0x7FF] =	sst s3  }
0xb: {  	s8 =	sshrl.u32 s23, $0x1;
	s15 =	sadd.s32 s13, s9;
	s11 =	sor.u32 s10, s11  }
0xc: {  	s24 =	sshrl.u32 s16, $0x2;
	s16 =	simm.s32 $0xAF00;
	s5 =	sadd.s32 s6, s4  }
0xd: {  	_ =	strace $0x80000047;
	s4 =	sshrl.u32 s4, $0x3;
	s14 =	ssub.s32 s23, s8  }
0xe: {  	s8 =	sadd.s32 $0x12C000, s2;
	s15 =	sadd.s32 $0x4B000, s15;
	s5 =	sshrl.u32 s5, $0x3  }
0xf: {  	s10 =	sadd.s32 s24, s2;
	s22 =	sadd.s32 s5, s1;
	s5 =	simm.s32 $0x13C  }
0x10: {  	s25 =	sshrl.u32 s11, $0x3;
	s7 =	sadd.s32 s4, s1;
	s5 =	simm.s32 @!p0 $0x138  }
0x11: {  	s4 =	sadd.s32 $0x6E00, s1;
	[dreg:$0x5] =	wrdreg s15;
	s12 =	smul.u32 $0x2493, s5  }
0x12: {  	s11 =	sadd.s32 s9, s25;
	s14 =	smax.u32 s14, $0x1;
	s15 =	simm.s32 $0x9  }
0x13: {  	s18 =	sshrl.u32 s10, $0x3;
	s9 =	simm.s32 $0xC0;
	s12 =	sadd.s32 $0xDB72, s12  }
0x14: {  	s1 =	sadd.s32 $0x281C00, s1;
	s7 =	sadd.s32 $0x1E00, s7;
	s12 =	sshrl.u32 s12, $0x10  }
0x15: {  	s6 =	sadd.s32 $0x277E00, s22;
	p0 =	sgt.u32 s0, $0x1;
	s26 =	smul.u32 $0x7, s12  }
0x16: {  	s22 =	simm.s32 $0x20;
	s12 =	sadd.s32 s1, s25;
	s1 =	sadd.s32 s13, s1  }
0x17: {  	s13 =	sadd.s32 $0x4B000, s1;
	s1 =	simm.s32 $0x9F00;
	[dreg:$0x4] =	wrdreg s26  }
.LBB2_1:
.Ltmp0:
0x18: {  	(pc) =	sbr.rel @p0 .LBB2_3-.Ltmp0, $1  }
0x19: {  	_ =	sdelay $0x3  }
0x1a: {  	[tilespmem:s3], [sflag:$0x9] =	stream.linear.gather [hbm4b:s6+s3], $0x2780, $0x38;
	[tilespmem:$0x1F780] =	vst v63  }
0x1b: {  	_ =	swait.ge [sflag:s15], $0x2780  }
0x1c: {  	[sflag:s15] =	ssyncset.done $0x0  }
.Ltmp1:
0x1d: {  	s21 =	simm.s32 $0x2780;
	[sflag:s15] =	ssyncadd.s32 $0xFFFFD880;
	(pc) =	sbr.rel .LBB2_4-.Ltmp1, $4  }
0x1e: {  	[tilespmem:s21], [sflag:$0x9] =	stream.linear.gather [hbm4b:s7+s3], $0x2780, $0x38;
	[tilespmem:$0x1F780] =	vst v63  }
0x1f: {  	_ =	swait.ge [sflag:s15], $0x2780  }
0x20: {  	[sflag:s15] =	ssyncset.done $0x0  }
0x21: {  	[sflag:s15] =	ssyncadd.s32 $0xFFFFD880  }
.LBB2_3:
0x22: {  	[tilespmem:s3], [sflag:$0x9] =	stream.linear.gather [hbm4b:s6+s3], $0x2700, $0x38;
	[tilespmem:$0x1F780] =	vst v63  }
0x23: {  	_ =	swait.ge [sflag:s15], $0x2700  }
0x24: {  	[sflag:s15] =	ssyncset.done $0x0  }
.Ltmp2:
0x25: {  	s21 =	simm.s32 $0x2780;
	[sflag:s15] =	ssyncadd.s32 $0xFFFFD900;
	(pc) =	sbr.rel @!p1 .LBB2_4-.Ltmp2, $4  }
0x26: {  	[tilespmem:s21], [sflag:$0x9] =	stream.linear.gather [hbm4b:s7+s3], $0x2700, $0x38;
	[tilespmem:$0x1F780] =	vst v63  }
0x27: {  	_ =	swait.ge [sflag:s15], $0x2700  }
0x28: {  	[sflag:s15] =	ssyncset.done $0x0  }
0x29: {  	[sflag:s15] =	ssyncadd.s32 $0xFFFFD900  }
0x2a: {  	s21 =	sshrl.u32 s8, $0x3;
	s23 =	rddreg [dreg:$0x5];
	s24 =	simm.s32 $0x8  }
.Ltmp3:
0x2b: {  	s25 =	simm.s32 $0x100;
	s26 =	simm.s32 $0x1FC9;
	(pc) =	sbr.rel .LBB2_6-.Ltmp3, $4  }
0x2c: {  	[spmem:s21@s20], [sflag:s26] =	dma.strided [hbm:s23@s25], $0x1900, s24, $0x10   }
0x2d: {  	_ =	swait.ge [sflag:s15], $0x1900  }
0x2e: {  	[sflag:s15] =	ssyncset.done $0x0  }
0x2f: {  	p2 =	por $0x1, $0x1;
	[sflag:s15] =	ssyncadd.s32 $0xFFFFE700  }
.LBB2_4:
0x30: {  	s21 =	simm.s32 $0x8;
	s23 =	simm.s32 $0x100  }
0x31: {  	[spmem:s18@s20], [sflag:s17] =	dma.strided [hbm:s11@s23], $0x2800, s21, $0x10   }
0x32: {  	_ =	swait.ge [sflag:s15], $0x2800  }
0x33: {  	[sflag:s15] =	ssyncset.done $0x0  }
0x34: {  	p2 =	por $0x0, $0x0;
	[sflag:s15] =	ssyncadd.s32 $0xFFFFD800  }
.LBB2_6:
0x35: {  	[bflag:$0x0] =	sbarrier.arrive $0xFFFF;
	s23 =	simm.s32 $0x0;
	s21 =	simm.s32 $0x4F00  }
0x36: {  	[tilespmem:s21], [sflag:$0x1] =	stream.indirect.gather [hbm4b:s4+s22], $0x80, s23, s22, $0xb8;
	[tilespmem:$0x1F780] =	vst v63  }
0x37: {  	s25 =	simm.s32 $0x5F00  }
0x38: {  	[tilespmem:s25], [sflag:$0x2] =	stream.indirect.gather [hbm4b:s4+s22], $0x80, s22, s22, $0xb8;
	[tilespmem:$0x1F780] =	vst v63  }
0x39: {  	s26 =	simm.s32 $0x40;
	s24 =	simm.s32 $0x6F00  }
0x3a: {  	[tilespmem:s24], [sflag:$0x3] =	stream.indirect.gather [hbm4b:s4+s22], $0x80, s26, s22, $0xb8;
	[tilespmem:$0x1F780] =	vst v63  }
0x3b: {  	s28 =	simm.s32 $0x60  }
0x3c: {  	[tilespmem:s29], [sflag:$0x4] =	stream.indirect.gather [hbm4b:s4+s22], $0x80, s28, s22, $0xb8;
	[tilespmem:$0x1F780] =	vst v63  }
0x3d: {  	_ = 	snop  }
0x3e: {  	[tilespmem:s30], [sflag:$0x5] =	stream.indirect.gather [hbm4b:s4+s22], $0x80, s20, s22, $0xb8;
	[tilespmem:$0x1F780] =	vst v63  }
0x3f: {  	_ = 	snop  }
0x40: {  	[tilespmem:s1], [sflag:$0x6] =	stream.indirect.gather [hbm4b:s4+s22], $0x80, s31, s22, $0xb8;
	[tilespmem:$0x1F780] =	vst v63  }
0x41: {  	s21 =	simm.s32 $0x0  }
0x42: {  	[tilespmem:s16], [sflag:$0x7] =	stream.indirect.gather [hbm4b:s4+s22], $0x80, s9, s22, $0xb8;
	[tilespmem:$0x1F780] =	vst v63  }
.LBB2_7:
0x43: {  	p3 =	sge.u32 s23, s5  }
0x44: {  	s24 =	simm.s32 @!p3 $0x1  }
0x45: {  	_ =	swait.ge @!p3 [sflag:s24], $0x1000  }
0x46: {  	[sflag:s24] =	ssyncset.done @!p3 $0x0  }
0x47: {  	[sflag:s24] =	ssyncadd.s32 @!p3 $0xFFFFF000;
	s24 =	sshra.s32 @!p3 s21, $0x2  }
0x48: {  	v0 =	vld @!p3 [tilespmem:s24+$0x2780];
	_ =	sdelay $0x6  }
0x49: {  	vm0 =	vmmov @!p3 $0xffff;
	s25 =	simm.s32 @!p3 $0x4F00  }
0x4a: {  	[spmem:s2] =	stream.indirect_vreg.scatter.add.f32 @!p3 [tilespmem:s25], [sflag:$0x8], $0x80, v0, vm0, $0xb8;
	[tilespmem:$0x1F780] =	vst v63  }
0x4b: {  	v0 =	vld @!p3 [tilespmem:s24+$0x2790];
	_ =	sdelay $0x6  }
0x4c: {  	s25 =	simm.s32 @!p3 $0x8;
	s24 =	simm.s32 @!p3 $0x5700  }
0x4d: {  	[spmem:s2] =	stream.indirect_vreg.scatter.add.f32 @!p3 [tilespmem:s24], [sflag:$0x8], $0x80, v0, vm0, $0xb8;
	[tilespmem:$0x1F780] =	vst v63  }
0x4e: {  	_ =	swait.ge @!p3 [sflag:s25], $0x800  }
0x4f: {  	[sflag:s25] =	ssyncset.done @!p3 $0x0  }
0x50: {  	[sflag:s25] =	ssyncadd.s32 @!p3 $0xFFFFF800  }
0x51: {  	s24 =	sadd.s32 $0x7, s23;
	_ =	swait.ge @!p3 [sflag:s25], $0x800  }
0x52: {  	p4 =	sge.u32 s24, s5;
	[sflag:s25] =	ssyncset.done @!p3 $0x0  }
0x53: {  	[sflag:s25] =	ssyncadd.s32 @!p3 $0xFFFFF800;
	s25 =	sshra.s32 @!p4 s21, $0x2  }
0x54: {  	s26 =	simm.s32 @!p4 $0x20;
	s28 =	simm.s32 @!p4 $0x4F00;
	s25 =	sadd.s32 @!p4 $0xE0, s25  }
0x55: {  	[tilespmem:s28], [sflag:$0x1] =	stream.indirect.gather @!p4 [hbm4b:s4+s26], $0x80, s25, s26, $0xb8;
	[tilespmem:$0x1F780] =	vst v63  }
0x56: {  	s26 =	sadd.s32 $0x1, s23  }
0x57: {  	p3 =	sge.u32 s26, s5  }
0x58: {  	s25 =	simm.s32 @!p3 $0x2  }
0x59: {  	_ =	swait.ge @!p3 [sflag:s25], $0x1000  }
0x5a: {  	[sflag:s25] =	ssyncset.done @!p3 $0x0  }
0x5b: {  	[sflag:s25] =	ssyncadd.s32 @!p3 $0xFFFFF000;
	s25 =	sshra.s32 @!p3 s21, $0x2  }
0x5c: {  	v0 =	vld @!p3 [tilespmem:s25+$0x27A0];
	_ =	sdelay $0x6  }
0x5d: {  	vm0 =	vmmov @!p3 $0xffff;
	s26 =	simm.s32 @!p3 $0x5F00  }
0x5e: {  	[spmem:s2] =	stream.indirect_vreg.scatter.add.f32 @!p3 [tilespmem:s26], [sflag:$0x8], $0x80, v0, vm0, $0xb8;
	[tilespmem:$0x1F780] =	vst v63  }
0x5f: {  	v0 =	vld @!p3 [tilespmem:s25+$0x27B0];
	_ =	sdelay $0x6  }
0x60: {  	s25 =	simm.s32 @!p3 $0x6700  }
0x61: {  	[spmem:s2] =	stream.indirect_vreg.scatter.add.f32 @!p3 [tilespmem:s25], [sflag:$0x8], $0x80, v0, vm0, $0xb8;
	[tilespmem:$0x1F780] =	vst v63  }
0x62: {  	s25 =	simm.s32 @!p3 $0x8  }
0x63: {  	_ =	swait.ge @!p3 [sflag:s25], $0x800  }
0x64: {  	[sflag:s25] =	ssyncset.done @!p3 $0x0  }
0x65: {  	[sflag:s25] =	ssyncadd.s32 @!p3 $0xFFFFF800  }
0x66: {  	s28 =	sadd.s32 $0x8, s23;
	_ =	swait.ge @!p3 [sflag:s25], $0x800  }
0x67: {  	p4 =	sge.u32 s28, s5;
	[sflag:s25] =	ssyncset.done @!p3 $0x0  }
0x68: {  	[sflag:s25] =	ssyncadd.s32 @!p3 $0xFFFFF800;
	s25 =	sshra.s32 @!p4 s21, $0x2  }
0x69: {  	s28 =	simm.s32 @!p4 $0x5F00;
	s26 =	simm.s32 @!p4 $0x20;
	s25 =	sadd.s32 @!p4 $0x100, s25  }
0x6a: {  	[tilespmem:s28], [sflag:$0x2] =	stream.indirect.gather @!p4 [hbm4b:s4+s26], $0x80, s25, s26, $0xb8;
	[tilespmem:$0x1F780] =	vst v63  }
0x6b: {  	s26 =	sadd.s32 $0x2, s23  }
0x6c: {  	p3 =	sge.u32 s26, s5  }
0x6d: {  	s25 =	simm.s32 @!p3 $0x3  }
0x6e: {  	_ =	swait.ge @!p3 [sflag:s25], $0x1000  }
0x6f: {  	[sflag:s25] =	ssyncset.done @!p3 $0x0  }
0x70: {  	[sflag:s25] =	ssyncadd.s32 @!p3 $0xFFFFF000;
	s25 =	sshra.s32 @!p3 s21, $0x2  }
0x71: {  	v0 =	vld @!p3 [tilespmem:s25+$0x27C0];
	_ =	sdelay $0x6  }
0x72: {  	vm0 =	vmmov @!p3 $0xffff;
	s26 =	simm.s32 @!p3 $0x6F00  }
0x73: {  	[spmem:s2] =	stream.indirect_vreg.scatter.add.f32 @!p3 [tilespmem:s26], [sflag:$0x8], $0x80, v0, vm0, $0xb8;
	[tilespmem:$0x1F780] =	vst v63  }
0x74: {  	v0 =	vld @!p3 [tilespmem:s25+$0x27D0];
	_ =	sdelay $0x6  }
0x75: {  	s25 =	simm.s32 @!p3 $0x7700  }
0x76: {  	[spmem:s2] =	stream.indirect_vreg.scatter.add.f32 @!p3 [tilespmem:s25], [sflag:$0x8], $0x80, v0, vm0, $0xb8;
	[tilespmem:$0x1F780] =	vst v63  }
0x77: {  	s25 =	simm.s32 @!p3 $0x8  }
0x78: {  	_ =	swait.ge @!p3 [sflag:s25], $0x800  }
0x79: {  	[sflag:s25] =	ssyncset.done @!p3 $0x0  }
0x7a: {  	[sflag:s25] =	ssyncadd.s32 @!p3 $0xFFFFF800  }
0x7b: {  	s28 =	sadd.s32 $0x9, s23;
	_ =	swait.ge @!p3 [sflag:s25], $0x800  }
0x7c: {  	p4 =	sge.u32 s28, s5;
	[sflag:s25] =	ssyncset.done @!p3 $0x0  }
0x7d: {  	[sflag:s25] =	ssyncadd.s32 @!p3 $0xFFFFF800;
	s25 =	sshra.s32 @!p4 s21, $0x2  }
0x7e: {  	s28 =	simm.s32 @!p4 $0x6F00;
	s26 =	simm.s32 @!p4 $0x20;
	s25 =	sadd.s32 @!p4 $0x120, s25  }
0x7f: {  	[tilespmem:s28], [sflag:$0x3] =	stream.indirect.gather @!p4 [hbm4b:s4+s26], $0x80, s25, s26, $0xb8;
	[tilespmem:$0x1F780] =	vst v63  }
0x80: {  	s26 =	sadd.s32 $0x3, s23  }
0x81: {  	p3 =	sge.u32 s26, s5  }
0x82: {  	s25 =	simm.s32 @!p3 $0x4  }
0x83: {  	_ =	swait.ge @!p3 [sflag:s25], $0x1000  }
0x84: {  	[sflag:s25] =	ssyncset.done @!p3 $0x0  }
0x85: {  	[sflag:s25] =	ssyncadd.s32 @!p3 $0xFFFFF000;
	s25 =	sshra.s32 @!p3 s21, $0x2  }
0x86: {  	v0 =	vld @!p3 [tilespmem:s25+$0x27E0];
	_ =	sdelay $0x6  }
0x87: {  	vm0 =	vmmov @!p3 $0xffff;
	s26 =	simm.s32 @!p3 $0x7F00  }
0x88: {  	[spmem:s2] =	stream.indirect_vreg.scatter.add.f32 @!p3 [tilespmem:s26], [sflag:$0x8], $0x80, v0, vm0, $0xb8;
	[tilespmem:$0x1F780] =	vst v63  }
0x89: {  	v0 =	vld @!p3 [tilespmem:s25+$0x27F0];
	_ =	sdelay $0x6  }
0x8a: {  	s25 =	simm.s32 @!p3 $0x8700  }
0x8b: {  	[spmem:s2] =	stream.indirect_vreg.scatter.add.f32 @!p3 [tilespmem:s25], [sflag:$0x8], $0x80, v0, vm0, $0xb8;
	[tilespmem:$0x1F780] =	vst v63  }
0x8c: {  	s25 =	simm.s32 @!p3 $0x8  }
0x8d: {  	_ =	swait.ge @!p3 [sflag:s25], $0x800  }
0x8e: {  	[sflag:s25] =	ssyncset.done @!p3 $0x0  }
0x8f: {  	[sflag:s25] =	ssyncadd.s32 @!p3 $0xFFFFF800  }
0x90: {  	s28 =	sadd.s32 $0xA, s23;
	_ =	swait.ge @!p3 [sflag:s25], $0x800  }
0x91: {  	p4 =	sge.u32 s28, s5;
	[sflag:s25] =	ssyncset.done @!p3 $0x0  }
0x92: {  	[sflag:s25] =	ssyncadd.s32 @!p3 $0xFFFFF800;
	s25 =	sshra.s32 @!p4 s21, $0x2  }
0x93: {  	s28 =	simm.s32 @!p4 $0x7F00;
	s26 =	simm.s32 @!p4 $0x20;
	s25 =	sadd.s32 @!p4 $0x140, s25  }
0x94: {  	[tilespmem:s28], [sflag:$0x4] =	stream.indirect.gather @!p4 [hbm4b:s4+s26], $0x80, s25, s26, $0xb8;
	[tilespmem:$0x1F780] =	vst v63  }
0x95: {  	s26 =	sadd.s32 $0x4, s23  }
0x96: {  	p3 =	sge.u32 s26, s5  }
0x97: {  	s25 =	simm.s32 @!p3 $0x5  }
0x98: {  	_ =	swait.ge @!p3 [sflag:s25], $0x1000  }
0x99: {  	[sflag:s25] =	ssyncset.done @!p3 $0x0  }
0x9a: {  	[sflag:s25] =	ssyncadd.s32 @!p3 $0xFFFFF000;
	s25 =	sshra.s32 @!p3 s21, $0x2  }
0x9b: {  	v0 =	vld @!p3 [tilespmem:s25+$0x2800];
	_ =	sdelay $0x6  }
0x9c: {  	vm0 =	vmmov @!p3 $0xffff;
	s26 =	simm.s32 @!p3 $0x8F00  }
0x9d: {  	[spmem:s2] =	stream.indirect_vreg.scatter.add.f32 @!p3 [tilespmem:s26], [sflag:$0x8], $0x80, v0, vm0, $0xb8;
	[tilespmem:$0x1F780] =	vst v63  }
0x9e: {  	v0 =	vld @!p3 [tilespmem:s25+$0x2810];
	_ =	sdelay $0x6  }
0x9f: {  	s25 =	simm.s32 @!p3 $0x9700  }
0xa0: {  	[spmem:s2] =	stream.indirect_vreg.scatter.add.f32 @!p3 [tilespmem:s25], [sflag:$0x8], $0x80, v0, vm0, $0xb8;
	[tilespmem:$0x1F780] =	vst v63  }
0xa1: {  	s25 =	simm.s32 @!p3 $0x8  }
0xa2: {  	_ =	swait.ge @!p3 [sflag:s25], $0x800  }
0xa3: {  	[sflag:s25] =	ssyncset.done @!p3 $0x0  }
0xa4: {  	[sflag:s25] =	ssyncadd.s32 @!p3 $0xFFFFF800  }
0xa5: {  	s28 =	sadd.s32 $0xB, s23;
	_ =	swait.ge @!p3 [sflag:s25], $0x800  }
0xa6: {  	p4 =	sge.u32 s28, s5;
	[sflag:s25] =	ssyncset.done @!p3 $0x0  }
0xa7: {  	[sflag:s25] =	ssyncadd.s32 @!p3 $0xFFFFF800;
	s25 =	sshra.s32 @!p4 s21, $0x2  }
0xa8: {  	s28 =	simm.s32 @!p4 $0x8F00;
	s26 =	simm.s32 @!p4 $0x20;
	s25 =	sadd.s32 @!p4 $0x160, s25  }
0xa9: {  	[tilespmem:s28], [sflag:$0x5] =	stream.indirect.gather @!p4 [hbm4b:s4+s26], $0x80, s25, s26, $0xb8;
	[tilespmem:$0x1F780] =	vst v63  }
0xaa: {  	s26 =	sadd.s32 $0x5, s23  }
0xab: {  	p3 =	sge.u32 s26, s5  }
0xac: {  	s25 =	simm.s32 @!p3 $0x6  }
0xad: {  	_ =	swait.ge @!p3 [sflag:s25], $0x1000  }
0xae: {  	[sflag:s25] =	ssyncset.done @!p3 $0x0  }
0xaf: {  	[sflag:s25] =	ssyncadd.s32 @!p3 $0xFFFFF000;
	s25 =	sshra.s32 @!p3 s21, $0x2  }
0xb0: {  	v0 =	vld @!p3 [tilespmem:s25+$0x2820];
	_ =	sdelay $0x6  }
0xb1: {  	vm0 =	vmmov @!p3 $0xffff;
	s26 =	simm.s32 @!p3 $0x9F00  }
0xb2: {  	[spmem:s2] =	stream.indirect_vreg.scatter.add.f32 @!p3 [tilespmem:s26], [sflag:$0x8], $0x80, v0, vm0, $0xb8;
	[tilespmem:$0x1F780] =	vst v63  }
0xb3: {  	v0 =	vld @!p3 [tilespmem:s25+$0x2830];
	_ =	sdelay $0x6  }
0xb4: {  	s25 =	simm.s32 @!p3 $0xA700  }
0xb5: {  	[spmem:s2] =	stream.indirect_vreg.scatter.add.f32 @!p3 [tilespmem:s25], [sflag:$0x8], $0x80, v0, vm0, $0xb8;
	[tilespmem:$0x1F780] =	vst v63  }
0xb6: {  	s25 =	simm.s32 @!p3 $0x8  }
0xb7: {  	_ =	swait.ge @!p3 [sflag:s25], $0x800  }
0xb8: {  	[sflag:s25] =	ssyncset.done @!p3 $0x0  }
0xb9: {  	[sflag:s25] =	ssyncadd.s32 @!p3 $0xFFFFF800  }
0xba: {  	s28 =	sadd.s32 $0xC, s23;
	_ =	swait.ge @!p3 [sflag:s25], $0x800  }
0xbb: {  	p4 =	sge.u32 s28, s5;
	[sflag:s25] =	ssyncset.done @!p3 $0x0  }
0xbc: {  	[sflag:s25] =	ssyncadd.s32 @!p3 $0xFFFFF800;
	s25 =	sshra.s32 @!p4 s21, $0x2  }
0xbd: {  	s28 =	simm.s32 @!p4 $0x9F00;
	s26 =	simm.s32 @!p4 $0x20;
	s25 =	sadd.s32 @!p4 $0x180, s25  }
0xbe: {  	[tilespmem:s28], [sflag:$0x6] =	stream.indirect.gather @!p4 [hbm4b:s4+s26], $0x80, s25, s26, $0xb8;
	[tilespmem:$0x1F780] =	vst v63  }
0xbf: {  	s26 =	sadd.s32 $0x6, s23  }
0xc0: {  	p3 =	sge.u32 s26, s5  }
0xc1: {  	s25 =	simm.s32 @!p3 $0x7  }
0xc2: {  	_ =	swait.ge @!p3 [sflag:s25], $0x1000  }
0xc3: {  	[sflag:s25] =	ssyncset.done @!p3 $0x0  }
0xc4: {  	[sflag:s25] =	ssyncadd.s32 @!p3 $0xFFFFF000;
	s25 =	sshra.s32 @!p3 s21, $0x2  }
0xc5: {  	v0 =	vld @!p3 [tilespmem:s25+$0x2840];
	_ =	sdelay $0x6  }
0xc6: {  	vm0 =	vmmov @!p3 $0xffff;
	s26 =	simm.s32 @!p3 $0xAF00  }
0xc7: {  	[spmem:s2] =	stream.indirect_vreg.scatter.add.f32 @!p3 [tilespmem:s26], [sflag:$0x8], $0x80, v0, vm0, $0xb8;
	[tilespmem:$0x1F780] =	vst v63  }
0xc8: {  	v0 =	vld @!p3 [tilespmem:s25+$0x2850];
	_ =	sdelay $0x6  }
0xc9: {  	s25 =	simm.s32 @!p3 $0xB700  }
0xca: {  	[spmem:s2] =	stream.indirect_vreg.scatter.add.f32 @!p3 [tilespmem:s25], [sflag:$0x8], $0x80, v0, vm0, $0xb8;
	[tilespmem:$0x1F780] =	vst v63  }
0xcb: {  	s25 =	simm.s32 @!p3 $0x8  }
0xcc: {  	_ =	swait.ge @!p3 [sflag:s25], $0x800  }
0xcd: {  	[sflag:s25] =	ssyncset.done @!p3 $0x0  }
0xce: {  	[sflag:s25] =	ssyncadd.s32 @!p3 $0xFFFFF800  }
0xcf: {  	_ =	swait.ge @!p3 [sflag:s25], $0x800  }
0xd0: {  	[sflag:s25] =	ssyncset.done @!p3 $0x0  }
0xd1: {  	[sflag:s25] =	ssyncadd.s32 @!p3 $0xFFFFF800;
	s25 =	rddreg [dreg:$0x4]  }
0xd2: {  	s28 =	sadd.s32 $0xD, s23;
	p3 =	sne.s32 s25, s24  }
.Ltmp4:
0xd3: {  	p4 =	sge.u32 s28, s5;
	(pc) =	sbr.rel @p3 .LBB2_7-.Ltmp4, $4  }
0xd4: {  	s23 =	sshra.s32 @!p4 s21, $0x2  }
0xd5: {  	s28 =	simm.s32 @!p4 $0xAF00;
	s23 =	sadd.s32 @!p4 $0x1A0, s23;
	s26 =	simm.s32 @!p4 $0x20  }
0xd6: {  	[tilespmem:s28], [sflag:$0x7] =	stream.indirect.gather @!p4 [hbm4b:s4+s26], $0x80, s23, s26, $0xb8;
	[tilespmem:$0x1F780] =	vst v63  }
0xd7: {  	s21 =	sadd.s32 $0x380, s21;
	s23 =	smov.u32 s24  }
0xd8: {  	s21 =	sshll.u32 @p2 s0, $0x6;
	[bflag:$0x0] =	sbarrier.arrive $0xFFFF  }
0xd9: {  	s23 =	sshrl.u32 @p2 s8, $0x3;
	s24 =	simm.s32 @p2 $0x8;
	s25 =	simm.s32 @p2 $0x100  }
0xda: {  	s26 =	simm.s32 @p2 $0x80;
	s19 =	sadd.s32 $0x1, s19;
	s21 =	sor.u32 @p2 $0x1C09, s21  }
0xdb: {  	[hbm:s13@s25], [sflag:s21] =	dma.strided @p2 [spmem:s23@s26], $0x1900, s24, $0x10   }
0xdc: {  	p3 =	sne.s32 s19, s14;
	s21 =	simm.s32 @p2 $0x9  }
0xdd: {  	s23 =	sshll.u32 @!p2 s0, $0x6;
	s24 =	simm.s32 @!p2 $0x8;
	_ =	swait.ge @p2 [sflag:s21], $0x1900  }
0xde: {  	s25 =	simm.s32 @!p2 $0x100;
	s26 =	simm.s32 @!p2 $0x80;
	[sflag:s21] =	ssyncset.done @p2 $0x0  }
0xdf: {  	[sflag:s21] =	ssyncadd.s32 @p2 $0xFFFFE700;
	s21 =	sor.u32 @!p2 $0x1C09, s23;
	s23 =	sshrl.u32 @!p2 s10, $0x3  }
0xe0: {  	[hbm:s12@s25], [sflag:s21] =	dma.strided @!p2 [spmem:s23@s26], $0x2800, s24, $0x10   }
.Ltmp5:
0xe1: {  	_ = 	snop;
	(pc) =	sbr.rel @p3 .LBB2_1-.Ltmp5, $4  }
0xe2: {  	s21 =	simm.s32 @!p2 $0x9  }
0xe3: {  	_ =	swait.ge @!p2 [sflag:s21], $0x2800  }
0xe4: {  	[sflag:s21] =	ssyncset.done @!p2 $0x0  }
0xe5: {  	[sflag:s21] =	ssyncadd.s32 @!p2 $0xFFFFD800  }
0xe6: {  	_ =	sfence.sel $0x180000  }
0xe7: {  	[bflag:$0x0] =	sbarrier.arrive $0xFFFF  }
0xe8: {  	_ =	strace $0x90000047  }
0xe9: {  	[bflag:$0x2] =	sbarrier.arrive $0xFFFF  }
0xea: {  	p0 =	sne.s32 s0, $0x0;
	s0 =	rddreg [dreg:$0x3]  }
0xeb: {  	s0 =	sadd.s32 @!p0 $0x100000, s0  }
0xec: {  	[sflag:s0] =	ssyncadd.tile.s32 @!p0 $0x1;
	_ =	shalt  }
.Lfunc_end2:
_tile_overlayer_lowered:
.L_overlay_start_2:
0xed: {  	(tag) =	ssettag $0x2  }
0xee: {  	s0 =	rddreg [dreg:$0x0];
	s2 =	stileid.u32  }
0xef: {  	s1 =	rddreg [dreg:$0x1];
	p0 =	sne.s32 s2, $0x0  }
0xf0: {  	s3 =	rddreg [dreg:$0x2];
	[bflag:$0x3] =	sbarrier.arrive $0xFFFF;
	s2 =	simm.s32 @!p0 $0x1C09  }
0xf1: {  	[timem:s3], [sflag:s2] =	dma.local @!p0 [hbm:s0], s1  }
0xf2: {  	s0 =	simm.s32 @!p0 $0x9  }
0xf3: {  	_ =	swait.ge @!p0 [sflag:s0], s1  }
0xf4: {  	s1 =	ssub.s32 @!p0 $0x0, s1;
	[sflag:s0] =	ssyncset.done @!p0 $0x0  }
0xf5: {  	[sflag:s0] =	ssyncadd.s32 @!p0 s1  }
0xf6: {  	[bflag:$0x3] =	sbarrier.arrive $0xFFFF  }
0xf7: {  	_ =	shalt  }

// kernel: kernel.9.cloned.1.call-start
scs
__scs_entry_jumppad:
0x0: {  	(pc) =	sbr.rel $0x88, $3  }
0x1: {  	(tag) =	ssettag $0x0;
	lr =	simm.s32 $0x1  }
0x2: {  	[smem:$0x3F98] =	sst lr;
	_ =	strace $0xD0000000  }
0x3: {  	_ = 	snop  }
0x4: {  	_ = 	snop  }
0x5: {  	_ = 	snop  }
0x6: {  	_ = 	snop  }
0x7: {  	_ = 	snop  }
__scs_overlays_trampoline_lowered:
0x8: {  	[smem:$0x3FA7] =	sst s0  }
0x9: {  	[smem:$0x3FA8] =	sst s1  }
0xa: {  	[smem:$0x3FA9] =	sst s2  }
0xb: {  	[smem:$0x3FAA] =	sst s3  }
0xc: {  	[smem:$0x3FAB] =	sst s4  }
0xd: {  	[smem:$0x3FAC] =	sst s5  }
0xe: {  	[smem:$0x3FAD] =	sst s6  }
0xf: {  	[smem:$0x3FAE] =	sst s7  }
0x10: {  	[smem:$0x3FAF] =	sst s8  }
0x11: {  	[smem:$0x3FB0] =	sst s9;
	s0 =	simm.s32 @!p0 $0x0  }
0x12: {  	s1 =	sld [smem:$0x3F96];
	s0 =	simm.s32 @p0 $0x1  }
0x13: {  	[smem:$0x3FB1] =	sst s0;
	s0 =	simm.s32 @!p1 $0x0  }
0x14: {  	s2 =	sld [smem:$0x3F95];
	s0 =	simm.s32 @p1 $0x1  }
0x15: {  	[smem:$0x3FB2] =	sst s0;
	s0 =	simm.s32 @!p2 $0x0  }
0x16: {  	s3 =	sld [smem:$0x3FDB];
	s0 =	simm.s32 @p2 $0x1  }
0x17: {  	s4 =	simm.s32 $0x1BF5;
	[smem:$0x3FB4] =	sst s0  }
0x18: {  	s0 =	sld [smem:$0x3F97];
	_ =	swait.ge [sflag:s4], $0x0  }
0x19: {  	s7 =	sld [smem:$0x3F98]  }
0x1a: {  	s8 =	sadd.s32 $0xFFFFE003, lr  }
0x1b: {  	s9 =	sadd.s32 $0xFFFFFEF7, lr;
	s5 =	simm.s32 $0xFFFFFFFF;
	p2 =	slt.u32 s8, $0xFFFFF086  }
0x1c: {  	p1 =	slt.u32 s9, $0xF7A;
	s5 =	simm.s32 @!p2 $0x0  }
0x1d: {  	s5 =	simm.s32 @p1 $0x1;
	p0 =	seq.s32 s7, s2  }
0x1e: {  	s7 =	smul.u32 @!p0 $0xF7A, s2;
	p2 =	seq.s32 @!p0 s5, $0x0  }
0x1f: {  	s9 =	smul.u32 $0xF7A, s1;
	s8 =	simm.s32 @!p0 $0x1BF5;
	p2 =	por !p2, p0  }
0x20: {  	[sflag:s8] =	ssyncset.s32 @!p0 $0xFFFFF086;
	s6 =	sadd.s32 @!p0 s3, s7;
	s7 =	simm.s32 @!p0 $0x108  }
0x21: {  	s3 =	sadd.s32 s3, s9;
	s6 =	sadd.s32 @!p0 $0x88, s6;
	s7 =	simm.s32 @p2 $0x1082  }
0x22: {  	[simem:s7], [sflag:s8] =	dma.local @!p0 [hbm:s6], $0xF7A  }
0x23: {  	s9 =	sor.u32 $0xD0000000, s2;
	s6 =	simm.s32 $0x108;
	_ =	swait.ge @!p0 [sflag:s8], $0x0  }
0x24: {  	s3 =	sadd.s32 $0x88, s3;
	s6 =	simm.s32 @!p1 $0x1082;
	[sflag:s4] =	ssyncset.s32 $0xFFFFF086  }
0x25: {  	[simem:s6], [sflag:s4] =	dma.local [hbm:s3], $0xF7A  }
0x26: {  	[smem:$0x3F98] =	sst s1;
	(tag) =	ssettag s2;
	_ =	strace s9  }
0x27: {  	s1 =	sld [smem:$0x3FA8]  }
0x28: {  	s2 =	sld [smem:$0x3FA9]  }
0x29: {  	s4 =	sld [smem:$0x3FAB]  }
0x2a: {  	p0 =	seq.s32 s5, $0x0;
	s5 =	sld [smem:$0x3FAC]  }
0x2b: {  	s6 =	sld [smem:$0x3FAD]  }
0x2c: {  	s7 =	sld [smem:$0x3FAE]  }
0x2d: {  	s3 =	simm.s32 $0x108;
	s8 =	sld [smem:$0x3FAF]  }
0x2e: {  	s3 =	simm.s32 @!p0 $0x1082;
	s9 =	sld [smem:$0x3FB0]  }
0x2f: {  	lr =	sadd.s32 s0, s3;
	s0 =	sld [smem:$0x3FA7]  }
0x30: {  	s3 =	sld [smem:$0x3FAA]  }
0x31: {  	[smem:$0x3FB3] =	sst s10  }
0x32: {  	s10 =	sld [smem:$0x3FB1];
	_ =	sdelay $0x3  }
0x33: {  	p0 =	seq.s32 s10, $0x1;
	s10 =	sld [smem:$0x3FB3];
	_ =	sdelay $0x3  }
0x34: {  	[smem:$0x3FB3] =	sst s10  }
0x35: {  	s10 =	sld [smem:$0x3FB2];
	_ =	sdelay $0x3  }
0x36: {  	p1 =	seq.s32 s10, $0x1;
	s10 =	sld [smem:$0x3FB3];
	_ =	sdelay $0x3  }
0x37: {  	[smem:$0x3FB3] =	sst s10  }
0x38: {  	s10 =	sld [smem:$0x3FB4]  }
0x39: {  	_ = 	snop;
	(pc) =	sbr.ind lr, $3  }
0x3a: {  	_ = 	snop  }
0x3b: {  	_ = 	snop  }
0x3c: {  	p2 =	seq.s32 s10, $0x1;
	s10 =	sld [smem:$0x3FB3]  }
0x3d: {  	_ =	shalt  }
0x3e: {  	_ =	shalt  }
0x3f: {  	_ =	shalt  }
0x40: {  	_ =	shalt  }
0x41: {  	_ =	shalt  }
0x42: {  	_ =	shalt  }
0x43: {  	_ =	shalt  }
0x44: {  	_ =	shalt  }
0x45: {  	_ =	shalt  }
0x46: {  	_ =	shalt  }
0x47: {  	_ =	shalt  }
0x48: {  	_ =	shalt  }
0x49: {  	_ =	shalt  }
0x4a: {  	_ =	shalt  }
0x4b: {  	_ =	shalt  }
0x4c: {  	_ =	shalt  }
0x4d: {  	_ =	shalt  }
0x4e: {  	_ =	shalt  }
0x4f: {  	_ =	shalt  }
0x50: {  	_ =	shalt  }
0x51: {  	_ =	shalt  }
0x52: {  	_ =	shalt  }
0x53: {  	_ =	shalt  }
0x54: {  	_ =	shalt  }
0x55: {  	_ =	shalt  }
0x56: {  	_ =	shalt  }
0x57: {  	_ =	shalt  }
0x58: {  	_ =	shalt  }
0x59: {  	_ =	shalt  }
0x5a: {  	_ =	shalt  }
0x5b: {  	_ =	shalt  }
0x5c: {  	_ =	shalt  }
0x5d: {  	_ =	shalt  }
0x5e: {  	_ =	shalt  }
0x5f: {  	_ =	shalt  }
0x60: {  	_ =	shalt  }
0x61: {  	_ =	shalt  }
0x62: {  	_ =	shalt  }
0x63: {  	_ =	shalt  }
0x64: {  	_ =	shalt  }
0x65: {  	_ =	shalt  }
0x66: {  	_ =	shalt  }
0x67: {  	_ =	shalt  }
0x68: {  	_ =	shalt  }
0x69: {  	_ =	shalt  }
0x6a: {  	_ =	shalt  }
0x6b: {  	_ =	shalt  }
0x6c: {  	_ =	shalt  }
0x6d: {  	_ =	shalt  }
0x6e: {  	_ =	shalt  }
0x6f: {  	_ =	shalt  }
0x70: {  	_ =	shalt  }
0x71: {  	_ =	shalt  }
0x72: {  	_ =	shalt  }
0x73: {  	_ =	shalt  }
0x74: {  	_ =	shalt  }
0x75: {  	_ =	shalt  }
0x76: {  	_ =	shalt  }
0x77: {  	_ =	shalt  }
0x78: {  	_ =	shalt  }
0x79: {  	_ =	shalt  }
0x7a: {  	_ =	shalt  }
0x7b: {  	_ =	shalt  }
0x7c: {  	_ =	shalt  }
0x7d: {  	_ =	shalt  }
0x7e: {  	_ =	shalt  }
0x7f: {  	_ =	shalt  }
0x80: {  	_ =	shalt  }
0x81: {  	_ =	shalt  }
0x82: {  	_ =	shalt  }
0x83: {  	_ =	shalt  }
0x84: {  	_ =	shalt  }
0x85: {  	_ =	shalt  }
0x86: {  	_ =	shalt  }
0x87: {  	_ =	shalt  }
.Lfunc_end0:
.L_simem_size_0:
called_computation.1_lowered:
.L_overlay_start_0:
0x88: {  	s2 =	sld [smem:$0x3FD9]  }
0x89: {  	s3 =	sld [smem:$0x3FFE];
	_ =	sdelay $0x1  }
0x8a: {  	s1 =	srdreg.scid  }
0x8b: {  	s0 =	sand.u32 $0x1, s1  }
0x8c: {  	s17 =	sshll.u32 s0, $0xA;
	s2 =	sadd.s32 s3, s2  }
0x8d: {  	s2 =	sadd.s32 s2, s17  }
0x8e: {  	[smem:$0x3FBF] =	sst s2  }
0x8f: {  	_ = 	snop  }
0x90: {  	s2 =	sld [smem:$0x3FD0];
	(tm) =	ssettm $0x1  }
0x91: {  	s18 =	sld [smem:$0x3FFB];
	_ =	sdelay $0x3  }
0x92: {  	_ =	strace s18  }
0x93: {  	s3 =	sld [smem:$0x3FFC];
	_ =	sdelay $0x3  }
0x94: {  	_ =	strace s3  }
0x95: {  	s3 =	sld [smem:$0x3FFD];
	_ =	sdelay $0x3  }
0x96: {  	_ =	strace s3  }
0x97: {  	_ =	strace $0x8FFFFFFF  }
0x98: {  	s19 =	sld [smem:$0x3FDB];
	_ =	sdelay $0x1  }
0x99: {  	s4 =	simm.s32 $_scs_section_size  }
0x9a: {  	s5 =	simm.s32 $_size__tile_overlayer_lowered;
	s6 =	simm.s32 $_tile_overlayer_lowered  }
0x9b: {  	s22 =	simm.s32 $0x1BFF;
	s21 =	sshll.u32 s6, $0x1;
	s3 =	sadd.s32 s4, s19  }
0x9c: {  	s7 =	simm.s32 $0x0;
	s20 =	sshll.u32 s5, $0x1;
	s5 =	sadd.s32 s21, s3  }
0x9d: {  	[timem:s7], [sflag:s22] =	dma.local [hbm:s5], s20  }
0x9e: {  	_ =	swait.ge [sflag:s22], s20  }
0x9f: {  	s4 =	ssub.s32 $0x0, s20;
	[sflag:s22] =	ssyncset.done $0x0  }
0xa0: {  	[sflag:s22] =	ssyncadd.s32 s4;
	_ =	sdelay $0x1  }
0xa1: {  	s23 =	simm.s32 $0x1B8B  }
0xa2: {  	_ =	swait.ge [sflag:s23], $0x1  }
0xa3: {  	[sflag:s23] =	ssyncset.done $0x0  }
0xa4: {  	s25 =	simm.s32 $0x1B8E;
	s24 =	sld [smem:$0x3FFE];
	[sflag:s23] =	ssyncadd.s32 $0xFFFFFFFF  }
0xa5: {  	s26 =	simm.s32 $execute0_lowered;
	[smem:$0x3FD2] =	sst s25  }
0xa6: {  	s5 =	sshll.u32 s26, $0x1;
	_ =	strace $0x80000049;
	[dreg:$0x1] =	wrdreg $0xFFFFFFFF  }
0xa7: {  	s28 =	simm.s32 $_size_execute0_lowered;
	s3 =	sadd.s32 s3, s5;
	[dreg:$0x0] =	wrdreg $0x0  }
0xa8: {  	s5 =	sshll.u32 s28, $0x1;
	[dreg:$0x2] =	wrdreg s3  }
0xa9: {  	[dreg:$0x3] =	wrdreg s5  }
0xaa: {  	[dreg:$0x4] =	wrdreg $0xC0  }
0xab: {  	_ =	task [dreg:s7], $0x5FFFF  }
0xac: {  	[dreg:$0x1] =	wrdreg $0xFFFFFFFF  }
0xad: {  	[dreg:$0x0] =	wrdreg $0x60  }
0xae: {  	[dreg:$0x2] =	wrdreg s24  }
0xaf: {  	[dreg:$0x3] =	wrdreg s2  }
0xb0: {  	[dreg:$0x4] =	wrdreg $0xBF000  }
0xb1: {  	[dreg:$0x5] =	wrdreg $0x9  }
0xb2: {  	_ =	task.clear_ibuf [dreg:s7], $0x6FFFF;
	_ =	strace $0x90000049  }
0xb3: {  	s29 =	simm.s32 $0x9;
	_ =	strace $0x8000004B  }
0xb4: {  	_ =	swait.ge [sflag:s29], $0x1  }
0xb5: {  	[sflag:s29] =	ssyncadd.s32 $0xFFFFFFFF  }
0xb6: {  	_ =	strace $0x9000004B  }
0xb7: {  	_ =	sfence  }
0xb8: {  	s30 =	sld [smem:$0x0];
	_ =	sdelay $0x2  }
0xb9: {  	s31 =	sshll.u32 s1, $0xD;
	s1 =	sshrl.u32 s1, $0x2  }
0xba: {  	s3 =	sand.u32 $0x4000, s31;
	s1 =	sadd.s32 s1, s30  }
0xbb: {  	s0 =	sor.u32 s3, s0;
	s1 =	sshll.u32 s1, $0x11  }
0xbc: {  	s0 =	sor.u32 s1, s0  }
0xbd: {  	s0 =	sadd.s32 $0x8F2B, s0  }
0xbe: {  	[sflag:s0] =	ssyncadd.remote.s32 $0x1  }
0xbf: {  	_ =	sfence.sel $0xFFFF  }
0xc0: {  	[dreg:$0x0] =	wrdreg $0xFFFFFFFF;
	(pc) =	sbr.abs _section_cstart, $3  }
0xc1: {  	[dreg:$0x1] =	wrdreg $0xFFFFFFFF  }
0xc2: {  	_ =	task.clear_ibuf [dreg:s7], $0x2FFFF;
	_ =	strace $0x9FFFFFFF  }
0xc3: {  	(tm) =	ssettm $0x7FFFFFFF  }
tec
execute0_lowered:
.L_overlay_start_1:
0x0: {  	(tag) =	ssettag $0x1  }
0x1: {  	s1 =	rddreg [dreg:$0x0]  }
0x2: {  	s9 =	rddreg [dreg:$0x1];
	s2 =	srdreg.scid  }
0x3: {  	s0 =	stileid.u32;
	s20 =	simm.s32 $0x80;
	s29 =	simm.s32 $0x7F00  }
0x4: {  	s30 =	simm.s32 $0x8F00;
	s31 =	simm.s32 $0xA0;
	s19 =	simm.s32 $0x0  }
0x5: {  	s10 =	sand.u32 $0x1, s2;
	s4 =	smul.u32 $0x2700, s0;
	s3 =	smin.u32 s0, $0x2  }
0x6: {  	s2 =	rddreg [dreg:$0x2];
	p0 =	slt.u32 s0, $0x2;
	s11 =	smul.u32 $0x28000, s0  }
0x7: {  	s16 =	smul.u32 $0x50000, s0;
	s28 =	sshll.u32 s0, $0x6;
	p1 =	seq.s32 s0, $0xF  }
0x8: {  	s5 =	sshll.u32 s3, $0x7;
	s6 =	smul.u32 $0x27100, s10;
	s3 =	simm.s32 $0x0  }
0x9: {  	s22 =	ssub.s32 $0x2, s10;
	s13 =	sshll.u32 s10, $0x7;
	s10 =	sshll.u32 s10, $0xA  }
0xa: {  	s17 =	sor.u32 $0x1C09, s28;
	s4 =	sadd.s32 s4, s5;
	[smem:$0x7FF] =	sst s3  }
0xb: {  	s8 =	sshrl.u32 s22, $0x1;
	s11 =	sor.u32 s10, s11;
	s23 =	sshrl.u32 s16, $0x2  }
0xc: {  	s26 =	sadd.s32 s13, s9;
	s16 =	simm.s32 $0xAF00;
	s5 =	sadd.s32 s6, s4  }
0xd: {  	_ =	strace $0x8000004A;
	s4 =	sshrl.u32 s4, $0x3;
	s14 =	ssub.s32 s22, s8  }
0xe: {  	s8 =	sadd.s32 $0x12C000, s2;
	s10 =	sadd.s32 s23, s2;
	s5 =	sshrl.u32 s5, $0x3  }
0xf: {  	s24 =	sshrl.u32 s11, $0x3;
	s21 =	sadd.s32 s5, s1;
	s5 =	simm.s32 $0x13C  }
0x10: {  	s22 =	simm.s32 $0x20;
	s7 =	sadd.s32 s4, s1;
	s5 =	simm.s32 @!p0 $0x138  }
0x11: {  	s4 =	sadd.s32 $0x6E00, s1;
	s14 =	smax.u32 s14, $0x1;
	s12 =	smul.u32 $0x2493, s5  }
0x12: {  	s18 =	sshrl.u32 s10, $0x3;
	s1 =	sadd.s32 $0x281C00, s1;
	s7 =	sadd.s32 $0x1E00, s7  }
0x13: {  	s6 =	sadd.s32 $0x277E00, s21;
	s15 =	sadd.s32 s13, s1;
	s12 =	sadd.s32 $0xDB72, s12  }
0x14: {  	s11 =	sadd.s32 s1, s24;
	s13 =	sadd.s32 $0x4B000, s26;
	s12 =	sshrl.u32 s12, $0x10  }
0x15: {  	p0 =	sgt.u32 s0, $0x1;
	s15 =	sadd.s32 $0x4B000, s15;
	s25 =	smul.u32 $0x7, s12  }
0x16: {  	s1 =	simm.s32 $0x9F00;
	[dreg:$0x5] =	wrdreg s15;
	s15 =	simm.s32 $0x9  }
0x17: {  	s12 =	sadd.s32 s9, s24;
	s9 =	simm.s32 $0xC0;
	[dreg:$0x4] =	wrdreg s25  }
.LBB2_1:
.Ltmp0:
0x18: {  	(pc) =	sbr.rel @p0 .LBB2_3-.Ltmp0, $1  }
0x19: {  	_ =	sdelay $0x3  }
0x1a: {  	[tilespmem:s3], [sflag:$0x9] =	stream.linear.gather [hbm4b:s6+s3], $0x2780, $0x38;
	[tilespmem:$0x1F780] =	vst v63  }
0x1b: {  	_ =	swait.ge [sflag:s15], $0x2780  }
0x1c: {  	[sflag:s15] =	ssyncset.done $0x0  }
.Ltmp1:
0x1d: {  	s21 =	simm.s32 $0x2780;
	[sflag:s15] =	ssyncadd.s32 $0xFFFFD880;
	(pc) =	sbr.rel .LBB2_4-.Ltmp1, $4  }
0x1e: {  	[tilespmem:s21], [sflag:$0x9] =	stream.linear.gather [hbm4b:s7+s3], $0x2780, $0x38;
	[tilespmem:$0x1F780] =	vst v63  }
0x1f: {  	_ =	swait.ge [sflag:s15], $0x2780  }
0x20: {  	[sflag:s15] =	ssyncset.done $0x0  }
0x21: {  	[sflag:s15] =	ssyncadd.s32 $0xFFFFD880  }
.LBB2_3:
0x22: {  	[tilespmem:s3], [sflag:$0x9] =	stream.linear.gather [hbm4b:s6+s3], $0x2700, $0x38;
	[tilespmem:$0x1F780] =	vst v63  }
0x23: {  	_ =	swait.ge [sflag:s15], $0x2700  }
0x24: {  	[sflag:s15] =	ssyncset.done $0x0  }
.Ltmp2:
0x25: {  	s21 =	simm.s32 $0x2780;
	[sflag:s15] =	ssyncadd.s32 $0xFFFFD900;
	(pc) =	sbr.rel @!p1 .LBB2_4-.Ltmp2, $4  }
0x26: {  	[tilespmem:s21], [sflag:$0x9] =	stream.linear.gather [hbm4b:s7+s3], $0x2700, $0x38;
	[tilespmem:$0x1F780] =	vst v63  }
0x27: {  	_ =	swait.ge [sflag:s15], $0x2700  }
0x28: {  	[sflag:s15] =	ssyncset.done $0x0  }
0x29: {  	[sflag:s15] =	ssyncadd.s32 $0xFFFFD900  }
0x2a: {  	s21 =	sshrl.u32 s8, $0x3;
	s23 =	rddreg [dreg:$0x5];
	s24 =	simm.s32 $0x8  }
.Ltmp3:
0x2b: {  	s25 =	simm.s32 $0x100;
	s26 =	simm.s32 $0x1FC9;
	(pc) =	sbr.rel .LBB2_6-.Ltmp3, $4  }
0x2c: {  	[spmem:s21@s20], [sflag:s26] =	dma.strided [hbm:s23@s25], $0x1900, s24, $0x10   }
0x2d: {  	_ =	swait.ge [sflag:s15], $0x1900  }
0x2e: {  	[sflag:s15] =	ssyncset.done $0x0  }
0x2f: {  	p2 =	por $0x1, $0x1;
	[sflag:s15] =	ssyncadd.s32 $0xFFFFE700  }
.LBB2_4:
0x30: {  	s21 =	simm.s32 $0x8;
	s23 =	simm.s32 $0x100  }
0x31: {  	[spmem:s18@s20], [sflag:s17] =	dma.strided [hbm:s11@s23], $0x2800, s21, $0x10   }
0x32: {  	_ =	swait.ge [sflag:s15], $0x2800  }
0x33: {  	[sflag:s15] =	ssyncset.done $0x0  }
0x34: {  	p2 =	por $0x0, $0x0;
	[sflag:s15] =	ssyncadd.s32 $0xFFFFD800  }
.LBB2_6:
0x35: {  	[bflag:$0x0] =	sbarrier.arrive $0xFFFF;
	s23 =	simm.s32 $0x0;
	s21 =	simm.s32 $0x4F00  }
0x36: {  	[tilespmem:s21], [sflag:$0x1] =	stream.indirect.gather [hbm4b:s4+s22], $0x80, s23, s22, $0xb8;
	[tilespmem:$0x1F780] =	vst v63  }
0x37: {  	s25 =	simm.s32 $0x5F00  }
0x38: {  	[tilespmem:s25], [sflag:$0x2] =	stream.indirect.gather [hbm4b:s4+s22], $0x80, s22, s22, $0xb8;
	[tilespmem:$0x1F780] =	vst v63  }
0x39: {  	s26 =	simm.s32 $0x40;
	s24 =	simm.s32 $0x6F00  }
0x3a: {  	[tilespmem:s24], [sflag:$0x3] =	stream.indirect.gather [hbm4b:s4+s22], $0x80, s26, s22, $0xb8;
	[tilespmem:$0x1F780] =	vst v63  }
0x3b: {  	s28 =	simm.s32 $0x60  }
0x3c: {  	[tilespmem:s29], [sflag:$0x4] =	stream.indirect.gather [hbm4b:s4+s22], $0x80, s28, s22, $0xb8;
	[tilespmem:$0x1F780] =	vst v63  }
0x3d: {  	_ = 	snop  }
0x3e: {  	[tilespmem:s30], [sflag:$0x5] =	stream.indirect.gather [hbm4b:s4+s22], $0x80, s20, s22, $0xb8;
	[tilespmem:$0x1F780] =	vst v63  }
0x3f: {  	_ = 	snop  }
0x40: {  	[tilespmem:s1], [sflag:$0x6] =	stream.indirect.gather [hbm4b:s4+s22], $0x80, s31, s22, $0xb8;
	[tilespmem:$0x1F780] =	vst v63  }
0x41: {  	s21 =	simm.s32 $0x0  }
0x42: {  	[tilespmem:s16], [sflag:$0x7] =	stream.indirect.gather [hbm4b:s4+s22], $0x80, s9, s22, $0xb8;
	[tilespmem:$0x1F780] =	vst v63  }
.LBB2_7:
0x43: {  	p3 =	sge.u32 s23, s5  }
0x44: {  	s24 =	simm.s32 @!p3 $0x1  }
0x45: {  	_ =	swait.ge @!p3 [sflag:s24], $0x1000  }
0x46: {  	[sflag:s24] =	ssyncset.done @!p3 $0x0  }
0x47: {  	[sflag:s24] =	ssyncadd.s32 @!p3 $0xFFFFF000;
	s24 =	sshra.s32 @!p3 s21, $0x2  }
0x48: {  	v0 =	vld @!p3 [tilespmem:s24+$0x2780];
	_ =	sdelay $0x6  }
0x49: {  	vm0 =	vmmov @!p3 $0xffff;
	s25 =	simm.s32 @!p3 $0x4F00  }
0x4a: {  	[spmem:s2] =	stream.indirect_vreg.scatter.add.f32 @!p3 [tilespmem:s25], [sflag:$0x8], $0x80, v0, vm0, $0xb8;
	[tilespmem:$0x1F780] =	vst v63  }
0x4b: {  	v0 =	vld @!p3 [tilespmem:s24+$0x2790];
	_ =	sdelay $0x6  }
0x4c: {  	s25 =	simm.s32 @!p3 $0x8;
	s24 =	simm.s32 @!p3 $0x5700  }
0x4d: {  	[spmem:s2] =	stream.indirect_vreg.scatter.add.f32 @!p3 [tilespmem:s24], [sflag:$0x8], $0x80, v0, vm0, $0xb8;
	[tilespmem:$0x1F780] =	vst v63  }
0x4e: {  	_ =	swait.ge @!p3 [sflag:s25], $0x800  }
0x4f: {  	[sflag:s25] =	ssyncset.done @!p3 $0x0  }
0x50: {  	[sflag:s25] =	ssyncadd.s32 @!p3 $0xFFFFF800  }
0x51: {  	s24 =	sadd.s32 $0x7, s23;
	_ =	swait.ge @!p3 [sflag:s25], $0x800  }
0x52: {  	p4 =	sge.u32 s24, s5;
	[sflag:s25] =	ssyncset.done @!p3 $0x0  }
0x53: {  	[sflag:s25] =	ssyncadd.s32 @!p3 $0xFFFFF800;
	s25 =	sshra.s32 @!p4 s21, $0x2  }
0x54: {  	s26 =	simm.s32 @!p4 $0x20;
	s28 =	simm.s32 @!p4 $0x4F00;
	s25 =	sadd.s32 @!p4 $0xE0, s25  }
0x55: {  	[tilespmem:s28], [sflag:$0x1] =	stream.indirect.gather @!p4 [hbm4b:s4+s26], $0x80, s25, s26, $0xb8;
	[tilespmem:$0x1F780] =	vst v63  }
0x56: {  	s26 =	sadd.s32 $0x1, s23  }
0x57: {  	p3 =	sge.u32 s26, s5  }
0x58: {  	s25 =	simm.s32 @!p3 $0x2  }
0x59: {  	_ =	swait.ge @!p3 [sflag:s25], $0x1000  }
0x5a: {  	[sflag:s25] =	ssyncset.done @!p3 $0x0  }
0x5b: {  	[sflag:s25] =	ssyncadd.s32 @!p3 $0xFFFFF000;
	s25 =	sshra.s32 @!p3 s21, $0x2  }
0x5c: {  	v0 =	vld @!p3 [tilespmem:s25+$0x27A0];
	_ =	sdelay $0x6  }
0x5d: {  	vm0 =	vmmov @!p3 $0xffff;
	s26 =	simm.s32 @!p3 $0x5F00  }
0x5e: {  	[spmem:s2] =	stream.indirect_vreg.scatter.add.f32 @!p3 [tilespmem:s26], [sflag:$0x8], $0x80, v0, vm0, $0xb8;
	[tilespmem:$0x1F780] =	vst v63  }
0x5f: {  	v0 =	vld @!p3 [tilespmem:s25+$0x27B0];
	_ =	sdelay $0x6  }
0x60: {  	s25 =	simm.s32 @!p3 $0x6700  }
0x61: {  	[spmem:s2] =	stream.indirect_vreg.scatter.add.f32 @!p3 [tilespmem:s25], [sflag:$0x8], $0x80, v0, vm0, $0xb8;
	[tilespmem:$0x1F780] =	vst v63  }
0x62: {  	s25 =	simm.s32 @!p3 $0x8  }
0x63: {  	_ =	swait.ge @!p3 [sflag:s25], $0x800  }
0x64: {  	[sflag:s25] =	ssyncset.done @!p3 $0x0  }
0x65: {  	[sflag:s25] =	ssyncadd.s32 @!p3 $0xFFFFF800  }
0x66: {  	s28 =	sadd.s32 $0x8, s23;
	_ =	swait.ge @!p3 [sflag:s25], $0x800  }
0x67: {  	p4 =	sge.u32 s28, s5;
	[sflag:s25] =	ssyncset.done @!p3 $0x0  }
0x68: {  	[sflag:s25] =	ssyncadd.s32 @!p3 $0xFFFFF800;
	s25 =	sshra.s32 @!p4 s21, $0x2  }
0x69: {  	s28 =	simm.s32 @!p4 $0x5F00;
	s26 =	simm.s32 @!p4 $0x20;
	s25 =	sadd.s32 @!p4 $0x100, s25  }
0x6a: {  	[tilespmem:s28], [sflag:$0x2] =	stream.indirect.gather @!p4 [hbm4b:s4+s26], $0x80, s25, s26, $0xb8;
	[tilespmem:$0x1F780] =	vst v63  }
0x6b: {  	s26 =	sadd.s32 $0x2, s23  }
0x6c: {  	p3 =	sge.u32 s26, s5  }
0x6d: {  	s25 =	simm.s32 @!p3 $0x3  }
0x6e: {  	_ =	swait.ge @!p3 [sflag:s25], $0x1000  }
0x6f: {  	[sflag:s25] =	ssyncset.done @!p3 $0x0  }
0x70: {  	[sflag:s25] =	ssyncadd.s32 @!p3 $0xFFFFF000;
	s25 =	sshra.s32 @!p3 s21, $0x2  }
0x71: {  	v0 =	vld @!p3 [tilespmem:s25+$0x27C0];
	_ =	sdelay $0x6  }
0x72: {  	vm0 =	vmmov @!p3 $0xffff;
	s26 =	simm.s32 @!p3 $0x6F00  }
0x73: {  	[spmem:s2] =	stream.indirect_vreg.scatter.add.f32 @!p3 [tilespmem:s26], [sflag:$0x8], $0x80, v0, vm0, $0xb8;
	[tilespmem:$0x1F780] =	vst v63  }
0x74: {  	v0 =	vld @!p3 [tilespmem:s25+$0x27D0];
	_ =	sdelay $0x6  }
0x75: {  	s25 =	simm.s32 @!p3 $0x7700  }
0x76: {  	[spmem:s2] =	stream.indirect_vreg.scatter.add.f32 @!p3 [tilespmem:s25], [sflag:$0x8], $0x80, v0, vm0, $0xb8;
	[tilespmem:$0x1F780] =	vst v63  }
0x77: {  	s25 =	simm.s32 @!p3 $0x8  }
0x78: {  	_ =	swait.ge @!p3 [sflag:s25], $0x800  }
0x79: {  	[sflag:s25] =	ssyncset.done @!p3 $0x0  }
0x7a: {  	[sflag:s25] =	ssyncadd.s32 @!p3 $0xFFFFF800  }
0x7b: {  	s28 =	sadd.s32 $0x9, s23;
	_ =	swait.ge @!p3 [sflag:s25], $0x800  }
0x7c: {  	p4 =	sge.u32 s28, s5;
	[sflag:s25] =	ssyncset.done @!p3 $0x0  }
0x7d: {  	[sflag:s25] =	ssyncadd.s32 @!p3 $0xFFFFF800;
	s25 =	sshra.s32 @!p4 s21, $0x2  }
0x7e: {  	s28 =	simm.s32 @!p4 $0x6F00;
	s26 =	simm.s32 @!p4 $0x20;
	s25 =	sadd.s32 @!p4 $0x120, s25  }
0x7f: {  	[tilespmem:s28], [sflag:$0x3] =	stream.indirect.gather @!p4 [hbm4b:s4+s26], $0x80, s25, s26, $0xb8;
	[tilespmem:$0x1F780] =	vst v63  }
0x80: {  	s26 =	sadd.s32 $0x3, s23  }
0x81: {  	p3 =	sge.u32 s26, s5  }
0x82: {  	s25 =	simm.s32 @!p3 $0x4  }
0x83: {  	_ =	swait.ge @!p3 [sflag:s25], $0x1000  }
0x84: {  	[sflag:s25] =	ssyncset.done @!p3 $0x0  }
0x85: {  	[sflag:s25] =	ssyncadd.s32 @!p3 $0xFFFFF000;
	s25 =	sshra.s32 @!p3 s21, $0x2  }
0x86: {  	v0 =	vld @!p3 [tilespmem:s25+$0x27E0];
	_ =	sdelay $0x6  }
0x87: {  	vm0 =	vmmov @!p3 $0xffff;
	s26 =	simm.s32 @!p3 $0x7F00  }
0x88: {  	[spmem:s2] =	stream.indirect_vreg.scatter.add.f32 @!p3 [tilespmem:s26], [sflag:$0x8], $0x80, v0, vm0, $0xb8;
	[tilespmem:$0x1F780] =	vst v63  }
0x89: {  	v0 =	vld @!p3 [tilespmem:s25+$0x27F0];
	_ =	sdelay $0x6  }
0x8a: {  	s25 =	simm.s32 @!p3 $0x8700  }
0x8b: {  	[spmem:s2] =	stream.indirect_vreg.scatter.add.f32 @!p3 [tilespmem:s25], [sflag:$0x8], $0x80, v0, vm0, $0xb8;
	[tilespmem:$0x1F780] =	vst v63  }
0x8c: {  	s25 =	simm.s32 @!p3 $0x8  }
0x8d: {  	_ =	swait.ge @!p3 [sflag:s25], $0x800  }
0x8e: {  	[sflag:s25] =	ssyncset.done @!p3 $0x0  }
0x8f: {  	[sflag:s25] =	ssyncadd.s32 @!p3 $0xFFFFF800  }
0x90: {  	s28 =	sadd.s32 $0xA, s23;
	_ =	swait.ge @!p3 [sflag:s25], $0x800  }
0x91: {  	p4 =	sge.u32 s28, s5;
	[sflag:s25] =	ssyncset.done @!p3 $0x0  }
0x92: {  	[sflag:s25] =	ssyncadd.s32 @!p3 $0xFFFFF800;
	s25 =	sshra.s32 @!p4 s21, $0x2  }
0x93: {  	s28 =	simm.s32 @!p4 $0x7F00;
	s26 =	simm.s32 @!p4 $0x20;
	s25 =	sadd.s32 @!p4 $0x140, s25  }
0x94: {  	[tilespmem:s28], [sflag:$0x4] =	stream.indirect.gather @!p4 [hbm4b:s4+s26], $0x80, s25, s26, $0xb8;
	[tilespmem:$0x1F780] =	vst v63  }
0x95: {  	s26 =	sadd.s32 $0x4, s23  }
0x96: {  	p3 =	sge.u32 s26, s5  }
0x97: {  	s25 =	simm.s32 @!p3 $0x5  }
0x98: {  	_ =	swait.ge @!p3 [sflag:s25], $0x1000  }
0x99: {  	[sflag:s25] =	ssyncset.done @!p3 $0x0  }
0x9a: {  	[sflag:s25] =	ssyncadd.s32 @!p3 $0xFFFFF000;
	s25 =	sshra.s32 @!p3 s21, $0x2  }
0x9b: {  	v0 =	vld @!p3 [tilespmem:s25+$0x2800];
	_ =	sdelay $0x6  }
0x9c: {  	vm0 =	vmmov @!p3 $0xffff;
	s26 =	simm.s32 @!p3 $0x8F00  }
0x9d: {  	[spmem:s2] =	stream.indirect_vreg.scatter.add.f32 @!p3 [tilespmem:s26], [sflag:$0x8], $0x80, v0, vm0, $0xb8;
	[tilespmem:$0x1F780] =	vst v63  }
0x9e: {  	v0 =	vld @!p3 [tilespmem:s25+$0x2810];
	_ =	sdelay $0x6  }
0x9f: {  	s25 =	simm.s32 @!p3 $0x9700  }
0xa0: {  	[spmem:s2] =	stream.indirect_vreg.scatter.add.f32 @!p3 [tilespmem:s25], [sflag:$0x8], $0x80, v0, vm0, $0xb8;
	[tilespmem:$0x1F780] =	vst v63  }
0xa1: {  	s25 =	simm.s32 @!p3 $0x8  }
0xa2: {  	_ =	swait.ge @!p3 [sflag:s25], $0x800  }
0xa3: {  	[sflag:s25] =	ssyncset.done @!p3 $0x0  }
0xa4: {  	[sflag:s25] =	ssyncadd.s32 @!p3 $0xFFFFF800  }
0xa5: {  	s28 =	sadd.s32 $0xB, s23;
	_ =	swait.ge @!p3 [sflag:s25], $0x800  }
0xa6: {  	p4 =	sge.u32 s28, s5;
	[sflag:s25] =	ssyncset.done @!p3 $0x0  }
0xa7: {  	[sflag:s25] =	ssyncadd.s32 @!p3 $0xFFFFF800;
	s25 =	sshra.s32 @!p4 s21, $0x2  }
0xa8: {  	s28 =	simm.s32 @!p4 $0x8F00;
	s26 =	simm.s32 @!p4 $0x20;
	s25 =	sadd.s32 @!p4 $0x160, s25  }
0xa9: {  	[tilespmem:s28], [sflag:$0x5] =	stream.indirect.gather @!p4 [hbm4b:s4+s26], $0x80, s25, s26, $0xb8;
	[tilespmem:$0x1F780] =	vst v63  }
0xaa: {  	s26 =	sadd.s32 $0x5, s23  }
0xab: {  	p3 =	sge.u32 s26, s5  }
0xac: {  	s25 =	simm.s32 @!p3 $0x6  }
0xad: {  	_ =	swait.ge @!p3 [sflag:s25], $0x1000  }
0xae: {  	[sflag:s25] =	ssyncset.done @!p3 $0x0  }
0xaf: {  	[sflag:s25] =	ssyncadd.s32 @!p3 $0xFFFFF000;
	s25 =	sshra.s32 @!p3 s21, $0x2  }
0xb0: {  	v0 =	vld @!p3 [tilespmem:s25+$0x2820];
	_ =	sdelay $0x6  }
0xb1: {  	vm0 =	vmmov @!p3 $0xffff;
	s26 =	simm.s32 @!p3 $0x9F00  }
0xb2: {  	[spmem:s2] =	stream.indirect_vreg.scatter.add.f32 @!p3 [tilespmem:s26], [sflag:$0x8], $0x80, v0, vm0, $0xb8;
	[tilespmem:$0x1F780] =	vst v63  }
0xb3: {  	v0 =	vld @!p3 [tilespmem:s25+$0x2830];
	_ =	sdelay $0x6  }
0xb4: {  	s25 =	simm.s32 @!p3 $0xA700  }
0xb5: {  	[spmem:s2] =	stream.indirect_vreg.scatter.add.f32 @!p3 [tilespmem:s25], [sflag:$0x8], $0x80, v0, vm0, $0xb8;
	[tilespmem:$0x1F780] =	vst v63  }
0xb6: {  	s25 =	simm.s32 @!p3 $0x8  }
0xb7: {  	_ =	swait.ge @!p3 [sflag:s25], $0x800  }
0xb8: {  	[sflag:s25] =	ssyncset.done @!p3 $0x0  }
0xb9: {  	[sflag:s25] =	ssyncadd.s32 @!p3 $0xFFFFF800  }
0xba: {  	s28 =	sadd.s32 $0xC, s23;
	_ =	swait.ge @!p3 [sflag:s25], $0x800  }
0xbb: {  	p4 =	sge.u32 s28, s5;
	[sflag:s25] =	ssyncset.done @!p3 $0x0  }
0xbc: {  	[sflag:s25] =	ssyncadd.s32 @!p3 $0xFFFFF800;
	s25 =	sshra.s32 @!p4 s21, $0x2  }
0xbd: {  	s28 =	simm.s32 @!p4 $0x9F00;
	s26 =	simm.s32 @!p4 $0x20;
	s25 =	sadd.s32 @!p4 $0x180, s25  }
0xbe: {  	[tilespmem:s28], [sflag:$0x6] =	stream.indirect.gather @!p4 [hbm4b:s4+s26], $0x80, s25, s26, $0xb8;
	[tilespmem:$0x1F780] =	vst v63  }
0xbf: {  	s26 =	sadd.s32 $0x6, s23  }
0xc0: {  	p3 =	sge.u32 s26, s5  }
0xc1: {  	s25 =	simm.s32 @!p3 $0x7  }
0xc2: {  	_ =	swait.ge @!p3 [sflag:s25], $0x1000  }
0xc3: {  	[sflag:s25] =	ssyncset.done @!p3 $0x0  }
0xc4: {  	[sflag:s25] =	ssyncadd.s32 @!p3 $0xFFFFF000;
	s25 =	sshra.s32 @!p3 s21, $0x2  }
0xc5: {  	v0 =	vld @!p3 [tilespmem:s25+$0x2840];
	_ =	sdelay $0x6  }
0xc6: {  	vm0 =	vmmov @!p3 $0xffff;
	s26 =	simm.s32 @!p3 $0xAF00  }
0xc7: {  	[spmem:s2] =	stream.indirect_vreg.scatter.add.f32 @!p3 [tilespmem:s26], [sflag:$0x8], $0x80, v0, vm0, $0xb8;
	[tilespmem:$0x1F780] =	vst v63  }
0xc8: {  	v0 =	vld @!p3 [tilespmem:s25+$0x2850];
	_ =	sdelay $0x6  }
0xc9: {  	s25 =	simm.s32 @!p3 $0xB700  }
0xca: {  	[spmem:s2] =	stream.indirect_vreg.scatter.add.f32 @!p3 [tilespmem:s25], [sflag:$0x8], $0x80, v0, vm0, $0xb8;
	[tilespmem:$0x1F780] =	vst v63  }
0xcb: {  	s25 =	simm.s32 @!p3 $0x8  }
0xcc: {  	_ =	swait.ge @!p3 [sflag:s25], $0x800  }
0xcd: {  	[sflag:s25] =	ssyncset.done @!p3 $0x0  }
0xce: {  	[sflag:s25] =	ssyncadd.s32 @!p3 $0xFFFFF800  }
0xcf: {  	_ =	swait.ge @!p3 [sflag:s25], $0x800  }
0xd0: {  	[sflag:s25] =	ssyncset.done @!p3 $0x0  }
0xd1: {  	[sflag:s25] =	ssyncadd.s32 @!p3 $0xFFFFF800;
	s25 =	rddreg [dreg:$0x4]  }
0xd2: {  	s28 =	sadd.s32 $0xD, s23;
	p3 =	sne.s32 s25, s24  }
.Ltmp4:
0xd3: {  	p4 =	sge.u32 s28, s5;
	(pc) =	sbr.rel @p3 .LBB2_7-.Ltmp4, $4  }
0xd4: {  	s23 =	sshra.s32 @!p4 s21, $0x2  }
0xd5: {  	s28 =	simm.s32 @!p4 $0xAF00;
	s23 =	sadd.s32 @!p4 $0x1A0, s23;
	s26 =	simm.s32 @!p4 $0x20  }
0xd6: {  	[tilespmem:s28], [sflag:$0x7] =	stream.indirect.gather @!p4 [hbm4b:s4+s26], $0x80, s23, s26, $0xb8;
	[tilespmem:$0x1F780] =	vst v63  }
0xd7: {  	s21 =	sadd.s32 $0x380, s21;
	s23 =	smov.u32 s24  }
0xd8: {  	s21 =	sshll.u32 @p2 s0, $0x6;
	[bflag:$0x0] =	sbarrier.arrive $0xFFFF  }
0xd9: {  	s23 =	sshrl.u32 @p2 s8, $0x3;
	s24 =	simm.s32 @p2 $0x8;
	s25 =	simm.s32 @p2 $0x100  }
0xda: {  	s26 =	simm.s32 @p2 $0x80;
	s19 =	sadd.s32 $0x1, s19;
	s21 =	sor.u32 @p2 $0x1C09, s21  }
0xdb: {  	[hbm:s13@s25], [sflag:s21] =	dma.strided @p2 [spmem:s23@s26], $0x1900, s24, $0x10   }
0xdc: {  	p3 =	sne.s32 s19, s14;
	s21 =	simm.s32 @p2 $0x9  }
0xdd: {  	s23 =	sshll.u32 @!p2 s0, $0x6;
	s24 =	simm.s32 @!p2 $0x8;
	_ =	swait.ge @p2 [sflag:s21], $0x1900  }
0xde: {  	s25 =	simm.s32 @!p2 $0x100;
	s26 =	simm.s32 @!p2 $0x80;
	[sflag:s21] =	ssyncset.done @p2 $0x0  }
0xdf: {  	[sflag:s21] =	ssyncadd.s32 @p2 $0xFFFFE700;
	s21 =	sor.u32 @!p2 $0x1C09, s23;
	s23 =	sshrl.u32 @!p2 s10, $0x3  }
0xe0: {  	[hbm:s12@s25], [sflag:s21] =	dma.strided @!p2 [spmem:s23@s26], $0x2800, s24, $0x10   }
.Ltmp5:
0xe1: {  	_ = 	snop;
	(pc) =	sbr.rel @p3 .LBB2_1-.Ltmp5, $4  }
0xe2: {  	s21 =	simm.s32 @!p2 $0x9  }
0xe3: {  	_ =	swait.ge @!p2 [sflag:s21], $0x2800  }
0xe4: {  	[sflag:s21] =	ssyncset.done @!p2 $0x0  }
0xe5: {  	[sflag:s21] =	ssyncadd.s32 @!p2 $0xFFFFD800  }
0xe6: {  	_ =	sfence.sel $0x180000  }
0xe7: {  	[bflag:$0x0] =	sbarrier.arrive $0xFFFF  }
0xe8: {  	_ =	strace $0x9000004A  }
0xe9: {  	[bflag:$0x2] =	sbarrier.arrive $0xFFFF  }
0xea: {  	p0 =	sne.s32 s0, $0x0;
	s0 =	rddreg [dreg:$0x3]  }
0xeb: {  	s0 =	sadd.s32 @!p0 $0x100000, s0  }
0xec: {  	[sflag:s0] =	ssyncadd.tile.s32 @!p0 $0x1;
	_ =	shalt  }
.Lfunc_end2:
_tile_overlayer_lowered:
.L_overlay_start_2:
0xed: {  	(tag) =	ssettag $0x2  }
0xee: {  	s0 =	rddreg [dreg:$0x0];
	s2 =	stileid.u32  }
0xef: {  	s1 =	rddreg [dreg:$0x1];
	p0 =	sne.s32 s2, $0x0  }
0xf0: {  	s3 =	rddreg [dreg:$0x2];
	[bflag:$0x3] =	sbarrier.arrive $0xFFFF;
	s2 =	simm.s32 @!p0 $0x1C09  }
0xf1: {  	[timem:s3], [sflag:s2] =	dma.local @!p0 [hbm:s0], s1  }
0xf2: {  	s0 =	simm.s32 @!p0 $0x9  }
0xf3: {  	_ =	swait.ge @!p0 [sflag:s0], s1  }
0xf4: {  	s1 =	ssub.s32 @!p0 $0x0, s1;
	[sflag:s0] =	ssyncset.done @!p0 $0x0  }
0xf5: {  	[sflag:s0] =	ssyncadd.s32 @!p0 s1  }
0xf6: {  	[bflag:$0x3] =	sbarrier.arrive $0xFFFF  }
0xf7: {  	_ =	shalt  }

</sc_bundles>
